<compile_context>
chip_gen: v7x
topology: tpu7x:2x2x1
jax: 0.10.2.dev20260603
libtpu: 0.0.44.dev20260713+nightly
codegen_flags: <defaults>
</compile_context>

<pallas_src>
import functools

import jax
import jax.numpy as jnp
from jax import lax
from jax.experimental import pallas as pl
from jax.experimental.pallas import tpu as pltpu
from jax.experimental.pallas import tpu_sc as plsc

N_NODES = 10000
N_EDGES = 320000
D = 128
DH = D // 2
E_REAL = N_EDGES + N_NODES

NC, NS = 2, 16
NPAD = 10240
ROWS_PER_TILE = NPAD // NS
BLK = 128
SB = 6
NSUP = 27
NBLK = SB * NSUP
E_CHUNK = NBLK * BLK
EPAD = NS * E_CHUNK
DUMMY = N_NODES


def _mm_body(x_ref, wt_ref, a2_ref, act2_ref, asrc_ref, adst_ref):
    act = jnp.dot(x_ref[...], wt_ref[...], preferred_element_type=jnp.float32)
    a2 = a2_ref[...]
    adst = jnp.sum(act * a2[:, 0][None, :], axis=1)
    asrc = jnp.sum(act * a2[:, 1][None, :], axis=1)
    lane = lax.broadcasted_iota(jnp.int32, (act.shape[0], 16), 1)
    asrc16 = jnp.where(lane == 0, asrc[:, None], 0.0)
    act2_ref[0] = act[:, :DH]
    act2_ref[1] = act[:, DH:]
    asrc_ref[0] = asrc16
    asrc_ref[1] = asrc16
    adst_ref[...] = jnp.where(lane == 0, adst[:, None], 0.0)


def _matmul(x, wt, a2):
    blk = 400
    return pl.pallas_call(
        _mm_body,
        grid=(N_NODES // blk,),
        in_specs=[
            pl.BlockSpec((blk, D), lambda i: (i, 0)),
            pl.BlockSpec((D, D), lambda i: (0, 0)),
            pl.BlockSpec((D, 8), lambda i: (0, 0)),
        ],
        out_specs=[
            pl.BlockSpec((2, blk, DH), lambda i: (0, i, 0)),
            pl.BlockSpec((2, blk, 16), lambda i: (0, i, 0)),
            pl.BlockSpec((blk, 16), lambda i: (i, 0)),
        ],
        out_shape=[
            jax.ShapeDtypeStruct((2, NPAD, DH), jnp.float32),
            jax.ShapeDtypeStruct((2, NPAD, 16), jnp.float32),
            jax.ShapeDtypeStruct((NPAD, 16), jnp.float32),
        ],
    )(x, wt, a2)


def _sc_body(glh_hbm, src_hbm, dst_hbm, mpos_hbm, asrc_hbm, adst_hbm,
             msg_hbm, w_hbm, aggp_hbm, denp_hbm,
             srcg_sb, dst_sb, midx_sb, w_sb, rows_a, rows_b, wrow_v,
             asrc_blk, adst_blk, agg_sh, den_sh, sem_a, sem_b, sem_c):
    c = lax.axis_index("c")
    s = lax.axis_index("s")

    def _zero_row(e, carry):
        for v in range(DH // 16):
            rows_a[e, pl.ds(v * 16, 16)] = jnp.zeros((16,), jnp.float32)
        wrow_v[e, :] = jnp.zeros((16,), jnp.float32)
        return carry

    lax.fori_loop(0, BLK, _zero_row, 0)
    for b in range(ROWS_PER_TILE // BLK):
        r0 = s * ROWS_PER_TILE + b * BLK
        pltpu.sync_copy(rows_a, agg_sh.at[pl.ds(r0, BLK)])
        pltpu.sync_copy(wrow_v, den_sh.at[pl.ds(r0, BLK)])
    plsc.subcore_barrier()

    lane = lax.iota(jnp.int32, 16)
    zeros16i = jnp.zeros((16,), jnp.int32)
    coff = jnp.full((16,), c, jnp.int32) * jnp.int32(NPAD)
    cvec = jnp.full((16,), c, jnp.int32)
    bufs = ((rows_a, sem_a), (rows_b, sem_b))

    def _fire(b, rows_v, sem):
        return pltpu.async_copy(glh_hbm.at[srcg_sb.at[b]], rows_v, sem)

    def _super(k, carry):
        pltpu.sync_copy(src_hbm.at[s, pl.ds(k * SB, SB)], srcg_sb)
        pltpu.sync_copy(dst_hbm.at[s, pl.ds(k * SB, SB)], dst_sb)
        pltpu.sync_copy(mpos_hbm.at[s, pl.ds(k * SB, SB)], midx_sb)
        for b in range(SB):
            for g in range(8):
                srcg_sb[b, pl.ds(g * 16, 16)] = (
                    srcg_sb[b, pl.ds(g * 16, 16)] + coff
                )
                midx_sb[b, pl.ds(g * 16, 16)] = (
                    midx_sb[b, pl.ds(g * 16, 16)] + cvec
                )

        cp = _fire(0, *bufs[0])
        for b in range(SB):
            rows_v, _ = bufs[b % 2]
            if b + 1 < SB:
                nxt = _fire(b + 1, *bufs[(b + 1) % 2])
            cp_as = pltpu.async_copy(asrc_hbm.at[srcg_sb.at[b]], asrc_blk, sem_c)
            cp_ad = pltpu.async_copy(adst_hbm.at[dst_sb.at[b]], adst_blk, sem_c)
            cp.wait()
            if b + 1 < SB:
                cp = nxt

            pltpu.sync_copy(rows_v, msg_hbm.at[midx_sb.at[b]])
            cp_as.wait()
            cp_ad.wait()

            for g in range(8):
                e16 = lane + g * 16
                z = plsc.load_gather(adst_blk, [e16, zeros16i]) + plsc.load_gather(
                    asrc_blk, [e16, zeros16i]
                )
                z = jnp.where(z >= 0.0, z, z * jnp.float32(0.01))
                w_sb[b, pl.ds(g * 16, 16)] = jnp.exp(z)

            brow = jnp.full((16,), b, jnp.int32)

            @plsc.parallel_loop(0, BLK, 1, unroll=4)
            def _edge(e):
                wb = plsc.load_gather(w_sb, [brow, jnp.full((16,), e, jnp.int32)])
                for v in range(DH // 16):
                    rows_v[e, pl.ds(v * 16, 16)] = (
                        rows_v[e, pl.ds(v * 16, 16)] * wb
                    )
                wrow_v[e, :] = jnp.where(lane == 0, wb, jnp.float32(0.0))

            pltpu.sync_copy(rows_v, agg_sh.at[dst_sb.at[b]], add=True)
            pltpu.sync_copy(wrow_v, den_sh.at[dst_sb.at[b]], add=True)

        pltpu.sync_copy(w_sb, w_hbm.at[s, pl.ds(k * SB, SB)])
        return carry

    lax.fori_loop(0, NSUP, _super, 0)

    plsc.subcore_barrier()
    for b in range(ROWS_PER_TILE // BLK):
        r0 = s * ROWS_PER_TILE + b * BLK
        pltpu.sync_copy(agg_sh.at[pl.ds(r0, BLK)], rows_a)
        pltpu.sync_copy(rows_a, aggp_hbm.at[pl.ds(r0, BLK), c])
        pltpu.sync_copy(den_sh.at[pl.ds(r0, BLK)], wrow_v)
        pltpu.sync_copy(wrow_v, denp_hbm.at[pl.ds(r0, BLK)])


_sc_call = functools.partial(
    pl.kernel,
    out_type=[
        jax.ShapeDtypeStruct((2 * E_REAL, DH), jnp.float32),
        jax.ShapeDtypeStruct((NS, NBLK, BLK), jnp.float32),
        jax.ShapeDtypeStruct((NPAD, 2, DH), jnp.float32),
        jax.ShapeDtypeStruct((NPAD, 16), jnp.float32),
    ],
    mesh=plsc.VectorSubcoreMesh(
        core_axis_name="c", subcore_axis_name="s", num_cores=NC, num_subcores=NS
    ),
    compiler_params=pltpu.CompilerParams(
        use_tc_tiling_on_sc=False, needs_layout_passes=False
    ),
    scratch_types=[
        pltpu.VMEM((SB, BLK), jnp.int32),
        pltpu.VMEM((SB, BLK), jnp.int32),
        pltpu.VMEM((SB, BLK), jnp.int32),
        pltpu.VMEM((SB, BLK), jnp.float32),
        pltpu.VMEM((BLK, DH), jnp.float32),
        pltpu.VMEM((BLK, DH), jnp.float32),
        pltpu.VMEM((BLK, 16), jnp.float32),
        pltpu.VMEM((BLK, 16), jnp.float32),
        pltpu.VMEM((BLK, 16), jnp.float32),
        pltpu.VMEM_SHARED((NPAD, DH), jnp.float32),
        pltpu.VMEM_SHARED((NPAD, 16), jnp.float32),
        pltpu.SemaphoreType.DMA,
        pltpu.SemaphoreType.DMA,
        pltpu.SemaphoreType.DMA,
    ],
)


def _comb_body(aggp_ref, denp_ref, agg_ref, den_ref):
    d = denp_ref[:, 0]
    safe = jnp.where(d == 0.0, jnp.float32(1.0), d)
    agg_ref[...] = aggp_ref[...] / safe[:, None]
    den_ref[...] = safe[:, None]


def _combine(aggp, denp):
    blk = 400
    return pl.pallas_call(
        _comb_body,
        grid=(N_NODES // blk,),
        in_specs=[
            pl.BlockSpec((blk, D), lambda i: (i, 0)),
            pl.BlockSpec((blk, 16), lambda i: (i, 0)),
        ],
        out_specs=[
            pl.BlockSpec((blk, D), lambda i: (i, 0)),
            pl.BlockSpec((blk, 1), lambda i: (i, 0)),
        ],
        out_shape=[
            jax.ShapeDtypeStruct((N_NODES, D), jnp.float32),
            jax.ShapeDtypeStruct((N_NODES, 1), jnp.float32),
        ],
    )(aggp, denp)


def kernel(x, edge_index, W, a):
    a2 = jnp.zeros((D, 8), jnp.float32)
    a2 = a2.at[:, 0].set(a[:D]).at[:, 1].set(a[D:])
    act2, asrc2, adst16 = _matmul(x, W.T, a2)
    glh = act2.reshape(2 * NPAD, DH)
    asrc16 = asrc2.reshape(2 * NPAD, 16)

    src = edge_index[0].astype(jnp.int32)
    dst = edge_index[1].astype(jnp.int32)
    loop = jnp.arange(N_NODES, dtype=jnp.int32)
    npad_e = EPAD - E_REAL
    src_full = jnp.concatenate(
        [src, loop, jnp.full((npad_e,), N_NODES - 1, jnp.int32)]
    )
    dst_full = jnp.concatenate([dst, loop, jnp.full((npad_e,), DUMMY, jnp.int32)])
    mpos = jnp.minimum(jnp.arange(EPAD, dtype=jnp.int32), E_REAL - 1) * 2
    src3d = src_full.reshape(NS, NBLK, BLK)
    dst3d = dst_full.reshape(NS, NBLK, BLK)
    mpos3d = mpos.reshape(NS, NBLK, BLK)

    msgf, w3d, aggp3, denp = _sc_call(_sc_body)(
        glh, src3d, dst3d, mpos3d, asrc16, adst16
    )
    agg, den = _combine(aggp3.reshape(NPAD, D), denp)

    return (
        agg,
        w3d.reshape(EPAD)[:E_REAL],
        den.reshape(N_NODES),
        msgf.reshape(E_REAL, D),
    )

# --- scband reference (transcript-rebuilt; emitter-appended) ---
"""Pipeline reference for scband-graph-attention-31671088841316 (READ-ONLY COPY).

The authoritative reference and input builder live on the scoring server;
editing this copy changes nothing except your own understanding.
"""

import jax, jax.numpy as jnp
import numpy as np

N_NODES = 10000
N_EDGES = 320000
D_IN = 128
D_OUT = 128


def setup_inputs(seed: int = 0) -> dict:
    key = jax.random.key(seed)
    k1, k2, k3, k4 = jax.random.split(key, 4)
    x = jax.random.normal(k1, (N_NODES, D_IN), dtype=jnp.float32)
    edge_index = jax.random.randint(k2, (2, N_EDGES), 0, N_NODES, dtype=jnp.int64)
    # xavier-uniform-like init for W [out_features, in_features]
    bound = float(np.sqrt(6.0 / (D_IN + D_OUT)))
    W = jax.random.uniform(k3, (D_OUT, D_IN), minval=-bound, maxval=bound, dtype=jnp.float32) * 0.3
    a = jax.random.uniform(k4, (2 * D_OUT,), minval=0.0, maxval=1.0, dtype=jnp.float32)
    return {"x": x, "edge_index": edge_index, "W": W, "a": a}


def add_self_loops(edge_index, num_nodes):
    loop = jnp.arange(num_nodes, dtype=edge_index.dtype)
    loops = jnp.stack([loop, loop], axis=0)
    return jnp.concatenate([edge_index, loops], axis=1)


def reference(x, edge_index, W, a):
    num_nodes = x.shape[0]
    ei = add_self_loops(edge_index, num_nodes)
    sources = ei[0]
    destinations = ei[1]
    activations = x @ W.T  # [N, d_out]
    messages = activations[sources]  # gather [E', d_out]
    attention_inputs = jnp.concatenate([activations[destinations], activations[sources]], axis=1)
    edge_weights_numerator = jnp.exp(jax.nn.leaky_relu((attention_inputs * a).sum(axis=1), negative_slope=0.01))
    weighted_messages = messages * edge_weights_numerator[:, None]
    softmax_denominator = jnp.zeros((num_nodes,), dtype=x.dtype).at[destinations].add(edge_weights_numerator)
    softmax_denominator = jnp.where(softmax_denominator == 0, jnp.ones_like(softmax_denominator), softmax_denominator)
    aggregated_messages = jnp.zeros_like(activations).at[destinations].add(weighted_messages)
    aggregated_messages = aggregated_messages / softmax_denominator[:, None]
    return (aggregated_messages, edge_weights_numerator, softmax_denominator, messages)

if __name__ == "__main__":
    import jax
    _d = setup_inputs()
    print(jax.jit(kernel)(*tuple(_d.values())))

</pallas_src>

<mosaic_0001>
#map = affine_map<(d0, d1) -> (0, 0)>
#map1 = affine_map<(d0, d1) -> (0, 0, 0)>
module attributes {stable_mosaic.version = 14 : i64} {
  func.func @_sc_body(%arg0: i32, %arg1: i32, %arg2: memref<20480x64xf32, #tpu.memory_space<hbm>>, %arg3: memref<16x162x128xi32, #tpu.memory_space<hbm>>, %arg4: memref<16x162x128xi32, #tpu.memory_space<hbm>>, %arg5: memref<16x162x128xi32, #tpu.memory_space<hbm>>, %arg6: memref<20480x16xf32, #tpu.memory_space<hbm>>, %arg7: memref<10240x16xf32, #tpu.memory_space<hbm>>, %arg8: memref<660000x64xf32, #tpu.memory_space<hbm>>, %arg9: memref<16x162x128xf32, #tpu.memory_space<hbm>>, %arg10: memref<10240x2x64xf32, #tpu.memory_space<hbm>>, %arg11: memref<10240x16xf32, #tpu.memory_space<hbm>>, %arg12: memref<6x128xi32, #tpu.memory_space<vmem>>, %arg13: memref<6x128xi32, #tpu.memory_space<vmem>>, %arg14: memref<6x128xi32, #tpu.memory_space<vmem>>, %arg15: memref<6x128xf32, #tpu.memory_space<vmem>>, %arg16: memref<128x64xf32, #tpu.memory_space<vmem>>, %arg17: memref<128x64xf32, #tpu.memory_space<vmem>>, %arg18: memref<128x16xf32, #tpu.memory_space<vmem>>, %arg19: memref<128x16xf32, #tpu.memory_space<vmem>>, %arg20: memref<128x16xf32, #tpu.memory_space<vmem>>, %arg21: memref<10240x64xf32, #tpu.memory_space<vmem_shared>>, %arg22: memref<10240x16xf32, #tpu.memory_space<vmem_shared>>, %arg23: memref<!tpu.dma_semaphore, #tpu.memory_space<semaphore_mem>>, %arg24: memref<!tpu.dma_semaphore, #tpu.memory_space<semaphore_mem>>, %arg25: memref<!tpu.dma_semaphore, #tpu.memory_space<semaphore_mem>>) attributes {dimension_semantics = [#tpu.dimension_semantics<core_parallel>, #tpu.dimension_semantics<subcore_parallel>], iteration_bounds = array<i64: 2, 16>, scalar_prefetch = 0 : i64, scratch_operands = 14 : i64, tpu.core_type = #tpu.core_type<sc_vector_subcore>, window_params = [{transform_indices = #map}, {transform_indices = #map1}, {transform_indices = #map1}, {transform_indices = #map1}, {transform_indices = #map}, {transform_indices = #map}, {transform_indices = #map}, {transform_indices = #map1}, {transform_indices = #map1}, {transform_indices = #map}]} {
    %scan3A = arith.constant 0 : i32
    %scan3A_0 = arith.constant 0 : i32
    %scan3A_1 = arith.constant 128 : i32
    %scan3A_2 = arith.addi %scan3A_0, %scan3A_1 : i32
    %scan3A_3 = arith.constant 1 : i32
    scf.for %scan3A_56 = %scan3A_0 to %scan3A_2 step %scan3A_3  : i32 {
      %broadcast_in_dim3A_57 = arith.constant 0.000000e+00 : f32
      %broadcast_in_dim3A_58 = vector.broadcast %broadcast_in_dim3A_57 : f32 to vector<16xf32>
      %swap3A = arith.index_cast %scan3A_56 : i32 to index
      %swap3A_59 = arith.constant 0 : index
      %swap3A_60 = tpu.vector_load %arg16[%swap3A, %swap3A_59] {strides = array<i32>} : memref<128x64xf32, #tpu.memory_space<vmem>>, vector<16xf32>,
      tpu.vector_store %arg16[%swap3A, %swap3A_59], %broadcast_in_dim3A_58 {strides = array<i32>} : memref<128x64xf32, #tpu.memory_space<vmem>>, vector<16xf32>,
      %broadcast_in_dim3A_61 = arith.constant 0.000000e+00 : f32
      %broadcast_in_dim3A_62 = vector.broadcast %broadcast_in_dim3A_61 : f32 to vector<16xf32>
      %swap3A_63 = arith.index_cast %scan3A_56 : i32 to index
      %swap3A_64 = arith.constant 16 : index
      %swap3A_65 = tpu.vector_load %arg16[%swap3A_63, %swap3A_64] {strides = array<i32>} : memref<128x64xf32, #tpu.memory_space<vmem>>, vector<16xf32>,
      tpu.vector_store %arg16[%swap3A_63, %swap3A_64], %broadcast_in_dim3A_62 {strides = array<i32>} : memref<128x64xf32, #tpu.memory_space<vmem>>, vector<16xf32>,
      %broadcast_in_dim3A_66 = arith.constant 0.000000e+00 : f32
      %broadcast_in_dim3A_67 = vector.broadcast %broadcast_in_dim3A_66 : f32 to vector<16xf32>
      %swap3A_68 = arith.index_cast %scan3A_56 : i32 to index
      %swap3A_69 = arith.constant 32 : index
      %swap3A_70 = tpu.vector_load %arg16[%swap3A_68, %swap3A_69] {strides = array<i32>} : memref<128x64xf32, #tpu.memory_space<vmem>>, vector<16xf32>,
      tpu.vector_store %arg16[%swap3A_68, %swap3A_69], %broadcast_in_dim3A_67 {strides = array<i32>} : memref<128x64xf32, #tpu.memory_space<vmem>>, vector<16xf32>,
      %broadcast_in_dim3A_71 = arith.constant 0.000000e+00 : f32
      %broadcast_in_dim3A_72 = vector.broadcast %broadcast_in_dim3A_71 : f32 to vector<16xf32>
      %swap3A_73 = arith.index_cast %scan3A_56 : i32 to index
      %swap3A_74 = arith.constant 48 : index
      %swap3A_75 = tpu.vector_load %arg16[%swap3A_73, %swap3A_74] {strides = array<i32>} : memref<128x64xf32, #tpu.memory_space<vmem>>, vector<16xf32>,
      tpu.vector_store %arg16[%swap3A_73, %swap3A_74], %broadcast_in_dim3A_72 {strides = array<i32>} : memref<128x64xf32, #tpu.memory_space<vmem>>, vector<16xf32>,
      %broadcast_in_dim3A_76 = arith.constant 0.000000e+00 : f32
      %broadcast_in_dim3A_77 = vector.broadcast %broadcast_in_dim3A_76 : f32 to vector<16xf32>
      %swap3A_78 = arith.index_cast %scan3A_56 : i32 to index
      %swap3A_79 = arith.constant 0 : index
      %swap3A_80 = tpu.vector_load %arg18[%swap3A_78, %swap3A_79] {strides = array<i32>} : memref<128x16xf32, #tpu.memory_space<vmem>>, vector<16xf32>,
      tpu.vector_store %arg18[%swap3A_78, %swap3A_79], %broadcast_in_dim3A_77 {strides = array<i32>} : memref<128x16xf32, #tpu.memory_space<vmem>>, vector<16xf32>,
    }
    %scan3A_4 = arith.constant 128 : i32
    %mul3A = arith.constant 640 : i32
    %mul3A_5 = arith.muli %arg1, %mul3A : i32
    %add3A = arith.constant 0 : i32
    %add3A_6 = arith.addi %mul3A_5, %add3A : i32
    "tpu.region"() ({
      %run_scoped3A = tpu.sem_alloc : memref<!tpu.dma_semaphore, #tpu.memory_space<semaphore_mem>>
      %dma_start3A = arith.constant 0 : i32
      %dma_start3A_56 = tpu.memref_slice %arg21[%add3A_6, %dma_start3A] : memref<10240x64xf32, #tpu.memory_space<vmem_shared>> -> memref<128x64xf32, #tpu.memory_space<vmem_shared>>
      %dma_start3A_57 = arith.constant 0 : i32
      %dma_start3A_58 = tpu.memref_slice %arg21[%add3A_6, %dma_start3A_57] : memref<10240x64xf32, #tpu.memory_space<vmem_shared>> -> memref<128x64xf32, #tpu.memory_space<vmem_shared>>
      tpu.enqueue_dma source(%arg16 : memref<128x64xf32, #tpu.memory_space<vmem>>) target(%dma_start3A_58 : memref<128x64xf32, #tpu.memory_space<vmem_shared>>) target_semaphore(%run_scoped3A : memref<!tpu.dma_semaphore, #tpu.memory_space<semaphore_mem>>)
      %dma_wait3A = arith.constant 0 : i32
      %dma_wait3A_59 = tpu.memref_slice %arg21[%add3A_6, %dma_wait3A] : memref<10240x64xf32, #tpu.memory_space<vmem_shared>> -> memref<128x64xf32, #tpu.memory_space<vmem_shared>>
      %dma_wait3A_60 = arith.constant 0 : i32
      %dma_wait3A_61 = tpu.memref_slice %arg21[%add3A_6, %dma_wait3A_60] : memref<10240x64xf32, #tpu.memory_space<vmem_shared>> -> memref<128x64xf32, #tpu.memory_space<vmem_shared>>
      tpu.wait_dma2 semaphore(%run_scoped3A : memref<!tpu.dma_semaphore, #tpu.memory_space<semaphore_mem>>) src(%arg16 : memref<128x64xf32, #tpu.memory_space<vmem>>) dst(%dma_wait3A_61 : memref<128x64xf32, #tpu.memory_space<vmem_shared>>)
      tpu.yield
    }) : () -> ()
    "tpu.region"() ({
      %run_scoped3A = tpu.sem_alloc : memref<!tpu.dma_semaphore, #tpu.memory_space<semaphore_mem>>
      %dma_start3A = arith.constant 0 : i32
      %dma_start3A_56 = tpu.memref_slice %arg22[%add3A_6, %dma_start3A] : memref<10240x16xf32, #tpu.memory_space<vmem_shared>> -> memref<128x16xf32, #tpu.memory_space<vmem_shared>>
      %dma_start3A_57 = arith.constant 0 : i32
      %dma_start3A_58 = tpu.memref_slice %arg22[%add3A_6, %dma_start3A_57] : memref<10240x16xf32, #tpu.memory_space<vmem_shared>> -> memref<128x16xf32, #tpu.memory_space<vmem_shared>>
      tpu.enqueue_dma source(%arg18 : memref<128x16xf32, #tpu.memory_space<vmem>>) target(%dma_start3A_58 : memref<128x16xf32, #tpu.memory_space<vmem_shared>>) target_semaphore(%run_scoped3A : memref<!tpu.dma_semaphore, #tpu.memory_space<semaphore_mem>>)
      %dma_wait3A = arith.constant 0 : i32
      %dma_wait3A_59 = tpu.memref_slice %arg22[%add3A_6, %dma_wait3A] : memref<10240x16xf32, #tpu.memory_space<vmem_shared>> -> memref<128x16xf32, #tpu.memory_space<vmem_shared>>
      %dma_wait3A_60 = arith.constant 0 : i32
      %dma_wait3A_61 = tpu.memref_slice %arg22[%add3A_6, %dma_wait3A_60] : memref<10240x16xf32, #tpu.memory_space<vmem_shared>> -> memref<128x16xf32, #tpu.memory_space<vmem_shared>>
      tpu.wait_dma2 semaphore(%run_scoped3A : memref<!tpu.dma_semaphore, #tpu.memory_space<semaphore_mem>>) src(%arg18 : memref<128x16xf32, #tpu.memory_space<vmem>>) dst(%dma_wait3A_61 : memref<128x16xf32, #tpu.memory_space<vmem_shared>>)
      tpu.yield
    }) : () -> ()
    %mul3A_7 = arith.constant 640 : i32
    %mul3A_8 = arith.muli %arg1, %mul3A_7 : i32
    %add3A_9 = arith.constant 128 : i32
    %add3A_10 = arith.addi %mul3A_8, %add3A_9 : i32
    "tpu.region"() ({
      %run_scoped3A = tpu.sem_alloc : memref<!tpu.dma_semaphore, #tpu.memory_space<semaphore_mem>>
      %dma_start3A = arith.constant 0 : i32
      %dma_start3A_56 = tpu.memref_slice %arg21[%add3A_10, %dma_start3A] : memref<10240x64xf32, #tpu.memory_space<vmem_shared>> -> memref<128x64xf32, #tpu.memory_space<vmem_shared>>
      %dma_start3A_57 = arith.constant 0 : i32
      %dma_start3A_58 = tpu.memref_slice %arg21[%add3A_10, %dma_start3A_57] : memref<10240x64xf32, #tpu.memory_space<vmem_shared>> -> memref<128x64xf32, #tpu.memory_space<vmem_shared>>
      tpu.enqueue_dma source(%arg16 : memref<128x64xf32, #tpu.memory_space<vmem>>) target(%dma_start3A_58 : memref<128x64xf32, #tpu.memory_space<vmem_shared>>) target_semaphore(%run_scoped3A : memref<!tpu.dma_semaphore, #tpu.memory_space<semaphore_mem>>)
      %dma_wait3A = arith.constant 0 : i32
      %dma_wait3A_59 = tpu.memref_slice %arg21[%add3A_10, %dma_wait3A] : memref<10240x64xf32, #tpu.memory_space<vmem_shared>> -> memref<128x64xf32, #tpu.memory_space<vmem_shared>>
      %dma_wait3A_60 = arith.constant 0 : i32
      %dma_wait3A_61 = tpu.memref_slice %arg21[%add3A_10, %dma_wait3A_60] : memref<10240x64xf32, #tpu.memory_space<vmem_shared>> -> memref<128x64xf32, #tpu.memory_space<vmem_shared>>
      tpu.wait_dma2 semaphore(%run_scoped3A : memref<!tpu.dma_semaphore, #tpu.memory_space<semaphore_mem>>) src(%arg16 : memref<128x64xf32, #tpu.memory_space<vmem>>) dst(%dma_wait3A_61 : memref<128x64xf32, #tpu.memory_space<vmem_shared>>)
      tpu.yield
    }) : () -> ()
    "tpu.region"() ({
      %run_scoped3A = tpu.sem_alloc : memref<!tpu.dma_semaphore, #tpu.memory_space<semaphore_mem>>
      %dma_start3A = arith.constant 0 : i32
      %dma_start3A_56 = tpu.memref_slice %arg22[%add3A_10, %dma_start3A] : memref<10240x16xf32, #tpu.memory_space<vmem_shared>> -> memref<128x16xf32, #tpu.memory_space<vmem_shared>>
      %dma_start3A_57 = arith.constant 0 : i32
      %dma_start3A_58 = tpu.memref_slice %arg22[%add3A_10, %dma_start3A_57] : memref<10240x16xf32, #tpu.memory_space<vmem_shared>> -> memref<128x16xf32, #tpu.memory_space<vmem_shared>>
      tpu.enqueue_dma source(%arg18 : memref<128x16xf32, #tpu.memory_space<vmem>>) target(%dma_start3A_58 : memref<128x16xf32, #tpu.memory_space<vmem_shared>>) target_semaphore(%run_scoped3A : memref<!tpu.dma_semaphore, #tpu.memory_space<semaphore_mem>>)
      %dma_wait3A = arith.constant 0 : i32
      %dma_wait3A_59 = tpu.memref_slice %arg22[%add3A_10, %dma_wait3A] : memref<10240x16xf32, #tpu.memory_space<vmem_shared>> -> memref<128x16xf32, #tpu.memory_space<vmem_shared>>
      %dma_wait3A_60 = arith.constant 0 : i32
      %dma_wait3A_61 = tpu.memref_slice %arg22[%add3A_10, %dma_wait3A_60] : memref<10240x16xf32, #tpu.memory_space<vmem_shared>> -> memref<128x16xf32, #tpu.memory_space<vmem_shared>>
      tpu.wait_dma2 semaphore(%run_scoped3A : memref<!tpu.dma_semaphore, #tpu.memory_space<semaphore_mem>>) src(%arg18 : memref<128x16xf32, #tpu.memory_space<vmem>>) dst(%dma_wait3A_61 : memref<128x16xf32, #tpu.memory_space<vmem_shared>>)
      tpu.yield
    }) : () -> ()
    %mul3A_11 = arith.constant 640 : i32
    %mul3A_12 = arith.muli %arg1, %mul3A_11 : i32
    %add3A_13 = arith.constant 256 : i32
    %add3A_14 = arith.addi %mul3A_12, %add3A_13 : i32
    "tpu.region"() ({
      %run_scoped3A = tpu.sem_alloc : memref<!tpu.dma_semaphore, #tpu.memory_space<semaphore_mem>>
      %dma_start3A = arith.constant 0 : i32
      %dma_start3A_56 = tpu.memref_slice %arg21[%add3A_14, %dma_start3A] : memref<10240x64xf32, #tpu.memory_space<vmem_shared>> -> memref<128x64xf32, #tpu.memory_space<vmem_shared>>
      %dma_start3A_57 = arith.constant 0 : i32
      %dma_start3A_58 = tpu.memref_slice %arg21[%add3A_14, %dma_start3A_57] : memref<10240x64xf32, #tpu.memory_space<vmem_shared>> -> memref<128x64xf32, #tpu.memory_space<vmem_shared>>
      tpu.enqueue_dma source(%arg16 : memref<128x64xf32, #tpu.memory_space<vmem>>) target(%dma_start3A_58 : memref<128x64xf32, #tpu.memory_space<vmem_shared>>) target_semaphore(%run_scoped3A : memref<!tpu.dma_semaphore, #tpu.memory_space<semaphore_mem>>)
      %dma_wait3A = arith.constant 0 : i32
      %dma_wait3A_59 = tpu.memref_slice %arg21[%add3A_14, %dma_wait3A] : memref<10240x64xf32, #tpu.memory_space<vmem_shared>> -> memref<128x64xf32, #tpu.memory_space<vmem_shared>>
      %dma_wait3A_60 = arith.constant 0 : i32
      %dma_wait3A_61 = tpu.memref_slice %arg21[%add3A_14, %dma_wait3A_60] : memref<10240x64xf32, #tpu.memory_space<vmem_shared>> -> memref<128x64xf32, #tpu.memory_space<vmem_shared>>
      tpu.wait_dma2 semaphore(%run_scoped3A : memref<!tpu.dma_semaphore, #tpu.memory_space<semaphore_mem>>) src(%arg16 : memref<128x64xf32, #tpu.memory_space<vmem>>) dst(%dma_wait3A_61 : memref<128x64xf32, #tpu.memory_space<vmem_shared>>)
      tpu.yield
    }) : () -> ()
    "tpu.region"() ({
      %run_scoped3A = tpu.sem_alloc : memref<!tpu.dma_semaphore, #tpu.memory_space<semaphore_mem>>
      %dma_start3A = arith.constant 0 : i32
      %dma_start3A_56 = tpu.memref_slice %arg22[%add3A_14, %dma_start3A] : memref<10240x16xf32, #tpu.memory_space<vmem_shared>> -> memref<128x16xf32, #tpu.memory_space<vmem_shared>>
      %dma_start3A_57 = arith.constant 0 : i32
      %dma_start3A_58 = tpu.memref_slice %arg22[%add3A_14, %dma_start3A_57] : memref<10240x16xf32, #tpu.memory_space<vmem_shared>> -> memref<128x16xf32, #tpu.memory_space<vmem_shared>>
      tpu.enqueue_dma source(%arg18 : memref<128x16xf32, #tpu.memory_space<vmem>>) target(%dma_start3A_58 : memref<128x16xf32, #tpu.memory_space<vmem_shared>>) target_semaphore(%run_scoped3A : memref<!tpu.dma_semaphore, #tpu.memory_space<semaphore_mem>>)
      %dma_wait3A = arith.constant 0 : i32
      %dma_wait3A_59 = tpu.memref_slice %arg22[%add3A_14, %dma_wait3A] : memref<10240x16xf32, #tpu.memory_space<vmem_shared>> -> memref<128x16xf32, #tpu.memory_space<vmem_shared>>
      %dma_wait3A_60 = arith.constant 0 : i32
      %dma_wait3A_61 = tpu.memref_slice %arg22[%add3A_14, %dma_wait3A_60] : memref<10240x16xf32, #tpu.memory_space<vmem_shared>> -> memref<128x16xf32, #tpu.memory_space<vmem_shared>>
      tpu.wait_dma2 semaphore(%run_scoped3A : memref<!tpu.dma_semaphore, #tpu.memory_space<semaphore_mem>>) src(%arg18 : memref<128x16xf32, #tpu.memory_space<vmem>>) dst(%dma_wait3A_61 : memref<128x16xf32, #tpu.memory_space<vmem_shared>>)
      tpu.yield
    }) : () -> ()
    %mul3A_15 = arith.constant 640 : i32
    %mul3A_16 = arith.muli %arg1, %mul3A_15 : i32
    %add3A_17 = arith.constant 384 : i32
    %add3A_18 = arith.addi %mul3A_16, %add3A_17 : i32
    "tpu.region"() ({
      %run_scoped3A = tpu.sem_alloc : memref<!tpu.dma_semaphore, #tpu.memory_space<semaphore_mem>>
      %dma_start3A = arith.constant 0 : i32
      %dma_start3A_56 = tpu.memref_slice %arg21[%add3A_18, %dma_start3A] : memref<10240x64xf32, #tpu.memory_space<vmem_shared>> -> memref<128x64xf32, #tpu.memory_space<vmem_shared>>
      %dma_start3A_57 = arith.constant 0 : i32
      %dma_start3A_58 = tpu.memref_slice %arg21[%add3A_18, %dma_start3A_57] : memref<10240x64xf32, #tpu.memory_space<vmem_shared>> -> memref<128x64xf32, #tpu.memory_space<vmem_shared>>
      tpu.enqueue_dma source(%arg16 : memref<128x64xf32, #tpu.memory_space<vmem>>) target(%dma_start3A_58 : memref<128x64xf32, #tpu.memory_space<vmem_shared>>) target_semaphore(%run_scoped3A : memref<!tpu.dma_semaphore, #tpu.memory_space<semaphore_mem>>)
      %dma_wait3A = arith.constant 0 : i32
      %dma_wait3A_59 = tpu.memref_slice %arg21[%add3A_18, %dma_wait3A] : memref<10240x64xf32, #tpu.memory_space<vmem_shared>> -> memref<128x64xf32, #tpu.memory_space<vmem_shared>>
      %dma_wait3A_60 = arith.constant 0 : i32
      %dma_wait3A_61 = tpu.memref_slice %arg21[%add3A_18, %dma_wait3A_60] : memref<10240x64xf32, #tpu.memory_space<vmem_shared>> -> memref<128x64xf32, #tpu.memory_space<vmem_shared>>
      tpu.wait_dma2 semaphore(%run_scoped3A : memref<!tpu.dma_semaphore, #tpu.memory_space<semaphore_mem>>) src(%arg16 : memref<128x64xf32, #tpu.memory_space<vmem>>) dst(%dma_wait3A_61 : memref<128x64xf32, #tpu.memory_space<vmem_shared>>)
      tpu.yield
    }) : () -> ()
    "tpu.region"() ({
      %run_scoped3A = tpu.sem_alloc : memref<!tpu.dma_semaphore, #tpu.memory_space<semaphore_mem>>
      %dma_start3A = arith.constant 0 : i32
      %dma_start3A_56 = tpu.memref_slice %arg22[%add3A_18, %dma_start3A] : memref<10240x16xf32, #tpu.memory_space<vmem_shared>> -> memref<128x16xf32, #tpu.memory_space<vmem_shared>>
      %dma_start3A_57 = arith.constant 0 : i32
      %dma_start3A_58 = tpu.memref_slice %arg22[%add3A_18, %dma_start3A_57] : memref<10240x16xf32, #tpu.memory_space<vmem_shared>> -> memref<128x16xf32, #tpu.memory_space<vmem_shared>>
      tpu.enqueue_dma source(%arg18 : memref<128x16xf32, #tpu.memory_space<vmem>>) target(%dma_start3A_58 : memref<128x16xf32, #tpu.memory_space<vmem_shared>>) target_semaphore(%run_scoped3A : memref<!tpu.dma_semaphore, #tpu.memory_space<semaphore_mem>>)
      %dma_wait3A = arith.constant 0 : i32
      %dma_wait3A_59 = tpu.memref_slice %arg22[%add3A_18, %dma_wait3A] : memref<10240x16xf32, #tpu.memory_space<vmem_shared>> -> memref<128x16xf32, #tpu.memory_space<vmem_shared>>
      %dma_wait3A_60 = arith.constant 0 : i32
      %dma_wait3A_61 = tpu.memref_slice %arg22[%add3A_18, %dma_wait3A_60] : memref<10240x16xf32, #tpu.memory_space<vmem_shared>> -> memref<128x16xf32, #tpu.memory_space<vmem_shared>>
      tpu.wait_dma2 semaphore(%run_scoped3A : memref<!tpu.dma_semaphore, #tpu.memory_space<semaphore_mem>>) src(%arg18 : memref<128x16xf32, #tpu.memory_space<vmem>>) dst(%dma_wait3A_61 : memref<128x16xf32, #tpu.memory_space<vmem_shared>>)
      tpu.yield
    }) : () -> ()
    %mul3A_19 = arith.constant 640 : i32
    %mul3A_20 = arith.muli %arg1, %mul3A_19 : i32
    %add3A_21 = arith.constant 512 : i32
    %add3A_22 = arith.addi %mul3A_20, %add3A_21 : i32
    "tpu.region"() ({
      %run_scoped3A = tpu.sem_alloc : memref<!tpu.dma_semaphore, #tpu.memory_space<semaphore_mem>>
      %dma_start3A = arith.constant 0 : i32
      %dma_start3A_56 = tpu.memref_slice %arg21[%add3A_22, %dma_start3A] : memref<10240x64xf32, #tpu.memory_space<vmem_shared>> -> memref<128x64xf32, #tpu.memory_space<vmem_shared>>
      %dma_start3A_57 = arith.constant 0 : i32
      %dma_start3A_58 = tpu.memref_slice %arg21[%add3A_22, %dma_start3A_57] : memref<10240x64xf32, #tpu.memory_space<vmem_shared>> -> memref<128x64xf32, #tpu.memory_space<vmem_shared>>
      tpu.enqueue_dma source(%arg16 : memref<128x64xf32, #tpu.memory_space<vmem>>) target(%dma_start3A_58 : memref<128x64xf32, #tpu.memory_space<vmem_shared>>) target_semaphore(%run_scoped3A : memref<!tpu.dma_semaphore, #tpu.memory_space<semaphore_mem>>)
      %dma_wait3A = arith.constant 0 : i32
      %dma_wait3A_59 = tpu.memref_slice %arg21[%add3A_22, %dma_wait3A] : memref<10240x64xf32, #tpu.memory_space<vmem_shared>> -> memref<128x64xf32, #tpu.memory_space<vmem_shared>>
      %dma_wait3A_60 = arith.constant 0 : i32
      %dma_wait3A_61 = tpu.memref_slice %arg21[%add3A_22, %dma_wait3A_60] : memref<10240x64xf32, #tpu.memory_space<vmem_shared>> -> memref<128x64xf32, #tpu.memory_space<vmem_shared>>
      tpu.wait_dma2 semaphore(%run_scoped3A : memref<!tpu.dma_semaphore, #tpu.memory_space<semaphore_mem>>) src(%arg16 : memref<128x64xf32, #tpu.memory_space<vmem>>) dst(%dma_wait3A_61 : memref<128x64xf32, #tpu.memory_space<vmem_shared>>)
      tpu.yield
    }) : () -> ()
    "tpu.region"() ({
      %run_scoped3A = tpu.sem_alloc : memref<!tpu.dma_semaphore, #tpu.memory_space<semaphore_mem>>
      %dma_start3A = arith.constant 0 : i32
      %dma_start3A_56 = tpu.memref_slice %arg22[%add3A_22, %dma_start3A] : memref<10240x16xf32, #tpu.memory_space<vmem_shared>> -> memref<128x16xf32, #tpu.memory_space<vmem_shared>>
      %dma_start3A_57 = arith.constant 0 : i32
      %dma_start3A_58 = tpu.memref_slice %arg22[%add3A_22, %dma_start3A_57] : memref<10240x16xf32, #tpu.memory_space<vmem_shared>> -> memref<128x16xf32, #tpu.memory_space<vmem_shared>>
      tpu.enqueue_dma source(%arg18 : memref<128x16xf32, #tpu.memory_space<vmem>>) target(%dma_start3A_58 : memref<128x16xf32, #tpu.memory_space<vmem_shared>>) target_semaphore(%run_scoped3A : memref<!tpu.dma_semaphore, #tpu.memory_space<semaphore_mem>>)
      %dma_wait3A = arith.constant 0 : i32
      %dma_wait3A_59 = tpu.memref_slice %arg22[%add3A_22, %dma_wait3A] : memref<10240x16xf32, #tpu.memory_space<vmem_shared>> -> memref<128x16xf32, #tpu.memory_space<vmem_shared>>
      %dma_wait3A_60 = arith.constant 0 : i32
      %dma_wait3A_61 = tpu.memref_slice %arg22[%add3A_22, %dma_wait3A_60] : memref<10240x16xf32, #tpu.memory_space<vmem_shared>> -> memref<128x16xf32, #tpu.memory_space<vmem_shared>>
      tpu.wait_dma2 semaphore(%run_scoped3A : memref<!tpu.dma_semaphore, #tpu.memory_space<semaphore_mem>>) src(%arg18 : memref<128x16xf32, #tpu.memory_space<vmem>>) dst(%dma_wait3A_61 : memref<128x16xf32, #tpu.memory_space<vmem_shared>>)
      tpu.yield
    }) : () -> ()
    %barrier3A = arith.constant 0 : index
    tpu.barrier barrier_id(%barrier3A)
    %iota3A = tpu.iota {dimensions = array<i32: 0>} : vector<16xi32>
    %broadcast_in_dim3A = arith.constant 0 : i32
    %broadcast_in_dim3A_23 = vector.broadcast %broadcast_in_dim3A : i32 to vector<16xi32>
    %broadcast_in_dim3A_24 = vector.broadcast %arg0 : i32 to vector<16xi32>
    %mul3A_25 = arith.constant 10240 : i32
    %mul3A_26 = vector.broadcast %mul3A_25 : i32 to vector<16xi32>
    %mul3A_27 = arith.muli %broadcast_in_dim3A_24, %mul3A_26 : vector<16xi32>
    %broadcast_in_dim3A_28 = vector.broadcast %arg0 : i32 to vector<16xi32>
    %scan3A_29 = arith.constant 0 : i32
    %scan3A_30 = arith.constant 0 : i32
    %scan3A_31 = arith.constant 27 : i32
    %scan3A_32 = arith.addi %scan3A_30, %scan3A_31 : i32
    %scan3A_33 = arith.constant 1 : i32
    scf.for %scan3A_56 = %scan3A_30 to %scan3A_32 step %scan3A_33  : i32 {
      %mul3A_57 = arith.constant 6 : i32
      %mul3A_58 = arith.muli %scan3A_56, %mul3A_57 : i32
      "tpu.region"() ({
        %run_scoped3A_2083 = tpu.sem_alloc : memref<!tpu.dma_semaphore, #tpu.memory_space<semaphore_mem>>
        %dma_start3A_2084 = arith.constant 0 : i32
        %dma_start3A_2085 = tpu.memref_slice %arg3[%arg1, %mul3A_58, %dma_start3A_2084] : memref<16x162x128xi32, #tpu.memory_space<hbm>> -> memref<1x6x128xi32, #tpu.memory_space<hbm>>
        %dma_start3A_2086 = tpu.memref_squeeze %dma_start3A_2085 : memref<1x6x128xi32, #tpu.memory_space<hbm>> -> memref<6x128xi32, #tpu.memory_space<hbm>>
        %dma_start3A_2087 = arith.constant 0 : i32
        %dma_start3A_2088 = tpu.memref_slice %arg3[%arg1, %mul3A_58, %dma_start3A_2087] : memref<16x162x128xi32, #tpu.memory_space<hbm>> -> memref<1x6x128xi32, #tpu.memory_space<hbm>>
        %dma_start3A_2089 = tpu.memref_squeeze %dma_start3A_2088 : memref<1x6x128xi32, #tpu.memory_space<hbm>> -> memref<6x128xi32, #tpu.memory_space<hbm>>
        tpu.enqueue_dma source(%dma_start3A_2089 : memref<6x128xi32, #tpu.memory_space<hbm>>) target(%arg12 : memref<6x128xi32, #tpu.memory_space<vmem>>) target_semaphore(%run_scoped3A_2083 : memref<!tpu.dma_semaphore, #tpu.memory_space<semaphore_mem>>)
        %dma_wait3A_2090 = arith.constant 0 : i32
        %dma_wait3A_2091 = tpu.memref_slice %arg3[%arg1, %mul3A_58, %dma_wait3A_2090] : memref<16x162x128xi32, #tpu.memory_space<hbm>> -> memref<1x6x128xi32, #tpu.memory_space<hbm>>
        %dma_wait3A_2092 = tpu.memref_squeeze %dma_wait3A_2091 : memref<1x6x128xi32, #tpu.memory_space<hbm>> -> memref<6x128xi32, #tpu.memory_space<hbm>>
        %dma_wait3A_2093 = arith.constant 0 : i32
        %dma_wait3A_2094 = tpu.memref_slice %arg3[%arg1, %mul3A_58, %dma_wait3A_2093] : memref<16x162x128xi32, #tpu.memory_space<hbm>> -> memref<1x6x128xi32, #tpu.memory_space<hbm>>
        %dma_wait3A_2095 = tpu.memref_squeeze %dma_wait3A_2094 : memref<1x6x128xi32, #tpu.memory_space<hbm>> -> memref<6x128xi32, #tpu.memory_space<hbm>>
        tpu.wait_dma2 semaphore(%run_scoped3A_2083 : memref<!tpu.dma_semaphore, #tpu.memory_space<semaphore_mem>>) src(%dma_wait3A_2095 : memref<6x128xi32, #tpu.memory_space<hbm>>) dst(%arg12 : memref<6x128xi32, #tpu.memory_space<vmem>>)
        tpu.yield
      }) : () -> ()
      %mul3A_59 = arith.constant 6 : i32
      %mul3A_60 = arith.muli %scan3A_56, %mul3A_59 : i32
      "tpu.region"() ({
        %run_scoped3A_2083 = tpu.sem_alloc : memref<!tpu.dma_semaphore, #tpu.memory_space<semaphore_mem>>
        %dma_start3A_2084 = arith.constant 0 : i32
        %dma_start3A_2085 = tpu.memref_slice %arg4[%arg1, %mul3A_60, %dma_start3A_2084] : memref<16x162x128xi32, #tpu.memory_space<hbm>> -> memref<1x6x128xi32, #tpu.memory_space<hbm>>
        %dma_start3A_2086 = tpu.memref_squeeze %dma_start3A_2085 : memref<1x6x128xi32, #tpu.memory_space<hbm>> -> memref<6x128xi32, #tpu.memory_space<hbm>>
        %dma_start3A_2087 = arith.constant 0 : i32
        %dma_start3A_2088 = tpu.memref_slice %arg4[%arg1, %mul3A_60, %dma_start3A_2087] : memref<16x162x128xi32, #tpu.memory_space<hbm>> -> memref<1x6x128xi32, #tpu.memory_space<hbm>>
        %dma_start3A_2089 = tpu.memref_squeeze %dma_start3A_2088 : memref<1x6x128xi32, #tpu.memory_space<hbm>> -> memref<6x128xi32, #tpu.memory_space<hbm>>
        tpu.enqueue_dma source(%dma_start3A_2089 : memref<6x128xi32, #tpu.memory_space<hbm>>) target(%arg13 : memref<6x128xi32, #tpu.memory_space<vmem>>) target_semaphore(%run_scoped3A_2083 : memref<!tpu.dma_semaphore, #tpu.memory_space<semaphore_mem>>)
        %dma_wait3A_2090 = arith.constant 0 : i32
        %dma_wait3A_2091 = tpu.memref_slice %arg4[%arg1, %mul3A_60, %dma_wait3A_2090] : memref<16x162x128xi32, #tpu.memory_space<hbm>> -> memref<1x6x128xi32, #tpu.memory_space<hbm>>
        %dma_wait3A_2092 = tpu.memref_squeeze %dma_wait3A_2091 : memref<1x6x128xi32, #tpu.memory_space<hbm>> -> memref<6x128xi32, #tpu.memory_space<hbm>>
        %dma_wait3A_2093 = arith.constant 0 : i32
        %dma_wait3A_2094 = tpu.memref_slice %arg4[%arg1, %mul3A_60, %dma_wait3A_2093] : memref<16x162x128xi32, #tpu.memory_space<hbm>> -> memref<1x6x128xi32, #tpu.memory_space<hbm>>
        %dma_wait3A_2095 = tpu.memref_squeeze %dma_wait3A_2094 : memref<1x6x128xi32, #tpu.memory_space<hbm>> -> memref<6x128xi32, #tpu.memory_space<hbm>>
        tpu.wait_dma2 semaphore(%run_scoped3A_2083 : memref<!tpu.dma_semaphore, #tpu.memory_space<semaphore_mem>>) src(%dma_wait3A_2095 : memref<6x128xi32, #tpu.memory_space<hbm>>) dst(%arg13 : memref<6x128xi32, #tpu.memory_space<vmem>>)
        tpu.yield
      }) : () -> ()
      %mul3A_61 = arith.constant 6 : i32
      %mul3A_62 = arith.muli %scan3A_56, %mul3A_61 : i32
      "tpu.region"() ({
        %run_scoped3A_2083 = tpu.sem_alloc : memref<!tpu.dma_semaphore, #tpu.memory_space<semaphore_mem>>
        %dma_start3A_2084 = arith.constant 0 : i32
        %dma_start3A_2085 = tpu.memref_slice %arg5[%arg1, %mul3A_62, %dma_start3A_2084] : memref<16x162x128xi32, #tpu.memory_space<hbm>> -> memref<1x6x128xi32, #tpu.memory_space<hbm>>
        %dma_start3A_2086 = tpu.memref_squeeze %dma_start3A_2085 : memref<1x6x128xi32, #tpu.memory_space<hbm>> -> memref<6x128xi32, #tpu.memory_space<hbm>>
        %dma_start3A_2087 = arith.constant 0 : i32
        %dma_start3A_2088 = tpu.memref_slice %arg5[%arg1, %mul3A_62, %dma_start3A_2087] : memref<16x162x128xi32, #tpu.memory_space<hbm>> -> memref<1x6x128xi32, #tpu.memory_space<hbm>>
        %dma_start3A_2089 = tpu.memref_squeeze %dma_start3A_2088 : memref<1x6x128xi32, #tpu.memory_space<hbm>> -> memref<6x128xi32, #tpu.memory_space<hbm>>
        tpu.enqueue_dma source(%dma_start3A_2089 : memref<6x128xi32, #tpu.memory_space<hbm>>) target(%arg14 : memref<6x128xi32, #tpu.memory_space<vmem>>) target_semaphore(%run_scoped3A_2083 : memref<!tpu.dma_semaphore, #tpu.memory_space<semaphore_mem>>)
        %dma_wait3A_2090 = arith.constant 0 : i32
        %dma_wait3A_2091 = tpu.memref_slice %arg5[%arg1, %mul3A_62, %dma_wait3A_2090] : memref<16x162x128xi32, #tpu.memory_space<hbm>> -> memref<1x6x128xi32, #tpu.memory_space<hbm>>
        %dma_wait3A_2092 = tpu.memref_squeeze %dma_wait3A_2091 : memref<1x6x128xi32, #tpu.memory_space<hbm>> -> memref<6x128xi32, #tpu.memory_space<hbm>>
        %dma_wait3A_2093 = arith.constant 0 : i32
        %dma_wait3A_2094 = tpu.memref_slice %arg5[%arg1, %mul3A_62, %dma_wait3A_2093] : memref<16x162x128xi32, #tpu.memory_space<hbm>> -> memref<1x6x128xi32, #tpu.memory_space<hbm>>
        %dma_wait3A_2095 = tpu.memref_squeeze %dma_wait3A_2094 : memref<1x6x128xi32, #tpu.memory_space<hbm>> -> memref<6x128xi32, #tpu.memory_space<hbm>>
        tpu.wait_dma2 semaphore(%run_scoped3A_2083 : memref<!tpu.dma_semaphore, #tpu.memory_space<semaphore_mem>>) src(%dma_wait3A_2095 : memref<6x128xi32, #tpu.memory_space<hbm>>) dst(%arg14 : memref<6x128xi32, #tpu.memory_space<vmem>>)
        tpu.yield
      }) : () -> ()
      %get3A = arith.constant 0 : i32
      %get3A_63 = arith.index_cast %get3A : i32 to index
      %get3A_64 = arith.constant 0 : index
      %get3A_65 = tpu.vector_load %arg12[%get3A_63, %get3A_64] {strides = array<i32>} : memref<6x128xi32, #tpu.memory_space<vmem>>, vector<16xi32>,
      %add3A_66 = arith.addi %get3A_65, %mul3A_27 : vector<16xi32>
      %swap3A = arith.constant 0 : i32
      %swap3A_67 = arith.index_cast %swap3A : i32 to index
      %swap3A_68 = arith.constant 0 : index
      %swap3A_69 = tpu.vector_load %arg12[%swap3A_67, %swap3A_68] {strides = array<i32>} : memref<6x128xi32, #tpu.memory_space<vmem>>, vector<16xi32>,
      tpu.vector_store %arg12[%swap3A_67, %swap3A_68], %add3A_66 {strides = array<i32>} : memref<6x128xi32, #tpu.memory_space<vmem>>, vector<16xi32>,
      %get3A_70 = arith.constant 0 : i32
      %get3A_71 = arith.index_cast %get3A_70 : i32 to index
      %get3A_72 = arith.constant 0 : index
      %get3A_73 = tpu.vector_load %arg14[%get3A_71, %get3A_72] {strides = array<i32>} : memref<6x128xi32, #tpu.memory_space<vmem>>, vector<16xi32>,
      %add3A_74 = arith.addi %get3A_73, %broadcast_in_dim3A_28 : vector<16xi32>
      %swap3A_75 = arith.constant 0 : i32
      %swap3A_76 = arith.index_cast %swap3A_75 : i32 to index
      %swap3A_77 = arith.constant 0 : index
      %swap3A_78 = tpu.vector_load %arg14[%swap3A_76, %swap3A_77] {strides = array<i32>} : memref<6x128xi32, #tpu.memory_space<vmem>>, vector<16xi32>,
      tpu.vector_store %arg14[%swap3A_76, %swap3A_77], %add3A_74 {strides = array<i32>} : memref<6x128xi32, #tpu.memory_space<vmem>>, vector<16xi32>,
      %get3A_79 = arith.constant 0 : i32
      %get3A_80 = arith.index_cast %get3A_79 : i32 to index
      %get3A_81 = arith.constant 16 : index
      %get3A_82 = tpu.vector_load %arg12[%get3A_80, %get3A_81] {strides = array<i32>} : memref<6x128xi32, #tpu.memory_space<vmem>>, vector<16xi32>,
      %add3A_83 = arith.addi %get3A_82, %mul3A_27 : vector<16xi32>
      %swap3A_84 = arith.constant 0 : i32
      %swap3A_85 = arith.index_cast %swap3A_84 : i32 to index
      %swap3A_86 = arith.constant 16 : index
      %swap3A_87 = tpu.vector_load %arg12[%swap3A_85, %swap3A_86] {strides = array<i32>} : memref<6x128xi32, #tpu.memory_space<vmem>>, vector<16xi32>,
      tpu.vector_store %arg12[%swap3A_85, %swap3A_86], %add3A_83 {strides = array<i32>} : memref<6x128xi32, #tpu.memory_space<vmem>>, vector<16xi32>,
      %get3A_88 = arith.constant 0 : i32
      %get3A_89 = arith.index_cast %get3A_88 : i32 to index
      %get3A_90 = arith.constant 16 : index
      %get3A_91 = tpu.vector_load %arg14[%get3A_89, %get3A_90] {strides = array<i32>} : memref<6x128xi32, #tpu.memory_space<vmem>>, vector<16xi32>,
      %add3A_92 = arith.addi %get3A_91, %broadcast_in_dim3A_28 : vector<16xi32>
      %swap3A_93 = arith.constant 0 : i32
      %swap3A_94 = arith.index_cast %swap3A_93 : i32 to index
      %swap3A_95 = arith.constant 16 : index
      %swap3A_96 = tpu.vector_load %arg14[%swap3A_94, %swap3A_95] {strides = array<i32>} : memref<6x128xi32, #tpu.memory_space<vmem>>, vector<16xi32>,
      tpu.vector_store %arg14[%swap3A_94, %swap3A_95], %add3A_92 {strides = array<i32>} : memref<6x128xi32, #tpu.memory_space<vmem>>, vector<16xi32>,
      %get3A_97 = arith.constant 0 : i32
      %get3A_98 = arith.index_cast %get3A_97 : i32 to index
      %get3A_99 = arith.constant 32 : index
      %get3A_100 = tpu.vector_load %arg12[%get3A_98, %get3A_99] {strides = array<i32>} : memref<6x128xi32, #tpu.memory_space<vmem>>, vector<16xi32>,
      %add3A_101 = arith.addi %get3A_100, %mul3A_27 : vector<16xi32>
      %swap3A_102 = arith.constant 0 : i32
      %swap3A_103 = arith.index_cast %swap3A_102 : i32 to index
      %swap3A_104 = arith.constant 32 : index
      %swap3A_105 = tpu.vector_load %arg12[%swap3A_103, %swap3A_104] {strides = array<i32>} : memref<6x128xi32, #tpu.memory_space<vmem>>, vector<16xi32>,
      tpu.vector_store %arg12[%swap3A_103, %swap3A_104], %add3A_101 {strides = array<i32>} : memref<6x128xi32, #tpu.memory_space<vmem>>, vector<16xi32>,
      %get3A_106 = arith.constant 0 : i32
      %get3A_107 = arith.index_cast %get3A_106 : i32 to index
      %get3A_108 = arith.constant 32 : index
      %get3A_109 = tpu.vector_load %arg14[%get3A_107, %get3A_108] {strides = array<i32>} : memref<6x128xi32, #tpu.memory_space<vmem>>, vector<16xi32>,
      %add3A_110 = arith.addi %get3A_109, %broadcast_in_dim3A_28 : vector<16xi32>
      %swap3A_111 = arith.constant 0 : i32
      %swap3A_112 = arith.index_cast %swap3A_111 : i32 to index
      %swap3A_113 = arith.constant 32 : index
      %swap3A_114 = tpu.vector_load %arg14[%swap3A_112, %swap3A_113] {strides = array<i32>} : memref<6x128xi32, #tpu.memory_space<vmem>>, vector<16xi32>,
      tpu.vector_store %arg14[%swap3A_112, %swap3A_113], %add3A_110 {strides = array<i32>} : memref<6x128xi32, #tpu.memory_space<vmem>>, vector<16xi32>,
      %get3A_115 = arith.constant 0 : i32
      %get3A_116 = arith.index_cast %get3A_115 : i32 to index
      %get3A_117 = arith.constant 48 : index
      %get3A_118 = tpu.vector_load %arg12[%get3A_116, %get3A_117] {strides = array<i32>} : memref<6x128xi32, #tpu.memory_space<vmem>>, vector<16xi32>,
      %add3A_119 = arith.addi %get3A_118, %mul3A_27 : vector<16xi32>
      %swap3A_120 = arith.constant 0 : i32
      %swap3A_121 = arith.index_cast %swap3A_120 : i32 to index
      %swap3A_122 = arith.constant 48 : index
      %swap3A_123 = tpu.vector_load %arg12[%swap3A_121, %swap3A_122] {strides = array<i32>} : memref<6x128xi32, #tpu.memory_space<vmem>>, vector<16xi32>,
      tpu.vector_store %arg12[%swap3A_121, %swap3A_122], %add3A_119 {strides = array<i32>} : memref<6x128xi32, #tpu.memory_space<vmem>>, vector<16xi32>,
      %get3A_124 = arith.constant 0 : i32
      %get3A_125 = arith.index_cast %get3A_124 : i32 to index
      %get3A_126 = arith.constant 48 : index
      %get3A_127 = tpu.vector_load %arg14[%get3A_125, %get3A_126] {strides = array<i32>} : memref<6x128xi32, #tpu.memory_space<vmem>>, vector<16xi32>,
      %add3A_128 = arith.addi %get3A_127, %broadcast_in_dim3A_28 : vector<16xi32>
      %swap3A_129 = arith.constant 0 : i32
      %swap3A_130 = arith.index_cast %swap3A_129 : i32 to index
      %swap3A_131 = arith.constant 48 : index
      %swap3A_132 = tpu.vector_load %arg14[%swap3A_130, %swap3A_131] {strides = array<i32>} : memref<6x128xi32, #tpu.memory_space<vmem>>, vector<16xi32>,
      tpu.vector_store %arg14[%swap3A_130, %swap3A_131], %add3A_128 {strides = array<i32>} : memref<6x128xi32, #tpu.memory_space<vmem>>, vector<16xi32>,
      %get3A_133 = arith.constant 0 : i32
      %get3A_134 = arith.index_cast %get3A_133 : i32 to index
      %get3A_135 = arith.constant 64 : index
      %get3A_136 = tpu.vector_load %arg12[%get3A_134, %get3A_135] {strides = array<i32>} : memref<6x128xi32, #tpu.memory_space<vmem>>, vector<16xi32>,
      %add3A_137 = arith.addi %get3A_136, %mul3A_27 : vector<16xi32>
      %swap3A_138 = arith.constant 0 : i32
      %swap3A_139 = arith.index_cast %swap3A_138 : i32 to index
      %swap3A_140 = arith.constant 64 : index
      %swap3A_141 = tpu.vector_load %arg12[%swap3A_139, %swap3A_140] {strides = array<i32>} : memref<6x128xi32, #tpu.memory_space<vmem>>, vector<16xi32>,
      tpu.vector_store %arg12[%swap3A_139, %swap3A_140], %add3A_137 {strides = array<i32>} : memref<6x128xi32, #tpu.memory_space<vmem>>, vector<16xi32>,
      %get3A_142 = arith.constant 0 : i32
      %get3A_143 = arith.index_cast %get3A_142 : i32 to index
      %get3A_144 = arith.constant 64 : index
      %get3A_145 = tpu.vector_load %arg14[%get3A_143, %get3A_144] {strides = array<i32>} : memref<6x128xi32, #tpu.memory_space<vmem>>, vector<16xi32>,
      %add3A_146 = arith.addi %get3A_145, %broadcast_in_dim3A_28 : vector<16xi32>
      %swap3A_147 = arith.constant 0 : i32
      %swap3A_148 = arith.index_cast %swap3A_147 : i32 to index
      %swap3A_149 = arith.constant 64 : index
      %swap3A_150 = tpu.vector_load %arg14[%swap3A_148, %swap3A_149] {strides = array<i32>} : memref<6x128xi32, #tpu.memory_space<vmem>>, vector<16xi32>,
      tpu.vector_store %arg14[%swap3A_148, %swap3A_149], %add3A_146 {strides = array<i32>} : memref<6x128xi32, #tpu.memory_space<vmem>>, vector<16xi32>,
      %get3A_151 = arith.constant 0 : i32
      %get3A_152 = arith.index_cast %get3A_151 : i32 to index
      %get3A_153 = arith.constant 80 : index
      %get3A_154 = tpu.vector_load %arg12[%get3A_152, %get3A_153] {strides = array<i32>} : memref<6x128xi32, #tpu.memory_space<vmem>>, vector<16xi32>,
      %add3A_155 = arith.addi %get3A_154, %mul3A_27 : vector<16xi32>
      %swap3A_156 = arith.constant 0 : i32
      %swap3A_157 = arith.index_cast %swap3A_156 : i32 to index
      %swap3A_158 = arith.constant 80 : index
      %swap3A_159 = tpu.vector_load %arg12[%swap3A_157, %swap3A_158] {strides = array<i32>} : memref<6x128xi32, #tpu.memory_space<vmem>>, vector<16xi32>,
      tpu.vector_store %arg12[%swap3A_157, %swap3A_158], %add3A_155 {strides = array<i32>} : memref<6x128xi32, #tpu.memory_space<vmem>>, vector<16xi32>,
      %get3A_160 = arith.constant 0 : i32
      %get3A_161 = arith.index_cast %get3A_160 : i32 to index
      %get3A_162 = arith.constant 80 : index
      %get3A_163 = tpu.vector_load %arg14[%get3A_161, %get3A_162] {strides = array<i32>} : memref<6x128xi32, #tpu.memory_space<vmem>>, vector<16xi32>,
      %add3A_164 = arith.addi %get3A_163, %broadcast_in_dim3A_28 : vector<16xi32>
      %swap3A_165 = arith.constant 0 : i32
      %swap3A_166 = arith.index_cast %swap3A_165 : i32 to index
      %swap3A_167 = arith.constant 80 : index
      %swap3A_168 = tpu.vector_load %arg14[%swap3A_166, %swap3A_167] {strides = array<i32>} : memref<6x128xi32, #tpu.memory_space<vmem>>, vector<16xi32>,
      tpu.vector_store %arg14[%swap3A_166, %swap3A_167], %add3A_164 {strides = array<i32>} : memref<6x128xi32, #tpu.memory_space<vmem>>, vector<16xi32>,
      %get3A_169 = arith.constant 0 : i32
      %get3A_170 = arith.index_cast %get3A_169 : i32 to index
      %get3A_171 = arith.constant 96 : index
      %get3A_172 = tpu.vector_load %arg12[%get3A_170, %get3A_171] {strides = array<i32>} : memref<6x128xi32, #tpu.memory_space<vmem>>, vector<16xi32>,
      %add3A_173 = arith.addi %get3A_172, %mul3A_27 : vector<16xi32>
      %swap3A_174 = arith.constant 0 : i32
      %swap3A_175 = arith.index_cast %swap3A_174 : i32 to index
      %swap3A_176 = arith.constant 96 : index
      %swap3A_177 = tpu.vector_load %arg12[%swap3A_175, %swap3A_176] {strides = array<i32>} : memref<6x128xi32, #tpu.memory_space<vmem>>, vector<16xi32>,
      tpu.vector_store %arg12[%swap3A_175, %swap3A_176], %add3A_173 {strides = array<i32>} : memref<6x128xi32, #tpu.memory_space<vmem>>, vector<16xi32>,
      %get3A_178 = arith.constant 0 : i32
      %get3A_179 = arith.index_cast %get3A_178 : i32 to index
      %get3A_180 = arith.constant 96 : index
      %get3A_181 = tpu.vector_load %arg14[%get3A_179, %get3A_180] {strides = array<i32>} : memref<6x128xi32, #tpu.memory_space<vmem>>, vector<16xi32>,
      %add3A_182 = arith.addi %get3A_181, %broadcast_in_dim3A_28 : vector<16xi32>
      %swap3A_183 = arith.constant 0 : i32
      %swap3A_184 = arith.index_cast %swap3A_183 : i32 to index
      %swap3A_185 = arith.constant 96 : index
      %swap3A_186 = tpu.vector_load %arg14[%swap3A_184, %swap3A_185] {strides = array<i32>} : memref<6x128xi32, #tpu.memory_space<vmem>>, vector<16xi32>,
      tpu.vector_store %arg14[%swap3A_184, %swap3A_185], %add3A_182 {strides = array<i32>} : memref<6x128xi32, #tpu.memory_space<vmem>>, vector<16xi32>,
      %get3A_187 = arith.constant 0 : i32
      %get3A_188 = arith.index_cast %get3A_187 : i32 to index
      %get3A_189 = arith.constant 112 : index
      %get3A_190 = tpu.vector_load %arg12[%get3A_188, %get3A_189] {strides = array<i32>} : memref<6x128xi32, #tpu.memory_space<vmem>>, vector<16xi32>,
      %add3A_191 = arith.addi %get3A_190, %mul3A_27 : vector<16xi32>
      %swap3A_192 = arith.constant 0 : i32
      %swap3A_193 = arith.index_cast %swap3A_192 : i32 to index
      %swap3A_194 = arith.constant 112 : index
      %swap3A_195 = tpu.vector_load %arg12[%swap3A_193, %swap3A_194] {strides = array<i32>} : memref<6x128xi32, #tpu.memory_space<vmem>>, vector<16xi32>,
      tpu.vector_store %arg12[%swap3A_193, %swap3A_194], %add3A_191 {strides = array<i32>} : memref<6x128xi32, #tpu.memory_space<vmem>>, vector<16xi32>,
      %get3A_196 = arith.constant 0 : i32
      %get3A_197 = arith.index_cast %get3A_196 : i32 to index
      %get3A_198 = arith.constant 112 : index
      %get3A_199 = tpu.vector_load %arg14[%get3A_197, %get3A_198] {strides = array<i32>} : memref<6x128xi32, #tpu.memory_space<vmem>>, vector<16xi32>,
      %add3A_200 = arith.addi %get3A_199, %broadcast_in_dim3A_28 : vector<16xi32>
      %swap3A_201 = arith.constant 0 : i32
      %swap3A_202 = arith.index_cast %swap3A_201 : i32 to index
      %swap3A_203 = arith.constant 112 : index
      %swap3A_204 = tpu.vector_load %arg14[%swap3A_202, %swap3A_203] {strides = array<i32>} : memref<6x128xi32, #tpu.memory_space<vmem>>, vector<16xi32>,
      tpu.vector_store %arg14[%swap3A_202, %swap3A_203], %add3A_200 {strides = array<i32>} : memref<6x128xi32, #tpu.memory_space<vmem>>, vector<16xi32>,
      %get3A_205 = arith.constant 1 : i32
      %get3A_206 = arith.index_cast %get3A_205 : i32 to index
      %get3A_207 = arith.constant 0 : index
      %get3A_208 = tpu.vector_load %arg12[%get3A_206, %get3A_207] {strides = array<i32>} : memref<6x128xi32, #tpu.memory_space<vmem>>, vector<16xi32>,
      %add3A_209 = arith.addi %get3A_208, %mul3A_27 : vector<16xi32>
      %swap3A_210 = arith.constant 1 : i32
      %swap3A_211 = arith.index_cast %swap3A_210 : i32 to index
      %swap3A_212 = arith.constant 0 : index
      %swap3A_213 = tpu.vector_load %arg12[%swap3A_211, %swap3A_212] {strides = array<i32>} : memref<6x128xi32, #tpu.memory_space<vmem>>, vector<16xi32>,
      tpu.vector_store %arg12[%swap3A_211, %swap3A_212], %add3A_209 {strides = array<i32>} : memref<6x128xi32, #tpu.memory_space<vmem>>, vector<16xi32>,
      %get3A_214 = arith.constant 1 : i32
      %get3A_215 = arith.index_cast %get3A_214 : i32 to index
      %get3A_216 = arith.constant 0 : index
      %get3A_217 = tpu.vector_load %arg14[%get3A_215, %get3A_216] {strides = array<i32>} : memref<6x128xi32, #tpu.memory_space<vmem>>, vector<16xi32>,
      %add3A_218 = arith.addi %get3A_217, %broadcast_in_dim3A_28 : vector<16xi32>
      %swap3A_219 = arith.constant 1 : i32
      %swap3A_220 = arith.index_cast %swap3A_219 : i32 to index
      %swap3A_221 = arith.constant 0 : index
      %swap3A_222 = tpu.vector_load %arg14[%swap3A_220, %swap3A_221] {strides = array<i32>} : memref<6x128xi32, #tpu.memory_space<vmem>>, vector<16xi32>,
      tpu.vector_store %arg14[%swap3A_220, %swap3A_221], %add3A_218 {strides = array<i32>} : memref<6x128xi32, #tpu.memory_space<vmem>>, vector<16xi32>,
      %get3A_223 = arith.constant 1 : i32
      %get3A_224 = arith.index_cast %get3A_223 : i32 to index
      %get3A_225 = arith.constant 16 : index
      %get3A_226 = tpu.vector_load %arg12[%get3A_224, %get3A_225] {strides = array<i32>} : memref<6x128xi32, #tpu.memory_space<vmem>>, vector<16xi32>,
      %add3A_227 = arith.addi %get3A_226, %mul3A_27 : vector<16xi32>
      %swap3A_228 = arith.constant 1 : i32
      %swap3A_229 = arith.index_cast %swap3A_228 : i32 to index
      %swap3A_230 = arith.constant 16 : index
      %swap3A_231 = tpu.vector_load %arg12[%swap3A_229, %swap3A_230] {strides = array<i32>} : memref<6x128xi32, #tpu.memory_space<vmem>>, vector<16xi32>,
      tpu.vector_store %arg12[%swap3A_229, %swap3A_230], %add3A_227 {strides = array<i32>} : memref<6x128xi32, #tpu.memory_space<vmem>>, vector<16xi32>,
      %get3A_232 = arith.constant 1 : i32
      %get3A_233 = arith.index_cast %get3A_232 : i32 to index
      %get3A_234 = arith.constant 16 : index
      %get3A_235 = tpu.vector_load %arg14[%get3A_233, %get3A_234] {strides = array<i32>} : memref<6x128xi32, #tpu.memory_space<vmem>>, vector<16xi32>,
      %add3A_236 = arith.addi %get3A_235, %broadcast_in_dim3A_28 : vector<16xi32>
      %swap3A_237 = arith.constant 1 : i32
      %swap3A_238 = arith.index_cast %swap3A_237 : i32 to index
      %swap3A_239 = arith.constant 16 : index
      %swap3A_240 = tpu.vector_load %arg14[%swap3A_238, %swap3A_239] {strides = array<i32>} : memref<6x128xi32, #tpu.memory_space<vmem>>, vector<16xi32>,
      tpu.vector_store %arg14[%swap3A_238, %swap3A_239], %add3A_236 {strides = array<i32>} : memref<6x128xi32, #tpu.memory_space<vmem>>, vector<16xi32>,
      %get3A_241 = arith.constant 1 : i32
      %get3A_242 = arith.index_cast %get3A_241 : i32 to index
      %get3A_243 = arith.constant 32 : index
      %get3A_244 = tpu.vector_load %arg12[%get3A_242, %get3A_243] {strides = array<i32>} : memref<6x128xi32, #tpu.memory_space<vmem>>, vector<16xi32>,
      %add3A_245 = arith.addi %get3A_244, %mul3A_27 : vector<16xi32>
      %swap3A_246 = arith.constant 1 : i32
      %swap3A_247 = arith.index_cast %swap3A_246 : i32 to index
      %swap3A_248 = arith.constant 32 : index
      %swap3A_249 = tpu.vector_load %arg12[%swap3A_247, %swap3A_248] {strides = array<i32>} : memref<6x128xi32, #tpu.memory_space<vmem>>, vector<16xi32>,
      tpu.vector_store %arg12[%swap3A_247, %swap3A_248], %add3A_245 {strides = array<i32>} : memref<6x128xi32, #tpu.memory_space<vmem>>, vector<16xi32>,
      %get3A_250 = arith.constant 1 : i32
      %get3A_251 = arith.index_cast %get3A_250 : i32 to index
      %get3A_252 = arith.constant 32 : index
      %get3A_253 = tpu.vector_load %arg14[%get3A_251, %get3A_252] {strides = array<i32>} : memref<6x128xi32, #tpu.memory_space<vmem>>, vector<16xi32>,
      %add3A_254 = arith.addi %get3A_253, %broadcast_in_dim3A_28 : vector<16xi32>
      %swap3A_255 = arith.constant 1 : i32
      %swap3A_256 = arith.index_cast %swap3A_255 : i32 to index
      %swap3A_257 = arith.constant 32 : index
      %swap3A_258 = tpu.vector_load %arg14[%swap3A_256, %swap3A_257] {strides = array<i32>} : memref<6x128xi32, #tpu.memory_space<vmem>>, vector<16xi32>,
      tpu.vector_store %arg14[%swap3A_256, %swap3A_257], %add3A_254 {strides = array<i32>} : memref<6x128xi32, #tpu.memory_space<vmem>>, vector<16xi32>,
      %get3A_259 = arith.constant 1 : i32
      %get3A_260 = arith.index_cast %get3A_259 : i32 to index
      %get3A_261 = arith.constant 48 : index
      %get3A_262 = tpu.vector_load %arg12[%get3A_260, %get3A_261] {strides = array<i32>} : memref<6x128xi32, #tpu.memory_space<vmem>>, vector<16xi32>,
      %add3A_263 = arith.addi %get3A_262, %mul3A_27 : vector<16xi32>
      %swap3A_264 = arith.constant 1 : i32
      %swap3A_265 = arith.index_cast %swap3A_264 : i32 to index
      %swap3A_266 = arith.constant 48 : index
      %swap3A_267 = tpu.vector_load %arg12[%swap3A_265, %swap3A_266] {strides = array<i32>} : memref<6x128xi32, #tpu.memory_space<vmem>>, vector<16xi32>,
      tpu.vector_store %arg12[%swap3A_265, %swap3A_266], %add3A_263 {strides = array<i32>} : memref<6x128xi32, #tpu.memory_space<vmem>>, vector<16xi32>,
      %get3A_268 = arith.constant 1 : i32
      %get3A_269 = arith.index_cast %get3A_268 : i32 to index
      %get3A_270 = arith.constant 48 : index
      %get3A_271 = tpu.vector_load %arg14[%get3A_269, %get3A_270] {strides = array<i32>} : memref<6x128xi32, #tpu.memory_space<vmem>>, vector<16xi32>,
      %add3A_272 = arith.addi %get3A_271, %broadcast_in_dim3A_28 : vector<16xi32>
      %swap3A_273 = arith.constant 1 : i32
      %swap3A_274 = arith.index_cast %swap3A_273 : i32 to index
      %swap3A_275 = arith.constant 48 : index
      %swap3A_276 = tpu.vector_load %arg14[%swap3A_274, %swap3A_275] {strides = array<i32>} : memref<6x128xi32, #tpu.memory_space<vmem>>, vector<16xi32>,
      tpu.vector_store %arg14[%swap3A_274, %swap3A_275], %add3A_272 {strides = array<i32>} : memref<6x128xi32, #tpu.memory_space<vmem>>, vector<16xi32>,
      %get3A_277 = arith.constant 1 : i32
      %get3A_278 = arith.index_cast %get3A_277 : i32 to index
      %get3A_279 = arith.constant 64 : index
      %get3A_280 = tpu.vector_load %arg12[%get3A_278, %get3A_279] {strides = array<i32>} : memref<6x128xi32, #tpu.memory_space<vmem>>, vector<16xi32>,
      %add3A_281 = arith.addi %get3A_280, %mul3A_27 : vector<16xi32>
      %swap3A_282 = arith.constant 1 : i32
      %swap3A_283 = arith.index_cast %swap3A_282 : i32 to index
      %swap3A_284 = arith.constant 64 : index
      %swap3A_285 = tpu.vector_load %arg12[%swap3A_283, %swap3A_284] {strides = array<i32>} : memref<6x128xi32, #tpu.memory_space<vmem>>, vector<16xi32>,
      tpu.vector_store %arg12[%swap3A_283, %swap3A_284], %add3A_281 {strides = array<i32>} : memref<6x128xi32, #tpu.memory_space<vmem>>, vector<16xi32>,
      %get3A_286 = arith.constant 1 : i32
      %get3A_287 = arith.index_cast %get3A_286 : i32 to index
      %get3A_288 = arith.constant 64 : index
      %get3A_289 = tpu.vector_load %arg14[%get3A_287, %get3A_288] {strides = array<i32>} : memref<6x128xi32, #tpu.memory_space<vmem>>, vector<16xi32>,
      %add3A_290 = arith.addi %get3A_289, %broadcast_in_dim3A_28 : vector<16xi32>
      %swap3A_291 = arith.constant 1 : i32
      %swap3A_292 = arith.index_cast %swap3A_291 : i32 to index
      %swap3A_293 = arith.constant 64 : index
      %swap3A_294 = tpu.vector_load %arg14[%swap3A_292, %swap3A_293] {strides = array<i32>} : memref<6x128xi32, #tpu.memory_space<vmem>>, vector<16xi32>,
      tpu.vector_store %arg14[%swap3A_292, %swap3A_293], %add3A_290 {strides = array<i32>} : memref<6x128xi32, #tpu.memory_space<vmem>>, vector<16xi32>,
      %get3A_295 = arith.constant 1 : i32
      %get3A_296 = arith.index_cast %get3A_295 : i32 to index
      %get3A_297 = arith.constant 80 : index
      %get3A_298 = tpu.vector_load %arg12[%get3A_296, %get3A_297] {strides = array<i32>} : memref<6x128xi32, #tpu.memory_space<vmem>>, vector<16xi32>,
      %add3A_299 = arith.addi %get3A_298, %mul3A_27 : vector<16xi32>
      %swap3A_300 = arith.constant 1 : i32
      %swap3A_301 = arith.index_cast %swap3A_300 : i32 to index
      %swap3A_302 = arith.constant 80 : index
      %swap3A_303 = tpu.vector_load %arg12[%swap3A_301, %swap3A_302] {strides = array<i32>} : memref<6x128xi32, #tpu.memory_space<vmem>>, vector<16xi32>,
      tpu.vector_store %arg12[%swap3A_301, %swap3A_302], %add3A_299 {strides = array<i32>} : memref<6x128xi32, #tpu.memory_space<vmem>>, vector<16xi32>,
      %get3A_304 = arith.constant 1 : i32
      %get3A_305 = arith.index_cast %get3A_304 : i32 to index
      %get3A_306 = arith.constant 80 : index
      %get3A_307 = tpu.vector_load %arg14[%get3A_305, %get3A_306] {strides = array<i32>} : memref<6x128xi32, #tpu.memory_space<vmem>>, vector<16xi32>,
      %add3A_308 = arith.addi %get3A_307, %broadcast_in_dim3A_28 : vector<16xi32>
      %swap3A_309 = arith.constant 1 : i32
      %swap3A_310 = arith.index_cast %swap3A_309 : i32 to index
      %swap3A_311 = arith.constant 80 : index
      %swap3A_312 = tpu.vector_load %arg14[%swap3A_310, %swap3A_311] {strides = array<i32>} : memref<6x128xi32, #tpu.memory_space<vmem>>, vector<16xi32>,
      tpu.vector_store %arg14[%swap3A_310, %swap3A_311], %add3A_308 {strides = array<i32>} : memref<6x128xi32, #tpu.memory_space<vmem>>, vector<16xi32>,
      %get3A_313 = arith.constant 1 : i32
      %get3A_314 = arith.index_cast %get3A_313 : i32 to index
      %get3A_315 = arith.constant 96 : index
      %get3A_316 = tpu.vector_load %arg12[%get3A_314, %get3A_315] {strides = array<i32>} : memref<6x128xi32, #tpu.memory_space<vmem>>, vector<16xi32>,
      %add3A_317 = arith.addi %get3A_316, %mul3A_27 : vector<16xi32>
      %swap3A_318 = arith.constant 1 : i32
      %swap3A_319 = arith.index_cast %swap3A_318 : i32 to index
      %swap3A_320 = arith.constant 96 : index
      %swap3A_321 = tpu.vector_load %arg12[%swap3A_319, %swap3A_320] {strides = array<i32>} : memref<6x128xi32, #tpu.memory_space<vmem>>, vector<16xi32>,
      tpu.vector_store %arg12[%swap3A_319, %swap3A_320], %add3A_317 {strides = array<i32>} : memref<6x128xi32, #tpu.memory_space<vmem>>, vector<16xi32>,
      %get3A_322 = arith.constant 1 : i32
      %get3A_323 = arith.index_cast %get3A_322 : i32 to index
      %get3A_324 = arith.constant 96 : index
      %get3A_325 = tpu.vector_load %arg14[%get3A_323, %get3A_324] {strides = array<i32>} : memref<6x128xi32, #tpu.memory_space<vmem>>, vector<16xi32>,
      %add3A_326 = arith.addi %get3A_325, %broadcast_in_dim3A_28 : vector<16xi32>
      %swap3A_327 = arith.constant 1 : i32
      %swap3A_328 = arith.index_cast %swap3A_327 : i32 to index
      %swap3A_329 = arith.constant 96 : index
      %swap3A_330 = tpu.vector_load %arg14[%swap3A_328, %swap3A_329] {strides = array<i32>} : memref<6x128xi32, #tpu.memory_space<vmem>>, vector<16xi32>,
      tpu.vector_store %arg14[%swap3A_328, %swap3A_329], %add3A_326 {strides = array<i32>} : memref<6x128xi32, #tpu.memory_space<vmem>>, vector<16xi32>,
      %get3A_331 = arith.constant 1 : i32
      %get3A_332 = arith.index_cast %get3A_331 : i32 to index
      %get3A_333 = arith.constant 112 : index
      %get3A_334 = tpu.vector_load %arg12[%get3A_332, %get3A_333] {strides = array<i32>} : memref<6x128xi32, #tpu.memory_space<vmem>>, vector<16xi32>,
      %add3A_335 = arith.addi %get3A_334, %mul3A_27 : vector<16xi32>
      %swap3A_336 = arith.constant 1 : i32
      %swap3A_337 = arith.index_cast %swap3A_336 : i32 to index
      %swap3A_338 = arith.constant 112 : index
      %swap3A_339 = tpu.vector_load %arg12[%swap3A_337, %swap3A_338] {strides = array<i32>} : memref<6x128xi32, #tpu.memory_space<vmem>>, vector<16xi32>,
      tpu.vector_store %arg12[%swap3A_337, %swap3A_338], %add3A_335 {strides = array<i32>} : memref<6x128xi32, #tpu.memory_space<vmem>>, vector<16xi32>,
      %get3A_340 = arith.constant 1 : i32
      %get3A_341 = arith.index_cast %get3A_340 : i32 to index
      %get3A_342 = arith.constant 112 : index
      %get3A_343 = tpu.vector_load %arg14[%get3A_341, %get3A_342] {strides = array<i32>} : memref<6x128xi32, #tpu.memory_space<vmem>>, vector<16xi32>,
      %add3A_344 = arith.addi %get3A_343, %broadcast_in_dim3A_28 : vector<16xi32>
      %swap3A_345 = arith.constant 1 : i32
      %swap3A_346 = arith.index_cast %swap3A_345 : i32 to index
      %swap3A_347 = arith.constant 112 : index
      %swap3A_348 = tpu.vector_load %arg14[%swap3A_346, %swap3A_347] {strides = array<i32>} : memref<6x128xi32, #tpu.memory_space<vmem>>, vector<16xi32>,
      tpu.vector_store %arg14[%swap3A_346, %swap3A_347], %add3A_344 {strides = array<i32>} : memref<6x128xi32, #tpu.memory_space<vmem>>, vector<16xi32>,
      %get3A_349 = arith.constant 2 : i32
      %get3A_350 = arith.index_cast %get3A_349 : i32 to index
      %get3A_351 = arith.constant 0 : index
      %get3A_352 = tpu.vector_load %arg12[%get3A_350, %get3A_351] {strides = array<i32>} : memref<6x128xi32, #tpu.memory_space<vmem>>, vector<16xi32>,
      %add3A_353 = arith.addi %get3A_352, %mul3A_27 : vector<16xi32>
      %swap3A_354 = arith.constant 2 : i32
      %swap3A_355 = arith.index_cast %swap3A_354 : i32 to index
      %swap3A_356 = arith.constant 0 : index
      %swap3A_357 = tpu.vector_load %arg12[%swap3A_355, %swap3A_356] {strides = array<i32>} : memref<6x128xi32, #tpu.memory_space<vmem>>, vector<16xi32>,
      tpu.vector_store %arg12[%swap3A_355, %swap3A_356], %add3A_353 {strides = array<i32>} : memref<6x128xi32, #tpu.memory_space<vmem>>, vector<16xi32>,
      %get3A_358 = arith.constant 2 : i32
      %get3A_359 = arith.index_cast %get3A_358 : i32 to index
      %get3A_360 = arith.constant 0 : index
      %get3A_361 = tpu.vector_load %arg14[%get3A_359, %get3A_360] {strides = array<i32>} : memref<6x128xi32, #tpu.memory_space<vmem>>, vector<16xi32>,
      %add3A_362 = arith.addi %get3A_361, %broadcast_in_dim3A_28 : vector<16xi32>
      %swap3A_363 = arith.constant 2 : i32
      %swap3A_364 = arith.index_cast %swap3A_363 : i32 to index
      %swap3A_365 = arith.constant 0 : index
      %swap3A_366 = tpu.vector_load %arg14[%swap3A_364, %swap3A_365] {strides = array<i32>} : memref<6x128xi32, #tpu.memory_space<vmem>>, vector<16xi32>,
      tpu.vector_store %arg14[%swap3A_364, %swap3A_365], %add3A_362 {strides = array<i32>} : memref<6x128xi32, #tpu.memory_space<vmem>>, vector<16xi32>,
      %get3A_367 = arith.constant 2 : i32
      %get3A_368 = arith.index_cast %get3A_367 : i32 to index
      %get3A_369 = arith.constant 16 : index
      %get3A_370 = tpu.vector_load %arg12[%get3A_368, %get3A_369] {strides = array<i32>} : memref<6x128xi32, #tpu.memory_space<vmem>>, vector<16xi32>,
      %add3A_371 = arith.addi %get3A_370, %mul3A_27 : vector<16xi32>
      %swap3A_372 = arith.constant 2 : i32
      %swap3A_373 = arith.index_cast %swap3A_372 : i32 to index
      %swap3A_374 = arith.constant 16 : index
      %swap3A_375 = tpu.vector_load %arg12[%swap3A_373, %swap3A_374] {strides = array<i32>} : memref<6x128xi32, #tpu.memory_space<vmem>>, vector<16xi32>,
      tpu.vector_store %arg12[%swap3A_373, %swap3A_374], %add3A_371 {strides = array<i32>} : memref<6x128xi32, #tpu.memory_space<vmem>>, vector<16xi32>,
      %get3A_376 = arith.constant 2 : i32
      %get3A_377 = arith.index_cast %get3A_376 : i32 to index
      %get3A_378 = arith.constant 16 : index
      %get3A_379 = tpu.vector_load %arg14[%get3A_377, %get3A_378] {strides = array<i32>} : memref<6x128xi32, #tpu.memory_space<vmem>>, vector<16xi32>,
      %add3A_380 = arith.addi %get3A_379, %broadcast_in_dim3A_28 : vector<16xi32>
      %swap3A_381 = arith.constant 2 : i32
      %swap3A_382 = arith.index_cast %swap3A_381 : i32 to index
      %swap3A_383 = arith.constant 16 : index
      %swap3A_384 = tpu.vector_load %arg14[%swap3A_382, %swap3A_383] {strides = array<i32>} : memref<6x128xi32, #tpu.memory_space<vmem>>, vector<16xi32>,
      tpu.vector_store %arg14[%swap3A_382, %swap3A_383], %add3A_380 {strides = array<i32>} : memref<6x128xi32, #tpu.memory_space<vmem>>, vector<16xi32>,
      %get3A_385 = arith.constant 2 : i32
      %get3A_386 = arith.index_cast %get3A_385 : i32 to index
      %get3A_387 = arith.constant 32 : index
      %get3A_388 = tpu.vector_load %arg12[%get3A_386, %get3A_387] {strides = array<i32>} : memref<6x128xi32, #tpu.memory_space<vmem>>, vector<16xi32>,
      %add3A_389 = arith.addi %get3A_388, %mul3A_27 : vector<16xi32>
      %swap3A_390 = arith.constant 2 : i32
      %swap3A_391 = arith.index_cast %swap3A_390 : i32 to index
      %swap3A_392 = arith.constant 32 : index
      %swap3A_393 = tpu.vector_load %arg12[%swap3A_391, %swap3A_392] {strides = array<i32>} : memref<6x128xi32, #tpu.memory_space<vmem>>, vector<16xi32>,
      tpu.vector_store %arg12[%swap3A_391, %swap3A_392], %add3A_389 {strides = array<i32>} : memref<6x128xi32, #tpu.memory_space<vmem>>, vector<16xi32>,
      %get3A_394 = arith.constant 2 : i32
      %get3A_395 = arith.index_cast %get3A_394 : i32 to index
      %get3A_396 = arith.constant 32 : index
      %get3A_397 = tpu.vector_load %arg14[%get3A_395, %get3A_396] {strides = array<i32>} : memref<6x128xi32, #tpu.memory_space<vmem>>, vector<16xi32>,
      %add3A_398 = arith.addi %get3A_397, %broadcast_in_dim3A_28 : vector<16xi32>
      %swap3A_399 = arith.constant 2 : i32
      %swap3A_400 = arith.index_cast %swap3A_399 : i32 to index
      %swap3A_401 = arith.constant 32 : index
      %swap3A_402 = tpu.vector_load %arg14[%swap3A_400, %swap3A_401] {strides = array<i32>} : memref<6x128xi32, #tpu.memory_space<vmem>>, vector<16xi32>,
      tpu.vector_store %arg14[%swap3A_400, %swap3A_401], %add3A_398 {strides = array<i32>} : memref<6x128xi32, #tpu.memory_space<vmem>>, vector<16xi32>,
      %get3A_403 = arith.constant 2 : i32
      %get3A_404 = arith.index_cast %get3A_403 : i32 to index
      %get3A_405 = arith.constant 48 : index
      %get3A_406 = tpu.vector_load %arg12[%get3A_404, %get3A_405] {strides = array<i32>} : memref<6x128xi32, #tpu.memory_space<vmem>>, vector<16xi32>,
      %add3A_407 = arith.addi %get3A_406, %mul3A_27 : vector<16xi32>
      %swap3A_408 = arith.constant 2 : i32
      %swap3A_409 = arith.index_cast %swap3A_408 : i32 to index
      %swap3A_410 = arith.constant 48 : index
      %swap3A_411 = tpu.vector_load %arg12[%swap3A_409, %swap3A_410] {strides = array<i32>} : memref<6x128xi32, #tpu.memory_space<vmem>>, vector<16xi32>,
      tpu.vector_store %arg12[%swap3A_409, %swap3A_410], %add3A_407 {strides = array<i32>} : memref<6x128xi32, #tpu.memory_space<vmem>>, vector<16xi32>,
      %get3A_412 = arith.constant 2 : i32
      %get3A_413 = arith.index_cast %get3A_412 : i32 to index
      %get3A_414 = arith.constant 48 : index
      %get3A_415 = tpu.vector_load %arg14[%get3A_413, %get3A_414] {strides = array<i32>} : memref<6x128xi32, #tpu.memory_space<vmem>>, vector<16xi32>,
      %add3A_416 = arith.addi %get3A_415, %broadcast_in_dim3A_28 : vector<16xi32>
      %swap3A_417 = arith.constant 2 : i32
      %swap3A_418 = arith.index_cast %swap3A_417 : i32 to index
      %swap3A_419 = arith.constant 48 : index
      %swap3A_420 = tpu.vector_load %arg14[%swap3A_418, %swap3A_419] {strides = array<i32>} : memref<6x128xi32, #tpu.memory_space<vmem>>, vector<16xi32>,
      tpu.vector_store %arg14[%swap3A_418, %swap3A_419], %add3A_416 {strides = array<i32>} : memref<6x128xi32, #tpu.memory_space<vmem>>, vector<16xi32>,
      %get3A_421 = arith.constant 2 : i32
      %get3A_422 = arith.index_cast %get3A_421 : i32 to index
      %get3A_423 = arith.constant 64 : index
      %get3A_424 = tpu.vector_load %arg12[%get3A_422, %get3A_423] {strides = array<i32>} : memref<6x128xi32, #tpu.memory_space<vmem>>, vector<16xi32>,
      %add3A_425 = arith.addi %get3A_424, %mul3A_27 : vector<16xi32>
      %swap3A_426 = arith.constant 2 : i32
      %swap3A_427 = arith.index_cast %swap3A_426 : i32 to index
      %swap3A_428 = arith.constant 64 : index
      %swap3A_429 = tpu.vector_load %arg12[%swap3A_427, %swap3A_428] {strides = array<i32>} : memref<6x128xi32, #tpu.memory_space<vmem>>, vector<16xi32>,
      tpu.vector_store %arg12[%swap3A_427, %swap3A_428], %add3A_425 {strides = array<i32>} : memref<6x128xi32, #tpu.memory_space<vmem>>, vector<16xi32>,
      %get3A_430 = arith.constant 2 : i32
      %get3A_431 = arith.index_cast %get3A_430 : i32 to index
      %get3A_432 = arith.constant 64 : index
      %get3A_433 = tpu.vector_load %arg14[%get3A_431, %get3A_432] {strides = array<i32>} : memref<6x128xi32, #tpu.memory_space<vmem>>, vector<16xi32>,
      %add3A_434 = arith.addi %get3A_433, %broadcast_in_dim3A_28 : vector<16xi32>
      %swap3A_435 = arith.constant 2 : i32
      %swap3A_436 = arith.index_cast %swap3A_435 : i32 to index
      %swap3A_437 = arith.constant 64 : index
      %swap3A_438 = tpu.vector_load %arg14[%swap3A_436, %swap3A_437] {strides = array<i32>} : memref<6x128xi32, #tpu.memory_space<vmem>>, vector<16xi32>,
      tpu.vector_store %arg14[%swap3A_436, %swap3A_437], %add3A_434 {strides = array<i32>} : memref<6x128xi32, #tpu.memory_space<vmem>>, vector<16xi32>,
      %get3A_439 = arith.constant 2 : i32
      %get3A_440 = arith.index_cast %get3A_439 : i32 to index
      %get3A_441 = arith.constant 80 : index
      %get3A_442 = tpu.vector_load %arg12[%get3A_440, %get3A_441] {strides = array<i32>} : memref<6x128xi32, #tpu.memory_space<vmem>>, vector<16xi32>,
      %add3A_443 = arith.addi %get3A_442, %mul3A_27 : vector<16xi32>
      %swap3A_444 = arith.constant 2 : i32
      %swap3A_445 = arith.index_cast %swap3A_444 : i32 to index
      %swap3A_446 = arith.constant 80 : index
      %swap3A_447 = tpu.vector_load %arg12[%swap3A_445, %swap3A_446] {strides = array<i32>} : memref<6x128xi32, #tpu.memory_space<vmem>>, vector<16xi32>,
      tpu.vector_store %arg12[%swap3A_445, %swap3A_446], %add3A_443 {strides = array<i32>} : memref<6x128xi32, #tpu.memory_space<vmem>>, vector<16xi32>,
      %get3A_448 = arith.constant 2 : i32
      %get3A_449 = arith.index_cast %get3A_448 : i32 to index
      %get3A_450 = arith.constant 80 : index
      %get3A_451 = tpu.vector_load %arg14[%get3A_449, %get3A_450] {strides = array<i32>} : memref<6x128xi32, #tpu.memory_space<vmem>>, vector<16xi32>,
      %add3A_452 = arith.addi %get3A_451, %broadcast_in_dim3A_28 : vector<16xi32>
      %swap3A_453 = arith.constant 2 : i32
      %swap3A_454 = arith.index_cast %swap3A_453 : i32 to index
      %swap3A_455 = arith.constant 80 : index
      %swap3A_456 = tpu.vector_load %arg14[%swap3A_454, %swap3A_455] {strides = array<i32>} : memref<6x128xi32, #tpu.memory_space<vmem>>, vector<16xi32>,
      tpu.vector_store %arg14[%swap3A_454, %swap3A_455], %add3A_452 {strides = array<i32>} : memref<6x128xi32, #tpu.memory_space<vmem>>, vector<16xi32>,
      %get3A_457 = arith.constant 2 : i32
      %get3A_458 = arith.index_cast %get3A_457 : i32 to index
      %get3A_459 = arith.constant 96 : index
      %get3A_460 = tpu.vector_load %arg12[%get3A_458, %get3A_459] {strides = array<i32>} : memref<6x128xi32, #tpu.memory_space<vmem>>, vector<16xi32>,
      %add3A_461 = arith.addi %get3A_460, %mul3A_27 : vector<16xi32>
      %swap3A_462 = arith.constant 2 : i32
      %swap3A_463 = arith.index_cast %swap3A_462 : i32 to index
      %swap3A_464 = arith.constant 96 : index
      %swap3A_465 = tpu.vector_load %arg12[%swap3A_463, %swap3A_464] {strides = array<i32>} : memref<6x128xi32, #tpu.memory_space<vmem>>, vector<16xi32>,
      tpu.vector_store %arg12[%swap3A_463, %swap3A_464], %add3A_461 {strides = array<i32>} : memref<6x128xi32, #tpu.memory_space<vmem>>, vector<16xi32>,
      %get3A_466 = arith.constant 2 : i32
      %get3A_467 = arith.index_cast %get3A_466 : i32 to index
      %get3A_468 = arith.constant 96 : index
      %get3A_469 = tpu.vector_load %arg14[%get3A_467, %get3A_468] {strides = array<i32>} : memref<6x128xi32, #tpu.memory_space<vmem>>, vector<16xi32>,
      %add3A_470 = arith.addi %get3A_469, %broadcast_in_dim3A_28 : vector<16xi32>
      %swap3A_471 = arith.constant 2 : i32
      %swap3A_472 = arith.index_cast %swap3A_471 : i32 to index
      %swap3A_473 = arith.constant 96 : index
      %swap3A_474 = tpu.vector_load %arg14[%swap3A_472, %swap3A_473] {strides = array<i32>} : memref<6x128xi32, #tpu.memory_space<vmem>>, vector<16xi32>,
      tpu.vector_store %arg14[%swap3A_472, %swap3A_473], %add3A_470 {strides = array<i32>} : memref<6x128xi32, #tpu.memory_space<vmem>>, vector<16xi32>,
      %get3A_475 = arith.constant 2 : i32
      %get3A_476 = arith.index_cast %get3A_475 : i32 to index
      %get3A_477 = arith.constant 112 : index
      %get3A_478 = tpu.vector_load %arg12[%get3A_476, %get3A_477] {strides = array<i32>} : memref<6x128xi32, #tpu.memory_space<vmem>>, vector<16xi32>,
      %add3A_479 = arith.addi %get3A_478, %mul3A_27 : vector<16xi32>
      %swap3A_480 = arith.constant 2 : i32
      %swap3A_481 = arith.index_cast %swap3A_480 : i32 to index
      %swap3A_482 = arith.constant 112 : index
      %swap3A_483 = tpu.vector_load %arg12[%swap3A_481, %swap3A_482] {strides = array<i32>} : memref<6x128xi32, #tpu.memory_space<vmem>>, vector<16xi32>,
      tpu.vector_store %arg12[%swap3A_481, %swap3A_482], %add3A_479 {strides = array<i32>} : memref<6x128xi32, #tpu.memory_space<vmem>>, vector<16xi32>,
      %get3A_484 = arith.constant 2 : i32
      %get3A_485 = arith.index_cast %get3A_484 : i32 to index
      %get3A_486 = arith.constant 112 : index
      %get3A_487 = tpu.vector_load %arg14[%get3A_485, %get3A_486] {strides = array<i32>} : memref<6x128xi32, #tpu.memory_space<vmem>>, vector<16xi32>,
      %add3A_488 = arith.addi %get3A_487, %broadcast_in_dim3A_28 : vector<16xi32>
      %swap3A_489 = arith.constant 2 : i32
      %swap3A_490 = arith.index_cast %swap3A_489 : i32 to index
      %swap3A_491 = arith.constant 112 : index
      %swap3A_492 = tpu.vector_load %arg14[%swap3A_490, %swap3A_491] {strides = array<i32>} : memref<6x128xi32, #tpu.memory_space<vmem>>, vector<16xi32>,
      tpu.vector_store %arg14[%swap3A_490, %swap3A_491], %add3A_488 {strides = array<i32>} : memref<6x128xi32, #tpu.memory_space<vmem>>, vector<16xi32>,
      %get3A_493 = arith.constant 3 : i32
      %get3A_494 = arith.index_cast %get3A_493 : i32 to index
      %get3A_495 = arith.constant 0 : index
      %get3A_496 = tpu.vector_load %arg12[%get3A_494, %get3A_495] {strides = array<i32>} : memref<6x128xi32, #tpu.memory_space<vmem>>, vector<16xi32>,
      %add3A_497 = arith.addi %get3A_496, %mul3A_27 : vector<16xi32>
      %swap3A_498 = arith.constant 3 : i32
      %swap3A_499 = arith.index_cast %swap3A_498 : i32 to index
      %swap3A_500 = arith.constant 0 : index
      %swap3A_501 = tpu.vector_load %arg12[%swap3A_499, %swap3A_500] {strides = array<i32>} : memref<6x128xi32, #tpu.memory_space<vmem>>, vector<16xi32>,
      tpu.vector_store %arg12[%swap3A_499, %swap3A_500], %add3A_497 {strides = array<i32>} : memref<6x128xi32, #tpu.memory_space<vmem>>, vector<16xi32>,
      %get3A_502 = arith.constant 3 : i32
      %get3A_503 = arith.index_cast %get3A_502 : i32 to index
      %get3A_504 = arith.constant 0 : index
      %get3A_505 = tpu.vector_load %arg14[%get3A_503, %get3A_504] {strides = array<i32>} : memref<6x128xi32, #tpu.memory_space<vmem>>, vector<16xi32>,
      %add3A_506 = arith.addi %get3A_505, %broadcast_in_dim3A_28 : vector<16xi32>
      %swap3A_507 = arith.constant 3 : i32
      %swap3A_508 = arith.index_cast %swap3A_507 : i32 to index
      %swap3A_509 = arith.constant 0 : index
      %swap3A_510 = tpu.vector_load %arg14[%swap3A_508, %swap3A_509] {strides = array<i32>} : memref<6x128xi32, #tpu.memory_space<vmem>>, vector<16xi32>,
      tpu.vector_store %arg14[%swap3A_508, %swap3A_509], %add3A_506 {strides = array<i32>} : memref<6x128xi32, #tpu.memory_space<vmem>>, vector<16xi32>,
      %get3A_511 = arith.constant 3 : i32
      %get3A_512 = arith.index_cast %get3A_511 : i32 to index
      %get3A_513 = arith.constant 16 : index
      %get3A_514 = tpu.vector_load %arg12[%get3A_512, %get3A_513] {strides = array<i32>} : memref<6x128xi32, #tpu.memory_space<vmem>>, vector<16xi32>,
      %add3A_515 = arith.addi %get3A_514, %mul3A_27 : vector<16xi32>
      %swap3A_516 = arith.constant 3 : i32
      %swap3A_517 = arith.index_cast %swap3A_516 : i32 to index
      %swap3A_518 = arith.constant 16 : index
      %swap3A_519 = tpu.vector_load %arg12[%swap3A_517, %swap3A_518] {strides = array<i32>} : memref<6x128xi32, #tpu.memory_space<vmem>>, vector<16xi32>,
      tpu.vector_store %arg12[%swap3A_517, %swap3A_518], %add3A_515 {strides = array<i32>} : memref<6x128xi32, #tpu.memory_space<vmem>>, vector<16xi32>,
      %get3A_520 = arith.constant 3 : i32
      %get3A_521 = arith.index_cast %get3A_520 : i32 to index
      %get3A_522 = arith.constant 16 : index
      %get3A_523 = tpu.vector_load %arg14[%get3A_521, %get3A_522] {strides = array<i32>} : memref<6x128xi32, #tpu.memory_space<vmem>>, vector<16xi32>,
      %add3A_524 = arith.addi %get3A_523, %broadcast_in_dim3A_28 : vector<16xi32>
      %swap3A_525 = arith.constant 3 : i32
      %swap3A_526 = arith.index_cast %swap3A_525 : i32 to index
      %swap3A_527 = arith.constant 16 : index
      %swap3A_528 = tpu.vector_load %arg14[%swap3A_526, %swap3A_527] {strides = array<i32>} : memref<6x128xi32, #tpu.memory_space<vmem>>, vector<16xi32>,
      tpu.vector_store %arg14[%swap3A_526, %swap3A_527], %add3A_524 {strides = array<i32>} : memref<6x128xi32, #tpu.memory_space<vmem>>, vector<16xi32>,
      %get3A_529 = arith.constant 3 : i32
      %get3A_530 = arith.index_cast %get3A_529 : i32 to index
      %get3A_531 = arith.constant 32 : index
      %get3A_532 = tpu.vector_load %arg12[%get3A_530, %get3A_531] {strides = array<i32>} : memref<6x128xi32, #tpu.memory_space<vmem>>, vector<16xi32>,
      %add3A_533 = arith.addi %get3A_532, %mul3A_27 : vector<16xi32>
      %swap3A_534 = arith.constant 3 : i32
      %swap3A_535 = arith.index_cast %swap3A_534 : i32 to index
      %swap3A_536 = arith.constant 32 : index
      %swap3A_537 = tpu.vector_load %arg12[%swap3A_535, %swap3A_536] {strides = array<i32>} : memref<6x128xi32, #tpu.memory_space<vmem>>, vector<16xi32>,
      tpu.vector_store %arg12[%swap3A_535, %swap3A_536], %add3A_533 {strides = array<i32>} : memref<6x128xi32, #tpu.memory_space<vmem>>, vector<16xi32>,
      %get3A_538 = arith.constant 3 : i32
      %get3A_539 = arith.index_cast %get3A_538 : i32 to index
      %get3A_540 = arith.constant 32 : index
      %get3A_541 = tpu.vector_load %arg14[%get3A_539, %get3A_540] {strides = array<i32>} : memref<6x128xi32, #tpu.memory_space<vmem>>, vector<16xi32>,
      %add3A_542 = arith.addi %get3A_541, %broadcast_in_dim3A_28 : vector<16xi32>
      %swap3A_543 = arith.constant 3 : i32
      %swap3A_544 = arith.index_cast %swap3A_543 : i32 to index
      %swap3A_545 = arith.constant 32 : index
      %swap3A_546 = tpu.vector_load %arg14[%swap3A_544, %swap3A_545] {strides = array<i32>} : memref<6x128xi32, #tpu.memory_space<vmem>>, vector<16xi32>,
      tpu.vector_store %arg14[%swap3A_544, %swap3A_545], %add3A_542 {strides = array<i32>} : memref<6x128xi32, #tpu.memory_space<vmem>>, vector<16xi32>,
      %get3A_547 = arith.constant 3 : i32
      %get3A_548 = arith.index_cast %get3A_547 : i32 to index
      %get3A_549 = arith.constant 48 : index
      %get3A_550 = tpu.vector_load %arg12[%get3A_548, %get3A_549] {strides = array<i32>} : memref<6x128xi32, #tpu.memory_space<vmem>>, vector<16xi32>,
      %add3A_551 = arith.addi %get3A_550, %mul3A_27 : vector<16xi32>
      %swap3A_552 = arith.constant 3 : i32
      %swap3A_553 = arith.index_cast %swap3A_552 : i32 to index
      %swap3A_554 = arith.constant 48 : index
      %swap3A_555 = tpu.vector_load %arg12[%swap3A_553, %swap3A_554] {strides = array<i32>} : memref<6x128xi32, #tpu.memory_space<vmem>>, vector<16xi32>,
      tpu.vector_store %arg12[%swap3A_553, %swap3A_554], %add3A_551 {strides = array<i32>} : memref<6x128xi32, #tpu.memory_space<vmem>>, vector<16xi32>,
      %get3A_556 = arith.constant 3 : i32
      %get3A_557 = arith.index_cast %get3A_556 : i32 to index
      %get3A_558 = arith.constant 48 : index
      %get3A_559 = tpu.vector_load %arg14[%get3A_557, %get3A_558] {strides = array<i32>} : memref<6x128xi32, #tpu.memory_space<vmem>>, vector<16xi32>,
      %add3A_560 = arith.addi %get3A_559, %broadcast_in_dim3A_28 : vector<16xi32>
      %swap3A_561 = arith.constant 3 : i32
      %swap3A_562 = arith.index_cast %swap3A_561 : i32 to index
      %swap3A_563 = arith.constant 48 : index
      %swap3A_564 = tpu.vector_load %arg14[%swap3A_562, %swap3A_563] {strides = array<i32>} : memref<6x128xi32, #tpu.memory_space<vmem>>, vector<16xi32>,
      tpu.vector_store %arg14[%swap3A_562, %swap3A_563], %add3A_560 {strides = array<i32>} : memref<6x128xi32, #tpu.memory_space<vmem>>, vector<16xi32>,
      %get3A_565 = arith.constant 3 : i32
      %get3A_566 = arith.index_cast %get3A_565 : i32 to index
      %get3A_567 = arith.constant 64 : index
      %get3A_568 = tpu.vector_load %arg12[%get3A_566, %get3A_567] {strides = array<i32>} : memref<6x128xi32, #tpu.memory_space<vmem>>, vector<16xi32>,
      %add3A_569 = arith.addi %get3A_568, %mul3A_27 : vector<16xi32>
      %swap3A_570 = arith.constant 3 : i32
      %swap3A_571 = arith.index_cast %swap3A_570 : i32 to index
      %swap3A_572 = arith.constant 64 : index
      %swap3A_573 = tpu.vector_load %arg12[%swap3A_571, %swap3A_572] {strides = array<i32>} : memref<6x128xi32, #tpu.memory_space<vmem>>, vector<16xi32>,
      tpu.vector_store %arg12[%swap3A_571, %swap3A_572], %add3A_569 {strides = array<i32>} : memref<6x128xi32, #tpu.memory_space<vmem>>, vector<16xi32>,
      %get3A_574 = arith.constant 3 : i32
      %get3A_575 = arith.index_cast %get3A_574 : i32 to index
      %get3A_576 = arith.constant 64 : index
      %get3A_577 = tpu.vector_load %arg14[%get3A_575, %get3A_576] {strides = array<i32>} : memref<6x128xi32, #tpu.memory_space<vmem>>, vector<16xi32>,
      %add3A_578 = arith.addi %get3A_577, %broadcast_in_dim3A_28 : vector<16xi32>
      %swap3A_579 = arith.constant 3 : i32
      %swap3A_580 = arith.index_cast %swap3A_579 : i32 to index
      %swap3A_581 = arith.constant 64 : index
      %swap3A_582 = tpu.vector_load %arg14[%swap3A_580, %swap3A_581] {strides = array<i32>} : memref<6x128xi32, #tpu.memory_space<vmem>>, vector<16xi32>,
      tpu.vector_store %arg14[%swap3A_580, %swap3A_581], %add3A_578 {strides = array<i32>} : memref<6x128xi32, #tpu.memory_space<vmem>>, vector<16xi32>,
      %get3A_583 = arith.constant 3 : i32
      %get3A_584 = arith.index_cast %get3A_583 : i32 to index
      %get3A_585 = arith.constant 80 : index
      %get3A_586 = tpu.vector_load %arg12[%get3A_584, %get3A_585] {strides = array<i32>} : memref<6x128xi32, #tpu.memory_space<vmem>>, vector<16xi32>,
      %add3A_587 = arith.addi %get3A_586, %mul3A_27 : vector<16xi32>
      %swap3A_588 = arith.constant 3 : i32
      %swap3A_589 = arith.index_cast %swap3A_588 : i32 to index
      %swap3A_590 = arith.constant 80 : index
      %swap3A_591 = tpu.vector_load %arg12[%swap3A_589, %swap3A_590] {strides = array<i32>} : memref<6x128xi32, #tpu.memory_space<vmem>>, vector<16xi32>,
      tpu.vector_store %arg12[%swap3A_589, %swap3A_590], %add3A_587 {strides = array<i32>} : memref<6x128xi32, #tpu.memory_space<vmem>>, vector<16xi32>,
      %get3A_592 = arith.constant 3 : i32
      %get3A_593 = arith.index_cast %get3A_592 : i32 to index
      %get3A_594 = arith.constant 80 : index
      %get3A_595 = tpu.vector_load %arg14[%get3A_593, %get3A_594] {strides = array<i32>} : memref<6x128xi32, #tpu.memory_space<vmem>>, vector<16xi32>,
      %add3A_596 = arith.addi %get3A_595, %broadcast_in_dim3A_28 : vector<16xi32>
      %swap3A_597 = arith.constant 3 : i32
      %swap3A_598 = arith.index_cast %swap3A_597 : i32 to index
      %swap3A_599 = arith.constant 80 : index
      %swap3A_600 = tpu.vector_load %arg14[%swap3A_598, %swap3A_599] {strides = array<i32>} : memref<6x128xi32, #tpu.memory_space<vmem>>, vector<16xi32>,
      tpu.vector_store %arg14[%swap3A_598, %swap3A_599], %add3A_596 {strides = array<i32>} : memref<6x128xi32, #tpu.memory_space<vmem>>, vector<16xi32>,
      %get3A_601 = arith.constant 3 : i32
      %get3A_602 = arith.index_cast %get3A_601 : i32 to index
      %get3A_603 = arith.constant 96 : index
      %get3A_604 = tpu.vector_load %arg12[%get3A_602, %get3A_603] {strides = array<i32>} : memref<6x128xi32, #tpu.memory_space<vmem>>, vector<16xi32>,
      %add3A_605 = arith.addi %get3A_604, %mul3A_27 : vector<16xi32>
      %swap3A_606 = arith.constant 3 : i32
      %swap3A_607 = arith.index_cast %swap3A_606 : i32 to index
      %swap3A_608 = arith.constant 96 : index
      %swap3A_609 = tpu.vector_load %arg12[%swap3A_607, %swap3A_608] {strides = array<i32>} : memref<6x128xi32, #tpu.memory_space<vmem>>, vector<16xi32>,
      tpu.vector_store %arg12[%swap3A_607, %swap3A_608], %add3A_605 {strides = array<i32>} : memref<6x128xi32, #tpu.memory_space<vmem>>, vector<16xi32>,
      %get3A_610 = arith.constant 3 : i32
      %get3A_611 = arith.index_cast %get3A_610 : i32 to index
      %get3A_612 = arith.constant 96 : index
      %get3A_613 = tpu.vector_load %arg14[%get3A_611, %get3A_612] {strides = array<i32>} : memref<6x128xi32, #tpu.memory_space<vmem>>, vector<16xi32>,
      %add3A_614 = arith.addi %get3A_613, %broadcast_in_dim3A_28 : vector<16xi32>
      %swap3A_615 = arith.constant 3 : i32
      %swap3A_616 = arith.index_cast %swap3A_615 : i32 to index
      %swap3A_617 = arith.constant 96 : index
      %swap3A_618 = tpu.vector_load %arg14[%swap3A_616, %swap3A_617] {strides = array<i32>} : memref<6x128xi32, #tpu.memory_space<vmem>>, vector<16xi32>,
      tpu.vector_store %arg14[%swap3A_616, %swap3A_617], %add3A_614 {strides = array<i32>} : memref<6x128xi32, #tpu.memory_space<vmem>>, vector<16xi32>,
      %get3A_619 = arith.constant 3 : i32
      %get3A_620 = arith.index_cast %get3A_619 : i32 to index
      %get3A_621 = arith.constant 112 : index
      %get3A_622 = tpu.vector_load %arg12[%get3A_620, %get3A_621] {strides = array<i32>} : memref<6x128xi32, #tpu.memory_space<vmem>>, vector<16xi32>,
      %add3A_623 = arith.addi %get3A_622, %mul3A_27 : vector<16xi32>
      %swap3A_624 = arith.constant 3 : i32
      %swap3A_625 = arith.index_cast %swap3A_624 : i32 to index
      %swap3A_626 = arith.constant 112 : index
      %swap3A_627 = tpu.vector_load %arg12[%swap3A_625, %swap3A_626] {strides = array<i32>} : memref<6x128xi32, #tpu.memory_space<vmem>>, vector<16xi32>,
      tpu.vector_store %arg12[%swap3A_625, %swap3A_626], %add3A_623 {strides = array<i32>} : memref<6x128xi32, #tpu.memory_space<vmem>>, vector<16xi32>,
      %get3A_628 = arith.constant 3 : i32
      %get3A_629 = arith.index_cast %get3A_628 : i32 to index
      %get3A_630 = arith.constant 112 : index
      %get3A_631 = tpu.vector_load %arg14[%get3A_629, %get3A_630] {strides = array<i32>} : memref<6x128xi32, #tpu.memory_space<vmem>>, vector<16xi32>,
      %add3A_632 = arith.addi %get3A_631, %broadcast_in_dim3A_28 : vector<16xi32>
      %swap3A_633 = arith.constant 3 : i32
      %swap3A_634 = arith.index_cast %swap3A_633 : i32 to index
      %swap3A_635 = arith.constant 112 : index
      %swap3A_636 = tpu.vector_load %arg14[%swap3A_634, %swap3A_635] {strides = array<i32>} : memref<6x128xi32, #tpu.memory_space<vmem>>, vector<16xi32>,
      tpu.vector_store %arg14[%swap3A_634, %swap3A_635], %add3A_632 {strides = array<i32>} : memref<6x128xi32, #tpu.memory_space<vmem>>, vector<16xi32>,
      %get3A_637 = arith.constant 4 : i32
      %get3A_638 = arith.index_cast %get3A_637 : i32 to index
      %get3A_639 = arith.constant 0 : index
      %get3A_640 = tpu.vector_load %arg12[%get3A_638, %get3A_639] {strides = array<i32>} : memref<6x128xi32, #tpu.memory_space<vmem>>, vector<16xi32>,
      %add3A_641 = arith.addi %get3A_640, %mul3A_27 : vector<16xi32>
      %swap3A_642 = arith.constant 4 : i32
      %swap3A_643 = arith.index_cast %swap3A_642 : i32 to index
      %swap3A_644 = arith.constant 0 : index
      %swap3A_645 = tpu.vector_load %arg12[%swap3A_643, %swap3A_644] {strides = array<i32>} : memref<6x128xi32, #tpu.memory_space<vmem>>, vector<16xi32>,
      tpu.vector_store %arg12[%swap3A_643, %swap3A_644], %add3A_641 {strides = array<i32>} : memref<6x128xi32, #tpu.memory_space<vmem>>, vector<16xi32>,
      %get3A_646 = arith.constant 4 : i32
      %get3A_647 = arith.index_cast %get3A_646 : i32 to index
      %get3A_648 = arith.constant 0 : index
      %get3A_649 = tpu.vector_load %arg14[%get3A_647, %get3A_648] {strides = array<i32>} : memref<6x128xi32, #tpu.memory_space<vmem>>, vector<16xi32>,
      %add3A_650 = arith.addi %get3A_649, %broadcast_in_dim3A_28 : vector<16xi32>
      %swap3A_651 = arith.constant 4 : i32
      %swap3A_652 = arith.index_cast %swap3A_651 : i32 to index
      %swap3A_653 = arith.constant 0 : index
      %swap3A_654 = tpu.vector_load %arg14[%swap3A_652, %swap3A_653] {strides = array<i32>} : memref<6x128xi32, #tpu.memory_space<vmem>>, vector<16xi32>,
      tpu.vector_store %arg14[%swap3A_652, %swap3A_653], %add3A_650 {strides = array<i32>} : memref<6x128xi32, #tpu.memory_space<vmem>>, vector<16xi32>,
      %get3A_655 = arith.constant 4 : i32
      %get3A_656 = arith.index_cast %get3A_655 : i32 to index
      %get3A_657 = arith.constant 16 : index
      %get3A_658 = tpu.vector_load %arg12[%get3A_656, %get3A_657] {strides = array<i32>} : memref<6x128xi32, #tpu.memory_space<vmem>>, vector<16xi32>,
      %add3A_659 = arith.addi %get3A_658, %mul3A_27 : vector<16xi32>
      %swap3A_660 = arith.constant 4 : i32
      %swap3A_661 = arith.index_cast %swap3A_660 : i32 to index
      %swap3A_662 = arith.constant 16 : index
      %swap3A_663 = tpu.vector_load %arg12[%swap3A_661, %swap3A_662] {strides = array<i32>} : memref<6x128xi32, #tpu.memory_space<vmem>>, vector<16xi32>,
      tpu.vector_store %arg12[%swap3A_661, %swap3A_662], %add3A_659 {strides = array<i32>} : memref<6x128xi32, #tpu.memory_space<vmem>>, vector<16xi32>,
      %get3A_664 = arith.constant 4 : i32
      %get3A_665 = arith.index_cast %get3A_664 : i32 to index
      %get3A_666 = arith.constant 16 : index
      %get3A_667 = tpu.vector_load %arg14[%get3A_665, %get3A_666] {strides = array<i32>} : memref<6x128xi32, #tpu.memory_space<vmem>>, vector<16xi32>,
      %add3A_668 = arith.addi %get3A_667, %broadcast_in_dim3A_28 : vector<16xi32>
      %swap3A_669 = arith.constant 4 : i32
      %swap3A_670 = arith.index_cast %swap3A_669 : i32 to index
      %swap3A_671 = arith.constant 16 : index
      %swap3A_672 = tpu.vector_load %arg14[%swap3A_670, %swap3A_671] {strides = array<i32>} : memref<6x128xi32, #tpu.memory_space<vmem>>, vector<16xi32>,
      tpu.vector_store %arg14[%swap3A_670, %swap3A_671], %add3A_668 {strides = array<i32>} : memref<6x128xi32, #tpu.memory_space<vmem>>, vector<16xi32>,
      %get3A_673 = arith.constant 4 : i32
      %get3A_674 = arith.index_cast %get3A_673 : i32 to index
      %get3A_675 = arith.constant 32 : index
      %get3A_676 = tpu.vector_load %arg12[%get3A_674, %get3A_675] {strides = array<i32>} : memref<6x128xi32, #tpu.memory_space<vmem>>, vector<16xi32>,
      %add3A_677 = arith.addi %get3A_676, %mul3A_27 : vector<16xi32>
      %swap3A_678 = arith.constant 4 : i32
      %swap3A_679 = arith.index_cast %swap3A_678 : i32 to index
      %swap3A_680 = arith.constant 32 : index
      %swap3A_681 = tpu.vector_load %arg12[%swap3A_679, %swap3A_680] {strides = array<i32>} : memref<6x128xi32, #tpu.memory_space<vmem>>, vector<16xi32>,
      tpu.vector_store %arg12[%swap3A_679, %swap3A_680], %add3A_677 {strides = array<i32>} : memref<6x128xi32, #tpu.memory_space<vmem>>, vector<16xi32>,
      %get3A_682 = arith.constant 4 : i32
      %get3A_683 = arith.index_cast %get3A_682 : i32 to index
      %get3A_684 = arith.constant 32 : index
      %get3A_685 = tpu.vector_load %arg14[%get3A_683, %get3A_684] {strides = array<i32>} : memref<6x128xi32, #tpu.memory_space<vmem>>, vector<16xi32>,
      %add3A_686 = arith.addi %get3A_685, %broadcast_in_dim3A_28 : vector<16xi32>
      %swap3A_687 = arith.constant 4 : i32
      %swap3A_688 = arith.index_cast %swap3A_687 : i32 to index
      %swap3A_689 = arith.constant 32 : index
      %swap3A_690 = tpu.vector_load %arg14[%swap3A_688, %swap3A_689] {strides = array<i32>} : memref<6x128xi32, #tpu.memory_space<vmem>>, vector<16xi32>,
      tpu.vector_store %arg14[%swap3A_688, %swap3A_689], %add3A_686 {strides = array<i32>} : memref<6x128xi32, #tpu.memory_space<vmem>>, vector<16xi32>,
      %get3A_691 = arith.constant 4 : i32
      %get3A_692 = arith.index_cast %get3A_691 : i32 to index
      %get3A_693 = arith.constant 48 : index
      %get3A_694 = tpu.vector_load %arg12[%get3A_692, %get3A_693] {strides = array<i32>} : memref<6x128xi32, #tpu.memory_space<vmem>>, vector<16xi32>,
      %add3A_695 = arith.addi %get3A_694, %mul3A_27 : vector<16xi32>
      %swap3A_696 = arith.constant 4 : i32
      %swap3A_697 = arith.index_cast %swap3A_696 : i32 to index
      %swap3A_698 = arith.constant 48 : index
      %swap3A_699 = tpu.vector_load %arg12[%swap3A_697, %swap3A_698] {strides = array<i32>} : memref<6x128xi32, #tpu.memory_space<vmem>>, vector<16xi32>,
      tpu.vector_store %arg12[%swap3A_697, %swap3A_698], %add3A_695 {strides = array<i32>} : memref<6x128xi32, #tpu.memory_space<vmem>>, vector<16xi32>,
      %get3A_700 = arith.constant 4 : i32
      %get3A_701 = arith.index_cast %get3A_700 : i32 to index
      %get3A_702 = arith.constant 48 : index
      %get3A_703 = tpu.vector_load %arg14[%get3A_701, %get3A_702] {strides = array<i32>} : memref<6x128xi32, #tpu.memory_space<vmem>>, vector<16xi32>,
      %add3A_704 = arith.addi %get3A_703, %broadcast_in_dim3A_28 : vector<16xi32>
      %swap3A_705 = arith.constant 4 : i32
      %swap3A_706 = arith.index_cast %swap3A_705 : i32 to index
      %swap3A_707 = arith.constant 48 : index
      %swap3A_708 = tpu.vector_load %arg14[%swap3A_706, %swap3A_707] {strides = array<i32>} : memref<6x128xi32, #tpu.memory_space<vmem>>, vector<16xi32>,
      tpu.vector_store %arg14[%swap3A_706, %swap3A_707], %add3A_704 {strides = array<i32>} : memref<6x128xi32, #tpu.memory_space<vmem>>, vector<16xi32>,
      %get3A_709 = arith.constant 4 : i32
      %get3A_710 = arith.index_cast %get3A_709 : i32 to index
      %get3A_711 = arith.constant 64 : index
      %get3A_712 = tpu.vector_load %arg12[%get3A_710, %get3A_711] {strides = array<i32>} : memref<6x128xi32, #tpu.memory_space<vmem>>, vector<16xi32>,
      %add3A_713 = arith.addi %get3A_712, %mul3A_27 : vector<16xi32>
      %swap3A_714 = arith.constant 4 : i32
      %swap3A_715 = arith.index_cast %swap3A_714 : i32 to index
      %swap3A_716 = arith.constant 64 : index
      %swap3A_717 = tpu.vector_load %arg12[%swap3A_715, %swap3A_716] {strides = array<i32>} : memref<6x128xi32, #tpu.memory_space<vmem>>, vector<16xi32>,
      tpu.vector_store %arg12[%swap3A_715, %swap3A_716], %add3A_713 {strides = array<i32>} : memref<6x128xi32, #tpu.memory_space<vmem>>, vector<16xi32>,
      %get3A_718 = arith.constant 4 : i32
      %get3A_719 = arith.index_cast %get3A_718 : i32 to index
      %get3A_720 = arith.constant 64 : index
      %get3A_721 = tpu.vector_load %arg14[%get3A_719, %get3A_720] {strides = array<i32>} : memref<6x128xi32, #tpu.memory_space<vmem>>, vector<16xi32>,
      %add3A_722 = arith.addi %get3A_721, %broadcast_in_dim3A_28 : vector<16xi32>
      %swap3A_723 = arith.constant 4 : i32
      %swap3A_724 = arith.index_cast %swap3A_723 : i32 to index
      %swap3A_725 = arith.constant 64 : index
      %swap3A_726 = tpu.vector_load %arg14[%swap3A_724, %swap3A_725] {strides = array<i32>} : memref<6x128xi32, #tpu.memory_space<vmem>>, vector<16xi32>,
      tpu.vector_store %arg14[%swap3A_724, %swap3A_725], %add3A_722 {strides = array<i32>} : memref<6x128xi32, #tpu.memory_space<vmem>>, vector<16xi32>,
      %get3A_727 = arith.constant 4 : i32
      %get3A_728 = arith.index_cast %get3A_727 : i32 to index
      %get3A_729 = arith.constant 80 : index
      %get3A_730 = tpu.vector_load %arg12[%get3A_728, %get3A_729] {strides = array<i32>} : memref<6x128xi32, #tpu.memory_space<vmem>>, vector<16xi32>,
      %add3A_731 = arith.addi %get3A_730, %mul3A_27 : vector<16xi32>
      %swap3A_732 = arith.constant 4 : i32
      %swap3A_733 = arith.index_cast %swap3A_732 : i32 to index
      %swap3A_734 = arith.constant 80 : index
      %swap3A_735 = tpu.vector_load %arg12[%swap3A_733, %swap3A_734] {strides = array<i32>} : memref<6x128xi32, #tpu.memory_space<vmem>>, vector<16xi32>,
      tpu.vector_store %arg12[%swap3A_733, %swap3A_734], %add3A_731 {strides = array<i32>} : memref<6x128xi32, #tpu.memory_space<vmem>>, vector<16xi32>,
      %get3A_736 = arith.constant 4 : i32
      %get3A_737 = arith.index_cast %get3A_736 : i32 to index
      %get3A_738 = arith.constant 80 : index
      %get3A_739 = tpu.vector_load %arg14[%get3A_737, %get3A_738] {strides = array<i32>} : memref<6x128xi32, #tpu.memory_space<vmem>>, vector<16xi32>,
      %add3A_740 = arith.addi %get3A_739, %broadcast_in_dim3A_28 : vector<16xi32>
      %swap3A_741 = arith.constant 4 : i32
      %swap3A_742 = arith.index_cast %swap3A_741 : i32 to index
      %swap3A_743 = arith.constant 80 : index
      %swap3A_744 = tpu.vector_load %arg14[%swap3A_742, %swap3A_743] {strides = array<i32>} : memref<6x128xi32, #tpu.memory_space<vmem>>, vector<16xi32>,
      tpu.vector_store %arg14[%swap3A_742, %swap3A_743], %add3A_740 {strides = array<i32>} : memref<6x128xi32, #tpu.memory_space<vmem>>, vector<16xi32>,
      %get3A_745 = arith.constant 4 : i32
      %get3A_746 = arith.index_cast %get3A_745 : i32 to index
      %get3A_747 = arith.constant 96 : index
      %get3A_748 = tpu.vector_load %arg12[%get3A_746, %get3A_747] {strides = array<i32>} : memref<6x128xi32, #tpu.memory_space<vmem>>, vector<16xi32>,
      %add3A_749 = arith.addi %get3A_748, %mul3A_27 : vector<16xi32>
      %swap3A_750 = arith.constant 4 : i32
      %swap3A_751 = arith.index_cast %swap3A_750 : i32 to index
      %swap3A_752 = arith.constant 96 : index
      %swap3A_753 = tpu.vector_load %arg12[%swap3A_751, %swap3A_752] {strides = array<i32>} : memref<6x128xi32, #tpu.memory_space<vmem>>, vector<16xi32>,
      tpu.vector_store %arg12[%swap3A_751, %swap3A_752], %add3A_749 {strides = array<i32>} : memref<6x128xi32, #tpu.memory_space<vmem>>, vector<16xi32>,
      %get3A_754 = arith.constant 4 : i32
      %get3A_755 = arith.index_cast %get3A_754 : i32 to index
      %get3A_756 = arith.constant 96 : index
      %get3A_757 = tpu.vector_load %arg14[%get3A_755, %get3A_756] {strides = array<i32>} : memref<6x128xi32, #tpu.memory_space<vmem>>, vector<16xi32>,
      %add3A_758 = arith.addi %get3A_757, %broadcast_in_dim3A_28 : vector<16xi32>
      %swap3A_759 = arith.constant 4 : i32
      %swap3A_760 = arith.index_cast %swap3A_759 : i32 to index
      %swap3A_761 = arith.constant 96 : index
      %swap3A_762 = tpu.vector_load %arg14[%swap3A_760, %swap3A_761] {strides = array<i32>} : memref<6x128xi32, #tpu.memory_space<vmem>>, vector<16xi32>,
      tpu.vector_store %arg14[%swap3A_760, %swap3A_761], %add3A_758 {strides = array<i32>} : memref<6x128xi32, #tpu.memory_space<vmem>>, vector<16xi32>,
      %get3A_763 = arith.constant 4 : i32
      %get3A_764 = arith.index_cast %get3A_763 : i32 to index
      %get3A_765 = arith.constant 112 : index
      %get3A_766 = tpu.vector_load %arg12[%get3A_764, %get3A_765] {strides = array<i32>} : memref<6x128xi32, #tpu.memory_space<vmem>>, vector<16xi32>,
      %add3A_767 = arith.addi %get3A_766, %mul3A_27 : vector<16xi32>
      %swap3A_768 = arith.constant 4 : i32
      %swap3A_769 = arith.index_cast %swap3A_768 : i32 to index
      %swap3A_770 = arith.constant 112 : index
      %swap3A_771 = tpu.vector_load %arg12[%swap3A_769, %swap3A_770] {strides = array<i32>} : memref<6x128xi32, #tpu.memory_space<vmem>>, vector<16xi32>,
      tpu.vector_store %arg12[%swap3A_769, %swap3A_770], %add3A_767 {strides = array<i32>} : memref<6x128xi32, #tpu.memory_space<vmem>>, vector<16xi32>,
      %get3A_772 = arith.constant 4 : i32
      %get3A_773 = arith.index_cast %get3A_772 : i32 to index
      %get3A_774 = arith.constant 112 : index
      %get3A_775 = tpu.vector_load %arg14[%get3A_773, %get3A_774] {strides = array<i32>} : memref<6x128xi32, #tpu.memory_space<vmem>>, vector<16xi32>,
      %add3A_776 = arith.addi %get3A_775, %broadcast_in_dim3A_28 : vector<16xi32>
      %swap3A_777 = arith.constant 4 : i32
      %swap3A_778 = arith.index_cast %swap3A_777 : i32 to index
      %swap3A_779 = arith.constant 112 : index
      %swap3A_780 = tpu.vector_load %arg14[%swap3A_778, %swap3A_779] {strides = array<i32>} : memref<6x128xi32, #tpu.memory_space<vmem>>, vector<16xi32>,
      tpu.vector_store %arg14[%swap3A_778, %swap3A_779], %add3A_776 {strides = array<i32>} : memref<6x128xi32, #tpu.memory_space<vmem>>, vector<16xi32>,
      %get3A_781 = arith.constant 5 : i32
      %get3A_782 = arith.index_cast %get3A_781 : i32 to index
      %get3A_783 = arith.constant 0 : index
      %get3A_784 = tpu.vector_load %arg12[%get3A_782, %get3A_783] {strides = array<i32>} : memref<6x128xi32, #tpu.memory_space<vmem>>, vector<16xi32>,
      %add3A_785 = arith.addi %get3A_784, %mul3A_27 : vector<16xi32>
      %swap3A_786 = arith.constant 5 : i32
      %swap3A_787 = arith.index_cast %swap3A_786 : i32 to index
      %swap3A_788 = arith.constant 0 : index
      %swap3A_789 = tpu.vector_load %arg12[%swap3A_787, %swap3A_788] {strides = array<i32>} : memref<6x128xi32, #tpu.memory_space<vmem>>, vector<16xi32>,
      tpu.vector_store %arg12[%swap3A_787, %swap3A_788], %add3A_785 {strides = array<i32>} : memref<6x128xi32, #tpu.memory_space<vmem>>, vector<16xi32>,
      %get3A_790 = arith.constant 5 : i32
      %get3A_791 = arith.index_cast %get3A_790 : i32 to index
      %get3A_792 = arith.constant 0 : index
      %get3A_793 = tpu.vector_load %arg14[%get3A_791, %get3A_792] {strides = array<i32>} : memref<6x128xi32, #tpu.memory_space<vmem>>, vector<16xi32>,
      %add3A_794 = arith.addi %get3A_793, %broadcast_in_dim3A_28 : vector<16xi32>
      %swap3A_795 = arith.constant 5 : i32
      %swap3A_796 = arith.index_cast %swap3A_795 : i32 to index
      %swap3A_797 = arith.constant 0 : index
      %swap3A_798 = tpu.vector_load %arg14[%swap3A_796, %swap3A_797] {strides = array<i32>} : memref<6x128xi32, #tpu.memory_space<vmem>>, vector<16xi32>,
      tpu.vector_store %arg14[%swap3A_796, %swap3A_797], %add3A_794 {strides = array<i32>} : memref<6x128xi32, #tpu.memory_space<vmem>>, vector<16xi32>,
      %get3A_799 = arith.constant 5 : i32
      %get3A_800 = arith.index_cast %get3A_799 : i32 to index
      %get3A_801 = arith.constant 16 : index
      %get3A_802 = tpu.vector_load %arg12[%get3A_800, %get3A_801] {strides = array<i32>} : memref<6x128xi32, #tpu.memory_space<vmem>>, vector<16xi32>,
      %add3A_803 = arith.addi %get3A_802, %mul3A_27 : vector<16xi32>
      %swap3A_804 = arith.constant 5 : i32
      %swap3A_805 = arith.index_cast %swap3A_804 : i32 to index
      %swap3A_806 = arith.constant 16 : index
      %swap3A_807 = tpu.vector_load %arg12[%swap3A_805, %swap3A_806] {strides = array<i32>} : memref<6x128xi32, #tpu.memory_space<vmem>>, vector<16xi32>,
      tpu.vector_store %arg12[%swap3A_805, %swap3A_806], %add3A_803 {strides = array<i32>} : memref<6x128xi32, #tpu.memory_space<vmem>>, vector<16xi32>,
      %get3A_808 = arith.constant 5 : i32
      %get3A_809 = arith.index_cast %get3A_808 : i32 to index
      %get3A_810 = arith.constant 16 : index
      %get3A_811 = tpu.vector_load %arg14[%get3A_809, %get3A_810] {strides = array<i32>} : memref<6x128xi32, #tpu.memory_space<vmem>>, vector<16xi32>,
      %add3A_812 = arith.addi %get3A_811, %broadcast_in_dim3A_28 : vector<16xi32>
      %swap3A_813 = arith.constant 5 : i32
      %swap3A_814 = arith.index_cast %swap3A_813 : i32 to index
      %swap3A_815 = arith.constant 16 : index
      %swap3A_816 = tpu.vector_load %arg14[%swap3A_814, %swap3A_815] {strides = array<i32>} : memref<6x128xi32, #tpu.memory_space<vmem>>, vector<16xi32>,
      tpu.vector_store %arg14[%swap3A_814, %swap3A_815], %add3A_812 {strides = array<i32>} : memref<6x128xi32, #tpu.memory_space<vmem>>, vector<16xi32>,
      %get3A_817 = arith.constant 5 : i32
      %get3A_818 = arith.index_cast %get3A_817 : i32 to index
      %get3A_819 = arith.constant 32 : index
      %get3A_820 = tpu.vector_load %arg12[%get3A_818, %get3A_819] {strides = array<i32>} : memref<6x128xi32, #tpu.memory_space<vmem>>, vector<16xi32>,
      %add3A_821 = arith.addi %get3A_820, %mul3A_27 : vector<16xi32>
      %swap3A_822 = arith.constant 5 : i32
      %swap3A_823 = arith.index_cast %swap3A_822 : i32 to index
      %swap3A_824 = arith.constant 32 : index
      %swap3A_825 = tpu.vector_load %arg12[%swap3A_823, %swap3A_824] {strides = array<i32>} : memref<6x128xi32, #tpu.memory_space<vmem>>, vector<16xi32>,
      tpu.vector_store %arg12[%swap3A_823, %swap3A_824], %add3A_821 {strides = array<i32>} : memref<6x128xi32, #tpu.memory_space<vmem>>, vector<16xi32>,
      %get3A_826 = arith.constant 5 : i32
      %get3A_827 = arith.index_cast %get3A_826 : i32 to index
      %get3A_828 = arith.constant 32 : index
      %get3A_829 = tpu.vector_load %arg14[%get3A_827, %get3A_828] {strides = array<i32>} : memref<6x128xi32, #tpu.memory_space<vmem>>, vector<16xi32>,
      %add3A_830 = arith.addi %get3A_829, %broadcast_in_dim3A_28 : vector<16xi32>
      %swap3A_831 = arith.constant 5 : i32
      %swap3A_832 = arith.index_cast %swap3A_831 : i32 to index
      %swap3A_833 = arith.constant 32 : index
      %swap3A_834 = tpu.vector_load %arg14[%swap3A_832, %swap3A_833] {strides = array<i32>} : memref<6x128xi32, #tpu.memory_space<vmem>>, vector<16xi32>,
      tpu.vector_store %arg14[%swap3A_832, %swap3A_833], %add3A_830 {strides = array<i32>} : memref<6x128xi32, #tpu.memory_space<vmem>>, vector<16xi32>,
      %get3A_835 = arith.constant 5 : i32
      %get3A_836 = arith.index_cast %get3A_835 : i32 to index
      %get3A_837 = arith.constant 48 : index
      %get3A_838 = tpu.vector_load %arg12[%get3A_836, %get3A_837] {strides = array<i32>} : memref<6x128xi32, #tpu.memory_space<vmem>>, vector<16xi32>,
      %add3A_839 = arith.addi %get3A_838, %mul3A_27 : vector<16xi32>
      %swap3A_840 = arith.constant 5 : i32
      %swap3A_841 = arith.index_cast %swap3A_840 : i32 to index
      %swap3A_842 = arith.constant 48 : index
      %swap3A_843 = tpu.vector_load %arg12[%swap3A_841, %swap3A_842] {strides = array<i32>} : memref<6x128xi32, #tpu.memory_space<vmem>>, vector<16xi32>,
      tpu.vector_store %arg12[%swap3A_841, %swap3A_842], %add3A_839 {strides = array<i32>} : memref<6x128xi32, #tpu.memory_space<vmem>>, vector<16xi32>,
      %get3A_844 = arith.constant 5 : i32
      %get3A_845 = arith.index_cast %get3A_844 : i32 to index
      %get3A_846 = arith.constant 48 : index
      %get3A_847 = tpu.vector_load %arg14[%get3A_845, %get3A_846] {strides = array<i32>} : memref<6x128xi32, #tpu.memory_space<vmem>>, vector<16xi32>,
      %add3A_848 = arith.addi %get3A_847, %broadcast_in_dim3A_28 : vector<16xi32>
      %swap3A_849 = arith.constant 5 : i32
      %swap3A_850 = arith.index_cast %swap3A_849 : i32 to index
      %swap3A_851 = arith.constant 48 : index
      %swap3A_852 = tpu.vector_load %arg14[%swap3A_850, %swap3A_851] {strides = array<i32>} : memref<6x128xi32, #tpu.memory_space<vmem>>, vector<16xi32>,
      tpu.vector_store %arg14[%swap3A_850, %swap3A_851], %add3A_848 {strides = array<i32>} : memref<6x128xi32, #tpu.memory_space<vmem>>, vector<16xi32>,
      %get3A_853 = arith.constant 5 : i32
      %get3A_854 = arith.index_cast %get3A_853 : i32 to index
      %get3A_855 = arith.constant 64 : index
      %get3A_856 = tpu.vector_load %arg12[%get3A_854, %get3A_855] {strides = array<i32>} : memref<6x128xi32, #tpu.memory_space<vmem>>, vector<16xi32>,
      %add3A_857 = arith.addi %get3A_856, %mul3A_27 : vector<16xi32>
      %swap3A_858 = arith.constant 5 : i32
      %swap3A_859 = arith.index_cast %swap3A_858 : i32 to index
      %swap3A_860 = arith.constant 64 : index
      %swap3A_861 = tpu.vector_load %arg12[%swap3A_859, %swap3A_860] {strides = array<i32>} : memref<6x128xi32, #tpu.memory_space<vmem>>, vector<16xi32>,
      tpu.vector_store %arg12[%swap3A_859, %swap3A_860], %add3A_857 {strides = array<i32>} : memref<6x128xi32, #tpu.memory_space<vmem>>, vector<16xi32>,
      %get3A_862 = arith.constant 5 : i32
      %get3A_863 = arith.index_cast %get3A_862 : i32 to index
      %get3A_864 = arith.constant 64 : index
      %get3A_865 = tpu.vector_load %arg14[%get3A_863, %get3A_864] {strides = array<i32>} : memref<6x128xi32, #tpu.memory_space<vmem>>, vector<16xi32>,
      %add3A_866 = arith.addi %get3A_865, %broadcast_in_dim3A_28 : vector<16xi32>
      %swap3A_867 = arith.constant 5 : i32
      %swap3A_868 = arith.index_cast %swap3A_867 : i32 to index
      %swap3A_869 = arith.constant 64 : index
      %swap3A_870 = tpu.vector_load %arg14[%swap3A_868, %swap3A_869] {strides = array<i32>} : memref<6x128xi32, #tpu.memory_space<vmem>>, vector<16xi32>,
      tpu.vector_store %arg14[%swap3A_868, %swap3A_869], %add3A_866 {strides = array<i32>} : memref<6x128xi32, #tpu.memory_space<vmem>>, vector<16xi32>,
      %get3A_871 = arith.constant 5 : i32
      %get3A_872 = arith.index_cast %get3A_871 : i32 to index
      %get3A_873 = arith.constant 80 : index
      %get3A_874 = tpu.vector_load %arg12[%get3A_872, %get3A_873] {strides = array<i32>} : memref<6x128xi32, #tpu.memory_space<vmem>>, vector<16xi32>,
      %add3A_875 = arith.addi %get3A_874, %mul3A_27 : vector<16xi32>
      %swap3A_876 = arith.constant 5 : i32
      %swap3A_877 = arith.index_cast %swap3A_876 : i32 to index
      %swap3A_878 = arith.constant 80 : index
      %swap3A_879 = tpu.vector_load %arg12[%swap3A_877, %swap3A_878] {strides = array<i32>} : memref<6x128xi32, #tpu.memory_space<vmem>>, vector<16xi32>,
      tpu.vector_store %arg12[%swap3A_877, %swap3A_878], %add3A_875 {strides = array<i32>} : memref<6x128xi32, #tpu.memory_space<vmem>>, vector<16xi32>,
      %get3A_880 = arith.constant 5 : i32
      %get3A_881 = arith.index_cast %get3A_880 : i32 to index
      %get3A_882 = arith.constant 80 : index
      %get3A_883 = tpu.vector_load %arg14[%get3A_881, %get3A_882] {strides = array<i32>} : memref<6x128xi32, #tpu.memory_space<vmem>>, vector<16xi32>,
      %add3A_884 = arith.addi %get3A_883, %broadcast_in_dim3A_28 : vector<16xi32>
      %swap3A_885 = arith.constant 5 : i32
      %swap3A_886 = arith.index_cast %swap3A_885 : i32 to index
      %swap3A_887 = arith.constant 80 : index
      %swap3A_888 = tpu.vector_load %arg14[%swap3A_886, %swap3A_887] {strides = array<i32>} : memref<6x128xi32, #tpu.memory_space<vmem>>, vector<16xi32>,
      tpu.vector_store %arg14[%swap3A_886, %swap3A_887], %add3A_884 {strides = array<i32>} : memref<6x128xi32, #tpu.memory_space<vmem>>, vector<16xi32>,
      %get3A_889 = arith.constant 5 : i32
      %get3A_890 = arith.index_cast %get3A_889 : i32 to index
      %get3A_891 = arith.constant 96 : index
      %get3A_892 = tpu.vector_load %arg12[%get3A_890, %get3A_891] {strides = array<i32>} : memref<6x128xi32, #tpu.memory_space<vmem>>, vector<16xi32>,
      %add3A_893 = arith.addi %get3A_892, %mul3A_27 : vector<16xi32>
      %swap3A_894 = arith.constant 5 : i32
      %swap3A_895 = arith.index_cast %swap3A_894 : i32 to index
      %swap3A_896 = arith.constant 96 : index
      %swap3A_897 = tpu.vector_load %arg12[%swap3A_895, %swap3A_896] {strides = array<i32>} : memref<6x128xi32, #tpu.memory_space<vmem>>, vector<16xi32>,
      tpu.vector_store %arg12[%swap3A_895, %swap3A_896], %add3A_893 {strides = array<i32>} : memref<6x128xi32, #tpu.memory_space<vmem>>, vector<16xi32>,
      %get3A_898 = arith.constant 5 : i32
      %get3A_899 = arith.index_cast %get3A_898 : i32 to index
      %get3A_900 = arith.constant 96 : index
      %get3A_901 = tpu.vector_load %arg14[%get3A_899, %get3A_900] {strides = array<i32>} : memref<6x128xi32, #tpu.memory_space<vmem>>, vector<16xi32>,
      %add3A_902 = arith.addi %get3A_901, %broadcast_in_dim3A_28 : vector<16xi32>
      %swap3A_903 = arith.constant 5 : i32
      %swap3A_904 = arith.index_cast %swap3A_903 : i32 to index
      %swap3A_905 = arith.constant 96 : index
      %swap3A_906 = tpu.vector_load %arg14[%swap3A_904, %swap3A_905] {strides = array<i32>} : memref<6x128xi32, #tpu.memory_space<vmem>>, vector<16xi32>,
      tpu.vector_store %arg14[%swap3A_904, %swap3A_905], %add3A_902 {strides = array<i32>} : memref<6x128xi32, #tpu.memory_space<vmem>>, vector<16xi32>,
      %get3A_907 = arith.constant 5 : i32
      %get3A_908 = arith.index_cast %get3A_907 : i32 to index
      %get3A_909 = arith.constant 112 : index
      %get3A_910 = tpu.vector_load %arg12[%get3A_908, %get3A_909] {strides = array<i32>} : memref<6x128xi32, #tpu.memory_space<vmem>>, vector<16xi32>,
      %add3A_911 = arith.addi %get3A_910, %mul3A_27 : vector<16xi32>
      %swap3A_912 = arith.constant 5 : i32
      %swap3A_913 = arith.index_cast %swap3A_912 : i32 to index
      %swap3A_914 = arith.constant 112 : index
      %swap3A_915 = tpu.vector_load %arg12[%swap3A_913, %swap3A_914] {strides = array<i32>} : memref<6x128xi32, #tpu.memory_space<vmem>>, vector<16xi32>,
      tpu.vector_store %arg12[%swap3A_913, %swap3A_914], %add3A_911 {strides = array<i32>} : memref<6x128xi32, #tpu.memory_space<vmem>>, vector<16xi32>,
      %get3A_916 = arith.constant 5 : i32
      %get3A_917 = arith.index_cast %get3A_916 : i32 to index
      %get3A_918 = arith.constant 112 : index
      %get3A_919 = tpu.vector_load %arg14[%get3A_917, %get3A_918] {strides = array<i32>} : memref<6x128xi32, #tpu.memory_space<vmem>>, vector<16xi32>,
      %add3A_920 = arith.addi %get3A_919, %broadcast_in_dim3A_28 : vector<16xi32>
      %swap3A_921 = arith.constant 5 : i32
      %swap3A_922 = arith.index_cast %swap3A_921 : i32 to index
      %swap3A_923 = arith.constant 112 : index
      %swap3A_924 = tpu.vector_load %arg14[%swap3A_922, %swap3A_923] {strides = array<i32>} : memref<6x128xi32, #tpu.memory_space<vmem>>, vector<16xi32>,
      tpu.vector_store %arg14[%swap3A_922, %swap3A_923], %add3A_920 {strides = array<i32>} : memref<6x128xi32, #tpu.memory_space<vmem>>, vector<16xi32>,
      %dma_start3A = arith.constant 0 : i32
      %dma_start3A_925 = arith.constant 0 : i32
      %dma_start3A_926 = tpu.memref_slice %arg12[%dma_start3A, %dma_start3A_925] : memref<6x128xi32, #tpu.memory_space<vmem>> -> memref<1x128xi32, #tpu.memory_space<vmem>>
      %dma_start3A_927 = tpu.memref_squeeze %dma_start3A_926 : memref<1x128xi32, #tpu.memory_space<vmem>> -> memref<128xi32, #tpu.memory_space<vmem>>
      %dma_start3A_928 = arith.constant 0 : i32
      %dma_start3A_929 = arith.constant 0 : i32
      %dma_start3A_930 = tpu.memref_slice %arg2[%dma_start3A_928, %dma_start3A_929] : memref<20480x64xf32, #tpu.memory_space<hbm>> -> memref<20480x64xf32, #tpu.memory_space<hbm>>
      tpu.enqueue_indirect_dma source(%dma_start3A_930 : memref<20480x64xf32, #tpu.memory_space<hbm>>) target(%arg16 : memref<128x64xf32, #tpu.memory_space<vmem>>) offsets(%dma_start3A_927 : memref<128xi32, #tpu.memory_space<vmem>>) semaphore(%arg23 : memref<!tpu.dma_semaphore, #tpu.memory_space<semaphore_mem>>)
      %dma_start3A_931 = arith.constant 1 : i32
      %dma_start3A_932 = arith.constant 0 : i32
      %dma_start3A_933 = tpu.memref_slice %arg12[%dma_start3A_931, %dma_start3A_932] : memref<6x128xi32, #tpu.memory_space<vmem>> -> memref<1x128xi32, #tpu.memory_space<vmem>>
      %dma_start3A_934 = tpu.memref_squeeze %dma_start3A_933 : memref<1x128xi32, #tpu.memory_space<vmem>> -> memref<128xi32, #tpu.memory_space<vmem>>
      %dma_start3A_935 = arith.constant 0 : i32
      %dma_start3A_936 = arith.constant 0 : i32
      %dma_start3A_937 = tpu.memref_slice %arg2[%dma_start3A_935, %dma_start3A_936] : memref<20480x64xf32, #tpu.memory_space<hbm>> -> memref<20480x64xf32, #tpu.memory_space<hbm>>
      tpu.enqueue_indirect_dma source(%dma_start3A_937 : memref<20480x64xf32, #tpu.memory_space<hbm>>) target(%arg17 : memref<128x64xf32, #tpu.memory_space<vmem>>) offsets(%dma_start3A_934 : memref<128xi32, #tpu.memory_space<vmem>>) semaphore(%arg24 : memref<!tpu.dma_semaphore, #tpu.memory_space<semaphore_mem>>)
      %dma_start3A_938 = arith.constant 0 : i32
      %dma_start3A_939 = arith.constant 0 : i32
      %dma_start3A_940 = tpu.memref_slice %arg12[%dma_start3A_938, %dma_start3A_939] : memref<6x128xi32, #tpu.memory_space<vmem>> -> memref<1x128xi32, #tpu.memory_space<vmem>>
      %dma_start3A_941 = tpu.memref_squeeze %dma_start3A_940 : memref<1x128xi32, #tpu.memory_space<vmem>> -> memref<128xi32, #tpu.memory_space<vmem>>
      %dma_start3A_942 = arith.constant 0 : i32
      %dma_start3A_943 = arith.constant 0 : i32
      %dma_start3A_944 = tpu.memref_slice %arg6[%dma_start3A_942, %dma_start3A_943] : memref<20480x16xf32, #tpu.memory_space<hbm>> -> memref<20480x16xf32, #tpu.memory_space<hbm>>
      tpu.enqueue_indirect_dma source(%dma_start3A_944 : memref<20480x16xf32, #tpu.memory_space<hbm>>) target(%arg19 : memref<128x16xf32, #tpu.memory_space<vmem>>) offsets(%dma_start3A_941 : memref<128xi32, #tpu.memory_space<vmem>>) semaphore(%arg25 : memref<!tpu.dma_semaphore, #tpu.memory_space<semaphore_mem>>)
      %dma_start3A_945 = arith.constant 0 : i32
      %dma_start3A_946 = arith.constant 0 : i32
      %dma_start3A_947 = tpu.memref_slice %arg13[%dma_start3A_945, %dma_start3A_946] : memref<6x128xi32, #tpu.memory_space<vmem>> -> memref<1x128xi32, #tpu.memory_space<vmem>>
      %dma_start3A_948 = tpu.memref_squeeze %dma_start3A_947 : memref<1x128xi32, #tpu.memory_space<vmem>> -> memref<128xi32, #tpu.memory_space<vmem>>
      %dma_start3A_949 = arith.constant 0 : i32
      %dma_start3A_950 = arith.constant 0 : i32
      %dma_start3A_951 = tpu.memref_slice %arg7[%dma_start3A_949, %dma_start3A_950] : memref<10240x16xf32, #tpu.memory_space<hbm>> -> memref<10240x16xf32, #tpu.memory_space<hbm>>
      tpu.enqueue_indirect_dma source(%dma_start3A_951 : memref<10240x16xf32, #tpu.memory_space<hbm>>) target(%arg20 : memref<128x16xf32, #tpu.memory_space<vmem>>) offsets(%dma_start3A_948 : memref<128xi32, #tpu.memory_space<vmem>>) semaphore(%arg25 : memref<!tpu.dma_semaphore, #tpu.memory_space<semaphore_mem>>)
      %dma_wait3A = arith.constant 0 : i32
      %dma_wait3A_952 = arith.constant 0 : i32
      %dma_wait3A_953 = tpu.memref_slice %arg12[%dma_wait3A, %dma_wait3A_952] : memref<6x128xi32, #tpu.memory_space<vmem>> -> memref<1x128xi32, #tpu.memory_space<vmem>>
      %dma_wait3A_954 = tpu.memref_squeeze %dma_wait3A_953 : memref<1x128xi32, #tpu.memory_space<vmem>> -> memref<128xi32, #tpu.memory_space<vmem>>
      %dma_wait3A_955 = arith.constant 0 : i32
      %dma_wait3A_956 = arith.constant 0 : i32
      %dma_wait3A_957 = tpu.memref_slice %arg2[%dma_wait3A_955, %dma_wait3A_956] : memref<20480x64xf32, #tpu.memory_space<hbm>> -> memref<20480x64xf32, #tpu.memory_space<hbm>>
      tpu.wait_indirect_dma semaphore(%arg23 : memref<!tpu.dma_semaphore, #tpu.memory_space<semaphore_mem>>) src(%dma_wait3A_957 : memref<20480x64xf32, #tpu.memory_space<hbm>>) dst(%arg16 : memref<128x64xf32, #tpu.memory_space<vmem>>)
      %run_scoped3A = arith.constant 0 : i32
      "tpu.region"() ({
        %run_scoped3A_2083 = tpu.sem_alloc : memref<!tpu.dma_semaphore, #tpu.memory_space<semaphore_mem>>
        %dma_start3A_2084 = arith.constant 0 : i32
        %dma_start3A_2085 = tpu.memref_slice %arg14[%run_scoped3A, %dma_start3A_2084] : memref<6x128xi32, #tpu.memory_space<vmem>> -> memref<1x128xi32, #tpu.memory_space<vmem>>
        %dma_start3A_2086 = tpu.memref_squeeze %dma_start3A_2085 : memref<1x128xi32, #tpu.memory_space<vmem>> -> memref<128xi32, #tpu.memory_space<vmem>>
        %dma_start3A_2087 = arith.constant 0 : i32
        %dma_start3A_2088 = arith.constant 0 : i32
        %dma_start3A_2089 = tpu.memref_slice %arg8[%dma_start3A_2087, %dma_start3A_2088] : memref<660000x64xf32, #tpu.memory_space<hbm>> -> memref<660000x64xf32, #tpu.memory_space<hbm>>
        tpu.enqueue_indirect_dma source(%arg16 : memref<128x64xf32, #tpu.memory_space<vmem>>) target(%dma_start3A_2089 : memref<660000x64xf32, #tpu.memory_space<hbm>>) offsets(%dma_start3A_2086 : memref<128xi32, #tpu.memory_space<vmem>>) semaphore(%run_scoped3A_2083 : memref<!tpu.dma_semaphore, #tpu.memory_space<semaphore_mem>>)
        %dma_wait3A_2090 = arith.constant 0 : i32
        %dma_wait3A_2091 = tpu.memref_slice %arg14[%run_scoped3A, %dma_wait3A_2090] : memref<6x128xi32, #tpu.memory_space<vmem>> -> memref<1x128xi32, #tpu.memory_space<vmem>>
        %dma_wait3A_2092 = tpu.memref_squeeze %dma_wait3A_2091 : memref<1x128xi32, #tpu.memory_space<vmem>> -> memref<128xi32, #tpu.memory_space<vmem>>
        %dma_wait3A_2093 = arith.constant 0 : i32
        %dma_wait3A_2094 = arith.constant 0 : i32
        %dma_wait3A_2095 = tpu.memref_slice %arg8[%dma_wait3A_2093, %dma_wait3A_2094] : memref<660000x64xf32, #tpu.memory_space<hbm>> -> memref<660000x64xf32, #tpu.memory_space<hbm>>
        tpu.wait_indirect_dma semaphore(%run_scoped3A_2083 : memref<!tpu.dma_semaphore, #tpu.memory_space<semaphore_mem>>) src(%arg16 : memref<128x64xf32, #tpu.memory_space<vmem>>) dst(%dma_wait3A_2095 : memref<660000x64xf32, #tpu.memory_space<hbm>>)
        tpu.yield
      }) : () -> ()
      %dma_wait3A_958 = arith.constant 0 : i32
      %dma_wait3A_959 = arith.constant 0 : i32
      %dma_wait3A_960 = tpu.memref_slice %arg12[%dma_wait3A_958, %dma_wait3A_959] : memref<6x128xi32, #tpu.memory_space<vmem>> -> memref<1x128xi32, #tpu.memory_space<vmem>>
      %dma_wait3A_961 = tpu.memref_squeeze %dma_wait3A_960 : memref<1x128xi32, #tpu.memory_space<vmem>> -> memref<128xi32, #tpu.memory_space<vmem>>
      %dma_wait3A_962 = arith.constant 0 : i32
      %dma_wait3A_963 = arith.constant 0 : i32
      %dma_wait3A_964 = tpu.memref_slice %arg6[%dma_wait3A_962, %dma_wait3A_963] : memref<20480x16xf32, #tpu.memory_space<hbm>> -> memref<20480x16xf32, #tpu.memory_space<hbm>>
      tpu.wait_indirect_dma semaphore(%arg25 : memref<!tpu.dma_semaphore, #tpu.memory_space<semaphore_mem>>) src(%dma_wait3A_964 : memref<20480x16xf32, #tpu.memory_space<hbm>>) dst(%arg19 : memref<128x16xf32, #tpu.memory_space<vmem>>)
      %dma_wait3A_965 = arith.constant 0 : i32
      %dma_wait3A_966 = arith.constant 0 : i32
      %dma_wait3A_967 = tpu.memref_slice %arg13[%dma_wait3A_965, %dma_wait3A_966] : memref<6x128xi32, #tpu.memory_space<vmem>> -> memref<1x128xi32, #tpu.memory_space<vmem>>
      %dma_wait3A_968 = tpu.memref_squeeze %dma_wait3A_967 : memref<1x128xi32, #tpu.memory_space<vmem>> -> memref<128xi32, #tpu.memory_space<vmem>>
      %dma_wait3A_969 = arith.constant 0 : i32
      %dma_wait3A_970 = arith.constant 0 : i32
      %dma_wait3A_971 = tpu.memref_slice %arg7[%dma_wait3A_969, %dma_wait3A_970] : memref<10240x16xf32, #tpu.memory_space<hbm>> -> memref<10240x16xf32, #tpu.memory_space<hbm>>
      tpu.wait_indirect_dma semaphore(%arg25 : memref<!tpu.dma_semaphore, #tpu.memory_space<semaphore_mem>>) src(%dma_wait3A_971 : memref<10240x16xf32, #tpu.memory_space<hbm>>) dst(%arg20 : memref<128x16xf32, #tpu.memory_space<vmem>>)
      %add3A_972 = arith.constant 0 : i32
      %add3A_973 = vector.broadcast %add3A_972 : i32 to vector<16xi32>
      %add3A_974 = arith.addi %iota3A, %add3A_973 : vector<16xi32>
      %gather3A = tpu.vector_load_idx %arg20[%add3A_974, %broadcast_in_dim3A_23] : memref<128x16xf32, #tpu.memory_space<vmem>>[vector<16xi32>, vector<16xi32>], vector<16xf32>,
      %gather3A_975 = tpu.vector_load_idx %arg19[%add3A_974, %broadcast_in_dim3A_23] : memref<128x16xf32, #tpu.memory_space<vmem>>[vector<16xi32>, vector<16xi32>], vector<16xf32>,
      %add3A_976 = arith.addf %gather3A, %gather3A_975 : vector<16xf32>
      %ge3A = arith.constant 0.000000e+00 : f32
      %ge3A_977 = vector.broadcast %ge3A : f32 to vector<16xf32>
      %ge3A_978 = arith.cmpf oge, %add3A_976, %ge3A_977 : vector<16xf32>
      %mul3A_979 = arith.constant 0.00999999977 : f32
      %mul3A_980 = vector.broadcast %mul3A_979 : f32 to vector<16xf32>
      %mul3A_981 = arith.mulf %add3A_976, %mul3A_980 : vector<16xf32>
      %select_n3A = arith.select %ge3A_978, %add3A_976, %mul3A_981 : vector<16xi1>, vector<16xf32>
      %exp3A = math.exp %select_n3A : vector<16xf32>
      %swap3A_982 = arith.constant 0 : i32
      %swap3A_983 = arith.index_cast %swap3A_982 : i32 to index
      %swap3A_984 = arith.constant 0 : index
      %swap3A_985 = tpu.vector_load %arg15[%swap3A_983, %swap3A_984] {strides = array<i32>} : memref<6x128xf32, #tpu.memory_space<vmem>>, vector<16xf32>,
      tpu.vector_store %arg15[%swap3A_983, %swap3A_984], %exp3A {strides = array<i32>} : memref<6x128xf32, #tpu.memory_space<vmem>>, vector<16xf32>,
      %add3A_986 = arith.constant 16 : i32
      %add3A_987 = vector.broadcast %add3A_986 : i32 to vector<16xi32>
      %add3A_988 = arith.addi %iota3A, %add3A_987 : vector<16xi32>
      %gather3A_989 = tpu.vector_load_idx %arg20[%add3A_988, %broadcast_in_dim3A_23] : memref<128x16xf32, #tpu.memory_space<vmem>>[vector<16xi32>, vector<16xi32>], vector<16xf32>,
      %gather3A_990 = tpu.vector_load_idx %arg19[%add3A_988, %broadcast_in_dim3A_23] : memref<128x16xf32, #tpu.memory_space<vmem>>[vector<16xi32>, vector<16xi32>], vector<16xf32>,
      %add3A_991 = arith.addf %gather3A_989, %gather3A_990 : vector<16xf32>
      %ge3A_992 = arith.constant 0.000000e+00 : f32
      %ge3A_993 = vector.broadcast %ge3A_992 : f32 to vector<16xf32>
      %ge3A_994 = arith.cmpf oge, %add3A_991, %ge3A_993 : vector<16xf32>
      %mul3A_995 = arith.constant 0.00999999977 : f32
      %mul3A_996 = vector.broadcast %mul3A_995 : f32 to vector<16xf32>
      %mul3A_997 = arith.mulf %add3A_991, %mul3A_996 : vector<16xf32>
      %select_n3A_998 = arith.select %ge3A_994, %add3A_991, %mul3A_997 : vector<16xi1>, vector<16xf32>
      %exp3A_999 = math.exp %select_n3A_998 : vector<16xf32>
      %swap3A_1000 = arith.constant 0 : i32
      %swap3A_1001 = arith.index_cast %swap3A_1000 : i32 to index
      %swap3A_1002 = arith.constant 16 : index
      %swap3A_1003 = tpu.vector_load %arg15[%swap3A_1001, %swap3A_1002] {strides = array<i32>} : memref<6x128xf32, #tpu.memory_space<vmem>>, vector<16xf32>,
      tpu.vector_store %arg15[%swap3A_1001, %swap3A_1002], %exp3A_999 {strides = array<i32>} : memref<6x128xf32, #tpu.memory_space<vmem>>, vector<16xf32>,
      %add3A_1004 = arith.constant 32 : i32
      %add3A_1005 = vector.broadcast %add3A_1004 : i32 to vector<16xi32>
      %add3A_1006 = arith.addi %iota3A, %add3A_1005 : vector<16xi32>
      %gather3A_1007 = tpu.vector_load_idx %arg20[%add3A_1006, %broadcast_in_dim3A_23] : memref<128x16xf32, #tpu.memory_space<vmem>>[vector<16xi32>, vector<16xi32>], vector<16xf32>,
      %gather3A_1008 = tpu.vector_load_idx %arg19[%add3A_1006, %broadcast_in_dim3A_23] : memref<128x16xf32, #tpu.memory_space<vmem>>[vector<16xi32>, vector<16xi32>], vector<16xf32>,
      %add3A_1009 = arith.addf %gather3A_1007, %gather3A_1008 : vector<16xf32>
      %ge3A_1010 = arith.constant 0.000000e+00 : f32
      %ge3A_1011 = vector.broadcast %ge3A_1010 : f32 to vector<16xf32>
      %ge3A_1012 = arith.cmpf oge, %add3A_1009, %ge3A_1011 : vector<16xf32>
      %mul3A_1013 = arith.constant 0.00999999977 : f32
      %mul3A_1014 = vector.broadcast %mul3A_1013 : f32 to vector<16xf32>
      %mul3A_1015 = arith.mulf %add3A_1009, %mul3A_1014 : vector<16xf32>
      %select_n3A_1016 = arith.select %ge3A_1012, %add3A_1009, %mul3A_1015 : vector<16xi1>, vector<16xf32>
      %exp3A_1017 = math.exp %select_n3A_1016 : vector<16xf32>
      %swap3A_1018 = arith.constant 0 : i32
      %swap3A_1019 = arith.index_cast %swap3A_1018 : i32 to index
      %swap3A_1020 = arith.constant 32 : index
      %swap3A_1021 = tpu.vector_load %arg15[%swap3A_1019, %swap3A_1020] {strides = array<i32>} : memref<6x128xf32, #tpu.memory_space<vmem>>, vector<16xf32>,
      tpu.vector_store %arg15[%swap3A_1019, %swap3A_1020], %exp3A_1017 {strides = array<i32>} : memref<6x128xf32, #tpu.memory_space<vmem>>, vector<16xf32>,
      %add3A_1022 = arith.constant 48 : i32
      %add3A_1023 = vector.broadcast %add3A_1022 : i32 to vector<16xi32>
      %add3A_1024 = arith.addi %iota3A, %add3A_1023 : vector<16xi32>
      %gather3A_1025 = tpu.vector_load_idx %arg20[%add3A_1024, %broadcast_in_dim3A_23] : memref<128x16xf32, #tpu.memory_space<vmem>>[vector<16xi32>, vector<16xi32>], vector<16xf32>,
      %gather3A_1026 = tpu.vector_load_idx %arg19[%add3A_1024, %broadcast_in_dim3A_23] : memref<128x16xf32, #tpu.memory_space<vmem>>[vector<16xi32>, vector<16xi32>], vector<16xf32>,
      %add3A_1027 = arith.addf %gather3A_1025, %gather3A_1026 : vector<16xf32>
      %ge3A_1028 = arith.constant 0.000000e+00 : f32
      %ge3A_1029 = vector.broadcast %ge3A_1028 : f32 to vector<16xf32>
      %ge3A_1030 = arith.cmpf oge, %add3A_1027, %ge3A_1029 : vector<16xf32>
      %mul3A_1031 = arith.constant 0.00999999977 : f32
      %mul3A_1032 = vector.broadcast %mul3A_1031 : f32 to vector<16xf32>
      %mul3A_1033 = arith.mulf %add3A_1027, %mul3A_1032 : vector<16xf32>
      %select_n3A_1034 = arith.select %ge3A_1030, %add3A_1027, %mul3A_1033 : vector<16xi1>, vector<16xf32>
      %exp3A_1035 = math.exp %select_n3A_1034 : vector<16xf32>
      %swap3A_1036 = arith.constant 0 : i32
      %swap3A_1037 = arith.index_cast %swap3A_1036 : i32 to index
      %swap3A_1038 = arith.constant 48 : index
      %swap3A_1039 = tpu.vector_load %arg15[%swap3A_1037, %swap3A_1038] {strides = array<i32>} : memref<6x128xf32, #tpu.memory_space<vmem>>, vector<16xf32>,
      tpu.vector_store %arg15[%swap3A_1037, %swap3A_1038], %exp3A_1035 {strides = array<i32>} : memref<6x128xf32, #tpu.memory_space<vmem>>, vector<16xf32>,
      %add3A_1040 = arith.constant 64 : i32
      %add3A_1041 = vector.broadcast %add3A_1040 : i32 to vector<16xi32>
      %add3A_1042 = arith.addi %iota3A, %add3A_1041 : vector<16xi32>
      %gather3A_1043 = tpu.vector_load_idx %arg20[%add3A_1042, %broadcast_in_dim3A_23] : memref<128x16xf32, #tpu.memory_space<vmem>>[vector<16xi32>, vector<16xi32>], vector<16xf32>,
      %gather3A_1044 = tpu.vector_load_idx %arg19[%add3A_1042, %broadcast_in_dim3A_23] : memref<128x16xf32, #tpu.memory_space<vmem>>[vector<16xi32>, vector<16xi32>], vector<16xf32>,
      %add3A_1045 = arith.addf %gather3A_1043, %gather3A_1044 : vector<16xf32>
      %ge3A_1046 = arith.constant 0.000000e+00 : f32
      %ge3A_1047 = vector.broadcast %ge3A_1046 : f32 to vector<16xf32>
      %ge3A_1048 = arith.cmpf oge, %add3A_1045, %ge3A_1047 : vector<16xf32>
      %mul3A_1049 = arith.constant 0.00999999977 : f32
      %mul3A_1050 = vector.broadcast %mul3A_1049 : f32 to vector<16xf32>
      %mul3A_1051 = arith.mulf %add3A_1045, %mul3A_1050 : vector<16xf32>
      %select_n3A_1052 = arith.select %ge3A_1048, %add3A_1045, %mul3A_1051 : vector<16xi1>, vector<16xf32>
      %exp3A_1053 = math.exp %select_n3A_1052 : vector<16xf32>
      %swap3A_1054 = arith.constant 0 : i32
      %swap3A_1055 = arith.index_cast %swap3A_1054 : i32 to index
      %swap3A_1056 = arith.constant 64 : index
      %swap3A_1057 = tpu.vector_load %arg15[%swap3A_1055, %swap3A_1056] {strides = array<i32>} : memref<6x128xf32, #tpu.memory_space<vmem>>, vector<16xf32>,
      tpu.vector_store %arg15[%swap3A_1055, %swap3A_1056], %exp3A_1053 {strides = array<i32>} : memref<6x128xf32, #tpu.memory_space<vmem>>, vector<16xf32>,
      %add3A_1058 = arith.constant 80 : i32
      %add3A_1059 = vector.broadcast %add3A_1058 : i32 to vector<16xi32>
      %add3A_1060 = arith.addi %iota3A, %add3A_1059 : vector<16xi32>
      %gather3A_1061 = tpu.vector_load_idx %arg20[%add3A_1060, %broadcast_in_dim3A_23] : memref<128x16xf32, #tpu.memory_space<vmem>>[vector<16xi32>, vector<16xi32>], vector<16xf32>,
      %gather3A_1062 = tpu.vector_load_idx %arg19[%add3A_1060, %broadcast_in_dim3A_23] : memref<128x16xf32, #tpu.memory_space<vmem>>[vector<16xi32>, vector<16xi32>], vector<16xf32>,
      %add3A_1063 = arith.addf %gather3A_1061, %gather3A_1062 : vector<16xf32>
      %ge3A_1064 = arith.constant 0.000000e+00 : f32
      %ge3A_1065 = vector.broadcast %ge3A_1064 : f32 to vector<16xf32>
      %ge3A_1066 = arith.cmpf oge, %add3A_1063, %ge3A_1065 : vector<16xf32>
      %mul3A_1067 = arith.constant 0.00999999977 : f32
      %mul3A_1068 = vector.broadcast %mul3A_1067 : f32 to vector<16xf32>
      %mul3A_1069 = arith.mulf %add3A_1063, %mul3A_1068 : vector<16xf32>
      %select_n3A_1070 = arith.select %ge3A_1066, %add3A_1063, %mul3A_1069 : vector<16xi1>, vector<16xf32>
      %exp3A_1071 = math.exp %select_n3A_1070 : vector<16xf32>
      %swap3A_1072 = arith.constant 0 : i32
      %swap3A_1073 = arith.index_cast %swap3A_1072 : i32 to index
      %swap3A_1074 = arith.constant 80 : index
      %swap3A_1075 = tpu.vector_load %arg15[%swap3A_1073, %swap3A_1074] {strides = array<i32>} : memref<6x128xf32, #tpu.memory_space<vmem>>, vector<16xf32>,
      tpu.vector_store %arg15[%swap3A_1073, %swap3A_1074], %exp3A_1071 {strides = array<i32>} : memref<6x128xf32, #tpu.memory_space<vmem>>, vector<16xf32>,
      %add3A_1076 = arith.constant 96 : i32
      %add3A_1077 = vector.broadcast %add3A_1076 : i32 to vector<16xi32>
      %add3A_1078 = arith.addi %iota3A, %add3A_1077 : vector<16xi32>
      %gather3A_1079 = tpu.vector_load_idx %arg20[%add3A_1078, %broadcast_in_dim3A_23] : memref<128x16xf32, #tpu.memory_space<vmem>>[vector<16xi32>, vector<16xi32>], vector<16xf32>,
      %gather3A_1080 = tpu.vector_load_idx %arg19[%add3A_1078, %broadcast_in_dim3A_23] : memref<128x16xf32, #tpu.memory_space<vmem>>[vector<16xi32>, vector<16xi32>], vector<16xf32>,
      %add3A_1081 = arith.addf %gather3A_1079, %gather3A_1080 : vector<16xf32>
      %ge3A_1082 = arith.constant 0.000000e+00 : f32
      %ge3A_1083 = vector.broadcast %ge3A_1082 : f32 to vector<16xf32>
      %ge3A_1084 = arith.cmpf oge, %add3A_1081, %ge3A_1083 : vector<16xf32>
      %mul3A_1085 = arith.constant 0.00999999977 : f32
      %mul3A_1086 = vector.broadcast %mul3A_1085 : f32 to vector<16xf32>
      %mul3A_1087 = arith.mulf %add3A_1081, %mul3A_1086 : vector<16xf32>
      %select_n3A_1088 = arith.select %ge3A_1084, %add3A_1081, %mul3A_1087 : vector<16xi1>, vector<16xf32>
      %exp3A_1089 = math.exp %select_n3A_1088 : vector<16xf32>
      %swap3A_1090 = arith.constant 0 : i32
      %swap3A_1091 = arith.index_cast %swap3A_1090 : i32 to index
      %swap3A_1092 = arith.constant 96 : index
      %swap3A_1093 = tpu.vector_load %arg15[%swap3A_1091, %swap3A_1092] {strides = array<i32>} : memref<6x128xf32, #tpu.memory_space<vmem>>, vector<16xf32>,
      tpu.vector_store %arg15[%swap3A_1091, %swap3A_1092], %exp3A_1089 {strides = array<i32>} : memref<6x128xf32, #tpu.memory_space<vmem>>, vector<16xf32>,
      %add3A_1094 = arith.constant 112 : i32
      %add3A_1095 = vector.broadcast %add3A_1094 : i32 to vector<16xi32>
      %add3A_1096 = arith.addi %iota3A, %add3A_1095 : vector<16xi32>
      %gather3A_1097 = tpu.vector_load_idx %arg20[%add3A_1096, %broadcast_in_dim3A_23] : memref<128x16xf32, #tpu.memory_space<vmem>>[vector<16xi32>, vector<16xi32>], vector<16xf32>,
      %gather3A_1098 = tpu.vector_load_idx %arg19[%add3A_1096, %broadcast_in_dim3A_23] : memref<128x16xf32, #tpu.memory_space<vmem>>[vector<16xi32>, vector<16xi32>], vector<16xf32>,
      %add3A_1099 = arith.addf %gather3A_1097, %gather3A_1098 : vector<16xf32>
      %ge3A_1100 = arith.constant 0.000000e+00 : f32
      %ge3A_1101 = vector.broadcast %ge3A_1100 : f32 to vector<16xf32>
      %ge3A_1102 = arith.cmpf oge, %add3A_1099, %ge3A_1101 : vector<16xf32>
      %mul3A_1103 = arith.constant 0.00999999977 : f32
      %mul3A_1104 = vector.broadcast %mul3A_1103 : f32 to vector<16xf32>
      %mul3A_1105 = arith.mulf %add3A_1099, %mul3A_1104 : vector<16xf32>
      %select_n3A_1106 = arith.select %ge3A_1102, %add3A_1099, %mul3A_1105 : vector<16xi1>, vector<16xf32>
      %exp3A_1107 = math.exp %select_n3A_1106 : vector<16xf32>
      %swap3A_1108 = arith.constant 0 : i32
      %swap3A_1109 = arith.index_cast %swap3A_1108 : i32 to index
      %swap3A_1110 = arith.constant 112 : index
      %swap3A_1111 = tpu.vector_load %arg15[%swap3A_1109, %swap3A_1110] {strides = array<i32>} : memref<6x128xf32, #tpu.memory_space<vmem>>, vector<16xf32>,
      tpu.vector_store %arg15[%swap3A_1109, %swap3A_1110], %exp3A_1107 {strides = array<i32>} : memref<6x128xf32, #tpu.memory_space<vmem>>, vector<16xf32>,
      %broadcast_in_dim3A_1112 = arith.constant 0 : i32
      %broadcast_in_dim3A_1113 = vector.broadcast %broadcast_in_dim3A_1112 : i32 to vector<16xi32>
      %parallel_loop3A = arith.constant 0 : i32
      %parallel_loop3A_1114 = arith.constant 128 : i32
      %parallel_loop3A_1115 = arith.constant 1 : i32
      scf.for %parallel_loop3A_2083 = %parallel_loop3A to %parallel_loop3A_1114 step %parallel_loop3A_1115  : i32 {
        %parallel_loop3A_2084 = vector.broadcast %parallel_loop3A_2083 : i32 to vector<16xi32>
        %parallel_loop3A_2085 = tpu.vector_load_idx %arg15[%broadcast_in_dim3A_1113, %parallel_loop3A_2084] : memref<6x128xf32, #tpu.memory_space<vmem>>[vector<16xi32>, vector<16xi32>], vector<16xf32>,
        %parallel_loop3A_2086 = arith.index_cast %parallel_loop3A_2083 : i32 to index
        %parallel_loop3A_2087 = arith.constant 0 : index
        %parallel_loop3A_2088 = tpu.vector_load %arg16[%parallel_loop3A_2086, %parallel_loop3A_2087] {strides = array<i32>} : memref<128x64xf32, #tpu.memory_space<vmem>>, vector<16xf32>,
        %parallel_loop3A_2089 = arith.mulf %parallel_loop3A_2088, %parallel_loop3A_2085 : vector<16xf32>
        %parallel_loop3A_2090 = arith.index_cast %parallel_loop3A_2083 : i32 to index
        %parallel_loop3A_2091 = arith.constant 0 : index
        %parallel_loop3A_2092 = tpu.vector_load %arg16[%parallel_loop3A_2090, %parallel_loop3A_2091] {strides = array<i32>} : memref<128x64xf32, #tpu.memory_space<vmem>>, vector<16xf32>,
        tpu.vector_store %arg16[%parallel_loop3A_2090, %parallel_loop3A_2091], %parallel_loop3A_2089 {strides = array<i32>} : memref<128x64xf32, #tpu.memory_space<vmem>>, vector<16xf32>,
        %parallel_loop3A_2093 = arith.index_cast %parallel_loop3A_2083 : i32 to index
        %parallel_loop3A_2094 = arith.constant 16 : index
        %parallel_loop3A_2095 = tpu.vector_load %arg16[%parallel_loop3A_2093, %parallel_loop3A_2094] {strides = array<i32>} : memref<128x64xf32, #tpu.memory_space<vmem>>, vector<16xf32>,
        %parallel_loop3A_2096 = arith.mulf %parallel_loop3A_2095, %parallel_loop3A_2085 : vector<16xf32>
        %parallel_loop3A_2097 = arith.index_cast %parallel_loop3A_2083 : i32 to index
        %parallel_loop3A_2098 = arith.constant 16 : index
        %parallel_loop3A_2099 = tpu.vector_load %arg16[%parallel_loop3A_2097, %parallel_loop3A_2098] {strides = array<i32>} : memref<128x64xf32, #tpu.memory_space<vmem>>, vector<16xf32>,
        tpu.vector_store %arg16[%parallel_loop3A_2097, %parallel_loop3A_2098], %parallel_loop3A_2096 {strides = array<i32>} : memref<128x64xf32, #tpu.memory_space<vmem>>, vector<16xf32>,
        %parallel_loop3A_2100 = arith.index_cast %parallel_loop3A_2083 : i32 to index
        %parallel_loop3A_2101 = arith.constant 32 : index
        %parallel_loop3A_2102 = tpu.vector_load %arg16[%parallel_loop3A_2100, %parallel_loop3A_2101] {strides = array<i32>} : memref<128x64xf32, #tpu.memory_space<vmem>>, vector<16xf32>,
        %parallel_loop3A_2103 = arith.mulf %parallel_loop3A_2102, %parallel_loop3A_2085 : vector<16xf32>
        %parallel_loop3A_2104 = arith.index_cast %parallel_loop3A_2083 : i32 to index
        %parallel_loop3A_2105 = arith.constant 32 : index
        %parallel_loop3A_2106 = tpu.vector_load %arg16[%parallel_loop3A_2104, %parallel_loop3A_2105] {strides = array<i32>} : memref<128x64xf32, #tpu.memory_space<vmem>>, vector<16xf32>,
        tpu.vector_store %arg16[%parallel_loop3A_2104, %parallel_loop3A_2105], %parallel_loop3A_2103 {strides = array<i32>} : memref<128x64xf32, #tpu.memory_space<vmem>>, vector<16xf32>,
        %parallel_loop3A_2107 = arith.index_cast %parallel_loop3A_2083 : i32 to index
        %parallel_loop3A_2108 = arith.constant 48 : index
        %parallel_loop3A_2109 = tpu.vector_load %arg16[%parallel_loop3A_2107, %parallel_loop3A_2108] {strides = array<i32>} : memref<128x64xf32, #tpu.memory_space<vmem>>, vector<16xf32>,
        %parallel_loop3A_2110 = arith.mulf %parallel_loop3A_2109, %parallel_loop3A_2085 : vector<16xf32>
        %parallel_loop3A_2111 = arith.index_cast %parallel_loop3A_2083 : i32 to index
        %parallel_loop3A_2112 = arith.constant 48 : index
        %parallel_loop3A_2113 = tpu.vector_load %arg16[%parallel_loop3A_2111, %parallel_loop3A_2112] {strides = array<i32>} : memref<128x64xf32, #tpu.memory_space<vmem>>, vector<16xf32>,
        tpu.vector_store %arg16[%parallel_loop3A_2111, %parallel_loop3A_2112], %parallel_loop3A_2110 {strides = array<i32>} : memref<128x64xf32, #tpu.memory_space<vmem>>, vector<16xf32>,
        %parallel_loop3A_2114 = arith.constant 0 : i32
        %parallel_loop3A_2115 = vector.broadcast %parallel_loop3A_2114 : i32 to vector<16xi32>
        %parallel_loop3A_2116 = arith.cmpi eq, %iota3A, %parallel_loop3A_2115 : vector<16xi32>
        %parallel_loop3A_2117 = arith.constant 0.000000e+00 : f32
        %parallel_loop3A_2118 = vector.broadcast %parallel_loop3A_2117 : f32 to vector<16xf32>
        %parallel_loop3A_2119 = arith.select %parallel_loop3A_2116, %parallel_loop3A_2085, %parallel_loop3A_2118 : vector<16xi1>, vector<16xf32>
        %parallel_loop3A_2120 = arith.index_cast %parallel_loop3A_2083 : i32 to index
        %parallel_loop3A_2121 = arith.constant 0 : index
        %parallel_loop3A_2122 = tpu.vector_load %arg18[%parallel_loop3A_2120, %parallel_loop3A_2121] {strides = array<i32>} : memref<128x16xf32, #tpu.memory_space<vmem>>, vector<16xf32>,
        tpu.vector_store %arg18[%parallel_loop3A_2120, %parallel_loop3A_2121], %parallel_loop3A_2119 {strides = array<i32>} : memref<128x16xf32, #tpu.memory_space<vmem>>, vector<16xf32>,
      } {sc.loop_unroll_factor = 4 : i64, sc.parallel_access}
      %run_scoped3A_1116 = arith.constant 0 : i32
      "tpu.region"() ({
        %run_scoped3A_2083 = tpu.sem_alloc : memref<!tpu.dma_semaphore, #tpu.memory_space<semaphore_mem>>
        %dma_start3A_2084 = arith.constant 0 : i32
        %dma_start3A_2085 = tpu.memref_slice %arg13[%run_scoped3A_1116, %dma_start3A_2084] : memref<6x128xi32, #tpu.memory_space<vmem>> -> memref<1x128xi32, #tpu.memory_space<vmem>>
        %dma_start3A_2086 = tpu.memref_squeeze %dma_start3A_2085 : memref<1x128xi32, #tpu.memory_space<vmem>> -> memref<128xi32, #tpu.memory_space<vmem>>
        %dma_start3A_2087 = arith.constant 0 : i32
        %dma_start3A_2088 = arith.constant 0 : i32
        %dma_start3A_2089 = tpu.memref_slice %arg21[%dma_start3A_2087, %dma_start3A_2088] : memref<10240x64xf32, #tpu.memory_space<vmem_shared>> -> memref<10240x64xf32, #tpu.memory_space<vmem_shared>>
        tpu.enqueue_indirect_dma source(%arg16 : memref<128x64xf32, #tpu.memory_space<vmem>>) target(%dma_start3A_2089 : memref<10240x64xf32, #tpu.memory_space<vmem_shared>>) offsets(%dma_start3A_2086 : memref<128xi32, #tpu.memory_space<vmem>>) semaphore(%run_scoped3A_2083 : memref<!tpu.dma_semaphore, #tpu.memory_space<semaphore_mem>>) {add = true}
        %dma_wait3A_2090 = arith.constant 0 : i32
        %dma_wait3A_2091 = tpu.memref_slice %arg13[%run_scoped3A_1116, %dma_wait3A_2090] : memref<6x128xi32, #tpu.memory_space<vmem>> -> memref<1x128xi32, #tpu.memory_space<vmem>>
        %dma_wait3A_2092 = tpu.memref_squeeze %dma_wait3A_2091 : memref<1x128xi32, #tpu.memory_space<vmem>> -> memref<128xi32, #tpu.memory_space<vmem>>
        %dma_wait3A_2093 = arith.constant 0 : i32
        %dma_wait3A_2094 = arith.constant 0 : i32
        %dma_wait3A_2095 = tpu.memref_slice %arg21[%dma_wait3A_2093, %dma_wait3A_2094] : memref<10240x64xf32, #tpu.memory_space<vmem_shared>> -> memref<10240x64xf32, #tpu.memory_space<vmem_shared>>
        tpu.wait_indirect_dma semaphore(%run_scoped3A_2083 : memref<!tpu.dma_semaphore, #tpu.memory_space<semaphore_mem>>) src(%arg16 : memref<128x64xf32, #tpu.memory_space<vmem>>) dst(%dma_wait3A_2095 : memref<10240x64xf32, #tpu.memory_space<vmem_shared>>)
        tpu.yield
      }) : () -> ()
      %run_scoped3A_1117 = arith.constant 0 : i32
      "tpu.region"() ({
        %run_scoped3A_2083 = tpu.sem_alloc : memref<!tpu.dma_semaphore, #tpu.memory_space<semaphore_mem>>
        %dma_start3A_2084 = arith.constant 0 : i32
        %dma_start3A_2085 = tpu.memref_slice %arg13[%run_scoped3A_1117, %dma_start3A_2084] : memref<6x128xi32, #tpu.memory_space<vmem>> -> memref<1x128xi32, #tpu.memory_space<vmem>>
        %dma_start3A_2086 = tpu.memref_squeeze %dma_start3A_2085 : memref<1x128xi32, #tpu.memory_space<vmem>> -> memref<128xi32, #tpu.memory_space<vmem>>
        %dma_start3A_2087 = arith.constant 0 : i32
        %dma_start3A_2088 = arith.constant 0 : i32
        %dma_start3A_2089 = tpu.memref_slice %arg22[%dma_start3A_2087, %dma_start3A_2088] : memref<10240x16xf32, #tpu.memory_space<vmem_shared>> -> memref<10240x16xf32, #tpu.memory_space<vmem_shared>>
        tpu.enqueue_indirect_dma source(%arg18 : memref<128x16xf32, #tpu.memory_space<vmem>>) target(%dma_start3A_2089 : memref<10240x16xf32, #tpu.memory_space<vmem_shared>>) offsets(%dma_start3A_2086 : memref<128xi32, #tpu.memory_space<vmem>>) semaphore(%run_scoped3A_2083 : memref<!tpu.dma_semaphore, #tpu.memory_space<semaphore_mem>>) {add = true}
        %dma_wait3A_2090 = arith.constant 0 : i32
        %dma_wait3A_2091 = tpu.memref_slice %arg13[%run_scoped3A_1117, %dma_wait3A_2090] : memref<6x128xi32, #tpu.memory_space<vmem>> -> memref<1x128xi32, #tpu.memory_space<vmem>>
        %dma_wait3A_2092 = tpu.memref_squeeze %dma_wait3A_2091 : memref<1x128xi32, #tpu.memory_space<vmem>> -> memref<128xi32, #tpu.memory_space<vmem>>
        %dma_wait3A_2093 = arith.constant 0 : i32
        %dma_wait3A_2094 = arith.constant 0 : i32
        %dma_wait3A_2095 = tpu.memref_slice %arg22[%dma_wait3A_2093, %dma_wait3A_2094] : memref<10240x16xf32, #tpu.memory_space<vmem_shared>> -> memref<10240x16xf32, #tpu.memory_space<vmem_shared>>
        tpu.wait_indirect_dma semaphore(%run_scoped3A_2083 : memref<!tpu.dma_semaphore, #tpu.memory_space<semaphore_mem>>) src(%arg18 : memref<128x16xf32, #tpu.memory_space<vmem>>) dst(%dma_wait3A_2095 : memref<10240x16xf32, #tpu.memory_space<vmem_shared>>)
        tpu.yield
      }) : () -> ()
      %dma_start3A_1118 = arith.constant 2 : i32
      %dma_start3A_1119 = arith.constant 0 : i32
      %dma_start3A_1120 = tpu.memref_slice %arg12[%dma_start3A_1118, %dma_start3A_1119] : memref<6x128xi32, #tpu.memory_space<vmem>> -> memref<1x128xi32, #tpu.memory_space<vmem>>
      %dma_start3A_1121 = tpu.memref_squeeze %dma_start3A_1120 : memref<1x128xi32, #tpu.memory_space<vmem>> -> memref<128xi32, #tpu.memory_space<vmem>>
      %dma_start3A_1122 = arith.constant 0 : i32
      %dma_start3A_1123 = arith.constant 0 : i32
      %dma_start3A_1124 = tpu.memref_slice %arg2[%dma_start3A_1122, %dma_start3A_1123] : memref<20480x64xf32, #tpu.memory_space<hbm>> -> memref<20480x64xf32, #tpu.memory_space<hbm>>
      tpu.enqueue_indirect_dma source(%dma_start3A_1124 : memref<20480x64xf32, #tpu.memory_space<hbm>>) target(%arg16 : memref<128x64xf32, #tpu.memory_space<vmem>>) offsets(%dma_start3A_1121 : memref<128xi32, #tpu.memory_space<vmem>>) semaphore(%arg23 : memref<!tpu.dma_semaphore, #tpu.memory_space<semaphore_mem>>)
      %dma_start3A_1125 = arith.constant 1 : i32
      %dma_start3A_1126 = arith.constant 0 : i32
      %dma_start3A_1127 = tpu.memref_slice %arg12[%dma_start3A_1125, %dma_start3A_1126] : memref<6x128xi32, #tpu.memory_space<vmem>> -> memref<1x128xi32, #tpu.memory_space<vmem>>
      %dma_start3A_1128 = tpu.memref_squeeze %dma_start3A_1127 : memref<1x128xi32, #tpu.memory_space<vmem>> -> memref<128xi32, #tpu.memory_space<vmem>>
      %dma_start3A_1129 = arith.constant 0 : i32
      %dma_start3A_1130 = arith.constant 0 : i32
      %dma_start3A_1131 = tpu.memref_slice %arg6[%dma_start3A_1129, %dma_start3A_1130] : memref<20480x16xf32, #tpu.memory_space<hbm>> -> memref<20480x16xf32, #tpu.memory_space<hbm>>
      tpu.enqueue_indirect_dma source(%dma_start3A_1131 : memref<20480x16xf32, #tpu.memory_space<hbm>>) target(%arg19 : memref<128x16xf32, #tpu.memory_space<vmem>>) offsets(%dma_start3A_1128 : memref<128xi32, #tpu.memory_space<vmem>>) semaphore(%arg25 : memref<!tpu.dma_semaphore, #tpu.memory_space<semaphore_mem>>)
      %dma_start3A_1132 = arith.constant 1 : i32
      %dma_start3A_1133 = arith.constant 0 : i32
      %dma_start3A_1134 = tpu.memref_slice %arg13[%dma_start3A_1132, %dma_start3A_1133] : memref<6x128xi32, #tpu.memory_space<vmem>> -> memref<1x128xi32, #tpu.memory_space<vmem>>
      %dma_start3A_1135 = tpu.memref_squeeze %dma_start3A_1134 : memref<1x128xi32, #tpu.memory_space<vmem>> -> memref<128xi32, #tpu.memory_space<vmem>>
      %dma_start3A_1136 = arith.constant 0 : i32
      %dma_start3A_1137 = arith.constant 0 : i32
      %dma_start3A_1138 = tpu.memref_slice %arg7[%dma_start3A_1136, %dma_start3A_1137] : memref<10240x16xf32, #tpu.memory_space<hbm>> -> memref<10240x16xf32, #tpu.memory_space<hbm>>
      tpu.enqueue_indirect_dma source(%dma_start3A_1138 : memref<10240x16xf32, #tpu.memory_space<hbm>>) target(%arg20 : memref<128x16xf32, #tpu.memory_space<vmem>>) offsets(%dma_start3A_1135 : memref<128xi32, #tpu.memory_space<vmem>>) semaphore(%arg25 : memref<!tpu.dma_semaphore, #tpu.memory_space<semaphore_mem>>)
      %dma_wait3A_1139 = arith.constant 1 : i32
      %dma_wait3A_1140 = arith.constant 0 : i32
      %dma_wait3A_1141 = tpu.memref_slice %arg12[%dma_wait3A_1139, %dma_wait3A_1140] : memref<6x128xi32, #tpu.memory_space<vmem>> -> memref<1x128xi32, #tpu.memory_space<vmem>>
      %dma_wait3A_1142 = tpu.memref_squeeze %dma_wait3A_1141 : memref<1x128xi32, #tpu.memory_space<vmem>> -> memref<128xi32, #tpu.memory_space<vmem>>
      %dma_wait3A_1143 = arith.constant 0 : i32
      %dma_wait3A_1144 = arith.constant 0 : i32
      %dma_wait3A_1145 = tpu.memref_slice %arg2[%dma_wait3A_1143, %dma_wait3A_1144] : memref<20480x64xf32, #tpu.memory_space<hbm>> -> memref<20480x64xf32, #tpu.memory_space<hbm>>
      tpu.wait_indirect_dma semaphore(%arg24 : memref<!tpu.dma_semaphore, #tpu.memory_space<semaphore_mem>>) src(%dma_wait3A_1145 : memref<20480x64xf32, #tpu.memory_space<hbm>>) dst(%arg17 : memref<128x64xf32, #tpu.memory_space<vmem>>)
      %run_scoped3A_1146 = arith.constant 1 : i32
      "tpu.region"() ({
        %run_scoped3A_2083 = tpu.sem_alloc : memref<!tpu.dma_semaphore, #tpu.memory_space<semaphore_mem>>
        %dma_start3A_2084 = arith.constant 0 : i32
        %dma_start3A_2085 = tpu.memref_slice %arg14[%run_scoped3A_1146, %dma_start3A_2084] : memref<6x128xi32, #tpu.memory_space<vmem>> -> memref<1x128xi32, #tpu.memory_space<vmem>>
        %dma_start3A_2086 = tpu.memref_squeeze %dma_start3A_2085 : memref<1x128xi32, #tpu.memory_space<vmem>> -> memref<128xi32, #tpu.memory_space<vmem>>
        %dma_start3A_2087 = arith.constant 0 : i32
        %dma_start3A_2088 = arith.constant 0 : i32
        %dma_start3A_2089 = tpu.memref_slice %arg8[%dma_start3A_2087, %dma_start3A_2088] : memref<660000x64xf32, #tpu.memory_space<hbm>> -> memref<660000x64xf32, #tpu.memory_space<hbm>>
        tpu.enqueue_indirect_dma source(%arg17 : memref<128x64xf32, #tpu.memory_space<vmem>>) target(%dma_start3A_2089 : memref<660000x64xf32, #tpu.memory_space<hbm>>) offsets(%dma_start3A_2086 : memref<128xi32, #tpu.memory_space<vmem>>) semaphore(%run_scoped3A_2083 : memref<!tpu.dma_semaphore, #tpu.memory_space<semaphore_mem>>)
        %dma_wait3A_2090 = arith.constant 0 : i32
        %dma_wait3A_2091 = tpu.memref_slice %arg14[%run_scoped3A_1146, %dma_wait3A_2090] : memref<6x128xi32, #tpu.memory_space<vmem>> -> memref<1x128xi32, #tpu.memory_space<vmem>>
        %dma_wait3A_2092 = tpu.memref_squeeze %dma_wait3A_2091 : memref<1x128xi32, #tpu.memory_space<vmem>> -> memref<128xi32, #tpu.memory_space<vmem>>
        %dma_wait3A_2093 = arith.constant 0 : i32
        %dma_wait3A_2094 = arith.constant 0 : i32
        %dma_wait3A_2095 = tpu.memref_slice %arg8[%dma_wait3A_2093, %dma_wait3A_2094] : memref<660000x64xf32, #tpu.memory_space<hbm>> -> memref<660000x64xf32, #tpu.memory_space<hbm>>
        tpu.wait_indirect_dma semaphore(%run_scoped3A_2083 : memref<!tpu.dma_semaphore, #tpu.memory_space<semaphore_mem>>) src(%arg17 : memref<128x64xf32, #tpu.memory_space<vmem>>) dst(%dma_wait3A_2095 : memref<660000x64xf32, #tpu.memory_space<hbm>>)
        tpu.yield
      }) : () -> ()
      %dma_wait3A_1147 = arith.constant 1 : i32
      %dma_wait3A_1148 = arith.constant 0 : i32
      %dma_wait3A_1149 = tpu.memref_slice %arg12[%dma_wait3A_1147, %dma_wait3A_1148] : memref<6x128xi32, #tpu.memory_space<vmem>> -> memref<1x128xi32, #tpu.memory_space<vmem>>
      %dma_wait3A_1150 = tpu.memref_squeeze %dma_wait3A_1149 : memref<1x128xi32, #tpu.memory_space<vmem>> -> memref<128xi32, #tpu.memory_space<vmem>>
      %dma_wait3A_1151 = arith.constant 0 : i32
      %dma_wait3A_1152 = arith.constant 0 : i32
      %dma_wait3A_1153 = tpu.memref_slice %arg6[%dma_wait3A_1151, %dma_wait3A_1152] : memref<20480x16xf32, #tpu.memory_space<hbm>> -> memref<20480x16xf32, #tpu.memory_space<hbm>>
      tpu.wait_indirect_dma semaphore(%arg25 : memref<!tpu.dma_semaphore, #tpu.memory_space<semaphore_mem>>) src(%dma_wait3A_1153 : memref<20480x16xf32, #tpu.memory_space<hbm>>) dst(%arg19 : memref<128x16xf32, #tpu.memory_space<vmem>>)
      %dma_wait3A_1154 = arith.constant 1 : i32
      %dma_wait3A_1155 = arith.constant 0 : i32
      %dma_wait3A_1156 = tpu.memref_slice %arg13[%dma_wait3A_1154, %dma_wait3A_1155] : memref<6x128xi32, #tpu.memory_space<vmem>> -> memref<1x128xi32, #tpu.memory_space<vmem>>
      %dma_wait3A_1157 = tpu.memref_squeeze %dma_wait3A_1156 : memref<1x128xi32, #tpu.memory_space<vmem>> -> memref<128xi32, #tpu.memory_space<vmem>>
      %dma_wait3A_1158 = arith.constant 0 : i32
      %dma_wait3A_1159 = arith.constant 0 : i32
      %dma_wait3A_1160 = tpu.memref_slice %arg7[%dma_wait3A_1158, %dma_wait3A_1159] : memref<10240x16xf32, #tpu.memory_space<hbm>> -> memref<10240x16xf32, #tpu.memory_space<hbm>>
      tpu.wait_indirect_dma semaphore(%arg25 : memref<!tpu.dma_semaphore, #tpu.memory_space<semaphore_mem>>) src(%dma_wait3A_1160 : memref<10240x16xf32, #tpu.memory_space<hbm>>) dst(%arg20 : memref<128x16xf32, #tpu.memory_space<vmem>>)
      %add3A_1161 = arith.constant 0 : i32
      %add3A_1162 = vector.broadcast %add3A_1161 : i32 to vector<16xi32>
      %add3A_1163 = arith.addi %iota3A, %add3A_1162 : vector<16xi32>
      %gather3A_1164 = tpu.vector_load_idx %arg20[%add3A_1163, %broadcast_in_dim3A_23] : memref<128x16xf32, #tpu.memory_space<vmem>>[vector<16xi32>, vector<16xi32>], vector<16xf32>,
      %gather3A_1165 = tpu.vector_load_idx %arg19[%add3A_1163, %broadcast_in_dim3A_23] : memref<128x16xf32, #tpu.memory_space<vmem>>[vector<16xi32>, vector<16xi32>], vector<16xf32>,
      %add3A_1166 = arith.addf %gather3A_1164, %gather3A_1165 : vector<16xf32>
      %ge3A_1167 = arith.constant 0.000000e+00 : f32
      %ge3A_1168 = vector.broadcast %ge3A_1167 : f32 to vector<16xf32>
      %ge3A_1169 = arith.cmpf oge, %add3A_1166, %ge3A_1168 : vector<16xf32>
      %mul3A_1170 = arith.constant 0.00999999977 : f32
      %mul3A_1171 = vector.broadcast %mul3A_1170 : f32 to vector<16xf32>
      %mul3A_1172 = arith.mulf %add3A_1166, %mul3A_1171 : vector<16xf32>
      %select_n3A_1173 = arith.select %ge3A_1169, %add3A_1166, %mul3A_1172 : vector<16xi1>, vector<16xf32>
      %exp3A_1174 = math.exp %select_n3A_1173 : vector<16xf32>
      %swap3A_1175 = arith.constant 1 : i32
      %swap3A_1176 = arith.index_cast %swap3A_1175 : i32 to index
      %swap3A_1177 = arith.constant 0 : index
      %swap3A_1178 = tpu.vector_load %arg15[%swap3A_1176, %swap3A_1177] {strides = array<i32>} : memref<6x128xf32, #tpu.memory_space<vmem>>, vector<16xf32>,
      tpu.vector_store %arg15[%swap3A_1176, %swap3A_1177], %exp3A_1174 {strides = array<i32>} : memref<6x128xf32, #tpu.memory_space<vmem>>, vector<16xf32>,
      %add3A_1179 = arith.constant 16 : i32
      %add3A_1180 = vector.broadcast %add3A_1179 : i32 to vector<16xi32>
      %add3A_1181 = arith.addi %iota3A, %add3A_1180 : vector<16xi32>
      %gather3A_1182 = tpu.vector_load_idx %arg20[%add3A_1181, %broadcast_in_dim3A_23] : memref<128x16xf32, #tpu.memory_space<vmem>>[vector<16xi32>, vector<16xi32>], vector<16xf32>,
      %gather3A_1183 = tpu.vector_load_idx %arg19[%add3A_1181, %broadcast_in_dim3A_23] : memref<128x16xf32, #tpu.memory_space<vmem>>[vector<16xi32>, vector<16xi32>], vector<16xf32>,
      %add3A_1184 = arith.addf %gather3A_1182, %gather3A_1183 : vector<16xf32>
      %ge3A_1185 = arith.constant 0.000000e+00 : f32
      %ge3A_1186 = vector.broadcast %ge3A_1185 : f32 to vector<16xf32>
      %ge3A_1187 = arith.cmpf oge, %add3A_1184, %ge3A_1186 : vector<16xf32>
      %mul3A_1188 = arith.constant 0.00999999977 : f32
      %mul3A_1189 = vector.broadcast %mul3A_1188 : f32 to vector<16xf32>
      %mul3A_1190 = arith.mulf %add3A_1184, %mul3A_1189 : vector<16xf32>
      %select_n3A_1191 = arith.select %ge3A_1187, %add3A_1184, %mul3A_1190 : vector<16xi1>, vector<16xf32>
      %exp3A_1192 = math.exp %select_n3A_1191 : vector<16xf32>
      %swap3A_1193 = arith.constant 1 : i32
      %swap3A_1194 = arith.index_cast %swap3A_1193 : i32 to index
      %swap3A_1195 = arith.constant 16 : index
      %swap3A_1196 = tpu.vector_load %arg15[%swap3A_1194, %swap3A_1195] {strides = array<i32>} : memref<6x128xf32, #tpu.memory_space<vmem>>, vector<16xf32>,
      tpu.vector_store %arg15[%swap3A_1194, %swap3A_1195], %exp3A_1192 {strides = array<i32>} : memref<6x128xf32, #tpu.memory_space<vmem>>, vector<16xf32>,
      %add3A_1197 = arith.constant 32 : i32
      %add3A_1198 = vector.broadcast %add3A_1197 : i32 to vector<16xi32>
      %add3A_1199 = arith.addi %iota3A, %add3A_1198 : vector<16xi32>
      %gather3A_1200 = tpu.vector_load_idx %arg20[%add3A_1199, %broadcast_in_dim3A_23] : memref<128x16xf32, #tpu.memory_space<vmem>>[vector<16xi32>, vector<16xi32>], vector<16xf32>,
      %gather3A_1201 = tpu.vector_load_idx %arg19[%add3A_1199, %broadcast_in_dim3A_23] : memref<128x16xf32, #tpu.memory_space<vmem>>[vector<16xi32>, vector<16xi32>], vector<16xf32>,
      %add3A_1202 = arith.addf %gather3A_1200, %gather3A_1201 : vector<16xf32>
      %ge3A_1203 = arith.constant 0.000000e+00 : f32
      %ge3A_1204 = vector.broadcast %ge3A_1203 : f32 to vector<16xf32>
      %ge3A_1205 = arith.cmpf oge, %add3A_1202, %ge3A_1204 : vector<16xf32>
      %mul3A_1206 = arith.constant 0.00999999977 : f32
      %mul3A_1207 = vector.broadcast %mul3A_1206 : f32 to vector<16xf32>
      %mul3A_1208 = arith.mulf %add3A_1202, %mul3A_1207 : vector<16xf32>
      %select_n3A_1209 = arith.select %ge3A_1205, %add3A_1202, %mul3A_1208 : vector<16xi1>, vector<16xf32>
      %exp3A_1210 = math.exp %select_n3A_1209 : vector<16xf32>
      %swap3A_1211 = arith.constant 1 : i32
      %swap3A_1212 = arith.index_cast %swap3A_1211 : i32 to index
      %swap3A_1213 = arith.constant 32 : index
      %swap3A_1214 = tpu.vector_load %arg15[%swap3A_1212, %swap3A_1213] {strides = array<i32>} : memref<6x128xf32, #tpu.memory_space<vmem>>, vector<16xf32>,
      tpu.vector_store %arg15[%swap3A_1212, %swap3A_1213], %exp3A_1210 {strides = array<i32>} : memref<6x128xf32, #tpu.memory_space<vmem>>, vector<16xf32>,
      %add3A_1215 = arith.constant 48 : i32
      %add3A_1216 = vector.broadcast %add3A_1215 : i32 to vector<16xi32>
      %add3A_1217 = arith.addi %iota3A, %add3A_1216 : vector<16xi32>
      %gather3A_1218 = tpu.vector_load_idx %arg20[%add3A_1217, %broadcast_in_dim3A_23] : memref<128x16xf32, #tpu.memory_space<vmem>>[vector<16xi32>, vector<16xi32>], vector<16xf32>,
      %gather3A_1219 = tpu.vector_load_idx %arg19[%add3A_1217, %broadcast_in_dim3A_23] : memref<128x16xf32, #tpu.memory_space<vmem>>[vector<16xi32>, vector<16xi32>], vector<16xf32>,
      %add3A_1220 = arith.addf %gather3A_1218, %gather3A_1219 : vector<16xf32>
      %ge3A_1221 = arith.constant 0.000000e+00 : f32
      %ge3A_1222 = vector.broadcast %ge3A_1221 : f32 to vector<16xf32>
      %ge3A_1223 = arith.cmpf oge, %add3A_1220, %ge3A_1222 : vector<16xf32>
      %mul3A_1224 = arith.constant 0.00999999977 : f32
      %mul3A_1225 = vector.broadcast %mul3A_1224 : f32 to vector<16xf32>
      %mul3A_1226 = arith.mulf %add3A_1220, %mul3A_1225 : vector<16xf32>
      %select_n3A_1227 = arith.select %ge3A_1223, %add3A_1220, %mul3A_1226 : vector<16xi1>, vector<16xf32>
      %exp3A_1228 = math.exp %select_n3A_1227 : vector<16xf32>
      %swap3A_1229 = arith.constant 1 : i32
      %swap3A_1230 = arith.index_cast %swap3A_1229 : i32 to index
      %swap3A_1231 = arith.constant 48 : index
      %swap3A_1232 = tpu.vector_load %arg15[%swap3A_1230, %swap3A_1231] {strides = array<i32>} : memref<6x128xf32, #tpu.memory_space<vmem>>, vector<16xf32>,
      tpu.vector_store %arg15[%swap3A_1230, %swap3A_1231], %exp3A_1228 {strides = array<i32>} : memref<6x128xf32, #tpu.memory_space<vmem>>, vector<16xf32>,
      %add3A_1233 = arith.constant 64 : i32
      %add3A_1234 = vector.broadcast %add3A_1233 : i32 to vector<16xi32>
      %add3A_1235 = arith.addi %iota3A, %add3A_1234 : vector<16xi32>
      %gather3A_1236 = tpu.vector_load_idx %arg20[%add3A_1235, %broadcast_in_dim3A_23] : memref<128x16xf32, #tpu.memory_space<vmem>>[vector<16xi32>, vector<16xi32>], vector<16xf32>,
      %gather3A_1237 = tpu.vector_load_idx %arg19[%add3A_1235, %broadcast_in_dim3A_23] : memref<128x16xf32, #tpu.memory_space<vmem>>[vector<16xi32>, vector<16xi32>], vector<16xf32>,
      %add3A_1238 = arith.addf %gather3A_1236, %gather3A_1237 : vector<16xf32>
      %ge3A_1239 = arith.constant 0.000000e+00 : f32
      %ge3A_1240 = vector.broadcast %ge3A_1239 : f32 to vector<16xf32>
      %ge3A_1241 = arith.cmpf oge, %add3A_1238, %ge3A_1240 : vector<16xf32>
      %mul3A_1242 = arith.constant 0.00999999977 : f32
      %mul3A_1243 = vector.broadcast %mul3A_1242 : f32 to vector<16xf32>
      %mul3A_1244 = arith.mulf %add3A_1238, %mul3A_1243 : vector<16xf32>
      %select_n3A_1245 = arith.select %ge3A_1241, %add3A_1238, %mul3A_1244 : vector<16xi1>, vector<16xf32>
      %exp3A_1246 = math.exp %select_n3A_1245 : vector<16xf32>
      %swap3A_1247 = arith.constant 1 : i32
      %swap3A_1248 = arith.index_cast %swap3A_1247 : i32 to index
      %swap3A_1249 = arith.constant 64 : index
      %swap3A_1250 = tpu.vector_load %arg15[%swap3A_1248, %swap3A_1249] {strides = array<i32>} : memref<6x128xf32, #tpu.memory_space<vmem>>, vector<16xf32>,
      tpu.vector_store %arg15[%swap3A_1248, %swap3A_1249], %exp3A_1246 {strides = array<i32>} : memref<6x128xf32, #tpu.memory_space<vmem>>, vector<16xf32>,
      %add3A_1251 = arith.constant 80 : i32
      %add3A_1252 = vector.broadcast %add3A_1251 : i32 to vector<16xi32>
      %add3A_1253 = arith.addi %iota3A, %add3A_1252 : vector<16xi32>
      %gather3A_1254 = tpu.vector_load_idx %arg20[%add3A_1253, %broadcast_in_dim3A_23] : memref<128x16xf32, #tpu.memory_space<vmem>>[vector<16xi32>, vector<16xi32>], vector<16xf32>,
      %gather3A_1255 = tpu.vector_load_idx %arg19[%add3A_1253, %broadcast_in_dim3A_23] : memref<128x16xf32, #tpu.memory_space<vmem>>[vector<16xi32>, vector<16xi32>], vector<16xf32>,
      %add3A_1256 = arith.addf %gather3A_1254, %gather3A_1255 : vector<16xf32>
      %ge3A_1257 = arith.constant 0.000000e+00 : f32
      %ge3A_1258 = vector.broadcast %ge3A_1257 : f32 to vector<16xf32>
      %ge3A_1259 = arith.cmpf oge, %add3A_1256, %ge3A_1258 : vector<16xf32>
      %mul3A_1260 = arith.constant 0.00999999977 : f32
      %mul3A_1261 = vector.broadcast %mul3A_1260 : f32 to vector<16xf32>
      %mul3A_1262 = arith.mulf %add3A_1256, %mul3A_1261 : vector<16xf32>
      %select_n3A_1263 = arith.select %ge3A_1259, %add3A_1256, %mul3A_1262 : vector<16xi1>, vector<16xf32>
      %exp3A_1264 = math.exp %select_n3A_1263 : vector<16xf32>
      %swap3A_1265 = arith.constant 1 : i32
      %swap3A_1266 = arith.index_cast %swap3A_1265 : i32 to index
      %swap3A_1267 = arith.constant 80 : index
      %swap3A_1268 = tpu.vector_load %arg15[%swap3A_1266, %swap3A_1267] {strides = array<i32>} : memref<6x128xf32, #tpu.memory_space<vmem>>, vector<16xf32>,
      tpu.vector_store %arg15[%swap3A_1266, %swap3A_1267], %exp3A_1264 {strides = array<i32>} : memref<6x128xf32, #tpu.memory_space<vmem>>, vector<16xf32>,
      %add3A_1269 = arith.constant 96 : i32
      %add3A_1270 = vector.broadcast %add3A_1269 : i32 to vector<16xi32>
      %add3A_1271 = arith.addi %iota3A, %add3A_1270 : vector<16xi32>
      %gather3A_1272 = tpu.vector_load_idx %arg20[%add3A_1271, %broadcast_in_dim3A_23] : memref<128x16xf32, #tpu.memory_space<vmem>>[vector<16xi32>, vector<16xi32>], vector<16xf32>,
      %gather3A_1273 = tpu.vector_load_idx %arg19[%add3A_1271, %broadcast_in_dim3A_23] : memref<128x16xf32, #tpu.memory_space<vmem>>[vector<16xi32>, vector<16xi32>], vector<16xf32>,
      %add3A_1274 = arith.addf %gather3A_1272, %gather3A_1273 : vector<16xf32>
      %ge3A_1275 = arith.constant 0.000000e+00 : f32
      %ge3A_1276 = vector.broadcast %ge3A_1275 : f32 to vector<16xf32>
      %ge3A_1277 = arith.cmpf oge, %add3A_1274, %ge3A_1276 : vector<16xf32>
      %mul3A_1278 = arith.constant 0.00999999977 : f32
      %mul3A_1279 = vector.broadcast %mul3A_1278 : f32 to vector<16xf32>
      %mul3A_1280 = arith.mulf %add3A_1274, %mul3A_1279 : vector<16xf32>
      %select_n3A_1281 = arith.select %ge3A_1277, %add3A_1274, %mul3A_1280 : vector<16xi1>, vector<16xf32>
      %exp3A_1282 = math.exp %select_n3A_1281 : vector<16xf32>
      %swap3A_1283 = arith.constant 1 : i32
      %swap3A_1284 = arith.index_cast %swap3A_1283 : i32 to index
      %swap3A_1285 = arith.constant 96 : index
      %swap3A_1286 = tpu.vector_load %arg15[%swap3A_1284, %swap3A_1285] {strides = array<i32>} : memref<6x128xf32, #tpu.memory_space<vmem>>, vector<16xf32>,
      tpu.vector_store %arg15[%swap3A_1284, %swap3A_1285], %exp3A_1282 {strides = array<i32>} : memref<6x128xf32, #tpu.memory_space<vmem>>, vector<16xf32>,
      %add3A_1287 = arith.constant 112 : i32
      %add3A_1288 = vector.broadcast %add3A_1287 : i32 to vector<16xi32>
      %add3A_1289 = arith.addi %iota3A, %add3A_1288 : vector<16xi32>
      %gather3A_1290 = tpu.vector_load_idx %arg20[%add3A_1289, %broadcast_in_dim3A_23] : memref<128x16xf32, #tpu.memory_space<vmem>>[vector<16xi32>, vector<16xi32>], vector<16xf32>,
      %gather3A_1291 = tpu.vector_load_idx %arg19[%add3A_1289, %broadcast_in_dim3A_23] : memref<128x16xf32, #tpu.memory_space<vmem>>[vector<16xi32>, vector<16xi32>], vector<16xf32>,
      %add3A_1292 = arith.addf %gather3A_1290, %gather3A_1291 : vector<16xf32>
      %ge3A_1293 = arith.constant 0.000000e+00 : f32
      %ge3A_1294 = vector.broadcast %ge3A_1293 : f32 to vector<16xf32>
      %ge3A_1295 = arith.cmpf oge, %add3A_1292, %ge3A_1294 : vector<16xf32>
      %mul3A_1296 = arith.constant 0.00999999977 : f32
      %mul3A_1297 = vector.broadcast %mul3A_1296 : f32 to vector<16xf32>
      %mul3A_1298 = arith.mulf %add3A_1292, %mul3A_1297 : vector<16xf32>
      %select_n3A_1299 = arith.select %ge3A_1295, %add3A_1292, %mul3A_1298 : vector<16xi1>, vector<16xf32>
      %exp3A_1300 = math.exp %select_n3A_1299 : vector<16xf32>
      %swap3A_1301 = arith.constant 1 : i32
      %swap3A_1302 = arith.index_cast %swap3A_1301 : i32 to index
      %swap3A_1303 = arith.constant 112 : index
      %swap3A_1304 = tpu.vector_load %arg15[%swap3A_1302, %swap3A_1303] {strides = array<i32>} : memref<6x128xf32, #tpu.memory_space<vmem>>, vector<16xf32>,
      tpu.vector_store %arg15[%swap3A_1302, %swap3A_1303], %exp3A_1300 {strides = array<i32>} : memref<6x128xf32, #tpu.memory_space<vmem>>, vector<16xf32>,
      %broadcast_in_dim3A_1305 = arith.constant 1 : i32
      %broadcast_in_dim3A_1306 = vector.broadcast %broadcast_in_dim3A_1305 : i32 to vector<16xi32>
      %parallel_loop3A_1307 = arith.constant 0 : i32
      %parallel_loop3A_1308 = arith.constant 128 : i32
      %parallel_loop3A_1309 = arith.constant 1 : i32
      scf.for %parallel_loop3A_2083 = %parallel_loop3A_1307 to %parallel_loop3A_1308 step %parallel_loop3A_1309  : i32 {
        %parallel_loop3A_2084 = vector.broadcast %parallel_loop3A_2083 : i32 to vector<16xi32>
        %parallel_loop3A_2085 = tpu.vector_load_idx %arg15[%broadcast_in_dim3A_1306, %parallel_loop3A_2084] : memref<6x128xf32, #tpu.memory_space<vmem>>[vector<16xi32>, vector<16xi32>], vector<16xf32>,
        %parallel_loop3A_2086 = arith.index_cast %parallel_loop3A_2083 : i32 to index
        %parallel_loop3A_2087 = arith.constant 0 : index
        %parallel_loop3A_2088 = tpu.vector_load %arg17[%parallel_loop3A_2086, %parallel_loop3A_2087] {strides = array<i32>} : memref<128x64xf32, #tpu.memory_space<vmem>>, vector<16xf32>,
        %parallel_loop3A_2089 = arith.mulf %parallel_loop3A_2088, %parallel_loop3A_2085 : vector<16xf32>
        %parallel_loop3A_2090 = arith.index_cast %parallel_loop3A_2083 : i32 to index
        %parallel_loop3A_2091 = arith.constant 0 : index
        %parallel_loop3A_2092 = tpu.vector_load %arg17[%parallel_loop3A_2090, %parallel_loop3A_2091] {strides = array<i32>} : memref<128x64xf32, #tpu.memory_space<vmem>>, vector<16xf32>,
        tpu.vector_store %arg17[%parallel_loop3A_2090, %parallel_loop3A_2091], %parallel_loop3A_2089 {strides = array<i32>} : memref<128x64xf32, #tpu.memory_space<vmem>>, vector<16xf32>,
        %parallel_loop3A_2093 = arith.index_cast %parallel_loop3A_2083 : i32 to index
        %parallel_loop3A_2094 = arith.constant 16 : index
        %parallel_loop3A_2095 = tpu.vector_load %arg17[%parallel_loop3A_2093, %parallel_loop3A_2094] {strides = array<i32>} : memref<128x64xf32, #tpu.memory_space<vmem>>, vector<16xf32>,
        %parallel_loop3A_2096 = arith.mulf %parallel_loop3A_2095, %parallel_loop3A_2085 : vector<16xf32>
        %parallel_loop3A_2097 = arith.index_cast %parallel_loop3A_2083 : i32 to index
        %parallel_loop3A_2098 = arith.constant 16 : index
        %parallel_loop3A_2099 = tpu.vector_load %arg17[%parallel_loop3A_2097, %parallel_loop3A_2098] {strides = array<i32>} : memref<128x64xf32, #tpu.memory_space<vmem>>, vector<16xf32>,
        tpu.vector_store %arg17[%parallel_loop3A_2097, %parallel_loop3A_2098], %parallel_loop3A_2096 {strides = array<i32>} : memref<128x64xf32, #tpu.memory_space<vmem>>, vector<16xf32>,
        %parallel_loop3A_2100 = arith.index_cast %parallel_loop3A_2083 : i32 to index
        %parallel_loop3A_2101 = arith.constant 32 : index
        %parallel_loop3A_2102 = tpu.vector_load %arg17[%parallel_loop3A_2100, %parallel_loop3A_2101] {strides = array<i32>} : memref<128x64xf32, #tpu.memory_space<vmem>>, vector<16xf32>,
        %parallel_loop3A_2103 = arith.mulf %parallel_loop3A_2102, %parallel_loop3A_2085 : vector<16xf32>
        %parallel_loop3A_2104 = arith.index_cast %parallel_loop3A_2083 : i32 to index
        %parallel_loop3A_2105 = arith.constant 32 : index
        %parallel_loop3A_2106 = tpu.vector_load %arg17[%parallel_loop3A_2104, %parallel_loop3A_2105] {strides = array<i32>} : memref<128x64xf32, #tpu.memory_space<vmem>>, vector<16xf32>,
        tpu.vector_store %arg17[%parallel_loop3A_2104, %parallel_loop3A_2105], %parallel_loop3A_2103 {strides = array<i32>} : memref<128x64xf32, #tpu.memory_space<vmem>>, vector<16xf32>,
        %parallel_loop3A_2107 = arith.index_cast %parallel_loop3A_2083 : i32 to index
        %parallel_loop3A_2108 = arith.constant 48 : index
        %parallel_loop3A_2109 = tpu.vector_load %arg17[%parallel_loop3A_2107, %parallel_loop3A_2108] {strides = array<i32>} : memref<128x64xf32, #tpu.memory_space<vmem>>, vector<16xf32>,
        %parallel_loop3A_2110 = arith.mulf %parallel_loop3A_2109, %parallel_loop3A_2085 : vector<16xf32>
        %parallel_loop3A_2111 = arith.index_cast %parallel_loop3A_2083 : i32 to index
        %parallel_loop3A_2112 = arith.constant 48 : index
        %parallel_loop3A_2113 = tpu.vector_load %arg17[%parallel_loop3A_2111, %parallel_loop3A_2112] {strides = array<i32>} : memref<128x64xf32, #tpu.memory_space<vmem>>, vector<16xf32>,
        tpu.vector_store %arg17[%parallel_loop3A_2111, %parallel_loop3A_2112], %parallel_loop3A_2110 {strides = array<i32>} : memref<128x64xf32, #tpu.memory_space<vmem>>, vector<16xf32>,
        %parallel_loop3A_2114 = arith.constant 0 : i32
        %parallel_loop3A_2115 = vector.broadcast %parallel_loop3A_2114 : i32 to vector<16xi32>
        %parallel_loop3A_2116 = arith.cmpi eq, %iota3A, %parallel_loop3A_2115 : vector<16xi32>
        %parallel_loop3A_2117 = arith.constant 0.000000e+00 : f32
        %parallel_loop3A_2118 = vector.broadcast %parallel_loop3A_2117 : f32 to vector<16xf32>
        %parallel_loop3A_2119 = arith.select %parallel_loop3A_2116, %parallel_loop3A_2085, %parallel_loop3A_2118 : vector<16xi1>, vector<16xf32>
        %parallel_loop3A_2120 = arith.index_cast %parallel_loop3A_2083 : i32 to index
        %parallel_loop3A_2121 = arith.constant 0 : index
        %parallel_loop3A_2122 = tpu.vector_load %arg18[%parallel_loop3A_2120, %parallel_loop3A_2121] {strides = array<i32>} : memref<128x16xf32, #tpu.memory_space<vmem>>, vector<16xf32>,
        tpu.vector_store %arg18[%parallel_loop3A_2120, %parallel_loop3A_2121], %parallel_loop3A_2119 {strides = array<i32>} : memref<128x16xf32, #tpu.memory_space<vmem>>, vector<16xf32>,
      } {sc.loop_unroll_factor = 4 : i64, sc.parallel_access}
      %run_scoped3A_1310 = arith.constant 1 : i32
      "tpu.region"() ({
        %run_scoped3A_2083 = tpu.sem_alloc : memref<!tpu.dma_semaphore, #tpu.memory_space<semaphore_mem>>
        %dma_start3A_2084 = arith.constant 0 : i32
        %dma_start3A_2085 = tpu.memref_slice %arg13[%run_scoped3A_1310, %dma_start3A_2084] : memref<6x128xi32, #tpu.memory_space<vmem>> -> memref<1x128xi32, #tpu.memory_space<vmem>>
        %dma_start3A_2086 = tpu.memref_squeeze %dma_start3A_2085 : memref<1x128xi32, #tpu.memory_space<vmem>> -> memref<128xi32, #tpu.memory_space<vmem>>
        %dma_start3A_2087 = arith.constant 0 : i32
        %dma_start3A_2088 = arith.constant 0 : i32
        %dma_start3A_2089 = tpu.memref_slice %arg21[%dma_start3A_2087, %dma_start3A_2088] : memref<10240x64xf32, #tpu.memory_space<vmem_shared>> -> memref<10240x64xf32, #tpu.memory_space<vmem_shared>>
        tpu.enqueue_indirect_dma source(%arg17 : memref<128x64xf32, #tpu.memory_space<vmem>>) target(%dma_start3A_2089 : memref<10240x64xf32, #tpu.memory_space<vmem_shared>>) offsets(%dma_start3A_2086 : memref<128xi32, #tpu.memory_space<vmem>>) semaphore(%run_scoped3A_2083 : memref<!tpu.dma_semaphore, #tpu.memory_space<semaphore_mem>>) {add = true}
        %dma_wait3A_2090 = arith.constant 0 : i32
        %dma_wait3A_2091 = tpu.memref_slice %arg13[%run_scoped3A_1310, %dma_wait3A_2090] : memref<6x128xi32, #tpu.memory_space<vmem>> -> memref<1x128xi32, #tpu.memory_space<vmem>>
        %dma_wait3A_2092 = tpu.memref_squeeze %dma_wait3A_2091 : memref<1x128xi32, #tpu.memory_space<vmem>> -> memref<128xi32, #tpu.memory_space<vmem>>
        %dma_wait3A_2093 = arith.constant 0 : i32
        %dma_wait3A_2094 = arith.constant 0 : i32
        %dma_wait3A_2095 = tpu.memref_slice %arg21[%dma_wait3A_2093, %dma_wait3A_2094] : memref<10240x64xf32, #tpu.memory_space<vmem_shared>> -> memref<10240x64xf32, #tpu.memory_space<vmem_shared>>
        tpu.wait_indirect_dma semaphore(%run_scoped3A_2083 : memref<!tpu.dma_semaphore, #tpu.memory_space<semaphore_mem>>) src(%arg17 : memref<128x64xf32, #tpu.memory_space<vmem>>) dst(%dma_wait3A_2095 : memref<10240x64xf32, #tpu.memory_space<vmem_shared>>)
        tpu.yield
      }) : () -> ()
      %run_scoped3A_1311 = arith.constant 1 : i32
      "tpu.region"() ({
        %run_scoped3A_2083 = tpu.sem_alloc : memref<!tpu.dma_semaphore, #tpu.memory_space<semaphore_mem>>
        %dma_start3A_2084 = arith.constant 0 : i32
        %dma_start3A_2085 = tpu.memref_slice %arg13[%run_scoped3A_1311, %dma_start3A_2084] : memref<6x128xi32, #tpu.memory_space<vmem>> -> memref<1x128xi32, #tpu.memory_space<vmem>>
        %dma_start3A_2086 = tpu.memref_squeeze %dma_start3A_2085 : memref<1x128xi32, #tpu.memory_space<vmem>> -> memref<128xi32, #tpu.memory_space<vmem>>
        %dma_start3A_2087 = arith.constant 0 : i32
        %dma_start3A_2088 = arith.constant 0 : i32
        %dma_start3A_2089 = tpu.memref_slice %arg22[%dma_start3A_2087, %dma_start3A_2088] : memref<10240x16xf32, #tpu.memory_space<vmem_shared>> -> memref<10240x16xf32, #tpu.memory_space<vmem_shared>>
        tpu.enqueue_indirect_dma source(%arg18 : memref<128x16xf32, #tpu.memory_space<vmem>>) target(%dma_start3A_2089 : memref<10240x16xf32, #tpu.memory_space<vmem_shared>>) offsets(%dma_start3A_2086 : memref<128xi32, #tpu.memory_space<vmem>>) semaphore(%run_scoped3A_2083 : memref<!tpu.dma_semaphore, #tpu.memory_space<semaphore_mem>>) {add = true}
        %dma_wait3A_2090 = arith.constant 0 : i32
        %dma_wait3A_2091 = tpu.memref_slice %arg13[%run_scoped3A_1311, %dma_wait3A_2090] : memref<6x128xi32, #tpu.memory_space<vmem>> -> memref<1x128xi32, #tpu.memory_space<vmem>>
        %dma_wait3A_2092 = tpu.memref_squeeze %dma_wait3A_2091 : memref<1x128xi32, #tpu.memory_space<vmem>> -> memref<128xi32, #tpu.memory_space<vmem>>
        %dma_wait3A_2093 = arith.constant 0 : i32
        %dma_wait3A_2094 = arith.constant 0 : i32
        %dma_wait3A_2095 = tpu.memref_slice %arg22[%dma_wait3A_2093, %dma_wait3A_2094] : memref<10240x16xf32, #tpu.memory_space<vmem_shared>> -> memref<10240x16xf32, #tpu.memory_space<vmem_shared>>
        tpu.wait_indirect_dma semaphore(%run_scoped3A_2083 : memref<!tpu.dma_semaphore, #tpu.memory_space<semaphore_mem>>) src(%arg18 : memref<128x16xf32, #tpu.memory_space<vmem>>) dst(%dma_wait3A_2095 : memref<10240x16xf32, #tpu.memory_space<vmem_shared>>)
        tpu.yield
      }) : () -> ()
      %dma_start3A_1312 = arith.constant 3 : i32
      %dma_start3A_1313 = arith.constant 0 : i32
      %dma_start3A_1314 = tpu.memref_slice %arg12[%dma_start3A_1312, %dma_start3A_1313] : memref<6x128xi32, #tpu.memory_space<vmem>> -> memref<1x128xi32, #tpu.memory_space<vmem>>
      %dma_start3A_1315 = tpu.memref_squeeze %dma_start3A_1314 : memref<1x128xi32, #tpu.memory_space<vmem>> -> memref<128xi32, #tpu.memory_space<vmem>>
      %dma_start3A_1316 = arith.constant 0 : i32
      %dma_start3A_1317 = arith.constant 0 : i32
      %dma_start3A_1318 = tpu.memref_slice %arg2[%dma_start3A_1316, %dma_start3A_1317] : memref<20480x64xf32, #tpu.memory_space<hbm>> -> memref<20480x64xf32, #tpu.memory_space<hbm>>
      tpu.enqueue_indirect_dma source(%dma_start3A_1318 : memref<20480x64xf32, #tpu.memory_space<hbm>>) target(%arg17 : memref<128x64xf32, #tpu.memory_space<vmem>>) offsets(%dma_start3A_1315 : memref<128xi32, #tpu.memory_space<vmem>>) semaphore(%arg24 : memref<!tpu.dma_semaphore, #tpu.memory_space<semaphore_mem>>)
      %dma_start3A_1319 = arith.constant 2 : i32
      %dma_start3A_1320 = arith.constant 0 : i32
      %dma_start3A_1321 = tpu.memref_slice %arg12[%dma_start3A_1319, %dma_start3A_1320] : memref<6x128xi32, #tpu.memory_space<vmem>> -> memref<1x128xi32, #tpu.memory_space<vmem>>
      %dma_start3A_1322 = tpu.memref_squeeze %dma_start3A_1321 : memref<1x128xi32, #tpu.memory_space<vmem>> -> memref<128xi32, #tpu.memory_space<vmem>>
      %dma_start3A_1323 = arith.constant 0 : i32
      %dma_start3A_1324 = arith.constant 0 : i32
      %dma_start3A_1325 = tpu.memref_slice %arg6[%dma_start3A_1323, %dma_start3A_1324] : memref<20480x16xf32, #tpu.memory_space<hbm>> -> memref<20480x16xf32, #tpu.memory_space<hbm>>
      tpu.enqueue_indirect_dma source(%dma_start3A_1325 : memref<20480x16xf32, #tpu.memory_space<hbm>>) target(%arg19 : memref<128x16xf32, #tpu.memory_space<vmem>>) offsets(%dma_start3A_1322 : memref<128xi32, #tpu.memory_space<vmem>>) semaphore(%arg25 : memref<!tpu.dma_semaphore, #tpu.memory_space<semaphore_mem>>)
      %dma_start3A_1326 = arith.constant 2 : i32
      %dma_start3A_1327 = arith.constant 0 : i32
      %dma_start3A_1328 = tpu.memref_slice %arg13[%dma_start3A_1326, %dma_start3A_1327] : memref<6x128xi32, #tpu.memory_space<vmem>> -> memref<1x128xi32, #tpu.memory_space<vmem>>
      %dma_start3A_1329 = tpu.memref_squeeze %dma_start3A_1328 : memref<1x128xi32, #tpu.memory_space<vmem>> -> memref<128xi32, #tpu.memory_space<vmem>>
      %dma_start3A_1330 = arith.constant 0 : i32
      %dma_start3A_1331 = arith.constant 0 : i32
      %dma_start3A_1332 = tpu.memref_slice %arg7[%dma_start3A_1330, %dma_start3A_1331] : memref<10240x16xf32, #tpu.memory_space<hbm>> -> memref<10240x16xf32, #tpu.memory_space<hbm>>
      tpu.enqueue_indirect_dma source(%dma_start3A_1332 : memref<10240x16xf32, #tpu.memory_space<hbm>>) target(%arg20 : memref<128x16xf32, #tpu.memory_space<vmem>>) offsets(%dma_start3A_1329 : memref<128xi32, #tpu.memory_space<vmem>>) semaphore(%arg25 : memref<!tpu.dma_semaphore, #tpu.memory_space<semaphore_mem>>)
      %dma_wait3A_1333 = arith.constant 2 : i32
      %dma_wait3A_1334 = arith.constant 0 : i32
      %dma_wait3A_1335 = tpu.memref_slice %arg12[%dma_wait3A_1333, %dma_wait3A_1334] : memref<6x128xi32, #tpu.memory_space<vmem>> -> memref<1x128xi32, #tpu.memory_space<vmem>>
      %dma_wait3A_1336 = tpu.memref_squeeze %dma_wait3A_1335 : memref<1x128xi32, #tpu.memory_space<vmem>> -> memref<128xi32, #tpu.memory_space<vmem>>
      %dma_wait3A_1337 = arith.constant 0 : i32
      %dma_wait3A_1338 = arith.constant 0 : i32
      %dma_wait3A_1339 = tpu.memref_slice %arg2[%dma_wait3A_1337, %dma_wait3A_1338] : memref<20480x64xf32, #tpu.memory_space<hbm>> -> memref<20480x64xf32, #tpu.memory_space<hbm>>
      tpu.wait_indirect_dma semaphore(%arg23 : memref<!tpu.dma_semaphore, #tpu.memory_space<semaphore_mem>>) src(%dma_wait3A_1339 : memref<20480x64xf32, #tpu.memory_space<hbm>>) dst(%arg16 : memref<128x64xf32, #tpu.memory_space<vmem>>)
      %run_scoped3A_1340 = arith.constant 2 : i32
      "tpu.region"() ({
        %run_scoped3A_2083 = tpu.sem_alloc : memref<!tpu.dma_semaphore, #tpu.memory_space<semaphore_mem>>
        %dma_start3A_2084 = arith.constant 0 : i32
        %dma_start3A_2085 = tpu.memref_slice %arg14[%run_scoped3A_1340, %dma_start3A_2084] : memref<6x128xi32, #tpu.memory_space<vmem>> -> memref<1x128xi32, #tpu.memory_space<vmem>>
        %dma_start3A_2086 = tpu.memref_squeeze %dma_start3A_2085 : memref<1x128xi32, #tpu.memory_space<vmem>> -> memref<128xi32, #tpu.memory_space<vmem>>
        %dma_start3A_2087 = arith.constant 0 : i32
        %dma_start3A_2088 = arith.constant 0 : i32
        %dma_start3A_2089 = tpu.memref_slice %arg8[%dma_start3A_2087, %dma_start3A_2088] : memref<660000x64xf32, #tpu.memory_space<hbm>> -> memref<660000x64xf32, #tpu.memory_space<hbm>>
        tpu.enqueue_indirect_dma source(%arg16 : memref<128x64xf32, #tpu.memory_space<vmem>>) target(%dma_start3A_2089 : memref<660000x64xf32, #tpu.memory_space<hbm>>) offsets(%dma_start3A_2086 : memref<128xi32, #tpu.memory_space<vmem>>) semaphore(%run_scoped3A_2083 : memref<!tpu.dma_semaphore, #tpu.memory_space<semaphore_mem>>)
        %dma_wait3A_2090 = arith.constant 0 : i32
        %dma_wait3A_2091 = tpu.memref_slice %arg14[%run_scoped3A_1340, %dma_wait3A_2090] : memref<6x128xi32, #tpu.memory_space<vmem>> -> memref<1x128xi32, #tpu.memory_space<vmem>>
        %dma_wait3A_2092 = tpu.memref_squeeze %dma_wait3A_2091 : memref<1x128xi32, #tpu.memory_space<vmem>> -> memref<128xi32, #tpu.memory_space<vmem>>
        %dma_wait3A_2093 = arith.constant 0 : i32
        %dma_wait3A_2094 = arith.constant 0 : i32
        %dma_wait3A_2095 = tpu.memref_slice %arg8[%dma_wait3A_2093, %dma_wait3A_2094] : memref<660000x64xf32, #tpu.memory_space<hbm>> -> memref<660000x64xf32, #tpu.memory_space<hbm>>
        tpu.wait_indirect_dma semaphore(%run_scoped3A_2083 : memref<!tpu.dma_semaphore, #tpu.memory_space<semaphore_mem>>) src(%arg16 : memref<128x64xf32, #tpu.memory_space<vmem>>) dst(%dma_wait3A_2095 : memref<660000x64xf32, #tpu.memory_space<hbm>>)
        tpu.yield
      }) : () -> ()
      %dma_wait3A_1341 = arith.constant 2 : i32
      %dma_wait3A_1342 = arith.constant 0 : i32
      %dma_wait3A_1343 = tpu.memref_slice %arg12[%dma_wait3A_1341, %dma_wait3A_1342] : memref<6x128xi32, #tpu.memory_space<vmem>> -> memref<1x128xi32, #tpu.memory_space<vmem>>
      %dma_wait3A_1344 = tpu.memref_squeeze %dma_wait3A_1343 : memref<1x128xi32, #tpu.memory_space<vmem>> -> memref<128xi32, #tpu.memory_space<vmem>>
      %dma_wait3A_1345 = arith.constant 0 : i32
      %dma_wait3A_1346 = arith.constant 0 : i32
      %dma_wait3A_1347 = tpu.memref_slice %arg6[%dma_wait3A_1345, %dma_wait3A_1346] : memref<20480x16xf32, #tpu.memory_space<hbm>> -> memref<20480x16xf32, #tpu.memory_space<hbm>>
      tpu.wait_indirect_dma semaphore(%arg25 : memref<!tpu.dma_semaphore, #tpu.memory_space<semaphore_mem>>) src(%dma_wait3A_1347 : memref<20480x16xf32, #tpu.memory_space<hbm>>) dst(%arg19 : memref<128x16xf32, #tpu.memory_space<vmem>>)
      %dma_wait3A_1348 = arith.constant 2 : i32
      %dma_wait3A_1349 = arith.constant 0 : i32
      %dma_wait3A_1350 = tpu.memref_slice %arg13[%dma_wait3A_1348, %dma_wait3A_1349] : memref<6x128xi32, #tpu.memory_space<vmem>> -> memref<1x128xi32, #tpu.memory_space<vmem>>
      %dma_wait3A_1351 = tpu.memref_squeeze %dma_wait3A_1350 : memref<1x128xi32, #tpu.memory_space<vmem>> -> memref<128xi32, #tpu.memory_space<vmem>>
      %dma_wait3A_1352 = arith.constant 0 : i32
      %dma_wait3A_1353 = arith.constant 0 : i32
      %dma_wait3A_1354 = tpu.memref_slice %arg7[%dma_wait3A_1352, %dma_wait3A_1353] : memref<10240x16xf32, #tpu.memory_space<hbm>> -> memref<10240x16xf32, #tpu.memory_space<hbm>>
      tpu.wait_indirect_dma semaphore(%arg25 : memref<!tpu.dma_semaphore, #tpu.memory_space<semaphore_mem>>) src(%dma_wait3A_1354 : memref<10240x16xf32, #tpu.memory_space<hbm>>) dst(%arg20 : memref<128x16xf32, #tpu.memory_space<vmem>>)
      %add3A_1355 = arith.constant 0 : i32
      %add3A_1356 = vector.broadcast %add3A_1355 : i32 to vector<16xi32>
      %add3A_1357 = arith.addi %iota3A, %add3A_1356 : vector<16xi32>
      %gather3A_1358 = tpu.vector_load_idx %arg20[%add3A_1357, %broadcast_in_dim3A_23] : memref<128x16xf32, #tpu.memory_space<vmem>>[vector<16xi32>, vector<16xi32>], vector<16xf32>,
      %gather3A_1359 = tpu.vector_load_idx %arg19[%add3A_1357, %broadcast_in_dim3A_23] : memref<128x16xf32, #tpu.memory_space<vmem>>[vector<16xi32>, vector<16xi32>], vector<16xf32>,
      %add3A_1360 = arith.addf %gather3A_1358, %gather3A_1359 : vector<16xf32>
      %ge3A_1361 = arith.constant 0.000000e+00 : f32
      %ge3A_1362 = vector.broadcast %ge3A_1361 : f32 to vector<16xf32>
      %ge3A_1363 = arith.cmpf oge, %add3A_1360, %ge3A_1362 : vector<16xf32>
      %mul3A_1364 = arith.constant 0.00999999977 : f32
      %mul3A_1365 = vector.broadcast %mul3A_1364 : f32 to vector<16xf32>
      %mul3A_1366 = arith.mulf %add3A_1360, %mul3A_1365 : vector<16xf32>
      %select_n3A_1367 = arith.select %ge3A_1363, %add3A_1360, %mul3A_1366 : vector<16xi1>, vector<16xf32>
      %exp3A_1368 = math.exp %select_n3A_1367 : vector<16xf32>
      %swap3A_1369 = arith.constant 2 : i32
      %swap3A_1370 = arith.index_cast %swap3A_1369 : i32 to index
      %swap3A_1371 = arith.constant 0 : index
      %swap3A_1372 = tpu.vector_load %arg15[%swap3A_1370, %swap3A_1371] {strides = array<i32>} : memref<6x128xf32, #tpu.memory_space<vmem>>, vector<16xf32>,
      tpu.vector_store %arg15[%swap3A_1370, %swap3A_1371], %exp3A_1368 {strides = array<i32>} : memref<6x128xf32, #tpu.memory_space<vmem>>, vector<16xf32>,
      %add3A_1373 = arith.constant 16 : i32
      %add3A_1374 = vector.broadcast %add3A_1373 : i32 to vector<16xi32>
      %add3A_1375 = arith.addi %iota3A, %add3A_1374 : vector<16xi32>
      %gather3A_1376 = tpu.vector_load_idx %arg20[%add3A_1375, %broadcast_in_dim3A_23] : memref<128x16xf32, #tpu.memory_space<vmem>>[vector<16xi32>, vector<16xi32>], vector<16xf32>,
      %gather3A_1377 = tpu.vector_load_idx %arg19[%add3A_1375, %broadcast_in_dim3A_23] : memref<128x16xf32, #tpu.memory_space<vmem>>[vector<16xi32>, vector<16xi32>], vector<16xf32>,
      %add3A_1378 = arith.addf %gather3A_1376, %gather3A_1377 : vector<16xf32>
      %ge3A_1379 = arith.constant 0.000000e+00 : f32
      %ge3A_1380 = vector.broadcast %ge3A_1379 : f32 to vector<16xf32>
      %ge3A_1381 = arith.cmpf oge, %add3A_1378, %ge3A_1380 : vector<16xf32>
      %mul3A_1382 = arith.constant 0.00999999977 : f32
      %mul3A_1383 = vector.broadcast %mul3A_1382 : f32 to vector<16xf32>
      %mul3A_1384 = arith.mulf %add3A_1378, %mul3A_1383 : vector<16xf32>
      %select_n3A_1385 = arith.select %ge3A_1381, %add3A_1378, %mul3A_1384 : vector<16xi1>, vector<16xf32>
      %exp3A_1386 = math.exp %select_n3A_1385 : vector<16xf32>
      %swap3A_1387 = arith.constant 2 : i32
      %swap3A_1388 = arith.index_cast %swap3A_1387 : i32 to index
      %swap3A_1389 = arith.constant 16 : index
      %swap3A_1390 = tpu.vector_load %arg15[%swap3A_1388, %swap3A_1389] {strides = array<i32>} : memref<6x128xf32, #tpu.memory_space<vmem>>, vector<16xf32>,
      tpu.vector_store %arg15[%swap3A_1388, %swap3A_1389], %exp3A_1386 {strides = array<i32>} : memref<6x128xf32, #tpu.memory_space<vmem>>, vector<16xf32>,
      %add3A_1391 = arith.constant 32 : i32
      %add3A_1392 = vector.broadcast %add3A_1391 : i32 to vector<16xi32>
      %add3A_1393 = arith.addi %iota3A, %add3A_1392 : vector<16xi32>
      %gather3A_1394 = tpu.vector_load_idx %arg20[%add3A_1393, %broadcast_in_dim3A_23] : memref<128x16xf32, #tpu.memory_space<vmem>>[vector<16xi32>, vector<16xi32>], vector<16xf32>,
      %gather3A_1395 = tpu.vector_load_idx %arg19[%add3A_1393, %broadcast_in_dim3A_23] : memref<128x16xf32, #tpu.memory_space<vmem>>[vector<16xi32>, vector<16xi32>], vector<16xf32>,
      %add3A_1396 = arith.addf %gather3A_1394, %gather3A_1395 : vector<16xf32>
      %ge3A_1397 = arith.constant 0.000000e+00 : f32
      %ge3A_1398 = vector.broadcast %ge3A_1397 : f32 to vector<16xf32>
      %ge3A_1399 = arith.cmpf oge, %add3A_1396, %ge3A_1398 : vector<16xf32>
      %mul3A_1400 = arith.constant 0.00999999977 : f32
      %mul3A_1401 = vector.broadcast %mul3A_1400 : f32 to vector<16xf32>
      %mul3A_1402 = arith.mulf %add3A_1396, %mul3A_1401 : vector<16xf32>
      %select_n3A_1403 = arith.select %ge3A_1399, %add3A_1396, %mul3A_1402 : vector<16xi1>, vector<16xf32>
      %exp3A_1404 = math.exp %select_n3A_1403 : vector<16xf32>
      %swap3A_1405 = arith.constant 2 : i32
      %swap3A_1406 = arith.index_cast %swap3A_1405 : i32 to index
      %swap3A_1407 = arith.constant 32 : index
      %swap3A_1408 = tpu.vector_load %arg15[%swap3A_1406, %swap3A_1407] {strides = array<i32>} : memref<6x128xf32, #tpu.memory_space<vmem>>, vector<16xf32>,
      tpu.vector_store %arg15[%swap3A_1406, %swap3A_1407], %exp3A_1404 {strides = array<i32>} : memref<6x128xf32, #tpu.memory_space<vmem>>, vector<16xf32>,
      %add3A_1409 = arith.constant 48 : i32
      %add3A_1410 = vector.broadcast %add3A_1409 : i32 to vector<16xi32>
      %add3A_1411 = arith.addi %iota3A, %add3A_1410 : vector<16xi32>
      %gather3A_1412 = tpu.vector_load_idx %arg20[%add3A_1411, %broadcast_in_dim3A_23] : memref<128x16xf32, #tpu.memory_space<vmem>>[vector<16xi32>, vector<16xi32>], vector<16xf32>,
      %gather3A_1413 = tpu.vector_load_idx %arg19[%add3A_1411, %broadcast_in_dim3A_23] : memref<128x16xf32, #tpu.memory_space<vmem>>[vector<16xi32>, vector<16xi32>], vector<16xf32>,
      %add3A_1414 = arith.addf %gather3A_1412, %gather3A_1413 : vector<16xf32>
      %ge3A_1415 = arith.constant 0.000000e+00 : f32
      %ge3A_1416 = vector.broadcast %ge3A_1415 : f32 to vector<16xf32>
      %ge3A_1417 = arith.cmpf oge, %add3A_1414, %ge3A_1416 : vector<16xf32>
      %mul3A_1418 = arith.constant 0.00999999977 : f32
      %mul3A_1419 = vector.broadcast %mul3A_1418 : f32 to vector<16xf32>
      %mul3A_1420 = arith.mulf %add3A_1414, %mul3A_1419 : vector<16xf32>
      %select_n3A_1421 = arith.select %ge3A_1417, %add3A_1414, %mul3A_1420 : vector<16xi1>, vector<16xf32>
      %exp3A_1422 = math.exp %select_n3A_1421 : vector<16xf32>
      %swap3A_1423 = arith.constant 2 : i32
      %swap3A_1424 = arith.index_cast %swap3A_1423 : i32 to index
      %swap3A_1425 = arith.constant 48 : index
      %swap3A_1426 = tpu.vector_load %arg15[%swap3A_1424, %swap3A_1425] {strides = array<i32>} : memref<6x128xf32, #tpu.memory_space<vmem>>, vector<16xf32>,
      tpu.vector_store %arg15[%swap3A_1424, %swap3A_1425], %exp3A_1422 {strides = array<i32>} : memref<6x128xf32, #tpu.memory_space<vmem>>, vector<16xf32>,
      %add3A_1427 = arith.constant 64 : i32
      %add3A_1428 = vector.broadcast %add3A_1427 : i32 to vector<16xi32>
      %add3A_1429 = arith.addi %iota3A, %add3A_1428 : vector<16xi32>
      %gather3A_1430 = tpu.vector_load_idx %arg20[%add3A_1429, %broadcast_in_dim3A_23] : memref<128x16xf32, #tpu.memory_space<vmem>>[vector<16xi32>, vector<16xi32>], vector<16xf32>,
      %gather3A_1431 = tpu.vector_load_idx %arg19[%add3A_1429, %broadcast_in_dim3A_23] : memref<128x16xf32, #tpu.memory_space<vmem>>[vector<16xi32>, vector<16xi32>], vector<16xf32>,
      %add3A_1432 = arith.addf %gather3A_1430, %gather3A_1431 : vector<16xf32>
      %ge3A_1433 = arith.constant 0.000000e+00 : f32
      %ge3A_1434 = vector.broadcast %ge3A_1433 : f32 to vector<16xf32>
      %ge3A_1435 = arith.cmpf oge, %add3A_1432, %ge3A_1434 : vector<16xf32>
      %mul3A_1436 = arith.constant 0.00999999977 : f32
      %mul3A_1437 = vector.broadcast %mul3A_1436 : f32 to vector<16xf32>
      %mul3A_1438 = arith.mulf %add3A_1432, %mul3A_1437 : vector<16xf32>
      %select_n3A_1439 = arith.select %ge3A_1435, %add3A_1432, %mul3A_1438 : vector<16xi1>, vector<16xf32>
      %exp3A_1440 = math.exp %select_n3A_1439 : vector<16xf32>
      %swap3A_1441 = arith.constant 2 : i32
      %swap3A_1442 = arith.index_cast %swap3A_1441 : i32 to index
      %swap3A_1443 = arith.constant 64 : index
      %swap3A_1444 = tpu.vector_load %arg15[%swap3A_1442, %swap3A_1443] {strides = array<i32>} : memref<6x128xf32, #tpu.memory_space<vmem>>, vector<16xf32>,
      tpu.vector_store %arg15[%swap3A_1442, %swap3A_1443], %exp3A_1440 {strides = array<i32>} : memref<6x128xf32, #tpu.memory_space<vmem>>, vector<16xf32>,
      %add3A_1445 = arith.constant 80 : i32
      %add3A_1446 = vector.broadcast %add3A_1445 : i32 to vector<16xi32>
      %add3A_1447 = arith.addi %iota3A, %add3A_1446 : vector<16xi32>
      %gather3A_1448 = tpu.vector_load_idx %arg20[%add3A_1447, %broadcast_in_dim3A_23] : memref<128x16xf32, #tpu.memory_space<vmem>>[vector<16xi32>, vector<16xi32>], vector<16xf32>,
      %gather3A_1449 = tpu.vector_load_idx %arg19[%add3A_1447, %broadcast_in_dim3A_23] : memref<128x16xf32, #tpu.memory_space<vmem>>[vector<16xi32>, vector<16xi32>], vector<16xf32>,
      %add3A_1450 = arith.addf %gather3A_1448, %gather3A_1449 : vector<16xf32>
      %ge3A_1451 = arith.constant 0.000000e+00 : f32
      %ge3A_1452 = vector.broadcast %ge3A_1451 : f32 to vector<16xf32>
      %ge3A_1453 = arith.cmpf oge, %add3A_1450, %ge3A_1452 : vector<16xf32>
      %mul3A_1454 = arith.constant 0.00999999977 : f32
      %mul3A_1455 = vector.broadcast %mul3A_1454 : f32 to vector<16xf32>
      %mul3A_1456 = arith.mulf %add3A_1450, %mul3A_1455 : vector<16xf32>
      %select_n3A_1457 = arith.select %ge3A_1453, %add3A_1450, %mul3A_1456 : vector<16xi1>, vector<16xf32>
      %exp3A_1458 = math.exp %select_n3A_1457 : vector<16xf32>
      %swap3A_1459 = arith.constant 2 : i32
      %swap3A_1460 = arith.index_cast %swap3A_1459 : i32 to index
      %swap3A_1461 = arith.constant 80 : index
      %swap3A_1462 = tpu.vector_load %arg15[%swap3A_1460, %swap3A_1461] {strides = array<i32>} : memref<6x128xf32, #tpu.memory_space<vmem>>, vector<16xf32>,
      tpu.vector_store %arg15[%swap3A_1460, %swap3A_1461], %exp3A_1458 {strides = array<i32>} : memref<6x128xf32, #tpu.memory_space<vmem>>, vector<16xf32>,
      %add3A_1463 = arith.constant 96 : i32
      %add3A_1464 = vector.broadcast %add3A_1463 : i32 to vector<16xi32>
      %add3A_1465 = arith.addi %iota3A, %add3A_1464 : vector<16xi32>
      %gather3A_1466 = tpu.vector_load_idx %arg20[%add3A_1465, %broadcast_in_dim3A_23] : memref<128x16xf32, #tpu.memory_space<vmem>>[vector<16xi32>, vector<16xi32>], vector<16xf32>,
      %gather3A_1467 = tpu.vector_load_idx %arg19[%add3A_1465, %broadcast_in_dim3A_23] : memref<128x16xf32, #tpu.memory_space<vmem>>[vector<16xi32>, vector<16xi32>], vector<16xf32>,
      %add3A_1468 = arith.addf %gather3A_1466, %gather3A_1467 : vector<16xf32>
      %ge3A_1469 = arith.constant 0.000000e+00 : f32
      %ge3A_1470 = vector.broadcast %ge3A_1469 : f32 to vector<16xf32>
      %ge3A_1471 = arith.cmpf oge, %add3A_1468, %ge3A_1470 : vector<16xf32>
      %mul3A_1472 = arith.constant 0.00999999977 : f32
      %mul3A_1473 = vector.broadcast %mul3A_1472 : f32 to vector<16xf32>
      %mul3A_1474 = arith.mulf %add3A_1468, %mul3A_1473 : vector<16xf32>
      %select_n3A_1475 = arith.select %ge3A_1471, %add3A_1468, %mul3A_1474 : vector<16xi1>, vector<16xf32>
      %exp3A_1476 = math.exp %select_n3A_1475 : vector<16xf32>
      %swap3A_1477 = arith.constant 2 : i32
      %swap3A_1478 = arith.index_cast %swap3A_1477 : i32 to index
      %swap3A_1479 = arith.constant 96 : index
      %swap3A_1480 = tpu.vector_load %arg15[%swap3A_1478, %swap3A_1479] {strides = array<i32>} : memref<6x128xf32, #tpu.memory_space<vmem>>, vector<16xf32>,
      tpu.vector_store %arg15[%swap3A_1478, %swap3A_1479], %exp3A_1476 {strides = array<i32>} : memref<6x128xf32, #tpu.memory_space<vmem>>, vector<16xf32>,
      %add3A_1481 = arith.constant 112 : i32
      %add3A_1482 = vector.broadcast %add3A_1481 : i32 to vector<16xi32>
      %add3A_1483 = arith.addi %iota3A, %add3A_1482 : vector<16xi32>
      %gather3A_1484 = tpu.vector_load_idx %arg20[%add3A_1483, %broadcast_in_dim3A_23] : memref<128x16xf32, #tpu.memory_space<vmem>>[vector<16xi32>, vector<16xi32>], vector<16xf32>,
      %gather3A_1485 = tpu.vector_load_idx %arg19[%add3A_1483, %broadcast_in_dim3A_23] : memref<128x16xf32, #tpu.memory_space<vmem>>[vector<16xi32>, vector<16xi32>], vector<16xf32>,
      %add3A_1486 = arith.addf %gather3A_1484, %gather3A_1485 : vector<16xf32>
      %ge3A_1487 = arith.constant 0.000000e+00 : f32
      %ge3A_1488 = vector.broadcast %ge3A_1487 : f32 to vector<16xf32>
      %ge3A_1489 = arith.cmpf oge, %add3A_1486, %ge3A_1488 : vector<16xf32>
      %mul3A_1490 = arith.constant 0.00999999977 : f32
      %mul3A_1491 = vector.broadcast %mul3A_1490 : f32 to vector<16xf32>
      %mul3A_1492 = arith.mulf %add3A_1486, %mul3A_1491 : vector<16xf32>
      %select_n3A_1493 = arith.select %ge3A_1489, %add3A_1486, %mul3A_1492 : vector<16xi1>, vector<16xf32>
      %exp3A_1494 = math.exp %select_n3A_1493 : vector<16xf32>
      %swap3A_1495 = arith.constant 2 : i32
      %swap3A_1496 = arith.index_cast %swap3A_1495 : i32 to index
      %swap3A_1497 = arith.constant 112 : index
      %swap3A_1498 = tpu.vector_load %arg15[%swap3A_1496, %swap3A_1497] {strides = array<i32>} : memref<6x128xf32, #tpu.memory_space<vmem>>, vector<16xf32>,
      tpu.vector_store %arg15[%swap3A_1496, %swap3A_1497], %exp3A_1494 {strides = array<i32>} : memref<6x128xf32, #tpu.memory_space<vmem>>, vector<16xf32>,
      %broadcast_in_dim3A_1499 = arith.constant 2 : i32
      %broadcast_in_dim3A_1500 = vector.broadcast %broadcast_in_dim3A_1499 : i32 to vector<16xi32>
      %parallel_loop3A_1501 = arith.constant 0 : i32
      %parallel_loop3A_1502 = arith.constant 128 : i32
      %parallel_loop3A_1503 = arith.constant 1 : i32
      scf.for %parallel_loop3A_2083 = %parallel_loop3A_1501 to %parallel_loop3A_1502 step %parallel_loop3A_1503  : i32 {
        %parallel_loop3A_2084 = vector.broadcast %parallel_loop3A_2083 : i32 to vector<16xi32>
        %parallel_loop3A_2085 = tpu.vector_load_idx %arg15[%broadcast_in_dim3A_1500, %parallel_loop3A_2084] : memref<6x128xf32, #tpu.memory_space<vmem>>[vector<16xi32>, vector<16xi32>], vector<16xf32>,
        %parallel_loop3A_2086 = arith.index_cast %parallel_loop3A_2083 : i32 to index
        %parallel_loop3A_2087 = arith.constant 0 : index
        %parallel_loop3A_2088 = tpu.vector_load %arg16[%parallel_loop3A_2086, %parallel_loop3A_2087] {strides = array<i32>} : memref<128x64xf32, #tpu.memory_space<vmem>>, vector<16xf32>,
        %parallel_loop3A_2089 = arith.mulf %parallel_loop3A_2088, %parallel_loop3A_2085 : vector<16xf32>
        %parallel_loop3A_2090 = arith.index_cast %parallel_loop3A_2083 : i32 to index
        %parallel_loop3A_2091 = arith.constant 0 : index
        %parallel_loop3A_2092 = tpu.vector_load %arg16[%parallel_loop3A_2090, %parallel_loop3A_2091] {strides = array<i32>} : memref<128x64xf32, #tpu.memory_space<vmem>>, vector<16xf32>,
        tpu.vector_store %arg16[%parallel_loop3A_2090, %parallel_loop3A_2091], %parallel_loop3A_2089 {strides = array<i32>} : memref<128x64xf32, #tpu.memory_space<vmem>>, vector<16xf32>,
        %parallel_loop3A_2093 = arith.index_cast %parallel_loop3A_2083 : i32 to index
        %parallel_loop3A_2094 = arith.constant 16 : index
        %parallel_loop3A_2095 = tpu.vector_load %arg16[%parallel_loop3A_2093, %parallel_loop3A_2094] {strides = array<i32>} : memref<128x64xf32, #tpu.memory_space<vmem>>, vector<16xf32>,
        %parallel_loop3A_2096 = arith.mulf %parallel_loop3A_2095, %parallel_loop3A_2085 : vector<16xf32>
        %parallel_loop3A_2097 = arith.index_cast %parallel_loop3A_2083 : i32 to index
        %parallel_loop3A_2098 = arith.constant 16 : index
        %parallel_loop3A_2099 = tpu.vector_load %arg16[%parallel_loop3A_2097, %parallel_loop3A_2098] {strides = array<i32>} : memref<128x64xf32, #tpu.memory_space<vmem>>, vector<16xf32>,
        tpu.vector_store %arg16[%parallel_loop3A_2097, %parallel_loop3A_2098], %parallel_loop3A_2096 {strides = array<i32>} : memref<128x64xf32, #tpu.memory_space<vmem>>, vector<16xf32>,
        %parallel_loop3A_2100 = arith.index_cast %parallel_loop3A_2083 : i32 to index
        %parallel_loop3A_2101 = arith.constant 32 : index
        %parallel_loop3A_2102 = tpu.vector_load %arg16[%parallel_loop3A_2100, %parallel_loop3A_2101] {strides = array<i32>} : memref<128x64xf32, #tpu.memory_space<vmem>>, vector<16xf32>,
        %parallel_loop3A_2103 = arith.mulf %parallel_loop3A_2102, %parallel_loop3A_2085 : vector<16xf32>
        %parallel_loop3A_2104 = arith.index_cast %parallel_loop3A_2083 : i32 to index
        %parallel_loop3A_2105 = arith.constant 32 : index
        %parallel_loop3A_2106 = tpu.vector_load %arg16[%parallel_loop3A_2104, %parallel_loop3A_2105] {strides = array<i32>} : memref<128x64xf32, #tpu.memory_space<vmem>>, vector<16xf32>,
        tpu.vector_store %arg16[%parallel_loop3A_2104, %parallel_loop3A_2105], %parallel_loop3A_2103 {strides = array<i32>} : memref<128x64xf32, #tpu.memory_space<vmem>>, vector<16xf32>,
        %parallel_loop3A_2107 = arith.index_cast %parallel_loop3A_2083 : i32 to index
        %parallel_loop3A_2108 = arith.constant 48 : index
        %parallel_loop3A_2109 = tpu.vector_load %arg16[%parallel_loop3A_2107, %parallel_loop3A_2108] {strides = array<i32>} : memref<128x64xf32, #tpu.memory_space<vmem>>, vector<16xf32>,
        %parallel_loop3A_2110 = arith.mulf %parallel_loop3A_2109, %parallel_loop3A_2085 : vector<16xf32>
        %parallel_loop3A_2111 = arith.index_cast %parallel_loop3A_2083 : i32 to index
        %parallel_loop3A_2112 = arith.constant 48 : index
        %parallel_loop3A_2113 = tpu.vector_load %arg16[%parallel_loop3A_2111, %parallel_loop3A_2112] {strides = array<i32>} : memref<128x64xf32, #tpu.memory_space<vmem>>, vector<16xf32>,
        tpu.vector_store %arg16[%parallel_loop3A_2111, %parallel_loop3A_2112], %parallel_loop3A_2110 {strides = array<i32>} : memref<128x64xf32, #tpu.memory_space<vmem>>, vector<16xf32>,
        %parallel_loop3A_2114 = arith.constant 0 : i32
        %parallel_loop3A_2115 = vector.broadcast %parallel_loop3A_2114 : i32 to vector<16xi32>
        %parallel_loop3A_2116 = arith.cmpi eq, %iota3A, %parallel_loop3A_2115 : vector<16xi32>
        %parallel_loop3A_2117 = arith.constant 0.000000e+00 : f32
        %parallel_loop3A_2118 = vector.broadcast %parallel_loop3A_2117 : f32 to vector<16xf32>
        %parallel_loop3A_2119 = arith.select %parallel_loop3A_2116, %parallel_loop3A_2085, %parallel_loop3A_2118 : vector<16xi1>, vector<16xf32>
        %parallel_loop3A_2120 = arith.index_cast %parallel_loop3A_2083 : i32 to index
        %parallel_loop3A_2121 = arith.constant 0 : index
        %parallel_loop3A_2122 = tpu.vector_load %arg18[%parallel_loop3A_2120, %parallel_loop3A_2121] {strides = array<i32>} : memref<128x16xf32, #tpu.memory_space<vmem>>, vector<16xf32>,
        tpu.vector_store %arg18[%parallel_loop3A_2120, %parallel_loop3A_2121], %parallel_loop3A_2119 {strides = array<i32>} : memref<128x16xf32, #tpu.memory_space<vmem>>, vector<16xf32>,
      } {sc.loop_unroll_factor = 4 : i64, sc.parallel_access}
      %run_scoped3A_1504 = arith.constant 2 : i32
      "tpu.region"() ({
        %run_scoped3A_2083 = tpu.sem_alloc : memref<!tpu.dma_semaphore, #tpu.memory_space<semaphore_mem>>
        %dma_start3A_2084 = arith.constant 0 : i32
        %dma_start3A_2085 = tpu.memref_slice %arg13[%run_scoped3A_1504, %dma_start3A_2084] : memref<6x128xi32, #tpu.memory_space<vmem>> -> memref<1x128xi32, #tpu.memory_space<vmem>>
        %dma_start3A_2086 = tpu.memref_squeeze %dma_start3A_2085 : memref<1x128xi32, #tpu.memory_space<vmem>> -> memref<128xi32, #tpu.memory_space<vmem>>
        %dma_start3A_2087 = arith.constant 0 : i32
        %dma_start3A_2088 = arith.constant 0 : i32
        %dma_start3A_2089 = tpu.memref_slice %arg21[%dma_start3A_2087, %dma_start3A_2088] : memref<10240x64xf32, #tpu.memory_space<vmem_shared>> -> memref<10240x64xf32, #tpu.memory_space<vmem_shared>>
        tpu.enqueue_indirect_dma source(%arg16 : memref<128x64xf32, #tpu.memory_space<vmem>>) target(%dma_start3A_2089 : memref<10240x64xf32, #tpu.memory_space<vmem_shared>>) offsets(%dma_start3A_2086 : memref<128xi32, #tpu.memory_space<vmem>>) semaphore(%run_scoped3A_2083 : memref<!tpu.dma_semaphore, #tpu.memory_space<semaphore_mem>>) {add = true}
        %dma_wait3A_2090 = arith.constant 0 : i32
        %dma_wait3A_2091 = tpu.memref_slice %arg13[%run_scoped3A_1504, %dma_wait3A_2090] : memref<6x128xi32, #tpu.memory_space<vmem>> -> memref<1x128xi32, #tpu.memory_space<vmem>>
        %dma_wait3A_2092 = tpu.memref_squeeze %dma_wait3A_2091 : memref<1x128xi32, #tpu.memory_space<vmem>> -> memref<128xi32, #tpu.memory_space<vmem>>
        %dma_wait3A_2093 = arith.constant 0 : i32
        %dma_wait3A_2094 = arith.constant 0 : i32
        %dma_wait3A_2095 = tpu.memref_slice %arg21[%dma_wait3A_2093, %dma_wait3A_2094] : memref<10240x64xf32, #tpu.memory_space<vmem_shared>> -> memref<10240x64xf32, #tpu.memory_space<vmem_shared>>
        tpu.wait_indirect_dma semaphore(%run_scoped3A_2083 : memref<!tpu.dma_semaphore, #tpu.memory_space<semaphore_mem>>) src(%arg16 : memref<128x64xf32, #tpu.memory_space<vmem>>) dst(%dma_wait3A_2095 : memref<10240x64xf32, #tpu.memory_space<vmem_shared>>)
        tpu.yield
      }) : () -> ()
      %run_scoped3A_1505 = arith.constant 2 : i32
      "tpu.region"() ({
        %run_scoped3A_2083 = tpu.sem_alloc : memref<!tpu.dma_semaphore, #tpu.memory_space<semaphore_mem>>
        %dma_start3A_2084 = arith.constant 0 : i32
        %dma_start3A_2085 = tpu.memref_slice %arg13[%run_scoped3A_1505, %dma_start3A_2084] : memref<6x128xi32, #tpu.memory_space<vmem>> -> memref<1x128xi32, #tpu.memory_space<vmem>>
        %dma_start3A_2086 = tpu.memref_squeeze %dma_start3A_2085 : memref<1x128xi32, #tpu.memory_space<vmem>> -> memref<128xi32, #tpu.memory_space<vmem>>
        %dma_start3A_2087 = arith.constant 0 : i32
        %dma_start3A_2088 = arith.constant 0 : i32
        %dma_start3A_2089 = tpu.memref_slice %arg22[%dma_start3A_2087, %dma_start3A_2088] : memref<10240x16xf32, #tpu.memory_space<vmem_shared>> -> memref<10240x16xf32, #tpu.memory_space<vmem_shared>>
        tpu.enqueue_indirect_dma source(%arg18 : memref<128x16xf32, #tpu.memory_space<vmem>>) target(%dma_start3A_2089 : memref<10240x16xf32, #tpu.memory_space<vmem_shared>>) offsets(%dma_start3A_2086 : memref<128xi32, #tpu.memory_space<vmem>>) semaphore(%run_scoped3A_2083 : memref<!tpu.dma_semaphore, #tpu.memory_space<semaphore_mem>>) {add = true}
        %dma_wait3A_2090 = arith.constant 0 : i32
        %dma_wait3A_2091 = tpu.memref_slice %arg13[%run_scoped3A_1505, %dma_wait3A_2090] : memref<6x128xi32, #tpu.memory_space<vmem>> -> memref<1x128xi32, #tpu.memory_space<vmem>>
        %dma_wait3A_2092 = tpu.memref_squeeze %dma_wait3A_2091 : memref<1x128xi32, #tpu.memory_space<vmem>> -> memref<128xi32, #tpu.memory_space<vmem>>
        %dma_wait3A_2093 = arith.constant 0 : i32
        %dma_wait3A_2094 = arith.constant 0 : i32
        %dma_wait3A_2095 = tpu.memref_slice %arg22[%dma_wait3A_2093, %dma_wait3A_2094] : memref<10240x16xf32, #tpu.memory_space<vmem_shared>> -> memref<10240x16xf32, #tpu.memory_space<vmem_shared>>
        tpu.wait_indirect_dma semaphore(%run_scoped3A_2083 : memref<!tpu.dma_semaphore, #tpu.memory_space<semaphore_mem>>) src(%arg18 : memref<128x16xf32, #tpu.memory_space<vmem>>) dst(%dma_wait3A_2095 : memref<10240x16xf32, #tpu.memory_space<vmem_shared>>)
        tpu.yield
      }) : () -> ()
      %dma_start3A_1506 = arith.constant 4 : i32
      %dma_start3A_1507 = arith.constant 0 : i32
      %dma_start3A_1508 = tpu.memref_slice %arg12[%dma_start3A_1506, %dma_start3A_1507] : memref<6x128xi32, #tpu.memory_space<vmem>> -> memref<1x128xi32, #tpu.memory_space<vmem>>
      %dma_start3A_1509 = tpu.memref_squeeze %dma_start3A_1508 : memref<1x128xi32, #tpu.memory_space<vmem>> -> memref<128xi32, #tpu.memory_space<vmem>>
      %dma_start3A_1510 = arith.constant 0 : i32
      %dma_start3A_1511 = arith.constant 0 : i32
      %dma_start3A_1512 = tpu.memref_slice %arg2[%dma_start3A_1510, %dma_start3A_1511] : memref<20480x64xf32, #tpu.memory_space<hbm>> -> memref<20480x64xf32, #tpu.memory_space<hbm>>
      tpu.enqueue_indirect_dma source(%dma_start3A_1512 : memref<20480x64xf32, #tpu.memory_space<hbm>>) target(%arg16 : memref<128x64xf32, #tpu.memory_space<vmem>>) offsets(%dma_start3A_1509 : memref<128xi32, #tpu.memory_space<vmem>>) semaphore(%arg23 : memref<!tpu.dma_semaphore, #tpu.memory_space<semaphore_mem>>)
      %dma_start3A_1513 = arith.constant 3 : i32
      %dma_start3A_1514 = arith.constant 0 : i32
      %dma_start3A_1515 = tpu.memref_slice %arg12[%dma_start3A_1513, %dma_start3A_1514] : memref<6x128xi32, #tpu.memory_space<vmem>> -> memref<1x128xi32, #tpu.memory_space<vmem>>
      %dma_start3A_1516 = tpu.memref_squeeze %dma_start3A_1515 : memref<1x128xi32, #tpu.memory_space<vmem>> -> memref<128xi32, #tpu.memory_space<vmem>>
      %dma_start3A_1517 = arith.constant 0 : i32
      %dma_start3A_1518 = arith.constant 0 : i32
      %dma_start3A_1519 = tpu.memref_slice %arg6[%dma_start3A_1517, %dma_start3A_1518] : memref<20480x16xf32, #tpu.memory_space<hbm>> -> memref<20480x16xf32, #tpu.memory_space<hbm>>
      tpu.enqueue_indirect_dma source(%dma_start3A_1519 : memref<20480x16xf32, #tpu.memory_space<hbm>>) target(%arg19 : memref<128x16xf32, #tpu.memory_space<vmem>>) offsets(%dma_start3A_1516 : memref<128xi32, #tpu.memory_space<vmem>>) semaphore(%arg25 : memref<!tpu.dma_semaphore, #tpu.memory_space<semaphore_mem>>)
      %dma_start3A_1520 = arith.constant 3 : i32
      %dma_start3A_1521 = arith.constant 0 : i32
      %dma_start3A_1522 = tpu.memref_slice %arg13[%dma_start3A_1520, %dma_start3A_1521] : memref<6x128xi32, #tpu.memory_space<vmem>> -> memref<1x128xi32, #tpu.memory_space<vmem>>
      %dma_start3A_1523 = tpu.memref_squeeze %dma_start3A_1522 : memref<1x128xi32, #tpu.memory_space<vmem>> -> memref<128xi32, #tpu.memory_space<vmem>>
      %dma_start3A_1524 = arith.constant 0 : i32
      %dma_start3A_1525 = arith.constant 0 : i32
      %dma_start3A_1526 = tpu.memref_slice %arg7[%dma_start3A_1524, %dma_start3A_1525] : memref<10240x16xf32, #tpu.memory_space<hbm>> -> memref<10240x16xf32, #tpu.memory_space<hbm>>
      tpu.enqueue_indirect_dma source(%dma_start3A_1526 : memref<10240x16xf32, #tpu.memory_space<hbm>>) target(%arg20 : memref<128x16xf32, #tpu.memory_space<vmem>>) offsets(%dma_start3A_1523 : memref<128xi32, #tpu.memory_space<vmem>>) semaphore(%arg25 : memref<!tpu.dma_semaphore, #tpu.memory_space<semaphore_mem>>)
      %dma_wait3A_1527 = arith.constant 3 : i32
      %dma_wait3A_1528 = arith.constant 0 : i32
      %dma_wait3A_1529 = tpu.memref_slice %arg12[%dma_wait3A_1527, %dma_wait3A_1528] : memref<6x128xi32, #tpu.memory_space<vmem>> -> memref<1x128xi32, #tpu.memory_space<vmem>>
      %dma_wait3A_1530 = tpu.memref_squeeze %dma_wait3A_1529 : memref<1x128xi32, #tpu.memory_space<vmem>> -> memref<128xi32, #tpu.memory_space<vmem>>
      %dma_wait3A_1531 = arith.constant 0 : i32
      %dma_wait3A_1532 = arith.constant 0 : i32
      %dma_wait3A_1533 = tpu.memref_slice %arg2[%dma_wait3A_1531, %dma_wait3A_1532] : memref<20480x64xf32, #tpu.memory_space<hbm>> -> memref<20480x64xf32, #tpu.memory_space<hbm>>
      tpu.wait_indirect_dma semaphore(%arg24 : memref<!tpu.dma_semaphore, #tpu.memory_space<semaphore_mem>>) src(%dma_wait3A_1533 : memref<20480x64xf32, #tpu.memory_space<hbm>>) dst(%arg17 : memref<128x64xf32, #tpu.memory_space<vmem>>)
      %run_scoped3A_1534 = arith.constant 3 : i32
      "tpu.region"() ({
        %run_scoped3A_2083 = tpu.sem_alloc : memref<!tpu.dma_semaphore, #tpu.memory_space<semaphore_mem>>
        %dma_start3A_2084 = arith.constant 0 : i32
        %dma_start3A_2085 = tpu.memref_slice %arg14[%run_scoped3A_1534, %dma_start3A_2084] : memref<6x128xi32, #tpu.memory_space<vmem>> -> memref<1x128xi32, #tpu.memory_space<vmem>>
        %dma_start3A_2086 = tpu.memref_squeeze %dma_start3A_2085 : memref<1x128xi32, #tpu.memory_space<vmem>> -> memref<128xi32, #tpu.memory_space<vmem>>
        %dma_start3A_2087 = arith.constant 0 : i32
        %dma_start3A_2088 = arith.constant 0 : i32
        %dma_start3A_2089 = tpu.memref_slice %arg8[%dma_start3A_2087, %dma_start3A_2088] : memref<660000x64xf32, #tpu.memory_space<hbm>> -> memref<660000x64xf32, #tpu.memory_space<hbm>>
        tpu.enqueue_indirect_dma source(%arg17 : memref<128x64xf32, #tpu.memory_space<vmem>>) target(%dma_start3A_2089 : memref<660000x64xf32, #tpu.memory_space<hbm>>) offsets(%dma_start3A_2086 : memref<128xi32, #tpu.memory_space<vmem>>) semaphore(%run_scoped3A_2083 : memref<!tpu.dma_semaphore, #tpu.memory_space<semaphore_mem>>)
        %dma_wait3A_2090 = arith.constant 0 : i32
        %dma_wait3A_2091 = tpu.memref_slice %arg14[%run_scoped3A_1534, %dma_wait3A_2090] : memref<6x128xi32, #tpu.memory_space<vmem>> -> memref<1x128xi32, #tpu.memory_space<vmem>>
        %dma_wait3A_2092 = tpu.memref_squeeze %dma_wait3A_2091 : memref<1x128xi32, #tpu.memory_space<vmem>> -> memref<128xi32, #tpu.memory_space<vmem>>
        %dma_wait3A_2093 = arith.constant 0 : i32
        %dma_wait3A_2094 = arith.constant 0 : i32
        %dma_wait3A_2095 = tpu.memref_slice %arg8[%dma_wait3A_2093, %dma_wait3A_2094] : memref<660000x64xf32, #tpu.memory_space<hbm>> -> memref<660000x64xf32, #tpu.memory_space<hbm>>
        tpu.wait_indirect_dma semaphore(%run_scoped3A_2083 : memref<!tpu.dma_semaphore, #tpu.memory_space<semaphore_mem>>) src(%arg17 : memref<128x64xf32, #tpu.memory_space<vmem>>) dst(%dma_wait3A_2095 : memref<660000x64xf32, #tpu.memory_space<hbm>>)
        tpu.yield
      }) : () -> ()
      %dma_wait3A_1535 = arith.constant 3 : i32
      %dma_wait3A_1536 = arith.constant 0 : i32
      %dma_wait3A_1537 = tpu.memref_slice %arg12[%dma_wait3A_1535, %dma_wait3A_1536] : memref<6x128xi32, #tpu.memory_space<vmem>> -> memref<1x128xi32, #tpu.memory_space<vmem>>
      %dma_wait3A_1538 = tpu.memref_squeeze %dma_wait3A_1537 : memref<1x128xi32, #tpu.memory_space<vmem>> -> memref<128xi32, #tpu.memory_space<vmem>>
      %dma_wait3A_1539 = arith.constant 0 : i32
      %dma_wait3A_1540 = arith.constant 0 : i32
      %dma_wait3A_1541 = tpu.memref_slice %arg6[%dma_wait3A_1539, %dma_wait3A_1540] : memref<20480x16xf32, #tpu.memory_space<hbm>> -> memref<20480x16xf32, #tpu.memory_space<hbm>>
      tpu.wait_indirect_dma semaphore(%arg25 : memref<!tpu.dma_semaphore, #tpu.memory_space<semaphore_mem>>) src(%dma_wait3A_1541 : memref<20480x16xf32, #tpu.memory_space<hbm>>) dst(%arg19 : memref<128x16xf32, #tpu.memory_space<vmem>>)
      %dma_wait3A_1542 = arith.constant 3 : i32
      %dma_wait3A_1543 = arith.constant 0 : i32
      %dma_wait3A_1544 = tpu.memref_slice %arg13[%dma_wait3A_1542, %dma_wait3A_1543] : memref<6x128xi32, #tpu.memory_space<vmem>> -> memref<1x128xi32, #tpu.memory_space<vmem>>
      %dma_wait3A_1545 = tpu.memref_squeeze %dma_wait3A_1544 : memref<1x128xi32, #tpu.memory_space<vmem>> -> memref<128xi32, #tpu.memory_space<vmem>>
      %dma_wait3A_1546 = arith.constant 0 : i32
      %dma_wait3A_1547 = arith.constant 0 : i32
      %dma_wait3A_1548 = tpu.memref_slice %arg7[%dma_wait3A_1546, %dma_wait3A_1547] : memref<10240x16xf32, #tpu.memory_space<hbm>> -> memref<10240x16xf32, #tpu.memory_space<hbm>>
      tpu.wait_indirect_dma semaphore(%arg25 : memref<!tpu.dma_semaphore, #tpu.memory_space<semaphore_mem>>) src(%dma_wait3A_1548 : memref<10240x16xf32, #tpu.memory_space<hbm>>) dst(%arg20 : memref<128x16xf32, #tpu.memory_space<vmem>>)
      %add3A_1549 = arith.constant 0 : i32
      %add3A_1550 = vector.broadcast %add3A_1549 : i32 to vector<16xi32>
      %add3A_1551 = arith.addi %iota3A, %add3A_1550 : vector<16xi32>
      %gather3A_1552 = tpu.vector_load_idx %arg20[%add3A_1551, %broadcast_in_dim3A_23] : memref<128x16xf32, #tpu.memory_space<vmem>>[vector<16xi32>, vector<16xi32>], vector<16xf32>,
      %gather3A_1553 = tpu.vector_load_idx %arg19[%add3A_1551, %broadcast_in_dim3A_23] : memref<128x16xf32, #tpu.memory_space<vmem>>[vector<16xi32>, vector<16xi32>], vector<16xf32>,
      %add3A_1554 = arith.addf %gather3A_1552, %gather3A_1553 : vector<16xf32>
      %ge3A_1555 = arith.constant 0.000000e+00 : f32
      %ge3A_1556 = vector.broadcast %ge3A_1555 : f32 to vector<16xf32>
      %ge3A_1557 = arith.cmpf oge, %add3A_1554, %ge3A_1556 : vector<16xf32>
      %mul3A_1558 = arith.constant 0.00999999977 : f32
      %mul3A_1559 = vector.broadcast %mul3A_1558 : f32 to vector<16xf32>
      %mul3A_1560 = arith.mulf %add3A_1554, %mul3A_1559 : vector<16xf32>
      %select_n3A_1561 = arith.select %ge3A_1557, %add3A_1554, %mul3A_1560 : vector<16xi1>, vector<16xf32>
      %exp3A_1562 = math.exp %select_n3A_1561 : vector<16xf32>
      %swap3A_1563 = arith.constant 3 : i32
      %swap3A_1564 = arith.index_cast %swap3A_1563 : i32 to index
      %swap3A_1565 = arith.constant 0 : index
      %swap3A_1566 = tpu.vector_load %arg15[%swap3A_1564, %swap3A_1565] {strides = array<i32>} : memref<6x128xf32, #tpu.memory_space<vmem>>, vector<16xf32>,
      tpu.vector_store %arg15[%swap3A_1564, %swap3A_1565], %exp3A_1562 {strides = array<i32>} : memref<6x128xf32, #tpu.memory_space<vmem>>, vector<16xf32>,
      %add3A_1567 = arith.constant 16 : i32
      %add3A_1568 = vector.broadcast %add3A_1567 : i32 to vector<16xi32>
      %add3A_1569 = arith.addi %iota3A, %add3A_1568 : vector<16xi32>
      %gather3A_1570 = tpu.vector_load_idx %arg20[%add3A_1569, %broadcast_in_dim3A_23] : memref<128x16xf32, #tpu.memory_space<vmem>>[vector<16xi32>, vector<16xi32>], vector<16xf32>,
      %gather3A_1571 = tpu.vector_load_idx %arg19[%add3A_1569, %broadcast_in_dim3A_23] : memref<128x16xf32, #tpu.memory_space<vmem>>[vector<16xi32>, vector<16xi32>], vector<16xf32>,
      %add3A_1572 = arith.addf %gather3A_1570, %gather3A_1571 : vector<16xf32>
      %ge3A_1573 = arith.constant 0.000000e+00 : f32
      %ge3A_1574 = vector.broadcast %ge3A_1573 : f32 to vector<16xf32>
      %ge3A_1575 = arith.cmpf oge, %add3A_1572, %ge3A_1574 : vector<16xf32>
      %mul3A_1576 = arith.constant 0.00999999977 : f32
      %mul3A_1577 = vector.broadcast %mul3A_1576 : f32 to vector<16xf32>
      %mul3A_1578 = arith.mulf %add3A_1572, %mul3A_1577 : vector<16xf32>
      %select_n3A_1579 = arith.select %ge3A_1575, %add3A_1572, %mul3A_1578 : vector<16xi1>, vector<16xf32>
      %exp3A_1580 = math.exp %select_n3A_1579 : vector<16xf32>
      %swap3A_1581 = arith.constant 3 : i32
      %swap3A_1582 = arith.index_cast %swap3A_1581 : i32 to index
      %swap3A_1583 = arith.constant 16 : index
      %swap3A_1584 = tpu.vector_load %arg15[%swap3A_1582, %swap3A_1583] {strides = array<i32>} : memref<6x128xf32, #tpu.memory_space<vmem>>, vector<16xf32>,
      tpu.vector_store %arg15[%swap3A_1582, %swap3A_1583], %exp3A_1580 {strides = array<i32>} : memref<6x128xf32, #tpu.memory_space<vmem>>, vector<16xf32>,
      %add3A_1585 = arith.constant 32 : i32
      %add3A_1586 = vector.broadcast %add3A_1585 : i32 to vector<16xi32>
      %add3A_1587 = arith.addi %iota3A, %add3A_1586 : vector<16xi32>
      %gather3A_1588 = tpu.vector_load_idx %arg20[%add3A_1587, %broadcast_in_dim3A_23] : memref<128x16xf32, #tpu.memory_space<vmem>>[vector<16xi32>, vector<16xi32>], vector<16xf32>,
      %gather3A_1589 = tpu.vector_load_idx %arg19[%add3A_1587, %broadcast_in_dim3A_23] : memref<128x16xf32, #tpu.memory_space<vmem>>[vector<16xi32>, vector<16xi32>], vector<16xf32>,
      %add3A_1590 = arith.addf %gather3A_1588, %gather3A_1589 : vector<16xf32>
      %ge3A_1591 = arith.constant 0.000000e+00 : f32
      %ge3A_1592 = vector.broadcast %ge3A_1591 : f32 to vector<16xf32>
      %ge3A_1593 = arith.cmpf oge, %add3A_1590, %ge3A_1592 : vector<16xf32>
      %mul3A_1594 = arith.constant 0.00999999977 : f32
      %mul3A_1595 = vector.broadcast %mul3A_1594 : f32 to vector<16xf32>
      %mul3A_1596 = arith.mulf %add3A_1590, %mul3A_1595 : vector<16xf32>
      %select_n3A_1597 = arith.select %ge3A_1593, %add3A_1590, %mul3A_1596 : vector<16xi1>, vector<16xf32>
      %exp3A_1598 = math.exp %select_n3A_1597 : vector<16xf32>
      %swap3A_1599 = arith.constant 3 : i32
      %swap3A_1600 = arith.index_cast %swap3A_1599 : i32 to index
      %swap3A_1601 = arith.constant 32 : index
      %swap3A_1602 = tpu.vector_load %arg15[%swap3A_1600, %swap3A_1601] {strides = array<i32>} : memref<6x128xf32, #tpu.memory_space<vmem>>, vector<16xf32>,
      tpu.vector_store %arg15[%swap3A_1600, %swap3A_1601], %exp3A_1598 {strides = array<i32>} : memref<6x128xf32, #tpu.memory_space<vmem>>, vector<16xf32>,
      %add3A_1603 = arith.constant 48 : i32
      %add3A_1604 = vector.broadcast %add3A_1603 : i32 to vector<16xi32>
      %add3A_1605 = arith.addi %iota3A, %add3A_1604 : vector<16xi32>
      %gather3A_1606 = tpu.vector_load_idx %arg20[%add3A_1605, %broadcast_in_dim3A_23] : memref<128x16xf32, #tpu.memory_space<vmem>>[vector<16xi32>, vector<16xi32>], vector<16xf32>,
      %gather3A_1607 = tpu.vector_load_idx %arg19[%add3A_1605, %broadcast_in_dim3A_23] : memref<128x16xf32, #tpu.memory_space<vmem>>[vector<16xi32>, vector<16xi32>], vector<16xf32>,
      %add3A_1608 = arith.addf %gather3A_1606, %gather3A_1607 : vector<16xf32>
      %ge3A_1609 = arith.constant 0.000000e+00 : f32
      %ge3A_1610 = vector.broadcast %ge3A_1609 : f32 to vector<16xf32>
      %ge3A_1611 = arith.cmpf oge, %add3A_1608, %ge3A_1610 : vector<16xf32>
      %mul3A_1612 = arith.constant 0.00999999977 : f32
      %mul3A_1613 = vector.broadcast %mul3A_1612 : f32 to vector<16xf32>
      %mul3A_1614 = arith.mulf %add3A_1608, %mul3A_1613 : vector<16xf32>
      %select_n3A_1615 = arith.select %ge3A_1611, %add3A_1608, %mul3A_1614 : vector<16xi1>, vector<16xf32>
      %exp3A_1616 = math.exp %select_n3A_1615 : vector<16xf32>
      %swap3A_1617 = arith.constant 3 : i32
      %swap3A_1618 = arith.index_cast %swap3A_1617 : i32 to index
      %swap3A_1619 = arith.constant 48 : index
      %swap3A_1620 = tpu.vector_load %arg15[%swap3A_1618, %swap3A_1619] {strides = array<i32>} : memref<6x128xf32, #tpu.memory_space<vmem>>, vector<16xf32>,
      tpu.vector_store %arg15[%swap3A_1618, %swap3A_1619], %exp3A_1616 {strides = array<i32>} : memref<6x128xf32, #tpu.memory_space<vmem>>, vector<16xf32>,
      %add3A_1621 = arith.constant 64 : i32
      %add3A_1622 = vector.broadcast %add3A_1621 : i32 to vector<16xi32>
      %add3A_1623 = arith.addi %iota3A, %add3A_1622 : vector<16xi32>
      %gather3A_1624 = tpu.vector_load_idx %arg20[%add3A_1623, %broadcast_in_dim3A_23] : memref<128x16xf32, #tpu.memory_space<vmem>>[vector<16xi32>, vector<16xi32>], vector<16xf32>,
      %gather3A_1625 = tpu.vector_load_idx %arg19[%add3A_1623, %broadcast_in_dim3A_23] : memref<128x16xf32, #tpu.memory_space<vmem>>[vector<16xi32>, vector<16xi32>], vector<16xf32>,
      %add3A_1626 = arith.addf %gather3A_1624, %gather3A_1625 : vector<16xf32>
      %ge3A_1627 = arith.constant 0.000000e+00 : f32
      %ge3A_1628 = vector.broadcast %ge3A_1627 : f32 to vector<16xf32>
      %ge3A_1629 = arith.cmpf oge, %add3A_1626, %ge3A_1628 : vector<16xf32>
      %mul3A_1630 = arith.constant 0.00999999977 : f32
      %mul3A_1631 = vector.broadcast %mul3A_1630 : f32 to vector<16xf32>
      %mul3A_1632 = arith.mulf %add3A_1626, %mul3A_1631 : vector<16xf32>
      %select_n3A_1633 = arith.select %ge3A_1629, %add3A_1626, %mul3A_1632 : vector<16xi1>, vector<16xf32>
      %exp3A_1634 = math.exp %select_n3A_1633 : vector<16xf32>
      %swap3A_1635 = arith.constant 3 : i32
      %swap3A_1636 = arith.index_cast %swap3A_1635 : i32 to index
      %swap3A_1637 = arith.constant 64 : index
      %swap3A_1638 = tpu.vector_load %arg15[%swap3A_1636, %swap3A_1637] {strides = array<i32>} : memref<6x128xf32, #tpu.memory_space<vmem>>, vector<16xf32>,
      tpu.vector_store %arg15[%swap3A_1636, %swap3A_1637], %exp3A_1634 {strides = array<i32>} : memref<6x128xf32, #tpu.memory_space<vmem>>, vector<16xf32>,
      %add3A_1639 = arith.constant 80 : i32
      %add3A_1640 = vector.broadcast %add3A_1639 : i32 to vector<16xi32>
      %add3A_1641 = arith.addi %iota3A, %add3A_1640 : vector<16xi32>
      %gather3A_1642 = tpu.vector_load_idx %arg20[%add3A_1641, %broadcast_in_dim3A_23] : memref<128x16xf32, #tpu.memory_space<vmem>>[vector<16xi32>, vector<16xi32>], vector<16xf32>,
      %gather3A_1643 = tpu.vector_load_idx %arg19[%add3A_1641, %broadcast_in_dim3A_23] : memref<128x16xf32, #tpu.memory_space<vmem>>[vector<16xi32>, vector<16xi32>], vector<16xf32>,
      %add3A_1644 = arith.addf %gather3A_1642, %gather3A_1643 : vector<16xf32>
      %ge3A_1645 = arith.constant 0.000000e+00 : f32
      %ge3A_1646 = vector.broadcast %ge3A_1645 : f32 to vector<16xf32>
      %ge3A_1647 = arith.cmpf oge, %add3A_1644, %ge3A_1646 : vector<16xf32>
      %mul3A_1648 = arith.constant 0.00999999977 : f32
      %mul3A_1649 = vector.broadcast %mul3A_1648 : f32 to vector<16xf32>
      %mul3A_1650 = arith.mulf %add3A_1644, %mul3A_1649 : vector<16xf32>
      %select_n3A_1651 = arith.select %ge3A_1647, %add3A_1644, %mul3A_1650 : vector<16xi1>, vector<16xf32>
      %exp3A_1652 = math.exp %select_n3A_1651 : vector<16xf32>
      %swap3A_1653 = arith.constant 3 : i32
      %swap3A_1654 = arith.index_cast %swap3A_1653 : i32 to index
      %swap3A_1655 = arith.constant 80 : index
      %swap3A_1656 = tpu.vector_load %arg15[%swap3A_1654, %swap3A_1655] {strides = array<i32>} : memref<6x128xf32, #tpu.memory_space<vmem>>, vector<16xf32>,
      tpu.vector_store %arg15[%swap3A_1654, %swap3A_1655], %exp3A_1652 {strides = array<i32>} : memref<6x128xf32, #tpu.memory_space<vmem>>, vector<16xf32>,
      %add3A_1657 = arith.constant 96 : i32
      %add3A_1658 = vector.broadcast %add3A_1657 : i32 to vector<16xi32>
      %add3A_1659 = arith.addi %iota3A, %add3A_1658 : vector<16xi32>
      %gather3A_1660 = tpu.vector_load_idx %arg20[%add3A_1659, %broadcast_in_dim3A_23] : memref<128x16xf32, #tpu.memory_space<vmem>>[vector<16xi32>, vector<16xi32>], vector<16xf32>,
      %gather3A_1661 = tpu.vector_load_idx %arg19[%add3A_1659, %broadcast_in_dim3A_23] : memref<128x16xf32, #tpu.memory_space<vmem>>[vector<16xi32>, vector<16xi32>], vector<16xf32>,
      %add3A_1662 = arith.addf %gather3A_1660, %gather3A_1661 : vector<16xf32>
      %ge3A_1663 = arith.constant 0.000000e+00 : f32
      %ge3A_1664 = vector.broadcast %ge3A_1663 : f32 to vector<16xf32>
      %ge3A_1665 = arith.cmpf oge, %add3A_1662, %ge3A_1664 : vector<16xf32>
      %mul3A_1666 = arith.constant 0.00999999977 : f32
      %mul3A_1667 = vector.broadcast %mul3A_1666 : f32 to vector<16xf32>
      %mul3A_1668 = arith.mulf %add3A_1662, %mul3A_1667 : vector<16xf32>
      %select_n3A_1669 = arith.select %ge3A_1665, %add3A_1662, %mul3A_1668 : vector<16xi1>, vector<16xf32>
      %exp3A_1670 = math.exp %select_n3A_1669 : vector<16xf32>
      %swap3A_1671 = arith.constant 3 : i32
      %swap3A_1672 = arith.index_cast %swap3A_1671 : i32 to index
      %swap3A_1673 = arith.constant 96 : index
      %swap3A_1674 = tpu.vector_load %arg15[%swap3A_1672, %swap3A_1673] {strides = array<i32>} : memref<6x128xf32, #tpu.memory_space<vmem>>, vector<16xf32>,
      tpu.vector_store %arg15[%swap3A_1672, %swap3A_1673], %exp3A_1670 {strides = array<i32>} : memref<6x128xf32, #tpu.memory_space<vmem>>, vector<16xf32>,
      %add3A_1675 = arith.constant 112 : i32
      %add3A_1676 = vector.broadcast %add3A_1675 : i32 to vector<16xi32>
      %add3A_1677 = arith.addi %iota3A, %add3A_1676 : vector<16xi32>
      %gather3A_1678 = tpu.vector_load_idx %arg20[%add3A_1677, %broadcast_in_dim3A_23] : memref<128x16xf32, #tpu.memory_space<vmem>>[vector<16xi32>, vector<16xi32>], vector<16xf32>,
      %gather3A_1679 = tpu.vector_load_idx %arg19[%add3A_1677, %broadcast_in_dim3A_23] : memref<128x16xf32, #tpu.memory_space<vmem>>[vector<16xi32>, vector<16xi32>], vector<16xf32>,
      %add3A_1680 = arith.addf %gather3A_1678, %gather3A_1679 : vector<16xf32>
      %ge3A_1681 = arith.constant 0.000000e+00 : f32
      %ge3A_1682 = vector.broadcast %ge3A_1681 : f32 to vector<16xf32>
      %ge3A_1683 = arith.cmpf oge, %add3A_1680, %ge3A_1682 : vector<16xf32>
      %mul3A_1684 = arith.constant 0.00999999977 : f32
      %mul3A_1685 = vector.broadcast %mul3A_1684 : f32 to vector<16xf32>
      %mul3A_1686 = arith.mulf %add3A_1680, %mul3A_1685 : vector<16xf32>
      %select_n3A_1687 = arith.select %ge3A_1683, %add3A_1680, %mul3A_1686 : vector<16xi1>, vector<16xf32>
      %exp3A_1688 = math.exp %select_n3A_1687 : vector<16xf32>
      %swap3A_1689 = arith.constant 3 : i32
      %swap3A_1690 = arith.index_cast %swap3A_1689 : i32 to index
      %swap3A_1691 = arith.constant 112 : index
      %swap3A_1692 = tpu.vector_load %arg15[%swap3A_1690, %swap3A_1691] {strides = array<i32>} : memref<6x128xf32, #tpu.memory_space<vmem>>, vector<16xf32>,
      tpu.vector_store %arg15[%swap3A_1690, %swap3A_1691], %exp3A_1688 {strides = array<i32>} : memref<6x128xf32, #tpu.memory_space<vmem>>, vector<16xf32>,
      %broadcast_in_dim3A_1693 = arith.constant 3 : i32
      %broadcast_in_dim3A_1694 = vector.broadcast %broadcast_in_dim3A_1693 : i32 to vector<16xi32>
      %parallel_loop3A_1695 = arith.constant 0 : i32
      %parallel_loop3A_1696 = arith.constant 128 : i32
      %parallel_loop3A_1697 = arith.constant 1 : i32
      scf.for %parallel_loop3A_2083 = %parallel_loop3A_1695 to %parallel_loop3A_1696 step %parallel_loop3A_1697  : i32 {
        %parallel_loop3A_2084 = vector.broadcast %parallel_loop3A_2083 : i32 to vector<16xi32>
        %parallel_loop3A_2085 = tpu.vector_load_idx %arg15[%broadcast_in_dim3A_1694, %parallel_loop3A_2084] : memref<6x128xf32, #tpu.memory_space<vmem>>[vector<16xi32>, vector<16xi32>], vector<16xf32>,
        %parallel_loop3A_2086 = arith.index_cast %parallel_loop3A_2083 : i32 to index
        %parallel_loop3A_2087 = arith.constant 0 : index
        %parallel_loop3A_2088 = tpu.vector_load %arg17[%parallel_loop3A_2086, %parallel_loop3A_2087] {strides = array<i32>} : memref<128x64xf32, #tpu.memory_space<vmem>>, vector<16xf32>,
        %parallel_loop3A_2089 = arith.mulf %parallel_loop3A_2088, %parallel_loop3A_2085 : vector<16xf32>
        %parallel_loop3A_2090 = arith.index_cast %parallel_loop3A_2083 : i32 to index
        %parallel_loop3A_2091 = arith.constant 0 : index
        %parallel_loop3A_2092 = tpu.vector_load %arg17[%parallel_loop3A_2090, %parallel_loop3A_2091] {strides = array<i32>} : memref<128x64xf32, #tpu.memory_space<vmem>>, vector<16xf32>,
        tpu.vector_store %arg17[%parallel_loop3A_2090, %parallel_loop3A_2091], %parallel_loop3A_2089 {strides = array<i32>} : memref<128x64xf32, #tpu.memory_space<vmem>>, vector<16xf32>,
        %parallel_loop3A_2093 = arith.index_cast %parallel_loop3A_2083 : i32 to index
        %parallel_loop3A_2094 = arith.constant 16 : index
        %parallel_loop3A_2095 = tpu.vector_load %arg17[%parallel_loop3A_2093, %parallel_loop3A_2094] {strides = array<i32>} : memref<128x64xf32, #tpu.memory_space<vmem>>, vector<16xf32>,
        %parallel_loop3A_2096 = arith.mulf %parallel_loop3A_2095, %parallel_loop3A_2085 : vector<16xf32>
        %parallel_loop3A_2097 = arith.index_cast %parallel_loop3A_2083 : i32 to index
        %parallel_loop3A_2098 = arith.constant 16 : index
        %parallel_loop3A_2099 = tpu.vector_load %arg17[%parallel_loop3A_2097, %parallel_loop3A_2098] {strides = array<i32>} : memref<128x64xf32, #tpu.memory_space<vmem>>, vector<16xf32>,
        tpu.vector_store %arg17[%parallel_loop3A_2097, %parallel_loop3A_2098], %parallel_loop3A_2096 {strides = array<i32>} : memref<128x64xf32, #tpu.memory_space<vmem>>, vector<16xf32>,
        %parallel_loop3A_2100 = arith.index_cast %parallel_loop3A_2083 : i32 to index
        %parallel_loop3A_2101 = arith.constant 32 : index
        %parallel_loop3A_2102 = tpu.vector_load %arg17[%parallel_loop3A_2100, %parallel_loop3A_2101] {strides = array<i32>} : memref<128x64xf32, #tpu.memory_space<vmem>>, vector<16xf32>,
        %parallel_loop3A_2103 = arith.mulf %parallel_loop3A_2102, %parallel_loop3A_2085 : vector<16xf32>
        %parallel_loop3A_2104 = arith.index_cast %parallel_loop3A_2083 : i32 to index
        %parallel_loop3A_2105 = arith.constant 32 : index
        %parallel_loop3A_2106 = tpu.vector_load %arg17[%parallel_loop3A_2104, %parallel_loop3A_2105] {strides = array<i32>} : memref<128x64xf32, #tpu.memory_space<vmem>>, vector<16xf32>,
        tpu.vector_store %arg17[%parallel_loop3A_2104, %parallel_loop3A_2105], %parallel_loop3A_2103 {strides = array<i32>} : memref<128x64xf32, #tpu.memory_space<vmem>>, vector<16xf32>,
        %parallel_loop3A_2107 = arith.index_cast %parallel_loop3A_2083 : i32 to index
        %parallel_loop3A_2108 = arith.constant 48 : index
        %parallel_loop3A_2109 = tpu.vector_load %arg17[%parallel_loop3A_2107, %parallel_loop3A_2108] {strides = array<i32>} : memref<128x64xf32, #tpu.memory_space<vmem>>, vector<16xf32>,
        %parallel_loop3A_2110 = arith.mulf %parallel_loop3A_2109, %parallel_loop3A_2085 : vector<16xf32>
        %parallel_loop3A_2111 = arith.index_cast %parallel_loop3A_2083 : i32 to index
        %parallel_loop3A_2112 = arith.constant 48 : index
        %parallel_loop3A_2113 = tpu.vector_load %arg17[%parallel_loop3A_2111, %parallel_loop3A_2112] {strides = array<i32>} : memref<128x64xf32, #tpu.memory_space<vmem>>, vector<16xf32>,
        tpu.vector_store %arg17[%parallel_loop3A_2111, %parallel_loop3A_2112], %parallel_loop3A_2110 {strides = array<i32>} : memref<128x64xf32, #tpu.memory_space<vmem>>, vector<16xf32>,
        %parallel_loop3A_2114 = arith.constant 0 : i32
        %parallel_loop3A_2115 = vector.broadcast %parallel_loop3A_2114 : i32 to vector<16xi32>
        %parallel_loop3A_2116 = arith.cmpi eq, %iota3A, %parallel_loop3A_2115 : vector<16xi32>
        %parallel_loop3A_2117 = arith.constant 0.000000e+00 : f32
        %parallel_loop3A_2118 = vector.broadcast %parallel_loop3A_2117 : f32 to vector<16xf32>
        %parallel_loop3A_2119 = arith.select %parallel_loop3A_2116, %parallel_loop3A_2085, %parallel_loop3A_2118 : vector<16xi1>, vector<16xf32>
        %parallel_loop3A_2120 = arith.index_cast %parallel_loop3A_2083 : i32 to index
        %parallel_loop3A_2121 = arith.constant 0 : index
        %parallel_loop3A_2122 = tpu.vector_load %arg18[%parallel_loop3A_2120, %parallel_loop3A_2121] {strides = array<i32>} : memref<128x16xf32, #tpu.memory_space<vmem>>, vector<16xf32>,
        tpu.vector_store %arg18[%parallel_loop3A_2120, %parallel_loop3A_2121], %parallel_loop3A_2119 {strides = array<i32>} : memref<128x16xf32, #tpu.memory_space<vmem>>, vector<16xf32>,
      } {sc.loop_unroll_factor = 4 : i64, sc.parallel_access}
      %run_scoped3A_1698 = arith.constant 3 : i32
      "tpu.region"() ({
        %run_scoped3A_2083 = tpu.sem_alloc : memref<!tpu.dma_semaphore, #tpu.memory_space<semaphore_mem>>
        %dma_start3A_2084 = arith.constant 0 : i32
        %dma_start3A_2085 = tpu.memref_slice %arg13[%run_scoped3A_1698, %dma_start3A_2084] : memref<6x128xi32, #tpu.memory_space<vmem>> -> memref<1x128xi32, #tpu.memory_space<vmem>>
        %dma_start3A_2086 = tpu.memref_squeeze %dma_start3A_2085 : memref<1x128xi32, #tpu.memory_space<vmem>> -> memref<128xi32, #tpu.memory_space<vmem>>
        %dma_start3A_2087 = arith.constant 0 : i32
        %dma_start3A_2088 = arith.constant 0 : i32
        %dma_start3A_2089 = tpu.memref_slice %arg21[%dma_start3A_2087, %dma_start3A_2088] : memref<10240x64xf32, #tpu.memory_space<vmem_shared>> -> memref<10240x64xf32, #tpu.memory_space<vmem_shared>>
        tpu.enqueue_indirect_dma source(%arg17 : memref<128x64xf32, #tpu.memory_space<vmem>>) target(%dma_start3A_2089 : memref<10240x64xf32, #tpu.memory_space<vmem_shared>>) offsets(%dma_start3A_2086 : memref<128xi32, #tpu.memory_space<vmem>>) semaphore(%run_scoped3A_2083 : memref<!tpu.dma_semaphore, #tpu.memory_space<semaphore_mem>>) {add = true}
        %dma_wait3A_2090 = arith.constant 0 : i32
        %dma_wait3A_2091 = tpu.memref_slice %arg13[%run_scoped3A_1698, %dma_wait3A_2090] : memref<6x128xi32, #tpu.memory_space<vmem>> -> memref<1x128xi32, #tpu.memory_space<vmem>>
        %dma_wait3A_2092 = tpu.memref_squeeze %dma_wait3A_2091 : memref<1x128xi32, #tpu.memory_space<vmem>> -> memref<128xi32, #tpu.memory_space<vmem>>
        %dma_wait3A_2093 = arith.constant 0 : i32
        %dma_wait3A_2094 = arith.constant 0 : i32
        %dma_wait3A_2095 = tpu.memref_slice %arg21[%dma_wait3A_2093, %dma_wait3A_2094] : memref<10240x64xf32, #tpu.memory_space<vmem_shared>> -> memref<10240x64xf32, #tpu.memory_space<vmem_shared>>
        tpu.wait_indirect_dma semaphore(%run_scoped3A_2083 : memref<!tpu.dma_semaphore, #tpu.memory_space<semaphore_mem>>) src(%arg17 : memref<128x64xf32, #tpu.memory_space<vmem>>) dst(%dma_wait3A_2095 : memref<10240x64xf32, #tpu.memory_space<vmem_shared>>)
        tpu.yield
      }) : () -> ()
      %run_scoped3A_1699 = arith.constant 3 : i32
      "tpu.region"() ({
        %run_scoped3A_2083 = tpu.sem_alloc : memref<!tpu.dma_semaphore, #tpu.memory_space<semaphore_mem>>
        %dma_start3A_2084 = arith.constant 0 : i32
        %dma_start3A_2085 = tpu.memref_slice %arg13[%run_scoped3A_1699, %dma_start3A_2084] : memref<6x128xi32, #tpu.memory_space<vmem>> -> memref<1x128xi32, #tpu.memory_space<vmem>>
        %dma_start3A_2086 = tpu.memref_squeeze %dma_start3A_2085 : memref<1x128xi32, #tpu.memory_space<vmem>> -> memref<128xi32, #tpu.memory_space<vmem>>
        %dma_start3A_2087 = arith.constant 0 : i32
        %dma_start3A_2088 = arith.constant 0 : i32
        %dma_start3A_2089 = tpu.memref_slice %arg22[%dma_start3A_2087, %dma_start3A_2088] : memref<10240x16xf32, #tpu.memory_space<vmem_shared>> -> memref<10240x16xf32, #tpu.memory_space<vmem_shared>>
        tpu.enqueue_indirect_dma source(%arg18 : memref<128x16xf32, #tpu.memory_space<vmem>>) target(%dma_start3A_2089 : memref<10240x16xf32, #tpu.memory_space<vmem_shared>>) offsets(%dma_start3A_2086 : memref<128xi32, #tpu.memory_space<vmem>>) semaphore(%run_scoped3A_2083 : memref<!tpu.dma_semaphore, #tpu.memory_space<semaphore_mem>>) {add = true}
        %dma_wait3A_2090 = arith.constant 0 : i32
        %dma_wait3A_2091 = tpu.memref_slice %arg13[%run_scoped3A_1699, %dma_wait3A_2090] : memref<6x128xi32, #tpu.memory_space<vmem>> -> memref<1x128xi32, #tpu.memory_space<vmem>>
        %dma_wait3A_2092 = tpu.memref_squeeze %dma_wait3A_2091 : memref<1x128xi32, #tpu.memory_space<vmem>> -> memref<128xi32, #tpu.memory_space<vmem>>
        %dma_wait3A_2093 = arith.constant 0 : i32
        %dma_wait3A_2094 = arith.constant 0 : i32
        %dma_wait3A_2095 = tpu.memref_slice %arg22[%dma_wait3A_2093, %dma_wait3A_2094] : memref<10240x16xf32, #tpu.memory_space<vmem_shared>> -> memref<10240x16xf32, #tpu.memory_space<vmem_shared>>
        tpu.wait_indirect_dma semaphore(%run_scoped3A_2083 : memref<!tpu.dma_semaphore, #tpu.memory_space<semaphore_mem>>) src(%arg18 : memref<128x16xf32, #tpu.memory_space<vmem>>) dst(%dma_wait3A_2095 : memref<10240x16xf32, #tpu.memory_space<vmem_shared>>)
        tpu.yield
      }) : () -> ()
      %dma_start3A_1700 = arith.constant 5 : i32
      %dma_start3A_1701 = arith.constant 0 : i32
      %dma_start3A_1702 = tpu.memref_slice %arg12[%dma_start3A_1700, %dma_start3A_1701] : memref<6x128xi32, #tpu.memory_space<vmem>> -> memref<1x128xi32, #tpu.memory_space<vmem>>
      %dma_start3A_1703 = tpu.memref_squeeze %dma_start3A_1702 : memref<1x128xi32, #tpu.memory_space<vmem>> -> memref<128xi32, #tpu.memory_space<vmem>>
      %dma_start3A_1704 = arith.constant 0 : i32
      %dma_start3A_1705 = arith.constant 0 : i32
      %dma_start3A_1706 = tpu.memref_slice %arg2[%dma_start3A_1704, %dma_start3A_1705] : memref<20480x64xf32, #tpu.memory_space<hbm>> -> memref<20480x64xf32, #tpu.memory_space<hbm>>
      tpu.enqueue_indirect_dma source(%dma_start3A_1706 : memref<20480x64xf32, #tpu.memory_space<hbm>>) target(%arg17 : memref<128x64xf32, #tpu.memory_space<vmem>>) offsets(%dma_start3A_1703 : memref<128xi32, #tpu.memory_space<vmem>>) semaphore(%arg24 : memref<!tpu.dma_semaphore, #tpu.memory_space<semaphore_mem>>)
      %dma_start3A_1707 = arith.constant 4 : i32
      %dma_start3A_1708 = arith.constant 0 : i32
      %dma_start3A_1709 = tpu.memref_slice %arg12[%dma_start3A_1707, %dma_start3A_1708] : memref<6x128xi32, #tpu.memory_space<vmem>> -> memref<1x128xi32, #tpu.memory_space<vmem>>
      %dma_start3A_1710 = tpu.memref_squeeze %dma_start3A_1709 : memref<1x128xi32, #tpu.memory_space<vmem>> -> memref<128xi32, #tpu.memory_space<vmem>>
      %dma_start3A_1711 = arith.constant 0 : i32
      %dma_start3A_1712 = arith.constant 0 : i32
      %dma_start3A_1713 = tpu.memref_slice %arg6[%dma_start3A_1711, %dma_start3A_1712] : memref<20480x16xf32, #tpu.memory_space<hbm>> -> memref<20480x16xf32, #tpu.memory_space<hbm>>
      tpu.enqueue_indirect_dma source(%dma_start3A_1713 : memref<20480x16xf32, #tpu.memory_space<hbm>>) target(%arg19 : memref<128x16xf32, #tpu.memory_space<vmem>>) offsets(%dma_start3A_1710 : memref<128xi32, #tpu.memory_space<vmem>>) semaphore(%arg25 : memref<!tpu.dma_semaphore, #tpu.memory_space<semaphore_mem>>)
      %dma_start3A_1714 = arith.constant 4 : i32
      %dma_start3A_1715 = arith.constant 0 : i32
      %dma_start3A_1716 = tpu.memref_slice %arg13[%dma_start3A_1714, %dma_start3A_1715] : memref<6x128xi32, #tpu.memory_space<vmem>> -> memref<1x128xi32, #tpu.memory_space<vmem>>
      %dma_start3A_1717 = tpu.memref_squeeze %dma_start3A_1716 : memref<1x128xi32, #tpu.memory_space<vmem>> -> memref<128xi32, #tpu.memory_space<vmem>>
      %dma_start3A_1718 = arith.constant 0 : i32
      %dma_start3A_1719 = arith.constant 0 : i32
      %dma_start3A_1720 = tpu.memref_slice %arg7[%dma_start3A_1718, %dma_start3A_1719] : memref<10240x16xf32, #tpu.memory_space<hbm>> -> memref<10240x16xf32, #tpu.memory_space<hbm>>
      tpu.enqueue_indirect_dma source(%dma_start3A_1720 : memref<10240x16xf32, #tpu.memory_space<hbm>>) target(%arg20 : memref<128x16xf32, #tpu.memory_space<vmem>>) offsets(%dma_start3A_1717 : memref<128xi32, #tpu.memory_space<vmem>>) semaphore(%arg25 : memref<!tpu.dma_semaphore, #tpu.memory_space<semaphore_mem>>)
      %dma_wait3A_1721 = arith.constant 4 : i32
      %dma_wait3A_1722 = arith.constant 0 : i32
      %dma_wait3A_1723 = tpu.memref_slice %arg12[%dma_wait3A_1721, %dma_wait3A_1722] : memref<6x128xi32, #tpu.memory_space<vmem>> -> memref<1x128xi32, #tpu.memory_space<vmem>>
      %dma_wait3A_1724 = tpu.memref_squeeze %dma_wait3A_1723 : memref<1x128xi32, #tpu.memory_space<vmem>> -> memref<128xi32, #tpu.memory_space<vmem>>
      %dma_wait3A_1725 = arith.constant 0 : i32
      %dma_wait3A_1726 = arith.constant 0 : i32
      %dma_wait3A_1727 = tpu.memref_slice %arg2[%dma_wait3A_1725, %dma_wait3A_1726] : memref<20480x64xf32, #tpu.memory_space<hbm>> -> memref<20480x64xf32, #tpu.memory_space<hbm>>
      tpu.wait_indirect_dma semaphore(%arg23 : memref<!tpu.dma_semaphore, #tpu.memory_space<semaphore_mem>>) src(%dma_wait3A_1727 : memref<20480x64xf32, #tpu.memory_space<hbm>>) dst(%arg16 : memref<128x64xf32, #tpu.memory_space<vmem>>)
      %run_scoped3A_1728 = arith.constant 4 : i32
      "tpu.region"() ({
        %run_scoped3A_2083 = tpu.sem_alloc : memref<!tpu.dma_semaphore, #tpu.memory_space<semaphore_mem>>
        %dma_start3A_2084 = arith.constant 0 : i32
        %dma_start3A_2085 = tpu.memref_slice %arg14[%run_scoped3A_1728, %dma_start3A_2084] : memref<6x128xi32, #tpu.memory_space<vmem>> -> memref<1x128xi32, #tpu.memory_space<vmem>>
        %dma_start3A_2086 = tpu.memref_squeeze %dma_start3A_2085 : memref<1x128xi32, #tpu.memory_space<vmem>> -> memref<128xi32, #tpu.memory_space<vmem>>
        %dma_start3A_2087 = arith.constant 0 : i32
        %dma_start3A_2088 = arith.constant 0 : i32
        %dma_start3A_2089 = tpu.memref_slice %arg8[%dma_start3A_2087, %dma_start3A_2088] : memref<660000x64xf32, #tpu.memory_space<hbm>> -> memref<660000x64xf32, #tpu.memory_space<hbm>>
        tpu.enqueue_indirect_dma source(%arg16 : memref<128x64xf32, #tpu.memory_space<vmem>>) target(%dma_start3A_2089 : memref<660000x64xf32, #tpu.memory_space<hbm>>) offsets(%dma_start3A_2086 : memref<128xi32, #tpu.memory_space<vmem>>) semaphore(%run_scoped3A_2083 : memref<!tpu.dma_semaphore, #tpu.memory_space<semaphore_mem>>)
        %dma_wait3A_2090 = arith.constant 0 : i32
        %dma_wait3A_2091 = tpu.memref_slice %arg14[%run_scoped3A_1728, %dma_wait3A_2090] : memref<6x128xi32, #tpu.memory_space<vmem>> -> memref<1x128xi32, #tpu.memory_space<vmem>>
        %dma_wait3A_2092 = tpu.memref_squeeze %dma_wait3A_2091 : memref<1x128xi32, #tpu.memory_space<vmem>> -> memref<128xi32, #tpu.memory_space<vmem>>
        %dma_wait3A_2093 = arith.constant 0 : i32
        %dma_wait3A_2094 = arith.constant 0 : i32
        %dma_wait3A_2095 = tpu.memref_slice %arg8[%dma_wait3A_2093, %dma_wait3A_2094] : memref<660000x64xf32, #tpu.memory_space<hbm>> -> memref<660000x64xf32, #tpu.memory_space<hbm>>
        tpu.wait_indirect_dma semaphore(%run_scoped3A_2083 : memref<!tpu.dma_semaphore, #tpu.memory_space<semaphore_mem>>) src(%arg16 : memref<128x64xf32, #tpu.memory_space<vmem>>) dst(%dma_wait3A_2095 : memref<660000x64xf32, #tpu.memory_space<hbm>>)
        tpu.yield
      }) : () -> ()
      %dma_wait3A_1729 = arith.constant 4 : i32
      %dma_wait3A_1730 = arith.constant 0 : i32
      %dma_wait3A_1731 = tpu.memref_slice %arg12[%dma_wait3A_1729, %dma_wait3A_1730] : memref<6x128xi32, #tpu.memory_space<vmem>> -> memref<1x128xi32, #tpu.memory_space<vmem>>
      %dma_wait3A_1732 = tpu.memref_squeeze %dma_wait3A_1731 : memref<1x128xi32, #tpu.memory_space<vmem>> -> memref<128xi32, #tpu.memory_space<vmem>>
      %dma_wait3A_1733 = arith.constant 0 : i32
      %dma_wait3A_1734 = arith.constant 0 : i32
      %dma_wait3A_1735 = tpu.memref_slice %arg6[%dma_wait3A_1733, %dma_wait3A_1734] : memref<20480x16xf32, #tpu.memory_space<hbm>> -> memref<20480x16xf32, #tpu.memory_space<hbm>>
      tpu.wait_indirect_dma semaphore(%arg25 : memref<!tpu.dma_semaphore, #tpu.memory_space<semaphore_mem>>) src(%dma_wait3A_1735 : memref<20480x16xf32, #tpu.memory_space<hbm>>) dst(%arg19 : memref<128x16xf32, #tpu.memory_space<vmem>>)
      %dma_wait3A_1736 = arith.constant 4 : i32
      %dma_wait3A_1737 = arith.constant 0 : i32
      %dma_wait3A_1738 = tpu.memref_slice %arg13[%dma_wait3A_1736, %dma_wait3A_1737] : memref<6x128xi32, #tpu.memory_space<vmem>> -> memref<1x128xi32, #tpu.memory_space<vmem>>
      %dma_wait3A_1739 = tpu.memref_squeeze %dma_wait3A_1738 : memref<1x128xi32, #tpu.memory_space<vmem>> -> memref<128xi32, #tpu.memory_space<vmem>>
      %dma_wait3A_1740 = arith.constant 0 : i32
      %dma_wait3A_1741 = arith.constant 0 : i32
      %dma_wait3A_1742 = tpu.memref_slice %arg7[%dma_wait3A_1740, %dma_wait3A_1741] : memref<10240x16xf32, #tpu.memory_space<hbm>> -> memref<10240x16xf32, #tpu.memory_space<hbm>>
      tpu.wait_indirect_dma semaphore(%arg25 : memref<!tpu.dma_semaphore, #tpu.memory_space<semaphore_mem>>) src(%dma_wait3A_1742 : memref<10240x16xf32, #tpu.memory_space<hbm>>) dst(%arg20 : memref<128x16xf32, #tpu.memory_space<vmem>>)
      %add3A_1743 = arith.constant 0 : i32
      %add3A_1744 = vector.broadcast %add3A_1743 : i32 to vector<16xi32>
      %add3A_1745 = arith.addi %iota3A, %add3A_1744 : vector<16xi32>
      %gather3A_1746 = tpu.vector_load_idx %arg20[%add3A_1745, %broadcast_in_dim3A_23] : memref<128x16xf32, #tpu.memory_space<vmem>>[vector<16xi32>, vector<16xi32>], vector<16xf32>,
      %gather3A_1747 = tpu.vector_load_idx %arg19[%add3A_1745, %broadcast_in_dim3A_23] : memref<128x16xf32, #tpu.memory_space<vmem>>[vector<16xi32>, vector<16xi32>], vector<16xf32>,
      %add3A_1748 = arith.addf %gather3A_1746, %gather3A_1747 : vector<16xf32>
      %ge3A_1749 = arith.constant 0.000000e+00 : f32
      %ge3A_1750 = vector.broadcast %ge3A_1749 : f32 to vector<16xf32>
      %ge3A_1751 = arith.cmpf oge, %add3A_1748, %ge3A_1750 : vector<16xf32>
      %mul3A_1752 = arith.constant 0.00999999977 : f32
      %mul3A_1753 = vector.broadcast %mul3A_1752 : f32 to vector<16xf32>
      %mul3A_1754 = arith.mulf %add3A_1748, %mul3A_1753 : vector<16xf32>
      %select_n3A_1755 = arith.select %ge3A_1751, %add3A_1748, %mul3A_1754 : vector<16xi1>, vector<16xf32>
      %exp3A_1756 = math.exp %select_n3A_1755 : vector<16xf32>
      %swap3A_1757 = arith.constant 4 : i32
      %swap3A_1758 = arith.index_cast %swap3A_1757 : i32 to index
      %swap3A_1759 = arith.constant 0 : index
      %swap3A_1760 = tpu.vector_load %arg15[%swap3A_1758, %swap3A_1759] {strides = array<i32>} : memref<6x128xf32, #tpu.memory_space<vmem>>, vector<16xf32>,
      tpu.vector_store %arg15[%swap3A_1758, %swap3A_1759], %exp3A_1756 {strides = array<i32>} : memref<6x128xf32, #tpu.memory_space<vmem>>, vector<16xf32>,
      %add3A_1761 = arith.constant 16 : i32
      %add3A_1762 = vector.broadcast %add3A_1761 : i32 to vector<16xi32>
      %add3A_1763 = arith.addi %iota3A, %add3A_1762 : vector<16xi32>
      %gather3A_1764 = tpu.vector_load_idx %arg20[%add3A_1763, %broadcast_in_dim3A_23] : memref<128x16xf32, #tpu.memory_space<vmem>>[vector<16xi32>, vector<16xi32>], vector<16xf32>,
      %gather3A_1765 = tpu.vector_load_idx %arg19[%add3A_1763, %broadcast_in_dim3A_23] : memref<128x16xf32, #tpu.memory_space<vmem>>[vector<16xi32>, vector<16xi32>], vector<16xf32>,
      %add3A_1766 = arith.addf %gather3A_1764, %gather3A_1765 : vector<16xf32>
      %ge3A_1767 = arith.constant 0.000000e+00 : f32
      %ge3A_1768 = vector.broadcast %ge3A_1767 : f32 to vector<16xf32>
      %ge3A_1769 = arith.cmpf oge, %add3A_1766, %ge3A_1768 : vector<16xf32>
      %mul3A_1770 = arith.constant 0.00999999977 : f32
      %mul3A_1771 = vector.broadcast %mul3A_1770 : f32 to vector<16xf32>
      %mul3A_1772 = arith.mulf %add3A_1766, %mul3A_1771 : vector<16xf32>
      %select_n3A_1773 = arith.select %ge3A_1769, %add3A_1766, %mul3A_1772 : vector<16xi1>, vector<16xf32>
      %exp3A_1774 = math.exp %select_n3A_1773 : vector<16xf32>
      %swap3A_1775 = arith.constant 4 : i32
      %swap3A_1776 = arith.index_cast %swap3A_1775 : i32 to index
      %swap3A_1777 = arith.constant 16 : index
      %swap3A_1778 = tpu.vector_load %arg15[%swap3A_1776, %swap3A_1777] {strides = array<i32>} : memref<6x128xf32, #tpu.memory_space<vmem>>, vector<16xf32>,
      tpu.vector_store %arg15[%swap3A_1776, %swap3A_1777], %exp3A_1774 {strides = array<i32>} : memref<6x128xf32, #tpu.memory_space<vmem>>, vector<16xf32>,
      %add3A_1779 = arith.constant 32 : i32
      %add3A_1780 = vector.broadcast %add3A_1779 : i32 to vector<16xi32>
      %add3A_1781 = arith.addi %iota3A, %add3A_1780 : vector<16xi32>
      %gather3A_1782 = tpu.vector_load_idx %arg20[%add3A_1781, %broadcast_in_dim3A_23] : memref<128x16xf32, #tpu.memory_space<vmem>>[vector<16xi32>, vector<16xi32>], vector<16xf32>,
      %gather3A_1783 = tpu.vector_load_idx %arg19[%add3A_1781, %broadcast_in_dim3A_23] : memref<128x16xf32, #tpu.memory_space<vmem>>[vector<16xi32>, vector<16xi32>], vector<16xf32>,
      %add3A_1784 = arith.addf %gather3A_1782, %gather3A_1783 : vector<16xf32>
      %ge3A_1785 = arith.constant 0.000000e+00 : f32
      %ge3A_1786 = vector.broadcast %ge3A_1785 : f32 to vector<16xf32>
      %ge3A_1787 = arith.cmpf oge, %add3A_1784, %ge3A_1786 : vector<16xf32>
      %mul3A_1788 = arith.constant 0.00999999977 : f32
      %mul3A_1789 = vector.broadcast %mul3A_1788 : f32 to vector<16xf32>
      %mul3A_1790 = arith.mulf %add3A_1784, %mul3A_1789 : vector<16xf32>
      %select_n3A_1791 = arith.select %ge3A_1787, %add3A_1784, %mul3A_1790 : vector<16xi1>, vector<16xf32>
      %exp3A_1792 = math.exp %select_n3A_1791 : vector<16xf32>
      %swap3A_1793 = arith.constant 4 : i32
      %swap3A_1794 = arith.index_cast %swap3A_1793 : i32 to index
      %swap3A_1795 = arith.constant 32 : index
      %swap3A_1796 = tpu.vector_load %arg15[%swap3A_1794, %swap3A_1795] {strides = array<i32>} : memref<6x128xf32, #tpu.memory_space<vmem>>, vector<16xf32>,
      tpu.vector_store %arg15[%swap3A_1794, %swap3A_1795], %exp3A_1792 {strides = array<i32>} : memref<6x128xf32, #tpu.memory_space<vmem>>, vector<16xf32>,
      %add3A_1797 = arith.constant 48 : i32
      %add3A_1798 = vector.broadcast %add3A_1797 : i32 to vector<16xi32>
      %add3A_1799 = arith.addi %iota3A, %add3A_1798 : vector<16xi32>
      %gather3A_1800 = tpu.vector_load_idx %arg20[%add3A_1799, %broadcast_in_dim3A_23] : memref<128x16xf32, #tpu.memory_space<vmem>>[vector<16xi32>, vector<16xi32>], vector<16xf32>,
      %gather3A_1801 = tpu.vector_load_idx %arg19[%add3A_1799, %broadcast_in_dim3A_23] : memref<128x16xf32, #tpu.memory_space<vmem>>[vector<16xi32>, vector<16xi32>], vector<16xf32>,
      %add3A_1802 = arith.addf %gather3A_1800, %gather3A_1801 : vector<16xf32>
      %ge3A_1803 = arith.constant 0.000000e+00 : f32
      %ge3A_1804 = vector.broadcast %ge3A_1803 : f32 to vector<16xf32>
      %ge3A_1805 = arith.cmpf oge, %add3A_1802, %ge3A_1804 : vector<16xf32>
      %mul3A_1806 = arith.constant 0.00999999977 : f32
      %mul3A_1807 = vector.broadcast %mul3A_1806 : f32 to vector<16xf32>
      %mul3A_1808 = arith.mulf %add3A_1802, %mul3A_1807 : vector<16xf32>
      %select_n3A_1809 = arith.select %ge3A_1805, %add3A_1802, %mul3A_1808 : vector<16xi1>, vector<16xf32>
      %exp3A_1810 = math.exp %select_n3A_1809 : vector<16xf32>
      %swap3A_1811 = arith.constant 4 : i32
      %swap3A_1812 = arith.index_cast %swap3A_1811 : i32 to index
      %swap3A_1813 = arith.constant 48 : index
      %swap3A_1814 = tpu.vector_load %arg15[%swap3A_1812, %swap3A_1813] {strides = array<i32>} : memref<6x128xf32, #tpu.memory_space<vmem>>, vector<16xf32>,
      tpu.vector_store %arg15[%swap3A_1812, %swap3A_1813], %exp3A_1810 {strides = array<i32>} : memref<6x128xf32, #tpu.memory_space<vmem>>, vector<16xf32>,
      %add3A_1815 = arith.constant 64 : i32
      %add3A_1816 = vector.broadcast %add3A_1815 : i32 to vector<16xi32>
      %add3A_1817 = arith.addi %iota3A, %add3A_1816 : vector<16xi32>
      %gather3A_1818 = tpu.vector_load_idx %arg20[%add3A_1817, %broadcast_in_dim3A_23] : memref<128x16xf32, #tpu.memory_space<vmem>>[vector<16xi32>, vector<16xi32>], vector<16xf32>,
      %gather3A_1819 = tpu.vector_load_idx %arg19[%add3A_1817, %broadcast_in_dim3A_23] : memref<128x16xf32, #tpu.memory_space<vmem>>[vector<16xi32>, vector<16xi32>], vector<16xf32>,
      %add3A_1820 = arith.addf %gather3A_1818, %gather3A_1819 : vector<16xf32>
      %ge3A_1821 = arith.constant 0.000000e+00 : f32
      %ge3A_1822 = vector.broadcast %ge3A_1821 : f32 to vector<16xf32>
      %ge3A_1823 = arith.cmpf oge, %add3A_1820, %ge3A_1822 : vector<16xf32>
      %mul3A_1824 = arith.constant 0.00999999977 : f32
      %mul3A_1825 = vector.broadcast %mul3A_1824 : f32 to vector<16xf32>
      %mul3A_1826 = arith.mulf %add3A_1820, %mul3A_1825 : vector<16xf32>
      %select_n3A_1827 = arith.select %ge3A_1823, %add3A_1820, %mul3A_1826 : vector<16xi1>, vector<16xf32>
      %exp3A_1828 = math.exp %select_n3A_1827 : vector<16xf32>
      %swap3A_1829 = arith.constant 4 : i32
      %swap3A_1830 = arith.index_cast %swap3A_1829 : i32 to index
      %swap3A_1831 = arith.constant 64 : index
      %swap3A_1832 = tpu.vector_load %arg15[%swap3A_1830, %swap3A_1831] {strides = array<i32>} : memref<6x128xf32, #tpu.memory_space<vmem>>, vector<16xf32>,
      tpu.vector_store %arg15[%swap3A_1830, %swap3A_1831], %exp3A_1828 {strides = array<i32>} : memref<6x128xf32, #tpu.memory_space<vmem>>, vector<16xf32>,
      %add3A_1833 = arith.constant 80 : i32
      %add3A_1834 = vector.broadcast %add3A_1833 : i32 to vector<16xi32>
      %add3A_1835 = arith.addi %iota3A, %add3A_1834 : vector<16xi32>
      %gather3A_1836 = tpu.vector_load_idx %arg20[%add3A_1835, %broadcast_in_dim3A_23] : memref<128x16xf32, #tpu.memory_space<vmem>>[vector<16xi32>, vector<16xi32>], vector<16xf32>,
      %gather3A_1837 = tpu.vector_load_idx %arg19[%add3A_1835, %broadcast_in_dim3A_23] : memref<128x16xf32, #tpu.memory_space<vmem>>[vector<16xi32>, vector<16xi32>], vector<16xf32>,
      %add3A_1838 = arith.addf %gather3A_1836, %gather3A_1837 : vector<16xf32>
      %ge3A_1839 = arith.constant 0.000000e+00 : f32
      %ge3A_1840 = vector.broadcast %ge3A_1839 : f32 to vector<16xf32>
      %ge3A_1841 = arith.cmpf oge, %add3A_1838, %ge3A_1840 : vector<16xf32>
      %mul3A_1842 = arith.constant 0.00999999977 : f32
      %mul3A_1843 = vector.broadcast %mul3A_1842 : f32 to vector<16xf32>
      %mul3A_1844 = arith.mulf %add3A_1838, %mul3A_1843 : vector<16xf32>
      %select_n3A_1845 = arith.select %ge3A_1841, %add3A_1838, %mul3A_1844 : vector<16xi1>, vector<16xf32>
      %exp3A_1846 = math.exp %select_n3A_1845 : vector<16xf32>
      %swap3A_1847 = arith.constant 4 : i32
      %swap3A_1848 = arith.index_cast %swap3A_1847 : i32 to index
      %swap3A_1849 = arith.constant 80 : index
      %swap3A_1850 = tpu.vector_load %arg15[%swap3A_1848, %swap3A_1849] {strides = array<i32>} : memref<6x128xf32, #tpu.memory_space<vmem>>, vector<16xf32>,
      tpu.vector_store %arg15[%swap3A_1848, %swap3A_1849], %exp3A_1846 {strides = array<i32>} : memref<6x128xf32, #tpu.memory_space<vmem>>, vector<16xf32>,
      %add3A_1851 = arith.constant 96 : i32
      %add3A_1852 = vector.broadcast %add3A_1851 : i32 to vector<16xi32>
      %add3A_1853 = arith.addi %iota3A, %add3A_1852 : vector<16xi32>
      %gather3A_1854 = tpu.vector_load_idx %arg20[%add3A_1853, %broadcast_in_dim3A_23] : memref<128x16xf32, #tpu.memory_space<vmem>>[vector<16xi32>, vector<16xi32>], vector<16xf32>,
      %gather3A_1855 = tpu.vector_load_idx %arg19[%add3A_1853, %broadcast_in_dim3A_23] : memref<128x16xf32, #tpu.memory_space<vmem>>[vector<16xi32>, vector<16xi32>], vector<16xf32>,
      %add3A_1856 = arith.addf %gather3A_1854, %gather3A_1855 : vector<16xf32>
      %ge3A_1857 = arith.constant 0.000000e+00 : f32
      %ge3A_1858 = vector.broadcast %ge3A_1857 : f32 to vector<16xf32>
      %ge3A_1859 = arith.cmpf oge, %add3A_1856, %ge3A_1858 : vector<16xf32>
      %mul3A_1860 = arith.constant 0.00999999977 : f32
      %mul3A_1861 = vector.broadcast %mul3A_1860 : f32 to vector<16xf32>
      %mul3A_1862 = arith.mulf %add3A_1856, %mul3A_1861 : vector<16xf32>
      %select_n3A_1863 = arith.select %ge3A_1859, %add3A_1856, %mul3A_1862 : vector<16xi1>, vector<16xf32>
      %exp3A_1864 = math.exp %select_n3A_1863 : vector<16xf32>
      %swap3A_1865 = arith.constant 4 : i32
      %swap3A_1866 = arith.index_cast %swap3A_1865 : i32 to index
      %swap3A_1867 = arith.constant 96 : index
      %swap3A_1868 = tpu.vector_load %arg15[%swap3A_1866, %swap3A_1867] {strides = array<i32>} : memref<6x128xf32, #tpu.memory_space<vmem>>, vector<16xf32>,
      tpu.vector_store %arg15[%swap3A_1866, %swap3A_1867], %exp3A_1864 {strides = array<i32>} : memref<6x128xf32, #tpu.memory_space<vmem>>, vector<16xf32>,
      %add3A_1869 = arith.constant 112 : i32
      %add3A_1870 = vector.broadcast %add3A_1869 : i32 to vector<16xi32>
      %add3A_1871 = arith.addi %iota3A, %add3A_1870 : vector<16xi32>
      %gather3A_1872 = tpu.vector_load_idx %arg20[%add3A_1871, %broadcast_in_dim3A_23] : memref<128x16xf32, #tpu.memory_space<vmem>>[vector<16xi32>, vector<16xi32>], vector<16xf32>,
      %gather3A_1873 = tpu.vector_load_idx %arg19[%add3A_1871, %broadcast_in_dim3A_23] : memref<128x16xf32, #tpu.memory_space<vmem>>[vector<16xi32>, vector<16xi32>], vector<16xf32>,
      %add3A_1874 = arith.addf %gather3A_1872, %gather3A_1873 : vector<16xf32>
      %ge3A_1875 = arith.constant 0.000000e+00 : f32
      %ge3A_1876 = vector.broadcast %ge3A_1875 : f32 to vector<16xf32>
      %ge3A_1877 = arith.cmpf oge, %add3A_1874, %ge3A_1876 : vector<16xf32>
      %mul3A_1878 = arith.constant 0.00999999977 : f32
      %mul3A_1879 = vector.broadcast %mul3A_1878 : f32 to vector<16xf32>
      %mul3A_1880 = arith.mulf %add3A_1874, %mul3A_1879 : vector<16xf32>
      %select_n3A_1881 = arith.select %ge3A_1877, %add3A_1874, %mul3A_1880 : vector<16xi1>, vector<16xf32>
      %exp3A_1882 = math.exp %select_n3A_1881 : vector<16xf32>
      %swap3A_1883 = arith.constant 4 : i32
      %swap3A_1884 = arith.index_cast %swap3A_1883 : i32 to index
      %swap3A_1885 = arith.constant 112 : index
      %swap3A_1886 = tpu.vector_load %arg15[%swap3A_1884, %swap3A_1885] {strides = array<i32>} : memref<6x128xf32, #tpu.memory_space<vmem>>, vector<16xf32>,
      tpu.vector_store %arg15[%swap3A_1884, %swap3A_1885], %exp3A_1882 {strides = array<i32>} : memref<6x128xf32, #tpu.memory_space<vmem>>, vector<16xf32>,
      %broadcast_in_dim3A_1887 = arith.constant 4 : i32
      %broadcast_in_dim3A_1888 = vector.broadcast %broadcast_in_dim3A_1887 : i32 to vector<16xi32>
      %parallel_loop3A_1889 = arith.constant 0 : i32
      %parallel_loop3A_1890 = arith.constant 128 : i32
      %parallel_loop3A_1891 = arith.constant 1 : i32
      scf.for %parallel_loop3A_2083 = %parallel_loop3A_1889 to %parallel_loop3A_1890 step %parallel_loop3A_1891  : i32 {
        %parallel_loop3A_2084 = vector.broadcast %parallel_loop3A_2083 : i32 to vector<16xi32>
        %parallel_loop3A_2085 = tpu.vector_load_idx %arg15[%broadcast_in_dim3A_1888, %parallel_loop3A_2084] : memref<6x128xf32, #tpu.memory_space<vmem>>[vector<16xi32>, vector<16xi32>], vector<16xf32>,
        %parallel_loop3A_2086 = arith.index_cast %parallel_loop3A_2083 : i32 to index
        %parallel_loop3A_2087 = arith.constant 0 : index
        %parallel_loop3A_2088 = tpu.vector_load %arg16[%parallel_loop3A_2086, %parallel_loop3A_2087] {strides = array<i32>} : memref<128x64xf32, #tpu.memory_space<vmem>>, vector<16xf32>,
        %parallel_loop3A_2089 = arith.mulf %parallel_loop3A_2088, %parallel_loop3A_2085 : vector<16xf32>
        %parallel_loop3A_2090 = arith.index_cast %parallel_loop3A_2083 : i32 to index
        %parallel_loop3A_2091 = arith.constant 0 : index
        %parallel_loop3A_2092 = tpu.vector_load %arg16[%parallel_loop3A_2090, %parallel_loop3A_2091] {strides = array<i32>} : memref<128x64xf32, #tpu.memory_space<vmem>>, vector<16xf32>,
        tpu.vector_store %arg16[%parallel_loop3A_2090, %parallel_loop3A_2091], %parallel_loop3A_2089 {strides = array<i32>} : memref<128x64xf32, #tpu.memory_space<vmem>>, vector<16xf32>,
        %parallel_loop3A_2093 = arith.index_cast %parallel_loop3A_2083 : i32 to index
        %parallel_loop3A_2094 = arith.constant 16 : index
        %parallel_loop3A_2095 = tpu.vector_load %arg16[%parallel_loop3A_2093, %parallel_loop3A_2094] {strides = array<i32>} : memref<128x64xf32, #tpu.memory_space<vmem>>, vector<16xf32>,
        %parallel_loop3A_2096 = arith.mulf %parallel_loop3A_2095, %parallel_loop3A_2085 : vector<16xf32>
        %parallel_loop3A_2097 = arith.index_cast %parallel_loop3A_2083 : i32 to index
        %parallel_loop3A_2098 = arith.constant 16 : index
        %parallel_loop3A_2099 = tpu.vector_load %arg16[%parallel_loop3A_2097, %parallel_loop3A_2098] {strides = array<i32>} : memref<128x64xf32, #tpu.memory_space<vmem>>, vector<16xf32>,
        tpu.vector_store %arg16[%parallel_loop3A_2097, %parallel_loop3A_2098], %parallel_loop3A_2096 {strides = array<i32>} : memref<128x64xf32, #tpu.memory_space<vmem>>, vector<16xf32>,
        %parallel_loop3A_2100 = arith.index_cast %parallel_loop3A_2083 : i32 to index
        %parallel_loop3A_2101 = arith.constant 32 : index
        %parallel_loop3A_2102 = tpu.vector_load %arg16[%parallel_loop3A_2100, %parallel_loop3A_2101] {strides = array<i32>} : memref<128x64xf32, #tpu.memory_space<vmem>>, vector<16xf32>,
        %parallel_loop3A_2103 = arith.mulf %parallel_loop3A_2102, %parallel_loop3A_2085 : vector<16xf32>
        %parallel_loop3A_2104 = arith.index_cast %parallel_loop3A_2083 : i32 to index
        %parallel_loop3A_2105 = arith.constant 32 : index
        %parallel_loop3A_2106 = tpu.vector_load %arg16[%parallel_loop3A_2104, %parallel_loop3A_2105] {strides = array<i32>} : memref<128x64xf32, #tpu.memory_space<vmem>>, vector<16xf32>,
        tpu.vector_store %arg16[%parallel_loop3A_2104, %parallel_loop3A_2105], %parallel_loop3A_2103 {strides = array<i32>} : memref<128x64xf32, #tpu.memory_space<vmem>>, vector<16xf32>,
        %parallel_loop3A_2107 = arith.index_cast %parallel_loop3A_2083 : i32 to index
        %parallel_loop3A_2108 = arith.constant 48 : index
        %parallel_loop3A_2109 = tpu.vector_load %arg16[%parallel_loop3A_2107, %parallel_loop3A_2108] {strides = array<i32>} : memref<128x64xf32, #tpu.memory_space<vmem>>, vector<16xf32>,
        %parallel_loop3A_2110 = arith.mulf %parallel_loop3A_2109, %parallel_loop3A_2085 : vector<16xf32>
        %parallel_loop3A_2111 = arith.index_cast %parallel_loop3A_2083 : i32 to index
        %parallel_loop3A_2112 = arith.constant 48 : index
        %parallel_loop3A_2113 = tpu.vector_load %arg16[%parallel_loop3A_2111, %parallel_loop3A_2112] {strides = array<i32>} : memref<128x64xf32, #tpu.memory_space<vmem>>, vector<16xf32>,
        tpu.vector_store %arg16[%parallel_loop3A_2111, %parallel_loop3A_2112], %parallel_loop3A_2110 {strides = array<i32>} : memref<128x64xf32, #tpu.memory_space<vmem>>, vector<16xf32>,
        %parallel_loop3A_2114 = arith.constant 0 : i32
        %parallel_loop3A_2115 = vector.broadcast %parallel_loop3A_2114 : i32 to vector<16xi32>
        %parallel_loop3A_2116 = arith.cmpi eq, %iota3A, %parallel_loop3A_2115 : vector<16xi32>
        %parallel_loop3A_2117 = arith.constant 0.000000e+00 : f32
        %parallel_loop3A_2118 = vector.broadcast %parallel_loop3A_2117 : f32 to vector<16xf32>
        %parallel_loop3A_2119 = arith.select %parallel_loop3A_2116, %parallel_loop3A_2085, %parallel_loop3A_2118 : vector<16xi1>, vector<16xf32>
        %parallel_loop3A_2120 = arith.index_cast %parallel_loop3A_2083 : i32 to index
        %parallel_loop3A_2121 = arith.constant 0 : index
        %parallel_loop3A_2122 = tpu.vector_load %arg18[%parallel_loop3A_2120, %parallel_loop3A_2121] {strides = array<i32>} : memref<128x16xf32, #tpu.memory_space<vmem>>, vector<16xf32>,
        tpu.vector_store %arg18[%parallel_loop3A_2120, %parallel_loop3A_2121], %parallel_loop3A_2119 {strides = array<i32>} : memref<128x16xf32, #tpu.memory_space<vmem>>, vector<16xf32>,
      } {sc.loop_unroll_factor = 4 : i64, sc.parallel_access}
      %run_scoped3A_1892 = arith.constant 4 : i32
      "tpu.region"() ({
        %run_scoped3A_2083 = tpu.sem_alloc : memref<!tpu.dma_semaphore, #tpu.memory_space<semaphore_mem>>
        %dma_start3A_2084 = arith.constant 0 : i32
        %dma_start3A_2085 = tpu.memref_slice %arg13[%run_scoped3A_1892, %dma_start3A_2084] : memref<6x128xi32, #tpu.memory_space<vmem>> -> memref<1x128xi32, #tpu.memory_space<vmem>>
        %dma_start3A_2086 = tpu.memref_squeeze %dma_start3A_2085 : memref<1x128xi32, #tpu.memory_space<vmem>> -> memref<128xi32, #tpu.memory_space<vmem>>
        %dma_start3A_2087 = arith.constant 0 : i32
        %dma_start3A_2088 = arith.constant 0 : i32
        %dma_start3A_2089 = tpu.memref_slice %arg21[%dma_start3A_2087, %dma_start3A_2088] : memref<10240x64xf32, #tpu.memory_space<vmem_shared>> -> memref<10240x64xf32, #tpu.memory_space<vmem_shared>>
        tpu.enqueue_indirect_dma source(%arg16 : memref<128x64xf32, #tpu.memory_space<vmem>>) target(%dma_start3A_2089 : memref<10240x64xf32, #tpu.memory_space<vmem_shared>>) offsets(%dma_start3A_2086 : memref<128xi32, #tpu.memory_space<vmem>>) semaphore(%run_scoped3A_2083 : memref<!tpu.dma_semaphore, #tpu.memory_space<semaphore_mem>>) {add = true}
        %dma_wait3A_2090 = arith.constant 0 : i32
        %dma_wait3A_2091 = tpu.memref_slice %arg13[%run_scoped3A_1892, %dma_wait3A_2090] : memref<6x128xi32, #tpu.memory_space<vmem>> -> memref<1x128xi32, #tpu.memory_space<vmem>>
        %dma_wait3A_2092 = tpu.memref_squeeze %dma_wait3A_2091 : memref<1x128xi32, #tpu.memory_space<vmem>> -> memref<128xi32, #tpu.memory_space<vmem>>
        %dma_wait3A_2093 = arith.constant 0 : i32
        %dma_wait3A_2094 = arith.constant 0 : i32
        %dma_wait3A_2095 = tpu.memref_slice %arg21[%dma_wait3A_2093, %dma_wait3A_2094] : memref<10240x64xf32, #tpu.memory_space<vmem_shared>> -> memref<10240x64xf32, #tpu.memory_space<vmem_shared>>
        tpu.wait_indirect_dma semaphore(%run_scoped3A_2083 : memref<!tpu.dma_semaphore, #tpu.memory_space<semaphore_mem>>) src(%arg16 : memref<128x64xf32, #tpu.memory_space<vmem>>) dst(%dma_wait3A_2095 : memref<10240x64xf32, #tpu.memory_space<vmem_shared>>)
        tpu.yield
      }) : () -> ()
      %run_scoped3A_1893 = arith.constant 4 : i32
      "tpu.region"() ({
        %run_scoped3A_2083 = tpu.sem_alloc : memref<!tpu.dma_semaphore, #tpu.memory_space<semaphore_mem>>
        %dma_start3A_2084 = arith.constant 0 : i32
        %dma_start3A_2085 = tpu.memref_slice %arg13[%run_scoped3A_1893, %dma_start3A_2084] : memref<6x128xi32, #tpu.memory_space<vmem>> -> memref<1x128xi32, #tpu.memory_space<vmem>>
        %dma_start3A_2086 = tpu.memref_squeeze %dma_start3A_2085 : memref<1x128xi32, #tpu.memory_space<vmem>> -> memref<128xi32, #tpu.memory_space<vmem>>
        %dma_start3A_2087 = arith.constant 0 : i32
        %dma_start3A_2088 = arith.constant 0 : i32
        %dma_start3A_2089 = tpu.memref_slice %arg22[%dma_start3A_2087, %dma_start3A_2088] : memref<10240x16xf32, #tpu.memory_space<vmem_shared>> -> memref<10240x16xf32, #tpu.memory_space<vmem_shared>>
        tpu.enqueue_indirect_dma source(%arg18 : memref<128x16xf32, #tpu.memory_space<vmem>>) target(%dma_start3A_2089 : memref<10240x16xf32, #tpu.memory_space<vmem_shared>>) offsets(%dma_start3A_2086 : memref<128xi32, #tpu.memory_space<vmem>>) semaphore(%run_scoped3A_2083 : memref<!tpu.dma_semaphore, #tpu.memory_space<semaphore_mem>>) {add = true}
        %dma_wait3A_2090 = arith.constant 0 : i32
        %dma_wait3A_2091 = tpu.memref_slice %arg13[%run_scoped3A_1893, %dma_wait3A_2090] : memref<6x128xi32, #tpu.memory_space<vmem>> -> memref<1x128xi32, #tpu.memory_space<vmem>>
        %dma_wait3A_2092 = tpu.memref_squeeze %dma_wait3A_2091 : memref<1x128xi32, #tpu.memory_space<vmem>> -> memref<128xi32, #tpu.memory_space<vmem>>
        %dma_wait3A_2093 = arith.constant 0 : i32
        %dma_wait3A_2094 = arith.constant 0 : i32
        %dma_wait3A_2095 = tpu.memref_slice %arg22[%dma_wait3A_2093, %dma_wait3A_2094] : memref<10240x16xf32, #tpu.memory_space<vmem_shared>> -> memref<10240x16xf32, #tpu.memory_space<vmem_shared>>
        tpu.wait_indirect_dma semaphore(%run_scoped3A_2083 : memref<!tpu.dma_semaphore, #tpu.memory_space<semaphore_mem>>) src(%arg18 : memref<128x16xf32, #tpu.memory_space<vmem>>) dst(%dma_wait3A_2095 : memref<10240x16xf32, #tpu.memory_space<vmem_shared>>)
        tpu.yield
      }) : () -> ()
      %dma_start3A_1894 = arith.constant 5 : i32
      %dma_start3A_1895 = arith.constant 0 : i32
      %dma_start3A_1896 = tpu.memref_slice %arg12[%dma_start3A_1894, %dma_start3A_1895] : memref<6x128xi32, #tpu.memory_space<vmem>> -> memref<1x128xi32, #tpu.memory_space<vmem>>
      %dma_start3A_1897 = tpu.memref_squeeze %dma_start3A_1896 : memref<1x128xi32, #tpu.memory_space<vmem>> -> memref<128xi32, #tpu.memory_space<vmem>>
      %dma_start3A_1898 = arith.constant 0 : i32
      %dma_start3A_1899 = arith.constant 0 : i32
      %dma_start3A_1900 = tpu.memref_slice %arg6[%dma_start3A_1898, %dma_start3A_1899] : memref<20480x16xf32, #tpu.memory_space<hbm>> -> memref<20480x16xf32, #tpu.memory_space<hbm>>
      tpu.enqueue_indirect_dma source(%dma_start3A_1900 : memref<20480x16xf32, #tpu.memory_space<hbm>>) target(%arg19 : memref<128x16xf32, #tpu.memory_space<vmem>>) offsets(%dma_start3A_1897 : memref<128xi32, #tpu.memory_space<vmem>>) semaphore(%arg25 : memref<!tpu.dma_semaphore, #tpu.memory_space<semaphore_mem>>)
      %dma_start3A_1901 = arith.constant 5 : i32
      %dma_start3A_1902 = arith.constant 0 : i32
      %dma_start3A_1903 = tpu.memref_slice %arg13[%dma_start3A_1901, %dma_start3A_1902] : memref<6x128xi32, #tpu.memory_space<vmem>> -> memref<1x128xi32, #tpu.memory_space<vmem>>
      %dma_start3A_1904 = tpu.memref_squeeze %dma_start3A_1903 : memref<1x128xi32, #tpu.memory_space<vmem>> -> memref<128xi32, #tpu.memory_space<vmem>>
      %dma_start3A_1905 = arith.constant 0 : i32
      %dma_start3A_1906 = arith.constant 0 : i32
      %dma_start3A_1907 = tpu.memref_slice %arg7[%dma_start3A_1905, %dma_start3A_1906] : memref<10240x16xf32, #tpu.memory_space<hbm>> -> memref<10240x16xf32, #tpu.memory_space<hbm>>
      tpu.enqueue_indirect_dma source(%dma_start3A_1907 : memref<10240x16xf32, #tpu.memory_space<hbm>>) target(%arg20 : memref<128x16xf32, #tpu.memory_space<vmem>>) offsets(%dma_start3A_1904 : memref<128xi32, #tpu.memory_space<vmem>>) semaphore(%arg25 : memref<!tpu.dma_semaphore, #tpu.memory_space<semaphore_mem>>)
      %dma_wait3A_1908 = arith.constant 5 : i32
      %dma_wait3A_1909 = arith.constant 0 : i32
      %dma_wait3A_1910 = tpu.memref_slice %arg12[%dma_wait3A_1908, %dma_wait3A_1909] : memref<6x128xi32, #tpu.memory_space<vmem>> -> memref<1x128xi32, #tpu.memory_space<vmem>>
      %dma_wait3A_1911 = tpu.memref_squeeze %dma_wait3A_1910 : memref<1x128xi32, #tpu.memory_space<vmem>> -> memref<128xi32, #tpu.memory_space<vmem>>
      %dma_wait3A_1912 = arith.constant 0 : i32
      %dma_wait3A_1913 = arith.constant 0 : i32
      %dma_wait3A_1914 = tpu.memref_slice %arg2[%dma_wait3A_1912, %dma_wait3A_1913] : memref<20480x64xf32, #tpu.memory_space<hbm>> -> memref<20480x64xf32, #tpu.memory_space<hbm>>
      tpu.wait_indirect_dma semaphore(%arg24 : memref<!tpu.dma_semaphore, #tpu.memory_space<semaphore_mem>>) src(%dma_wait3A_1914 : memref<20480x64xf32, #tpu.memory_space<hbm>>) dst(%arg17 : memref<128x64xf32, #tpu.memory_space<vmem>>)
      %run_scoped3A_1915 = arith.constant 5 : i32
      "tpu.region"() ({
        %run_scoped3A_2083 = tpu.sem_alloc : memref<!tpu.dma_semaphore, #tpu.memory_space<semaphore_mem>>
        %dma_start3A_2084 = arith.constant 0 : i32
        %dma_start3A_2085 = tpu.memref_slice %arg14[%run_scoped3A_1915, %dma_start3A_2084] : memref<6x128xi32, #tpu.memory_space<vmem>> -> memref<1x128xi32, #tpu.memory_space<vmem>>
        %dma_start3A_2086 = tpu.memref_squeeze %dma_start3A_2085 : memref<1x128xi32, #tpu.memory_space<vmem>> -> memref<128xi32, #tpu.memory_space<vmem>>
        %dma_start3A_2087 = arith.constant 0 : i32
        %dma_start3A_2088 = arith.constant 0 : i32
        %dma_start3A_2089 = tpu.memref_slice %arg8[%dma_start3A_2087, %dma_start3A_2088] : memref<660000x64xf32, #tpu.memory_space<hbm>> -> memref<660000x64xf32, #tpu.memory_space<hbm>>
        tpu.enqueue_indirect_dma source(%arg17 : memref<128x64xf32, #tpu.memory_space<vmem>>) target(%dma_start3A_2089 : memref<660000x64xf32, #tpu.memory_space<hbm>>) offsets(%dma_start3A_2086 : memref<128xi32, #tpu.memory_space<vmem>>) semaphore(%run_scoped3A_2083 : memref<!tpu.dma_semaphore, #tpu.memory_space<semaphore_mem>>)
        %dma_wait3A_2090 = arith.constant 0 : i32
        %dma_wait3A_2091 = tpu.memref_slice %arg14[%run_scoped3A_1915, %dma_wait3A_2090] : memref<6x128xi32, #tpu.memory_space<vmem>> -> memref<1x128xi32, #tpu.memory_space<vmem>>
        %dma_wait3A_2092 = tpu.memref_squeeze %dma_wait3A_2091 : memref<1x128xi32, #tpu.memory_space<vmem>> -> memref<128xi32, #tpu.memory_space<vmem>>
        %dma_wait3A_2093 = arith.constant 0 : i32
        %dma_wait3A_2094 = arith.constant 0 : i32
        %dma_wait3A_2095 = tpu.memref_slice %arg8[%dma_wait3A_2093, %dma_wait3A_2094] : memref<660000x64xf32, #tpu.memory_space<hbm>> -> memref<660000x64xf32, #tpu.memory_space<hbm>>
        tpu.wait_indirect_dma semaphore(%run_scoped3A_2083 : memref<!tpu.dma_semaphore, #tpu.memory_space<semaphore_mem>>) src(%arg17 : memref<128x64xf32, #tpu.memory_space<vmem>>) dst(%dma_wait3A_2095 : memref<660000x64xf32, #tpu.memory_space<hbm>>)
        tpu.yield
      }) : () -> ()
      %dma_wait3A_1916 = arith.constant 5 : i32
      %dma_wait3A_1917 = arith.constant 0 : i32
      %dma_wait3A_1918 = tpu.memref_slice %arg12[%dma_wait3A_1916, %dma_wait3A_1917] : memref<6x128xi32, #tpu.memory_space<vmem>> -> memref<1x128xi32, #tpu.memory_space<vmem>>
      %dma_wait3A_1919 = tpu.memref_squeeze %dma_wait3A_1918 : memref<1x128xi32, #tpu.memory_space<vmem>> -> memref<128xi32, #tpu.memory_space<vmem>>
      %dma_wait3A_1920 = arith.constant 0 : i32
      %dma_wait3A_1921 = arith.constant 0 : i32
      %dma_wait3A_1922 = tpu.memref_slice %arg6[%dma_wait3A_1920, %dma_wait3A_1921] : memref<20480x16xf32, #tpu.memory_space<hbm>> -> memref<20480x16xf32, #tpu.memory_space<hbm>>
      tpu.wait_indirect_dma semaphore(%arg25 : memref<!tpu.dma_semaphore, #tpu.memory_space<semaphore_mem>>) src(%dma_wait3A_1922 : memref<20480x16xf32, #tpu.memory_space<hbm>>) dst(%arg19 : memref<128x16xf32, #tpu.memory_space<vmem>>)
      %dma_wait3A_1923 = arith.constant 5 : i32
      %dma_wait3A_1924 = arith.constant 0 : i32
      %dma_wait3A_1925 = tpu.memref_slice %arg13[%dma_wait3A_1923, %dma_wait3A_1924] : memref<6x128xi32, #tpu.memory_space<vmem>> -> memref<1x128xi32, #tpu.memory_space<vmem>>
      %dma_wait3A_1926 = tpu.memref_squeeze %dma_wait3A_1925 : memref<1x128xi32, #tpu.memory_space<vmem>> -> memref<128xi32, #tpu.memory_space<vmem>>
      %dma_wait3A_1927 = arith.constant 0 : i32
      %dma_wait3A_1928 = arith.constant 0 : i32
      %dma_wait3A_1929 = tpu.memref_slice %arg7[%dma_wait3A_1927, %dma_wait3A_1928] : memref<10240x16xf32, #tpu.memory_space<hbm>> -> memref<10240x16xf32, #tpu.memory_space<hbm>>
      tpu.wait_indirect_dma semaphore(%arg25 : memref<!tpu.dma_semaphore, #tpu.memory_space<semaphore_mem>>) src(%dma_wait3A_1929 : memref<10240x16xf32, #tpu.memory_space<hbm>>) dst(%arg20 : memref<128x16xf32, #tpu.memory_space<vmem>>)
      %add3A_1930 = arith.constant 0 : i32
      %add3A_1931 = vector.broadcast %add3A_1930 : i32 to vector<16xi32>
      %add3A_1932 = arith.addi %iota3A, %add3A_1931 : vector<16xi32>
      %gather3A_1933 = tpu.vector_load_idx %arg20[%add3A_1932, %broadcast_in_dim3A_23] : memref<128x16xf32, #tpu.memory_space<vmem>>[vector<16xi32>, vector<16xi32>], vector<16xf32>,
      %gather3A_1934 = tpu.vector_load_idx %arg19[%add3A_1932, %broadcast_in_dim3A_23] : memref<128x16xf32, #tpu.memory_space<vmem>>[vector<16xi32>, vector<16xi32>], vector<16xf32>,
      %add3A_1935 = arith.addf %gather3A_1933, %gather3A_1934 : vector<16xf32>
      %ge3A_1936 = arith.constant 0.000000e+00 : f32
      %ge3A_1937 = vector.broadcast %ge3A_1936 : f32 to vector<16xf32>
      %ge3A_1938 = arith.cmpf oge, %add3A_1935, %ge3A_1937 : vector<16xf32>
      %mul3A_1939 = arith.constant 0.00999999977 : f32
      %mul3A_1940 = vector.broadcast %mul3A_1939 : f32 to vector<16xf32>
      %mul3A_1941 = arith.mulf %add3A_1935, %mul3A_1940 : vector<16xf32>
      %select_n3A_1942 = arith.select %ge3A_1938, %add3A_1935, %mul3A_1941 : vector<16xi1>, vector<16xf32>
      %exp3A_1943 = math.exp %select_n3A_1942 : vector<16xf32>
      %swap3A_1944 = arith.constant 5 : i32
      %swap3A_1945 = arith.index_cast %swap3A_1944 : i32 to index
      %swap3A_1946 = arith.constant 0 : index
      %swap3A_1947 = tpu.vector_load %arg15[%swap3A_1945, %swap3A_1946] {strides = array<i32>} : memref<6x128xf32, #tpu.memory_space<vmem>>, vector<16xf32>,
      tpu.vector_store %arg15[%swap3A_1945, %swap3A_1946], %exp3A_1943 {strides = array<i32>} : memref<6x128xf32, #tpu.memory_space<vmem>>, vector<16xf32>,
      %add3A_1948 = arith.constant 16 : i32
      %add3A_1949 = vector.broadcast %add3A_1948 : i32 to vector<16xi32>
      %add3A_1950 = arith.addi %iota3A, %add3A_1949 : vector<16xi32>
      %gather3A_1951 = tpu.vector_load_idx %arg20[%add3A_1950, %broadcast_in_dim3A_23] : memref<128x16xf32, #tpu.memory_space<vmem>>[vector<16xi32>, vector<16xi32>], vector<16xf32>,
      %gather3A_1952 = tpu.vector_load_idx %arg19[%add3A_1950, %broadcast_in_dim3A_23] : memref<128x16xf32, #tpu.memory_space<vmem>>[vector<16xi32>, vector<16xi32>], vector<16xf32>,
      %add3A_1953 = arith.addf %gather3A_1951, %gather3A_1952 : vector<16xf32>
      %ge3A_1954 = arith.constant 0.000000e+00 : f32
      %ge3A_1955 = vector.broadcast %ge3A_1954 : f32 to vector<16xf32>
      %ge3A_1956 = arith.cmpf oge, %add3A_1953, %ge3A_1955 : vector<16xf32>
      %mul3A_1957 = arith.constant 0.00999999977 : f32
      %mul3A_1958 = vector.broadcast %mul3A_1957 : f32 to vector<16xf32>
      %mul3A_1959 = arith.mulf %add3A_1953, %mul3A_1958 : vector<16xf32>
      %select_n3A_1960 = arith.select %ge3A_1956, %add3A_1953, %mul3A_1959 : vector<16xi1>, vector<16xf32>
      %exp3A_1961 = math.exp %select_n3A_1960 : vector<16xf32>
      %swap3A_1962 = arith.constant 5 : i32
      %swap3A_1963 = arith.index_cast %swap3A_1962 : i32 to index
      %swap3A_1964 = arith.constant 16 : index
      %swap3A_1965 = tpu.vector_load %arg15[%swap3A_1963, %swap3A_1964] {strides = array<i32>} : memref<6x128xf32, #tpu.memory_space<vmem>>, vector<16xf32>,
      tpu.vector_store %arg15[%swap3A_1963, %swap3A_1964], %exp3A_1961 {strides = array<i32>} : memref<6x128xf32, #tpu.memory_space<vmem>>, vector<16xf32>,
      %add3A_1966 = arith.constant 32 : i32
      %add3A_1967 = vector.broadcast %add3A_1966 : i32 to vector<16xi32>
      %add3A_1968 = arith.addi %iota3A, %add3A_1967 : vector<16xi32>
      %gather3A_1969 = tpu.vector_load_idx %arg20[%add3A_1968, %broadcast_in_dim3A_23] : memref<128x16xf32, #tpu.memory_space<vmem>>[vector<16xi32>, vector<16xi32>], vector<16xf32>,
      %gather3A_1970 = tpu.vector_load_idx %arg19[%add3A_1968, %broadcast_in_dim3A_23] : memref<128x16xf32, #tpu.memory_space<vmem>>[vector<16xi32>, vector<16xi32>], vector<16xf32>,
      %add3A_1971 = arith.addf %gather3A_1969, %gather3A_1970 : vector<16xf32>
      %ge3A_1972 = arith.constant 0.000000e+00 : f32
      %ge3A_1973 = vector.broadcast %ge3A_1972 : f32 to vector<16xf32>
      %ge3A_1974 = arith.cmpf oge, %add3A_1971, %ge3A_1973 : vector<16xf32>
      %mul3A_1975 = arith.constant 0.00999999977 : f32
      %mul3A_1976 = vector.broadcast %mul3A_1975 : f32 to vector<16xf32>
      %mul3A_1977 = arith.mulf %add3A_1971, %mul3A_1976 : vector<16xf32>
      %select_n3A_1978 = arith.select %ge3A_1974, %add3A_1971, %mul3A_1977 : vector<16xi1>, vector<16xf32>
      %exp3A_1979 = math.exp %select_n3A_1978 : vector<16xf32>
      %swap3A_1980 = arith.constant 5 : i32
      %swap3A_1981 = arith.index_cast %swap3A_1980 : i32 to index
      %swap3A_1982 = arith.constant 32 : index
      %swap3A_1983 = tpu.vector_load %arg15[%swap3A_1981, %swap3A_1982] {strides = array<i32>} : memref<6x128xf32, #tpu.memory_space<vmem>>, vector<16xf32>,
      tpu.vector_store %arg15[%swap3A_1981, %swap3A_1982], %exp3A_1979 {strides = array<i32>} : memref<6x128xf32, #tpu.memory_space<vmem>>, vector<16xf32>,
      %add3A_1984 = arith.constant 48 : i32
      %add3A_1985 = vector.broadcast %add3A_1984 : i32 to vector<16xi32>
      %add3A_1986 = arith.addi %iota3A, %add3A_1985 : vector<16xi32>
      %gather3A_1987 = tpu.vector_load_idx %arg20[%add3A_1986, %broadcast_in_dim3A_23] : memref<128x16xf32, #tpu.memory_space<vmem>>[vector<16xi32>, vector<16xi32>], vector<16xf32>,
      %gather3A_1988 = tpu.vector_load_idx %arg19[%add3A_1986, %broadcast_in_dim3A_23] : memref<128x16xf32, #tpu.memory_space<vmem>>[vector<16xi32>, vector<16xi32>], vector<16xf32>,
      %add3A_1989 = arith.addf %gather3A_1987, %gather3A_1988 : vector<16xf32>
      %ge3A_1990 = arith.constant 0.000000e+00 : f32
      %ge3A_1991 = vector.broadcast %ge3A_1990 : f32 to vector<16xf32>
      %ge3A_1992 = arith.cmpf oge, %add3A_1989, %ge3A_1991 : vector<16xf32>
      %mul3A_1993 = arith.constant 0.00999999977 : f32
      %mul3A_1994 = vector.broadcast %mul3A_1993 : f32 to vector<16xf32>
      %mul3A_1995 = arith.mulf %add3A_1989, %mul3A_1994 : vector<16xf32>
      %select_n3A_1996 = arith.select %ge3A_1992, %add3A_1989, %mul3A_1995 : vector<16xi1>, vector<16xf32>
      %exp3A_1997 = math.exp %select_n3A_1996 : vector<16xf32>
      %swap3A_1998 = arith.constant 5 : i32
      %swap3A_1999 = arith.index_cast %swap3A_1998 : i32 to index
      %swap3A_2000 = arith.constant 48 : index
      %swap3A_2001 = tpu.vector_load %arg15[%swap3A_1999, %swap3A_2000] {strides = array<i32>} : memref<6x128xf32, #tpu.memory_space<vmem>>, vector<16xf32>,
      tpu.vector_store %arg15[%swap3A_1999, %swap3A_2000], %exp3A_1997 {strides = array<i32>} : memref<6x128xf32, #tpu.memory_space<vmem>>, vector<16xf32>,
      %add3A_2002 = arith.constant 64 : i32
      %add3A_2003 = vector.broadcast %add3A_2002 : i32 to vector<16xi32>
      %add3A_2004 = arith.addi %iota3A, %add3A_2003 : vector<16xi32>
      %gather3A_2005 = tpu.vector_load_idx %arg20[%add3A_2004, %broadcast_in_dim3A_23] : memref<128x16xf32, #tpu.memory_space<vmem>>[vector<16xi32>, vector<16xi32>], vector<16xf32>,
      %gather3A_2006 = tpu.vector_load_idx %arg19[%add3A_2004, %broadcast_in_dim3A_23] : memref<128x16xf32, #tpu.memory_space<vmem>>[vector<16xi32>, vector<16xi32>], vector<16xf32>,
      %add3A_2007 = arith.addf %gather3A_2005, %gather3A_2006 : vector<16xf32>
      %ge3A_2008 = arith.constant 0.000000e+00 : f32
      %ge3A_2009 = vector.broadcast %ge3A_2008 : f32 to vector<16xf32>
      %ge3A_2010 = arith.cmpf oge, %add3A_2007, %ge3A_2009 : vector<16xf32>
      %mul3A_2011 = arith.constant 0.00999999977 : f32
      %mul3A_2012 = vector.broadcast %mul3A_2011 : f32 to vector<16xf32>
      %mul3A_2013 = arith.mulf %add3A_2007, %mul3A_2012 : vector<16xf32>
      %select_n3A_2014 = arith.select %ge3A_2010, %add3A_2007, %mul3A_2013 : vector<16xi1>, vector<16xf32>
      %exp3A_2015 = math.exp %select_n3A_2014 : vector<16xf32>
      %swap3A_2016 = arith.constant 5 : i32
      %swap3A_2017 = arith.index_cast %swap3A_2016 : i32 to index
      %swap3A_2018 = arith.constant 64 : index
      %swap3A_2019 = tpu.vector_load %arg15[%swap3A_2017, %swap3A_2018] {strides = array<i32>} : memref<6x128xf32, #tpu.memory_space<vmem>>, vector<16xf32>,
      tpu.vector_store %arg15[%swap3A_2017, %swap3A_2018], %exp3A_2015 {strides = array<i32>} : memref<6x128xf32, #tpu.memory_space<vmem>>, vector<16xf32>,
      %add3A_2020 = arith.constant 80 : i32
      %add3A_2021 = vector.broadcast %add3A_2020 : i32 to vector<16xi32>
      %add3A_2022 = arith.addi %iota3A, %add3A_2021 : vector<16xi32>
      %gather3A_2023 = tpu.vector_load_idx %arg20[%add3A_2022, %broadcast_in_dim3A_23] : memref<128x16xf32, #tpu.memory_space<vmem>>[vector<16xi32>, vector<16xi32>], vector<16xf32>,
      %gather3A_2024 = tpu.vector_load_idx %arg19[%add3A_2022, %broadcast_in_dim3A_23] : memref<128x16xf32, #tpu.memory_space<vmem>>[vector<16xi32>, vector<16xi32>], vector<16xf32>,
      %add3A_2025 = arith.addf %gather3A_2023, %gather3A_2024 : vector<16xf32>
      %ge3A_2026 = arith.constant 0.000000e+00 : f32
      %ge3A_2027 = vector.broadcast %ge3A_2026 : f32 to vector<16xf32>
      %ge3A_2028 = arith.cmpf oge, %add3A_2025, %ge3A_2027 : vector<16xf32>
      %mul3A_2029 = arith.constant 0.00999999977 : f32
      %mul3A_2030 = vector.broadcast %mul3A_2029 : f32 to vector<16xf32>
      %mul3A_2031 = arith.mulf %add3A_2025, %mul3A_2030 : vector<16xf32>
      %select_n3A_2032 = arith.select %ge3A_2028, %add3A_2025, %mul3A_2031 : vector<16xi1>, vector<16xf32>
      %exp3A_2033 = math.exp %select_n3A_2032 : vector<16xf32>
      %swap3A_2034 = arith.constant 5 : i32
      %swap3A_2035 = arith.index_cast %swap3A_2034 : i32 to index
      %swap3A_2036 = arith.constant 80 : index
      %swap3A_2037 = tpu.vector_load %arg15[%swap3A_2035, %swap3A_2036] {strides = array<i32>} : memref<6x128xf32, #tpu.memory_space<vmem>>, vector<16xf32>,
      tpu.vector_store %arg15[%swap3A_2035, %swap3A_2036], %exp3A_2033 {strides = array<i32>} : memref<6x128xf32, #tpu.memory_space<vmem>>, vector<16xf32>,
      %add3A_2038 = arith.constant 96 : i32
      %add3A_2039 = vector.broadcast %add3A_2038 : i32 to vector<16xi32>
      %add3A_2040 = arith.addi %iota3A, %add3A_2039 : vector<16xi32>
      %gather3A_2041 = tpu.vector_load_idx %arg20[%add3A_2040, %broadcast_in_dim3A_23] : memref<128x16xf32, #tpu.memory_space<vmem>>[vector<16xi32>, vector<16xi32>], vector<16xf32>,
      %gather3A_2042 = tpu.vector_load_idx %arg19[%add3A_2040, %broadcast_in_dim3A_23] : memref<128x16xf32, #tpu.memory_space<vmem>>[vector<16xi32>, vector<16xi32>], vector<16xf32>,
      %add3A_2043 = arith.addf %gather3A_2041, %gather3A_2042 : vector<16xf32>
      %ge3A_2044 = arith.constant 0.000000e+00 : f32
      %ge3A_2045 = vector.broadcast %ge3A_2044 : f32 to vector<16xf32>
      %ge3A_2046 = arith.cmpf oge, %add3A_2043, %ge3A_2045 : vector<16xf32>
      %mul3A_2047 = arith.constant 0.00999999977 : f32
      %mul3A_2048 = vector.broadcast %mul3A_2047 : f32 to vector<16xf32>
      %mul3A_2049 = arith.mulf %add3A_2043, %mul3A_2048 : vector<16xf32>
      %select_n3A_2050 = arith.select %ge3A_2046, %add3A_2043, %mul3A_2049 : vector<16xi1>, vector<16xf32>
      %exp3A_2051 = math.exp %select_n3A_2050 : vector<16xf32>
      %swap3A_2052 = arith.constant 5 : i32
      %swap3A_2053 = arith.index_cast %swap3A_2052 : i32 to index
      %swap3A_2054 = arith.constant 96 : index
      %swap3A_2055 = tpu.vector_load %arg15[%swap3A_2053, %swap3A_2054] {strides = array<i32>} : memref<6x128xf32, #tpu.memory_space<vmem>>, vector<16xf32>,
      tpu.vector_store %arg15[%swap3A_2053, %swap3A_2054], %exp3A_2051 {strides = array<i32>} : memref<6x128xf32, #tpu.memory_space<vmem>>, vector<16xf32>,
      %add3A_2056 = arith.constant 112 : i32
      %add3A_2057 = vector.broadcast %add3A_2056 : i32 to vector<16xi32>
      %add3A_2058 = arith.addi %iota3A, %add3A_2057 : vector<16xi32>
      %gather3A_2059 = tpu.vector_load_idx %arg20[%add3A_2058, %broadcast_in_dim3A_23] : memref<128x16xf32, #tpu.memory_space<vmem>>[vector<16xi32>, vector<16xi32>], vector<16xf32>,
      %gather3A_2060 = tpu.vector_load_idx %arg19[%add3A_2058, %broadcast_in_dim3A_23] : memref<128x16xf32, #tpu.memory_space<vmem>>[vector<16xi32>, vector<16xi32>], vector<16xf32>,
      %add3A_2061 = arith.addf %gather3A_2059, %gather3A_2060 : vector<16xf32>
      %ge3A_2062 = arith.constant 0.000000e+00 : f32
      %ge3A_2063 = vector.broadcast %ge3A_2062 : f32 to vector<16xf32>
      %ge3A_2064 = arith.cmpf oge, %add3A_2061, %ge3A_2063 : vector<16xf32>
      %mul3A_2065 = arith.constant 0.00999999977 : f32
      %mul3A_2066 = vector.broadcast %mul3A_2065 : f32 to vector<16xf32>
      %mul3A_2067 = arith.mulf %add3A_2061, %mul3A_2066 : vector<16xf32>
      %select_n3A_2068 = arith.select %ge3A_2064, %add3A_2061, %mul3A_2067 : vector<16xi1>, vector<16xf32>
      %exp3A_2069 = math.exp %select_n3A_2068 : vector<16xf32>
      %swap3A_2070 = arith.constant 5 : i32
      %swap3A_2071 = arith.index_cast %swap3A_2070 : i32 to index
      %swap3A_2072 = arith.constant 112 : index
      %swap3A_2073 = tpu.vector_load %arg15[%swap3A_2071, %swap3A_2072] {strides = array<i32>} : memref<6x128xf32, #tpu.memory_space<vmem>>, vector<16xf32>,
      tpu.vector_store %arg15[%swap3A_2071, %swap3A_2072], %exp3A_2069 {strides = array<i32>} : memref<6x128xf32, #tpu.memory_space<vmem>>, vector<16xf32>,
      %broadcast_in_dim3A_2074 = arith.constant 5 : i32
      %broadcast_in_dim3A_2075 = vector.broadcast %broadcast_in_dim3A_2074 : i32 to vector<16xi32>
      %parallel_loop3A_2076 = arith.constant 0 : i32
      %parallel_loop3A_2077 = arith.constant 128 : i32
      %parallel_loop3A_2078 = arith.constant 1 : i32
      scf.for %parallel_loop3A_2083 = %parallel_loop3A_2076 to %parallel_loop3A_2077 step %parallel_loop3A_2078  : i32 {
        %parallel_loop3A_2084 = vector.broadcast %parallel_loop3A_2083 : i32 to vector<16xi32>
        %parallel_loop3A_2085 = tpu.vector_load_idx %arg15[%broadcast_in_dim3A_2075, %parallel_loop3A_2084] : memref<6x128xf32, #tpu.memory_space<vmem>>[vector<16xi32>, vector<16xi32>], vector<16xf32>,
        %parallel_loop3A_2086 = arith.index_cast %parallel_loop3A_2083 : i32 to index
        %parallel_loop3A_2087 = arith.constant 0 : index
        %parallel_loop3A_2088 = tpu.vector_load %arg17[%parallel_loop3A_2086, %parallel_loop3A_2087] {strides = array<i32>} : memref<128x64xf32, #tpu.memory_space<vmem>>, vector<16xf32>,
        %parallel_loop3A_2089 = arith.mulf %parallel_loop3A_2088, %parallel_loop3A_2085 : vector<16xf32>
        %parallel_loop3A_2090 = arith.index_cast %parallel_loop3A_2083 : i32 to index
        %parallel_loop3A_2091 = arith.constant 0 : index
        %parallel_loop3A_2092 = tpu.vector_load %arg17[%parallel_loop3A_2090, %parallel_loop3A_2091] {strides = array<i32>} : memref<128x64xf32, #tpu.memory_space<vmem>>, vector<16xf32>,
        tpu.vector_store %arg17[%parallel_loop3A_2090, %parallel_loop3A_2091], %parallel_loop3A_2089 {strides = array<i32>} : memref<128x64xf32, #tpu.memory_space<vmem>>, vector<16xf32>,
        %parallel_loop3A_2093 = arith.index_cast %parallel_loop3A_2083 : i32 to index
        %parallel_loop3A_2094 = arith.constant 16 : index
        %parallel_loop3A_2095 = tpu.vector_load %arg17[%parallel_loop3A_2093, %parallel_loop3A_2094] {strides = array<i32>} : memref<128x64xf32, #tpu.memory_space<vmem>>, vector<16xf32>,
        %parallel_loop3A_2096 = arith.mulf %parallel_loop3A_2095, %parallel_loop3A_2085 : vector<16xf32>
        %parallel_loop3A_2097 = arith.index_cast %parallel_loop3A_2083 : i32 to index
        %parallel_loop3A_2098 = arith.constant 16 : index
        %parallel_loop3A_2099 = tpu.vector_load %arg17[%parallel_loop3A_2097, %parallel_loop3A_2098] {strides = array<i32>} : memref<128x64xf32, #tpu.memory_space<vmem>>, vector<16xf32>,
        tpu.vector_store %arg17[%parallel_loop3A_2097, %parallel_loop3A_2098], %parallel_loop3A_2096 {strides = array<i32>} : memref<128x64xf32, #tpu.memory_space<vmem>>, vector<16xf32>,
        %parallel_loop3A_2100 = arith.index_cast %parallel_loop3A_2083 : i32 to index
        %parallel_loop3A_2101 = arith.constant 32 : index
        %parallel_loop3A_2102 = tpu.vector_load %arg17[%parallel_loop3A_2100, %parallel_loop3A_2101] {strides = array<i32>} : memref<128x64xf32, #tpu.memory_space<vmem>>, vector<16xf32>,
        %parallel_loop3A_2103 = arith.mulf %parallel_loop3A_2102, %parallel_loop3A_2085 : vector<16xf32>
        %parallel_loop3A_2104 = arith.index_cast %parallel_loop3A_2083 : i32 to index
        %parallel_loop3A_2105 = arith.constant 32 : index
        %parallel_loop3A_2106 = tpu.vector_load %arg17[%parallel_loop3A_2104, %parallel_loop3A_2105] {strides = array<i32>} : memref<128x64xf32, #tpu.memory_space<vmem>>, vector<16xf32>,
        tpu.vector_store %arg17[%parallel_loop3A_2104, %parallel_loop3A_2105], %parallel_loop3A_2103 {strides = array<i32>} : memref<128x64xf32, #tpu.memory_space<vmem>>, vector<16xf32>,
        %parallel_loop3A_2107 = arith.index_cast %parallel_loop3A_2083 : i32 to index
        %parallel_loop3A_2108 = arith.constant 48 : index
        %parallel_loop3A_2109 = tpu.vector_load %arg17[%parallel_loop3A_2107, %parallel_loop3A_2108] {strides = array<i32>} : memref<128x64xf32, #tpu.memory_space<vmem>>, vector<16xf32>,
        %parallel_loop3A_2110 = arith.mulf %parallel_loop3A_2109, %parallel_loop3A_2085 : vector<16xf32>
        %parallel_loop3A_2111 = arith.index_cast %parallel_loop3A_2083 : i32 to index
        %parallel_loop3A_2112 = arith.constant 48 : index
        %parallel_loop3A_2113 = tpu.vector_load %arg17[%parallel_loop3A_2111, %parallel_loop3A_2112] {strides = array<i32>} : memref<128x64xf32, #tpu.memory_space<vmem>>, vector<16xf32>,
        tpu.vector_store %arg17[%parallel_loop3A_2111, %parallel_loop3A_2112], %parallel_loop3A_2110 {strides = array<i32>} : memref<128x64xf32, #tpu.memory_space<vmem>>, vector<16xf32>,
        %parallel_loop3A_2114 = arith.constant 0 : i32
        %parallel_loop3A_2115 = vector.broadcast %parallel_loop3A_2114 : i32 to vector<16xi32>
        %parallel_loop3A_2116 = arith.cmpi eq, %iota3A, %parallel_loop3A_2115 : vector<16xi32>
        %parallel_loop3A_2117 = arith.constant 0.000000e+00 : f32
        %parallel_loop3A_2118 = vector.broadcast %parallel_loop3A_2117 : f32 to vector<16xf32>
        %parallel_loop3A_2119 = arith.select %parallel_loop3A_2116, %parallel_loop3A_2085, %parallel_loop3A_2118 : vector<16xi1>, vector<16xf32>
        %parallel_loop3A_2120 = arith.index_cast %parallel_loop3A_2083 : i32 to index
        %parallel_loop3A_2121 = arith.constant 0 : index
        %parallel_loop3A_2122 = tpu.vector_load %arg18[%parallel_loop3A_2120, %parallel_loop3A_2121] {strides = array<i32>} : memref<128x16xf32, #tpu.memory_space<vmem>>, vector<16xf32>,
        tpu.vector_store %arg18[%parallel_loop3A_2120, %parallel_loop3A_2121], %parallel_loop3A_2119 {strides = array<i32>} : memref<128x16xf32, #tpu.memory_space<vmem>>, vector<16xf32>,
      } {sc.loop_unroll_factor = 4 : i64, sc.parallel_access}
      %run_scoped3A_2079 = arith.constant 5 : i32
      "tpu.region"() ({
        %run_scoped3A_2083 = tpu.sem_alloc : memref<!tpu.dma_semaphore, #tpu.memory_space<semaphore_mem>>
        %dma_start3A_2084 = arith.constant 0 : i32
        %dma_start3A_2085 = tpu.memref_slice %arg13[%run_scoped3A_2079, %dma_start3A_2084] : memref<6x128xi32, #tpu.memory_space<vmem>> -> memref<1x128xi32, #tpu.memory_space<vmem>>
        %dma_start3A_2086 = tpu.memref_squeeze %dma_start3A_2085 : memref<1x128xi32, #tpu.memory_space<vmem>> -> memref<128xi32, #tpu.memory_space<vmem>>
        %dma_start3A_2087 = arith.constant 0 : i32
        %dma_start3A_2088 = arith.constant 0 : i32
        %dma_start3A_2089 = tpu.memref_slice %arg21[%dma_start3A_2087, %dma_start3A_2088] : memref<10240x64xf32, #tpu.memory_space<vmem_shared>> -> memref<10240x64xf32, #tpu.memory_space<vmem_shared>>
        tpu.enqueue_indirect_dma source(%arg17 : memref<128x64xf32, #tpu.memory_space<vmem>>) target(%dma_start3A_2089 : memref<10240x64xf32, #tpu.memory_space<vmem_shared>>) offsets(%dma_start3A_2086 : memref<128xi32, #tpu.memory_space<vmem>>) semaphore(%run_scoped3A_2083 : memref<!tpu.dma_semaphore, #tpu.memory_space<semaphore_mem>>) {add = true}
        %dma_wait3A_2090 = arith.constant 0 : i32
        %dma_wait3A_2091 = tpu.memref_slice %arg13[%run_scoped3A_2079, %dma_wait3A_2090] : memref<6x128xi32, #tpu.memory_space<vmem>> -> memref<1x128xi32, #tpu.memory_space<vmem>>
        %dma_wait3A_2092 = tpu.memref_squeeze %dma_wait3A_2091 : memref<1x128xi32, #tpu.memory_space<vmem>> -> memref<128xi32, #tpu.memory_space<vmem>>
        %dma_wait3A_2093 = arith.constant 0 : i32
        %dma_wait3A_2094 = arith.constant 0 : i32
        %dma_wait3A_2095 = tpu.memref_slice %arg21[%dma_wait3A_2093, %dma_wait3A_2094] : memref<10240x64xf32, #tpu.memory_space<vmem_shared>> -> memref<10240x64xf32, #tpu.memory_space<vmem_shared>>
        tpu.wait_indirect_dma semaphore(%run_scoped3A_2083 : memref<!tpu.dma_semaphore, #tpu.memory_space<semaphore_mem>>) src(%arg17 : memref<128x64xf32, #tpu.memory_space<vmem>>) dst(%dma_wait3A_2095 : memref<10240x64xf32, #tpu.memory_space<vmem_shared>>)
        tpu.yield
      }) : () -> ()
      %run_scoped3A_2080 = arith.constant 5 : i32
      "tpu.region"() ({
        %run_scoped3A_2083 = tpu.sem_alloc : memref<!tpu.dma_semaphore, #tpu.memory_space<semaphore_mem>>
        %dma_start3A_2084 = arith.constant 0 : i32
        %dma_start3A_2085 = tpu.memref_slice %arg13[%run_scoped3A_2080, %dma_start3A_2084] : memref<6x128xi32, #tpu.memory_space<vmem>> -> memref<1x128xi32, #tpu.memory_space<vmem>>
        %dma_start3A_2086 = tpu.memref_squeeze %dma_start3A_2085 : memref<1x128xi32, #tpu.memory_space<vmem>> -> memref<128xi32, #tpu.memory_space<vmem>>
        %dma_start3A_2087 = arith.constant 0 : i32
        %dma_start3A_2088 = arith.constant 0 : i32
        %dma_start3A_2089 = tpu.memref_slice %arg22[%dma_start3A_2087, %dma_start3A_2088] : memref<10240x16xf32, #tpu.memory_space<vmem_shared>> -> memref<10240x16xf32, #tpu.memory_space<vmem_shared>>
        tpu.enqueue_indirect_dma source(%arg18 : memref<128x16xf32, #tpu.memory_space<vmem>>) target(%dma_start3A_2089 : memref<10240x16xf32, #tpu.memory_space<vmem_shared>>) offsets(%dma_start3A_2086 : memref<128xi32, #tpu.memory_space<vmem>>) semaphore(%run_scoped3A_2083 : memref<!tpu.dma_semaphore, #tpu.memory_space<semaphore_mem>>) {add = true}
        %dma_wait3A_2090 = arith.constant 0 : i32
        %dma_wait3A_2091 = tpu.memref_slice %arg13[%run_scoped3A_2080, %dma_wait3A_2090] : memref<6x128xi32, #tpu.memory_space<vmem>> -> memref<1x128xi32, #tpu.memory_space<vmem>>
        %dma_wait3A_2092 = tpu.memref_squeeze %dma_wait3A_2091 : memref<1x128xi32, #tpu.memory_space<vmem>> -> memref<128xi32, #tpu.memory_space<vmem>>
        %dma_wait3A_2093 = arith.constant 0 : i32
        %dma_wait3A_2094 = arith.constant 0 : i32
        %dma_wait3A_2095 = tpu.memref_slice %arg22[%dma_wait3A_2093, %dma_wait3A_2094] : memref<10240x16xf32, #tpu.memory_space<vmem_shared>> -> memref<10240x16xf32, #tpu.memory_space<vmem_shared>>
        tpu.wait_indirect_dma semaphore(%run_scoped3A_2083 : memref<!tpu.dma_semaphore, #tpu.memory_space<semaphore_mem>>) src(%arg18 : memref<128x16xf32, #tpu.memory_space<vmem>>) dst(%dma_wait3A_2095 : memref<10240x16xf32, #tpu.memory_space<vmem_shared>>)
        tpu.yield
      }) : () -> ()
      %mul3A_2081 = arith.constant 6 : i32
      %mul3A_2082 = arith.muli %scan3A_56, %mul3A_2081 : i32
      "tpu.region"() ({
        %run_scoped3A_2083 = tpu.sem_alloc : memref<!tpu.dma_semaphore, #tpu.memory_space<semaphore_mem>>
        %dma_start3A_2084 = arith.constant 0 : i32
        %dma_start3A_2085 = tpu.memref_slice %arg9[%arg1, %mul3A_2082, %dma_start3A_2084] : memref<16x162x128xf32, #tpu.memory_space<hbm>> -> memref<1x6x128xf32, #tpu.memory_space<hbm>>
        %dma_start3A_2086 = tpu.memref_squeeze %dma_start3A_2085 : memref<1x6x128xf32, #tpu.memory_space<hbm>> -> memref<6x128xf32, #tpu.memory_space<hbm>>
        %dma_start3A_2087 = arith.constant 0 : i32
        %dma_start3A_2088 = tpu.memref_slice %arg9[%arg1, %mul3A_2082, %dma_start3A_2087] : memref<16x162x128xf32, #tpu.memory_space<hbm>> -> memref<1x6x128xf32, #tpu.memory_space<hbm>>
        %dma_start3A_2089 = tpu.memref_squeeze %dma_start3A_2088 : memref<1x6x128xf32, #tpu.memory_space<hbm>> -> memref<6x128xf32, #tpu.memory_space<hbm>>
        tpu.enqueue_dma source(%arg15 : memref<6x128xf32, #tpu.memory_space<vmem>>) target(%dma_start3A_2089 : memref<6x128xf32, #tpu.memory_space<hbm>>) target_semaphore(%run_scoped3A_2083 : memref<!tpu.dma_semaphore, #tpu.memory_space<semaphore_mem>>)
        %dma_wait3A_2090 = arith.constant 0 : i32
        %dma_wait3A_2091 = tpu.memref_slice %arg9[%arg1, %mul3A_2082, %dma_wait3A_2090] : memref<16x162x128xf32, #tpu.memory_space<hbm>> -> memref<1x6x128xf32, #tpu.memory_space<hbm>>
        %dma_wait3A_2092 = tpu.memref_squeeze %dma_wait3A_2091 : memref<1x6x128xf32, #tpu.memory_space<hbm>> -> memref<6x128xf32, #tpu.memory_space<hbm>>
        %dma_wait3A_2093 = arith.constant 0 : i32
        %dma_wait3A_2094 = tpu.memref_slice %arg9[%arg1, %mul3A_2082, %dma_wait3A_2093] : memref<16x162x128xf32, #tpu.memory_space<hbm>> -> memref<1x6x128xf32, #tpu.memory_space<hbm>>
        %dma_wait3A_2095 = tpu.memref_squeeze %dma_wait3A_2094 : memref<1x6x128xf32, #tpu.memory_space<hbm>> -> memref<6x128xf32, #tpu.memory_space<hbm>>
        tpu.wait_dma2 semaphore(%run_scoped3A_2083 : memref<!tpu.dma_semaphore, #tpu.memory_space<semaphore_mem>>) src(%arg15 : memref<6x128xf32, #tpu.memory_space<vmem>>) dst(%dma_wait3A_2095 : memref<6x128xf32, #tpu.memory_space<hbm>>)
        tpu.yield
      }) : () -> ()
    }
    %scan3A_34 = arith.constant 27 : i32
    %barrier3A_35 = arith.constant 0 : index
    tpu.barrier barrier_id(%barrier3A_35)
    %mul3A_36 = arith.constant 640 : i32
    %mul3A_37 = arith.muli %arg1, %mul3A_36 : i32
    %add3A_38 = arith.constant 0 : i32
    %add3A_39 = arith.addi %mul3A_37, %add3A_38 : i32
    "tpu.region"() ({
      %run_scoped3A = tpu.sem_alloc : memref<!tpu.dma_semaphore, #tpu.memory_space<semaphore_mem>>
      %dma_start3A = arith.constant 0 : i32
      %dma_start3A_56 = tpu.memref_slice %arg21[%add3A_39, %dma_start3A] : memref<10240x64xf32, #tpu.memory_space<vmem_shared>> -> memref<128x64xf32, #tpu.memory_space<vmem_shared>>
      %dma_start3A_57 = arith.constant 0 : i32
      %dma_start3A_58 = tpu.memref_slice %arg21[%add3A_39, %dma_start3A_57] : memref<10240x64xf32, #tpu.memory_space<vmem_shared>> -> memref<128x64xf32, #tpu.memory_space<vmem_shared>>
      tpu.enqueue_dma source(%dma_start3A_58 : memref<128x64xf32, #tpu.memory_space<vmem_shared>>) target(%arg16 : memref<128x64xf32, #tpu.memory_space<vmem>>) target_semaphore(%run_scoped3A : memref<!tpu.dma_semaphore, #tpu.memory_space<semaphore_mem>>)
      %dma_wait3A = arith.constant 0 : i32
      %dma_wait3A_59 = tpu.memref_slice %arg21[%add3A_39, %dma_wait3A] : memref<10240x64xf32, #tpu.memory_space<vmem_shared>> -> memref<128x64xf32, #tpu.memory_space<vmem_shared>>
      %dma_wait3A_60 = arith.constant 0 : i32
      %dma_wait3A_61 = tpu.memref_slice %arg21[%add3A_39, %dma_wait3A_60] : memref<10240x64xf32, #tpu.memory_space<vmem_shared>> -> memref<128x64xf32, #tpu.memory_space<vmem_shared>>
      tpu.wait_dma2 semaphore(%run_scoped3A : memref<!tpu.dma_semaphore, #tpu.memory_space<semaphore_mem>>) src(%dma_wait3A_61 : memref<128x64xf32, #tpu.memory_space<vmem_shared>>) dst(%arg16 : memref<128x64xf32, #tpu.memory_space<vmem>>)
      tpu.yield
    }) : () -> ()
    "tpu.region"() ({
      %run_scoped3A = tpu.sem_alloc : memref<!tpu.dma_semaphore, #tpu.memory_space<semaphore_mem>>
      %dma_start3A = arith.constant 0 : i32
      %dma_start3A_56 = tpu.memref_slice %arg10[%add3A_39, %arg0, %dma_start3A] : memref<10240x2x64xf32, #tpu.memory_space<hbm>> -> memref<128x1x64xf32, #tpu.memory_space<hbm>>
      %dma_start3A_57 = tpu.memref_squeeze %dma_start3A_56 : memref<128x1x64xf32, #tpu.memory_space<hbm>> -> memref<128x64xf32, #tpu.memory_space<hbm>>
      %dma_start3A_58 = arith.constant 0 : i32
      %dma_start3A_59 = tpu.memref_slice %arg10[%add3A_39, %arg0, %dma_start3A_58] : memref<10240x2x64xf32, #tpu.memory_space<hbm>> -> memref<128x1x64xf32, #tpu.memory_space<hbm>>
      %dma_start3A_60 = tpu.memref_squeeze %dma_start3A_59 : memref<128x1x64xf32, #tpu.memory_space<hbm>> -> memref<128x64xf32, #tpu.memory_space<hbm>>
      tpu.enqueue_dma source(%arg16 : memref<128x64xf32, #tpu.memory_space<vmem>>) target(%dma_start3A_60 : memref<128x64xf32, #tpu.memory_space<hbm>>) target_semaphore(%run_scoped3A : memref<!tpu.dma_semaphore, #tpu.memory_space<semaphore_mem>>)
      %dma_wait3A = arith.constant 0 : i32
      %dma_wait3A_61 = tpu.memref_slice %arg10[%add3A_39, %arg0, %dma_wait3A] : memref<10240x2x64xf32, #tpu.memory_space<hbm>> -> memref<128x1x64xf32, #tpu.memory_space<hbm>>
      %dma_wait3A_62 = tpu.memref_squeeze %dma_wait3A_61 : memref<128x1x64xf32, #tpu.memory_space<hbm>> -> memref<128x64xf32, #tpu.memory_space<hbm>>
      %dma_wait3A_63 = arith.constant 0 : i32
      %dma_wait3A_64 = tpu.memref_slice %arg10[%add3A_39, %arg0, %dma_wait3A_63] : memref<10240x2x64xf32, #tpu.memory_space<hbm>> -> memref<128x1x64xf32, #tpu.memory_space<hbm>>
      %dma_wait3A_65 = tpu.memref_squeeze %dma_wait3A_64 : memref<128x1x64xf32, #tpu.memory_space<hbm>> -> memref<128x64xf32, #tpu.memory_space<hbm>>
      tpu.wait_dma2 semaphore(%run_scoped3A : memref<!tpu.dma_semaphore, #tpu.memory_space<semaphore_mem>>) src(%arg16 : memref<128x64xf32, #tpu.memory_space<vmem>>) dst(%dma_wait3A_65 : memref<128x64xf32, #tpu.memory_space<hbm>>)
      tpu.yield
    }) : () -> ()
    "tpu.region"() ({
      %run_scoped3A = tpu.sem_alloc : memref<!tpu.dma_semaphore, #tpu.memory_space<semaphore_mem>>
      %dma_start3A = arith.constant 0 : i32
      %dma_start3A_56 = tpu.memref_slice %arg22[%add3A_39, %dma_start3A] : memref<10240x16xf32, #tpu.memory_space<vmem_shared>> -> memref<128x16xf32, #tpu.memory_space<vmem_shared>>
      %dma_start3A_57 = arith.constant 0 : i32
      %dma_start3A_58 = tpu.memref_slice %arg22[%add3A_39, %dma_start3A_57] : memref<10240x16xf32, #tpu.memory_space<vmem_shared>> -> memref<128x16xf32, #tpu.memory_space<vmem_shared>>
      tpu.enqueue_dma source(%dma_start3A_58 : memref<128x16xf32, #tpu.memory_space<vmem_shared>>) target(%arg18 : memref<128x16xf32, #tpu.memory_space<vmem>>) target_semaphore(%run_scoped3A : memref<!tpu.dma_semaphore, #tpu.memory_space<semaphore_mem>>)
      %dma_wait3A = arith.constant 0 : i32
      %dma_wait3A_59 = tpu.memref_slice %arg22[%add3A_39, %dma_wait3A] : memref<10240x16xf32, #tpu.memory_space<vmem_shared>> -> memref<128x16xf32, #tpu.memory_space<vmem_shared>>
      %dma_wait3A_60 = arith.constant 0 : i32
      %dma_wait3A_61 = tpu.memref_slice %arg22[%add3A_39, %dma_wait3A_60] : memref<10240x16xf32, #tpu.memory_space<vmem_shared>> -> memref<128x16xf32, #tpu.memory_space<vmem_shared>>
      tpu.wait_dma2 semaphore(%run_scoped3A : memref<!tpu.dma_semaphore, #tpu.memory_space<semaphore_mem>>) src(%dma_wait3A_61 : memref<128x16xf32, #tpu.memory_space<vmem_shared>>) dst(%arg18 : memref<128x16xf32, #tpu.memory_space<vmem>>)
      tpu.yield
    }) : () -> ()
    "tpu.region"() ({
      %run_scoped3A = tpu.sem_alloc : memref<!tpu.dma_semaphore, #tpu.memory_space<semaphore_mem>>
      %dma_start3A = arith.constant 0 : i32
      %dma_start3A_56 = tpu.memref_slice %arg11[%add3A_39, %dma_start3A] : memref<10240x16xf32, #tpu.memory_space<hbm>> -> memref<128x16xf32, #tpu.memory_space<hbm>>
      %dma_start3A_57 = arith.constant 0 : i32
      %dma_start3A_58 = tpu.memref_slice %arg11[%add3A_39, %dma_start3A_57] : memref<10240x16xf32, #tpu.memory_space<hbm>> -> memref<128x16xf32, #tpu.memory_space<hbm>>
      tpu.enqueue_dma source(%arg18 : memref<128x16xf32, #tpu.memory_space<vmem>>) target(%dma_start3A_58 : memref<128x16xf32, #tpu.memory_space<hbm>>) target_semaphore(%run_scoped3A : memref<!tpu.dma_semaphore, #tpu.memory_space<semaphore_mem>>)
      %dma_wait3A = arith.constant 0 : i32
      %dma_wait3A_59 = tpu.memref_slice %arg11[%add3A_39, %dma_wait3A] : memref<10240x16xf32, #tpu.memory_space<hbm>> -> memref<128x16xf32, #tpu.memory_space<hbm>>
      %dma_wait3A_60 = arith.constant 0 : i32
      %dma_wait3A_61 = tpu.memref_slice %arg11[%add3A_39, %dma_wait3A_60] : memref<10240x16xf32, #tpu.memory_space<hbm>> -> memref<128x16xf32, #tpu.memory_space<hbm>>
      tpu.wait_dma2 semaphore(%run_scoped3A : memref<!tpu.dma_semaphore, #tpu.memory_space<semaphore_mem>>) src(%arg18 : memref<128x16xf32, #tpu.memory_space<vmem>>) dst(%dma_wait3A_61 : memref<128x16xf32, #tpu.memory_space<hbm>>)
      tpu.yield
    }) : () -> ()
    %mul3A_40 = arith.constant 640 : i32
    %mul3A_41 = arith.muli %arg1, %mul3A_40 : i32
    %add3A_42 = arith.constant 128 : i32
    %add3A_43 = arith.addi %mul3A_41, %add3A_42 : i32
    "tpu.region"() ({
      %run_scoped3A = tpu.sem_alloc : memref<!tpu.dma_semaphore, #tpu.memory_space<semaphore_mem>>
      %dma_start3A = arith.constant 0 : i32
      %dma_start3A_56 = tpu.memref_slice %arg21[%add3A_43, %dma_start3A] : memref<10240x64xf32, #tpu.memory_space<vmem_shared>> -> memref<128x64xf32, #tpu.memory_space<vmem_shared>>
      %dma_start3A_57 = arith.constant 0 : i32
      %dma_start3A_58 = tpu.memref_slice %arg21[%add3A_43, %dma_start3A_57] : memref<10240x64xf32, #tpu.memory_space<vmem_shared>> -> memref<128x64xf32, #tpu.memory_space<vmem_shared>>
      tpu.enqueue_dma source(%dma_start3A_58 : memref<128x64xf32, #tpu.memory_space<vmem_shared>>) target(%arg16 : memref<128x64xf32, #tpu.memory_space<vmem>>) target_semaphore(%run_scoped3A : memref<!tpu.dma_semaphore, #tpu.memory_space<semaphore_mem>>)
      %dma_wait3A = arith.constant 0 : i32
      %dma_wait3A_59 = tpu.memref_slice %arg21[%add3A_43, %dma_wait3A] : memref<10240x64xf32, #tpu.memory_space<vmem_shared>> -> memref<128x64xf32, #tpu.memory_space<vmem_shared>>
      %dma_wait3A_60 = arith.constant 0 : i32
      %dma_wait3A_61 = tpu.memref_slice %arg21[%add3A_43, %dma_wait3A_60] : memref<10240x64xf32, #tpu.memory_space<vmem_shared>> -> memref<128x64xf32, #tpu.memory_space<vmem_shared>>
      tpu.wait_dma2 semaphore(%run_scoped3A : memref<!tpu.dma_semaphore, #tpu.memory_space<semaphore_mem>>) src(%dma_wait3A_61 : memref<128x64xf32, #tpu.memory_space<vmem_shared>>) dst(%arg16 : memref<128x64xf32, #tpu.memory_space<vmem>>)
      tpu.yield
    }) : () -> ()
    "tpu.region"() ({
      %run_scoped3A = tpu.sem_alloc : memref<!tpu.dma_semaphore, #tpu.memory_space<semaphore_mem>>
      %dma_start3A = arith.constant 0 : i32
      %dma_start3A_56 = tpu.memref_slice %arg10[%add3A_43, %arg0, %dma_start3A] : memref<10240x2x64xf32, #tpu.memory_space<hbm>> -> memref<128x1x64xf32, #tpu.memory_space<hbm>>
      %dma_start3A_57 = tpu.memref_squeeze %dma_start3A_56 : memref<128x1x64xf32, #tpu.memory_space<hbm>> -> memref<128x64xf32, #tpu.memory_space<hbm>>
      %dma_start3A_58 = arith.constant 0 : i32
      %dma_start3A_59 = tpu.memref_slice %arg10[%add3A_43, %arg0, %dma_start3A_58] : memref<10240x2x64xf32, #tpu.memory_space<hbm>> -> memref<128x1x64xf32, #tpu.memory_space<hbm>>
      %dma_start3A_60 = tpu.memref_squeeze %dma_start3A_59 : memref<128x1x64xf32, #tpu.memory_space<hbm>> -> memref<128x64xf32, #tpu.memory_space<hbm>>
      tpu.enqueue_dma source(%arg16 : memref<128x64xf32, #tpu.memory_space<vmem>>) target(%dma_start3A_60 : memref<128x64xf32, #tpu.memory_space<hbm>>) target_semaphore(%run_scoped3A : memref<!tpu.dma_semaphore, #tpu.memory_space<semaphore_mem>>)
      %dma_wait3A = arith.constant 0 : i32
      %dma_wait3A_61 = tpu.memref_slice %arg10[%add3A_43, %arg0, %dma_wait3A] : memref<10240x2x64xf32, #tpu.memory_space<hbm>> -> memref<128x1x64xf32, #tpu.memory_space<hbm>>
      %dma_wait3A_62 = tpu.memref_squeeze %dma_wait3A_61 : memref<128x1x64xf32, #tpu.memory_space<hbm>> -> memref<128x64xf32, #tpu.memory_space<hbm>>
      %dma_wait3A_63 = arith.constant 0 : i32
      %dma_wait3A_64 = tpu.memref_slice %arg10[%add3A_43, %arg0, %dma_wait3A_63] : memref<10240x2x64xf32, #tpu.memory_space<hbm>> -> memref<128x1x64xf32, #tpu.memory_space<hbm>>
      %dma_wait3A_65 = tpu.memref_squeeze %dma_wait3A_64 : memref<128x1x64xf32, #tpu.memory_space<hbm>> -> memref<128x64xf32, #tpu.memory_space<hbm>>
      tpu.wait_dma2 semaphore(%run_scoped3A : memref<!tpu.dma_semaphore, #tpu.memory_space<semaphore_mem>>) src(%arg16 : memref<128x64xf32, #tpu.memory_space<vmem>>) dst(%dma_wait3A_65 : memref<128x64xf32, #tpu.memory_space<hbm>>)
      tpu.yield
    }) : () -> ()
    "tpu.region"() ({
      %run_scoped3A = tpu.sem_alloc : memref<!tpu.dma_semaphore, #tpu.memory_space<semaphore_mem>>
      %dma_start3A = arith.constant 0 : i32
      %dma_start3A_56 = tpu.memref_slice %arg22[%add3A_43, %dma_start3A] : memref<10240x16xf32, #tpu.memory_space<vmem_shared>> -> memref<128x16xf32, #tpu.memory_space<vmem_shared>>
      %dma_start3A_57 = arith.constant 0 : i32
      %dma_start3A_58 = tpu.memref_slice %arg22[%add3A_43, %dma_start3A_57] : memref<10240x16xf32, #tpu.memory_space<vmem_shared>> -> memref<128x16xf32, #tpu.memory_space<vmem_shared>>
      tpu.enqueue_dma source(%dma_start3A_58 : memref<128x16xf32, #tpu.memory_space<vmem_shared>>) target(%arg18 : memref<128x16xf32, #tpu.memory_space<vmem>>) target_semaphore(%run_scoped3A : memref<!tpu.dma_semaphore, #tpu.memory_space<semaphore_mem>>)
      %dma_wait3A = arith.constant 0 : i32
      %dma_wait3A_59 = tpu.memref_slice %arg22[%add3A_43, %dma_wait3A] : memref<10240x16xf32, #tpu.memory_space<vmem_shared>> -> memref<128x16xf32, #tpu.memory_space<vmem_shared>>
      %dma_wait3A_60 = arith.constant 0 : i32
      %dma_wait3A_61 = tpu.memref_slice %arg22[%add3A_43, %dma_wait3A_60] : memref<10240x16xf32, #tpu.memory_space<vmem_shared>> -> memref<128x16xf32, #tpu.memory_space<vmem_shared>>
      tpu.wait_dma2 semaphore(%run_scoped3A : memref<!tpu.dma_semaphore, #tpu.memory_space<semaphore_mem>>) src(%dma_wait3A_61 : memref<128x16xf32, #tpu.memory_space<vmem_shared>>) dst(%arg18 : memref<128x16xf32, #tpu.memory_space<vmem>>)
      tpu.yield
    }) : () -> ()
    "tpu.region"() ({
      %run_scoped3A = tpu.sem_alloc : memref<!tpu.dma_semaphore, #tpu.memory_space<semaphore_mem>>
      %dma_start3A = arith.constant 0 : i32
      %dma_start3A_56 = tpu.memref_slice %arg11[%add3A_43, %dma_start3A] : memref<10240x16xf32, #tpu.memory_space<hbm>> -> memref<128x16xf32, #tpu.memory_space<hbm>>
      %dma_start3A_57 = arith.constant 0 : i32
      %dma_start3A_58 = tpu.memref_slice %arg11[%add3A_43, %dma_start3A_57] : memref<10240x16xf32, #tpu.memory_space<hbm>> -> memref<128x16xf32, #tpu.memory_space<hbm>>
      tpu.enqueue_dma source(%arg18 : memref<128x16xf32, #tpu.memory_space<vmem>>) target(%dma_start3A_58 : memref<128x16xf32, #tpu.memory_space<hbm>>) target_semaphore(%run_scoped3A : memref<!tpu.dma_semaphore, #tpu.memory_space<semaphore_mem>>)
      %dma_wait3A = arith.constant 0 : i32
      %dma_wait3A_59 = tpu.memref_slice %arg11[%add3A_43, %dma_wait3A] : memref<10240x16xf32, #tpu.memory_space<hbm>> -> memref<128x16xf32, #tpu.memory_space<hbm>>
      %dma_wait3A_60 = arith.constant 0 : i32
      %dma_wait3A_61 = tpu.memref_slice %arg11[%add3A_43, %dma_wait3A_60] : memref<10240x16xf32, #tpu.memory_space<hbm>> -> memref<128x16xf32, #tpu.memory_space<hbm>>
      tpu.wait_dma2 semaphore(%run_scoped3A : memref<!tpu.dma_semaphore, #tpu.memory_space<semaphore_mem>>) src(%arg18 : memref<128x16xf32, #tpu.memory_space<vmem>>) dst(%dma_wait3A_61 : memref<128x16xf32, #tpu.memory_space<hbm>>)
      tpu.yield
    }) : () -> ()
    %mul3A_44 = arith.constant 640 : i32
    %mul3A_45 = arith.muli %arg1, %mul3A_44 : i32
    %add3A_46 = arith.constant 256 : i32
    %add3A_47 = arith.addi %mul3A_45, %add3A_46 : i32
    "tpu.region"() ({
      %run_scoped3A = tpu.sem_alloc : memref<!tpu.dma_semaphore, #tpu.memory_space<semaphore_mem>>
      %dma_start3A = arith.constant 0 : i32
      %dma_start3A_56 = tpu.memref_slice %arg21[%add3A_47, %dma_start3A] : memref<10240x64xf32, #tpu.memory_space<vmem_shared>> -> memref<128x64xf32, #tpu.memory_space<vmem_shared>>
      %dma_start3A_57 = arith.constant 0 : i32
      %dma_start3A_58 = tpu.memref_slice %arg21[%add3A_47, %dma_start3A_57] : memref<10240x64xf32, #tpu.memory_space<vmem_shared>> -> memref<128x64xf32, #tpu.memory_space<vmem_shared>>
      tpu.enqueue_dma source(%dma_start3A_58 : memref<128x64xf32, #tpu.memory_space<vmem_shared>>) target(%arg16 : memref<128x64xf32, #tpu.memory_space<vmem>>) target_semaphore(%run_scoped3A : memref<!tpu.dma_semaphore, #tpu.memory_space<semaphore_mem>>)
      %dma_wait3A = arith.constant 0 : i32
      %dma_wait3A_59 = tpu.memref_slice %arg21[%add3A_47, %dma_wait3A] : memref<10240x64xf32, #tpu.memory_space<vmem_shared>> -> memref<128x64xf32, #tpu.memory_space<vmem_shared>>
      %dma_wait3A_60 = arith.constant 0 : i32
      %dma_wait3A_61 = tpu.memref_slice %arg21[%add3A_47, %dma_wait3A_60] : memref<10240x64xf32, #tpu.memory_space<vmem_shared>> -> memref<128x64xf32, #tpu.memory_space<vmem_shared>>
      tpu.wait_dma2 semaphore(%run_scoped3A : memref<!tpu.dma_semaphore, #tpu.memory_space<semaphore_mem>>) src(%dma_wait3A_61 : memref<128x64xf32, #tpu.memory_space<vmem_shared>>) dst(%arg16 : memref<128x64xf32, #tpu.memory_space<vmem>>)
      tpu.yield
    }) : () -> ()
    "tpu.region"() ({
      %run_scoped3A = tpu.sem_alloc : memref<!tpu.dma_semaphore, #tpu.memory_space<semaphore_mem>>
      %dma_start3A = arith.constant 0 : i32
      %dma_start3A_56 = tpu.memref_slice %arg10[%add3A_47, %arg0, %dma_start3A] : memref<10240x2x64xf32, #tpu.memory_space<hbm>> -> memref<128x1x64xf32, #tpu.memory_space<hbm>>
      %dma_start3A_57 = tpu.memref_squeeze %dma_start3A_56 : memref<128x1x64xf32, #tpu.memory_space<hbm>> -> memref<128x64xf32, #tpu.memory_space<hbm>>
      %dma_start3A_58 = arith.constant 0 : i32
      %dma_start3A_59 = tpu.memref_slice %arg10[%add3A_47, %arg0, %dma_start3A_58] : memref<10240x2x64xf32, #tpu.memory_space<hbm>> -> memref<128x1x64xf32, #tpu.memory_space<hbm>>
      %dma_start3A_60 = tpu.memref_squeeze %dma_start3A_59 : memref<128x1x64xf32, #tpu.memory_space<hbm>> -> memref<128x64xf32, #tpu.memory_space<hbm>>
      tpu.enqueue_dma source(%arg16 : memref<128x64xf32, #tpu.memory_space<vmem>>) target(%dma_start3A_60 : memref<128x64xf32, #tpu.memory_space<hbm>>) target_semaphore(%run_scoped3A : memref<!tpu.dma_semaphore, #tpu.memory_space<semaphore_mem>>)
      %dma_wait3A = arith.constant 0 : i32
      %dma_wait3A_61 = tpu.memref_slice %arg10[%add3A_47, %arg0, %dma_wait3A] : memref<10240x2x64xf32, #tpu.memory_space<hbm>> -> memref<128x1x64xf32, #tpu.memory_space<hbm>>
      %dma_wait3A_62 = tpu.memref_squeeze %dma_wait3A_61 : memref<128x1x64xf32, #tpu.memory_space<hbm>> -> memref<128x64xf32, #tpu.memory_space<hbm>>
      %dma_wait3A_63 = arith.constant 0 : i32
      %dma_wait3A_64 = tpu.memref_slice %arg10[%add3A_47, %arg0, %dma_wait3A_63] : memref<10240x2x64xf32, #tpu.memory_space<hbm>> -> memref<128x1x64xf32, #tpu.memory_space<hbm>>
      %dma_wait3A_65 = tpu.memref_squeeze %dma_wait3A_64 : memref<128x1x64xf32, #tpu.memory_space<hbm>> -> memref<128x64xf32, #tpu.memory_space<hbm>>
      tpu.wait_dma2 semaphore(%run_scoped3A : memref<!tpu.dma_semaphore, #tpu.memory_space<semaphore_mem>>) src(%arg16 : memref<128x64xf32, #tpu.memory_space<vmem>>) dst(%dma_wait3A_65 : memref<128x64xf32, #tpu.memory_space<hbm>>)
      tpu.yield
    }) : () -> ()
    "tpu.region"() ({
      %run_scoped3A = tpu.sem_alloc : memref<!tpu.dma_semaphore, #tpu.memory_space<semaphore_mem>>
      %dma_start3A = arith.constant 0 : i32
      %dma_start3A_56 = tpu.memref_slice %arg22[%add3A_47, %dma_start3A] : memref<10240x16xf32, #tpu.memory_space<vmem_shared>> -> memref<128x16xf32, #tpu.memory_space<vmem_shared>>
      %dma_start3A_57 = arith.constant 0 : i32
      %dma_start3A_58 = tpu.memref_slice %arg22[%add3A_47, %dma_start3A_57] : memref<10240x16xf32, #tpu.memory_space<vmem_shared>> -> memref<128x16xf32, #tpu.memory_space<vmem_shared>>
      tpu.enqueue_dma source(%dma_start3A_58 : memref<128x16xf32, #tpu.memory_space<vmem_shared>>) target(%arg18 : memref<128x16xf32, #tpu.memory_space<vmem>>) target_semaphore(%run_scoped3A : memref<!tpu.dma_semaphore, #tpu.memory_space<semaphore_mem>>)
      %dma_wait3A = arith.constant 0 : i32
      %dma_wait3A_59 = tpu.memref_slice %arg22[%add3A_47, %dma_wait3A] : memref<10240x16xf32, #tpu.memory_space<vmem_shared>> -> memref<128x16xf32, #tpu.memory_space<vmem_shared>>
      %dma_wait3A_60 = arith.constant 0 : i32
      %dma_wait3A_61 = tpu.memref_slice %arg22[%add3A_47, %dma_wait3A_60] : memref<10240x16xf32, #tpu.memory_space<vmem_shared>> -> memref<128x16xf32, #tpu.memory_space<vmem_shared>>
      tpu.wait_dma2 semaphore(%run_scoped3A : memref<!tpu.dma_semaphore, #tpu.memory_space<semaphore_mem>>) src(%dma_wait3A_61 : memref<128x16xf32, #tpu.memory_space<vmem_shared>>) dst(%arg18 : memref<128x16xf32, #tpu.memory_space<vmem>>)
      tpu.yield
    }) : () -> ()
    "tpu.region"() ({
      %run_scoped3A = tpu.sem_alloc : memref<!tpu.dma_semaphore, #tpu.memory_space<semaphore_mem>>
      %dma_start3A = arith.constant 0 : i32
      %dma_start3A_56 = tpu.memref_slice %arg11[%add3A_47, %dma_start3A] : memref<10240x16xf32, #tpu.memory_space<hbm>> -> memref<128x16xf32, #tpu.memory_space<hbm>>
      %dma_start3A_57 = arith.constant 0 : i32
      %dma_start3A_58 = tpu.memref_slice %arg11[%add3A_47, %dma_start3A_57] : memref<10240x16xf32, #tpu.memory_space<hbm>> -> memref<128x16xf32, #tpu.memory_space<hbm>>
      tpu.enqueue_dma source(%arg18 : memref<128x16xf32, #tpu.memory_space<vmem>>) target(%dma_start3A_58 : memref<128x16xf32, #tpu.memory_space<hbm>>) target_semaphore(%run_scoped3A : memref<!tpu.dma_semaphore, #tpu.memory_space<semaphore_mem>>)
      %dma_wait3A = arith.constant 0 : i32
      %dma_wait3A_59 = tpu.memref_slice %arg11[%add3A_47, %dma_wait3A] : memref<10240x16xf32, #tpu.memory_space<hbm>> -> memref<128x16xf32, #tpu.memory_space<hbm>>
      %dma_wait3A_60 = arith.constant 0 : i32
      %dma_wait3A_61 = tpu.memref_slice %arg11[%add3A_47, %dma_wait3A_60] : memref<10240x16xf32, #tpu.memory_space<hbm>> -> memref<128x16xf32, #tpu.memory_space<hbm>>
      tpu.wait_dma2 semaphore(%run_scoped3A : memref<!tpu.dma_semaphore, #tpu.memory_space<semaphore_mem>>) src(%arg18 : memref<128x16xf32, #tpu.memory_space<vmem>>) dst(%dma_wait3A_61 : memref<128x16xf32, #tpu.memory_space<hbm>>)
      tpu.yield
    }) : () -> ()
    %mul3A_48 = arith.constant 640 : i32
    %mul3A_49 = arith.muli %arg1, %mul3A_48 : i32
    %add3A_50 = arith.constant 384 : i32
    %add3A_51 = arith.addi %mul3A_49, %add3A_50 : i32
    "tpu.region"() ({
      %run_scoped3A = tpu.sem_alloc : memref<!tpu.dma_semaphore, #tpu.memory_space<semaphore_mem>>
      %dma_start3A = arith.constant 0 : i32
      %dma_start3A_56 = tpu.memref_slice %arg21[%add3A_51, %dma_start3A] : memref<10240x64xf32, #tpu.memory_space<vmem_shared>> -> memref<128x64xf32, #tpu.memory_space<vmem_shared>>
      %dma_start3A_57 = arith.constant 0 : i32
      %dma_start3A_58 = tpu.memref_slice %arg21[%add3A_51, %dma_start3A_57] : memref<10240x64xf32, #tpu.memory_space<vmem_shared>> -> memref<128x64xf32, #tpu.memory_space<vmem_shared>>
      tpu.enqueue_dma source(%dma_start3A_58 : memref<128x64xf32, #tpu.memory_space<vmem_shared>>) target(%arg16 : memref<128x64xf32, #tpu.memory_space<vmem>>) target_semaphore(%run_scoped3A : memref<!tpu.dma_semaphore, #tpu.memory_space<semaphore_mem>>)
      %dma_wait3A = arith.constant 0 : i32
      %dma_wait3A_59 = tpu.memref_slice %arg21[%add3A_51, %dma_wait3A] : memref<10240x64xf32, #tpu.memory_space<vmem_shared>> -> memref<128x64xf32, #tpu.memory_space<vmem_shared>>
      %dma_wait3A_60 = arith.constant 0 : i32
      %dma_wait3A_61 = tpu.memref_slice %arg21[%add3A_51, %dma_wait3A_60] : memref<10240x64xf32, #tpu.memory_space<vmem_shared>> -> memref<128x64xf32, #tpu.memory_space<vmem_shared>>
      tpu.wait_dma2 semaphore(%run_scoped3A : memref<!tpu.dma_semaphore, #tpu.memory_space<semaphore_mem>>) src(%dma_wait3A_61 : memref<128x64xf32, #tpu.memory_space<vmem_shared>>) dst(%arg16 : memref<128x64xf32, #tpu.memory_space<vmem>>)
      tpu.yield
    }) : () -> ()
    "tpu.region"() ({
      %run_scoped3A = tpu.sem_alloc : memref<!tpu.dma_semaphore, #tpu.memory_space<semaphore_mem>>
      %dma_start3A = arith.constant 0 : i32
      %dma_start3A_56 = tpu.memref_slice %arg10[%add3A_51, %arg0, %dma_start3A] : memref<10240x2x64xf32, #tpu.memory_space<hbm>> -> memref<128x1x64xf32, #tpu.memory_space<hbm>>
      %dma_start3A_57 = tpu.memref_squeeze %dma_start3A_56 : memref<128x1x64xf32, #tpu.memory_space<hbm>> -> memref<128x64xf32, #tpu.memory_space<hbm>>
      %dma_start3A_58 = arith.constant 0 : i32
      %dma_start3A_59 = tpu.memref_slice %arg10[%add3A_51, %arg0, %dma_start3A_58] : memref<10240x2x64xf32, #tpu.memory_space<hbm>> -> memref<128x1x64xf32, #tpu.memory_space<hbm>>
      %dma_start3A_60 = tpu.memref_squeeze %dma_start3A_59 : memref<128x1x64xf32, #tpu.memory_space<hbm>> -> memref<128x64xf32, #tpu.memory_space<hbm>>
      tpu.enqueue_dma source(%arg16 : memref<128x64xf32, #tpu.memory_space<vmem>>) target(%dma_start3A_60 : memref<128x64xf32, #tpu.memory_space<hbm>>) target_semaphore(%run_scoped3A : memref<!tpu.dma_semaphore, #tpu.memory_space<semaphore_mem>>)
      %dma_wait3A = arith.constant 0 : i32
      %dma_wait3A_61 = tpu.memref_slice %arg10[%add3A_51, %arg0, %dma_wait3A] : memref<10240x2x64xf32, #tpu.memory_space<hbm>> -> memref<128x1x64xf32, #tpu.memory_space<hbm>>
      %dma_wait3A_62 = tpu.memref_squeeze %dma_wait3A_61 : memref<128x1x64xf32, #tpu.memory_space<hbm>> -> memref<128x64xf32, #tpu.memory_space<hbm>>
      %dma_wait3A_63 = arith.constant 0 : i32
      %dma_wait3A_64 = tpu.memref_slice %arg10[%add3A_51, %arg0, %dma_wait3A_63] : memref<10240x2x64xf32, #tpu.memory_space<hbm>> -> memref<128x1x64xf32, #tpu.memory_space<hbm>>
      %dma_wait3A_65 = tpu.memref_squeeze %dma_wait3A_64 : memref<128x1x64xf32, #tpu.memory_space<hbm>> -> memref<128x64xf32, #tpu.memory_space<hbm>>
      tpu.wait_dma2 semaphore(%run_scoped3A : memref<!tpu.dma_semaphore, #tpu.memory_space<semaphore_mem>>) src(%arg16 : memref<128x64xf32, #tpu.memory_space<vmem>>) dst(%dma_wait3A_65 : memref<128x64xf32, #tpu.memory_space<hbm>>)
      tpu.yield
    }) : () -> ()
    "tpu.region"() ({
      %run_scoped3A = tpu.sem_alloc : memref<!tpu.dma_semaphore, #tpu.memory_space<semaphore_mem>>
      %dma_start3A = arith.constant 0 : i32
      %dma_start3A_56 = tpu.memref_slice %arg22[%add3A_51, %dma_start3A] : memref<10240x16xf32, #tpu.memory_space<vmem_shared>> -> memref<128x16xf32, #tpu.memory_space<vmem_shared>>
      %dma_start3A_57 = arith.constant 0 : i32
      %dma_start3A_58 = tpu.memref_slice %arg22[%add3A_51, %dma_start3A_57] : memref<10240x16xf32, #tpu.memory_space<vmem_shared>> -> memref<128x16xf32, #tpu.memory_space<vmem_shared>>
      tpu.enqueue_dma source(%dma_start3A_58 : memref<128x16xf32, #tpu.memory_space<vmem_shared>>) target(%arg18 : memref<128x16xf32, #tpu.memory_space<vmem>>) target_semaphore(%run_scoped3A : memref<!tpu.dma_semaphore, #tpu.memory_space<semaphore_mem>>)
      %dma_wait3A = arith.constant 0 : i32
      %dma_wait3A_59 = tpu.memref_slice %arg22[%add3A_51, %dma_wait3A] : memref<10240x16xf32, #tpu.memory_space<vmem_shared>> -> memref<128x16xf32, #tpu.memory_space<vmem_shared>>
      %dma_wait3A_60 = arith.constant 0 : i32
      %dma_wait3A_61 = tpu.memref_slice %arg22[%add3A_51, %dma_wait3A_60] : memref<10240x16xf32, #tpu.memory_space<vmem_shared>> -> memref<128x16xf32, #tpu.memory_space<vmem_shared>>
      tpu.wait_dma2 semaphore(%run_scoped3A : memref<!tpu.dma_semaphore, #tpu.memory_space<semaphore_mem>>) src(%dma_wait3A_61 : memref<128x16xf32, #tpu.memory_space<vmem_shared>>) dst(%arg18 : memref<128x16xf32, #tpu.memory_space<vmem>>)
      tpu.yield
    }) : () -> ()
    "tpu.region"() ({
      %run_scoped3A = tpu.sem_alloc : memref<!tpu.dma_semaphore, #tpu.memory_space<semaphore_mem>>
      %dma_start3A = arith.constant 0 : i32
      %dma_start3A_56 = tpu.memref_slice %arg11[%add3A_51, %dma_start3A] : memref<10240x16xf32, #tpu.memory_space<hbm>> -> memref<128x16xf32, #tpu.memory_space<hbm>>
      %dma_start3A_57 = arith.constant 0 : i32
      %dma_start3A_58 = tpu.memref_slice %arg11[%add3A_51, %dma_start3A_57] : memref<10240x16xf32, #tpu.memory_space<hbm>> -> memref<128x16xf32, #tpu.memory_space<hbm>>
      tpu.enqueue_dma source(%arg18 : memref<128x16xf32, #tpu.memory_space<vmem>>) target(%dma_start3A_58 : memref<128x16xf32, #tpu.memory_space<hbm>>) target_semaphore(%run_scoped3A : memref<!tpu.dma_semaphore, #tpu.memory_space<semaphore_mem>>)
      %dma_wait3A = arith.constant 0 : i32
      %dma_wait3A_59 = tpu.memref_slice %arg11[%add3A_51, %dma_wait3A] : memref<10240x16xf32, #tpu.memory_space<hbm>> -> memref<128x16xf32, #tpu.memory_space<hbm>>
      %dma_wait3A_60 = arith.constant 0 : i32
      %dma_wait3A_61 = tpu.memref_slice %arg11[%add3A_51, %dma_wait3A_60] : memref<10240x16xf32, #tpu.memory_space<hbm>> -> memref<128x16xf32, #tpu.memory_space<hbm>>
      tpu.wait_dma2 semaphore(%run_scoped3A : memref<!tpu.dma_semaphore, #tpu.memory_space<semaphore_mem>>) src(%arg18 : memref<128x16xf32, #tpu.memory_space<vmem>>) dst(%dma_wait3A_61 : memref<128x16xf32, #tpu.memory_space<hbm>>)
      tpu.yield
    }) : () -> ()
    %mul3A_52 = arith.constant 640 : i32
    %mul3A_53 = arith.muli %arg1, %mul3A_52 : i32
    %add3A_54 = arith.constant 512 : i32
    %add3A_55 = arith.addi %mul3A_53, %add3A_54 : i32
    "tpu.region"() ({
      %run_scoped3A = tpu.sem_alloc : memref<!tpu.dma_semaphore, #tpu.memory_space<semaphore_mem>>
      %dma_start3A = arith.constant 0 : i32
      %dma_start3A_56 = tpu.memref_slice %arg21[%add3A_55, %dma_start3A] : memref<10240x64xf32, #tpu.memory_space<vmem_shared>> -> memref<128x64xf32, #tpu.memory_space<vmem_shared>>
      %dma_start3A_57 = arith.constant 0 : i32
      %dma_start3A_58 = tpu.memref_slice %arg21[%add3A_55, %dma_start3A_57] : memref<10240x64xf32, #tpu.memory_space<vmem_shared>> -> memref<128x64xf32, #tpu.memory_space<vmem_shared>>
      tpu.enqueue_dma source(%dma_start3A_58 : memref<128x64xf32, #tpu.memory_space<vmem_shared>>) target(%arg16 : memref<128x64xf32, #tpu.memory_space<vmem>>) target_semaphore(%run_scoped3A : memref<!tpu.dma_semaphore, #tpu.memory_space<semaphore_mem>>)
      %dma_wait3A = arith.constant 0 : i32
      %dma_wait3A_59 = tpu.memref_slice %arg21[%add3A_55, %dma_wait3A] : memref<10240x64xf32, #tpu.memory_space<vmem_shared>> -> memref<128x64xf32, #tpu.memory_space<vmem_shared>>
      %dma_wait3A_60 = arith.constant 0 : i32
      %dma_wait3A_61 = tpu.memref_slice %arg21[%add3A_55, %dma_wait3A_60] : memref<10240x64xf32, #tpu.memory_space<vmem_shared>> -> memref<128x64xf32, #tpu.memory_space<vmem_shared>>
      tpu.wait_dma2 semaphore(%run_scoped3A : memref<!tpu.dma_semaphore, #tpu.memory_space<semaphore_mem>>) src(%dma_wait3A_61 : memref<128x64xf32, #tpu.memory_space<vmem_shared>>) dst(%arg16 : memref<128x64xf32, #tpu.memory_space<vmem>>)
      tpu.yield
    }) : () -> ()
    "tpu.region"() ({
      %run_scoped3A = tpu.sem_alloc : memref<!tpu.dma_semaphore, #tpu.memory_space<semaphore_mem>>
      %dma_start3A = arith.constant 0 : i32
      %dma_start3A_56 = tpu.memref_slice %arg10[%add3A_55, %arg0, %dma_start3A] : memref<10240x2x64xf32, #tpu.memory_space<hbm>> -> memref<128x1x64xf32, #tpu.memory_space<hbm>>
      %dma_start3A_57 = tpu.memref_squeeze %dma_start3A_56 : memref<128x1x64xf32, #tpu.memory_space<hbm>> -> memref<128x64xf32, #tpu.memory_space<hbm>>
      %dma_start3A_58 = arith.constant 0 : i32
      %dma_start3A_59 = tpu.memref_slice %arg10[%add3A_55, %arg0, %dma_start3A_58] : memref<10240x2x64xf32, #tpu.memory_space<hbm>> -> memref<128x1x64xf32, #tpu.memory_space<hbm>>
      %dma_start3A_60 = tpu.memref_squeeze %dma_start3A_59 : memref<128x1x64xf32, #tpu.memory_space<hbm>> -> memref<128x64xf32, #tpu.memory_space<hbm>>
      tpu.enqueue_dma source(%arg16 : memref<128x64xf32, #tpu.memory_space<vmem>>) target(%dma_start3A_60 : memref<128x64xf32, #tpu.memory_space<hbm>>) target_semaphore(%run_scoped3A : memref<!tpu.dma_semaphore, #tpu.memory_space<semaphore_mem>>)
      %dma_wait3A = arith.constant 0 : i32
      %dma_wait3A_61 = tpu.memref_slice %arg10[%add3A_55, %arg0, %dma_wait3A] : memref<10240x2x64xf32, #tpu.memory_space<hbm>> -> memref<128x1x64xf32, #tpu.memory_space<hbm>>
      %dma_wait3A_62 = tpu.memref_squeeze %dma_wait3A_61 : memref<128x1x64xf32, #tpu.memory_space<hbm>> -> memref<128x64xf32, #tpu.memory_space<hbm>>
      %dma_wait3A_63 = arith.constant 0 : i32
      %dma_wait3A_64 = tpu.memref_slice %arg10[%add3A_55, %arg0, %dma_wait3A_63] : memref<10240x2x64xf32, #tpu.memory_space<hbm>> -> memref<128x1x64xf32, #tpu.memory_space<hbm>>
      %dma_wait3A_65 = tpu.memref_squeeze %dma_wait3A_64 : memref<128x1x64xf32, #tpu.memory_space<hbm>> -> memref<128x64xf32, #tpu.memory_space<hbm>>
      tpu.wait_dma2 semaphore(%run_scoped3A : memref<!tpu.dma_semaphore, #tpu.memory_space<semaphore_mem>>) src(%arg16 : memref<128x64xf32, #tpu.memory_space<vmem>>) dst(%dma_wait3A_65 : memref<128x64xf32, #tpu.memory_space<hbm>>)
      tpu.yield
    }) : () -> ()
    "tpu.region"() ({
      %run_scoped3A = tpu.sem_alloc : memref<!tpu.dma_semaphore, #tpu.memory_space<semaphore_mem>>
      %dma_start3A = arith.constant 0 : i32
      %dma_start3A_56 = tpu.memref_slice %arg22[%add3A_55, %dma_start3A] : memref<10240x16xf32, #tpu.memory_space<vmem_shared>> -> memref<128x16xf32, #tpu.memory_space<vmem_shared>>
      %dma_start3A_57 = arith.constant 0 : i32
      %dma_start3A_58 = tpu.memref_slice %arg22[%add3A_55, %dma_start3A_57] : memref<10240x16xf32, #tpu.memory_space<vmem_shared>> -> memref<128x16xf32, #tpu.memory_space<vmem_shared>>
      tpu.enqueue_dma source(%dma_start3A_58 : memref<128x16xf32, #tpu.memory_space<vmem_shared>>) target(%arg18 : memref<128x16xf32, #tpu.memory_space<vmem>>) target_semaphore(%run_scoped3A : memref<!tpu.dma_semaphore, #tpu.memory_space<semaphore_mem>>)
      %dma_wait3A = arith.constant 0 : i32
      %dma_wait3A_59 = tpu.memref_slice %arg22[%add3A_55, %dma_wait3A] : memref<10240x16xf32, #tpu.memory_space<vmem_shared>> -> memref<128x16xf32, #tpu.memory_space<vmem_shared>>
      %dma_wait3A_60 = arith.constant 0 : i32
      %dma_wait3A_61 = tpu.memref_slice %arg22[%add3A_55, %dma_wait3A_60] : memref<10240x16xf32, #tpu.memory_space<vmem_shared>> -> memref<128x16xf32, #tpu.memory_space<vmem_shared>>
      tpu.wait_dma2 semaphore(%run_scoped3A : memref<!tpu.dma_semaphore, #tpu.memory_space<semaphore_mem>>) src(%dma_wait3A_61 : memref<128x16xf32, #tpu.memory_space<vmem_shared>>) dst(%arg18 : memref<128x16xf32, #tpu.memory_space<vmem>>)
      tpu.yield
    }) : () -> ()
    "tpu.region"() ({
      %run_scoped3A = tpu.sem_alloc : memref<!tpu.dma_semaphore, #tpu.memory_space<semaphore_mem>>
      %dma_start3A = arith.constant 0 : i32
      %dma_start3A_56 = tpu.memref_slice %arg11[%add3A_55, %dma_start3A] : memref<10240x16xf32, #tpu.memory_space<hbm>> -> memref<128x16xf32, #tpu.memory_space<hbm>>
      %dma_start3A_57 = arith.constant 0 : i32
      %dma_start3A_58 = tpu.memref_slice %arg11[%add3A_55, %dma_start3A_57] : memref<10240x16xf32, #tpu.memory_space<hbm>> -> memref<128x16xf32, #tpu.memory_space<hbm>>
      tpu.enqueue_dma source(%arg18 : memref<128x16xf32, #tpu.memory_space<vmem>>) target(%dma_start3A_58 : memref<128x16xf32, #tpu.memory_space<hbm>>) target_semaphore(%run_scoped3A : memref<!tpu.dma_semaphore, #tpu.memory_space<semaphore_mem>>)
      %dma_wait3A = arith.constant 0 : i32
      %dma_wait3A_59 = tpu.memref_slice %arg11[%add3A_55, %dma_wait3A] : memref<10240x16xf32, #tpu.memory_space<hbm>> -> memref<128x16xf32, #tpu.memory_space<hbm>>
      %dma_wait3A_60 = arith.constant 0 : i32
      %dma_wait3A_61 = tpu.memref_slice %arg11[%add3A_55, %dma_wait3A_60] : memref<10240x16xf32, #tpu.memory_space<hbm>> -> memref<128x16xf32, #tpu.memory_space<hbm>>
      tpu.wait_dma2 semaphore(%run_scoped3A : memref<!tpu.dma_semaphore, #tpu.memory_space<semaphore_mem>>) src(%arg18 : memref<128x16xf32, #tpu.memory_space<vmem>>) dst(%dma_wait3A_61 : memref<128x16xf32, #tpu.memory_space<hbm>>)
      tpu.yield
    }) : () -> ()
    return
  }
}

module attributes {stable_mosaic.version = 14 : i64} {
  func.func @_mm_body(%arg0: i32, %arg1: memref<400x128xf32, #tpu.memory_space<vmem>>, %arg2: memref<128x128xf32, #tpu.memory_space<vmem>>, %arg3: memref<128x8xf32, #tpu.memory_space<vmem>>, %arg4: memref<2x400x64xf32, #tpu.memory_space<vmem>>, %arg5: memref<2x400x16xf32, #tpu.memory_space<vmem>>, %arg6: memref<400x16xf32, #tpu.memory_space<vmem>>) attributes {dimension_semantics = [#tpu.dimension_semantics<arbitrary>], iteration_bounds = array<i64: 25>, scalar_prefetch = 0 : i64, scratch_operands = 0 : i64, tpu.core_type = #tpu.core_type<tc>, window_params = [{transform_indices = @transform_0, window_bounds = array<i64: 400, 128>}, {pipeline_mode = #tpu.pipeline_mode<synchronous>, transform_indices = @transform_1, window_bounds = array<i64: 128, 128>}, {pipeline_mode = #tpu.pipeline_mode<synchronous>, transform_indices = @transform_2, window_bounds = array<i64: 128, 8>}, {transform_indices = @transform_3, window_bounds = array<i64: 2, 400, 64>}, {transform_indices = @transform_4, window_bounds = array<i64: 2, 400, 16>}, {transform_indices = @transform_5, window_bounds = array<i64: 400, 16>}]} {
    %get3A = arith.constant 0 : index
    %get3A_0 = arith.constant 0 : index
    %get3A_1 = vector.load %arg1[%get3A, %get3A_0] : memref<400x128xf32, #tpu.memory_space<vmem>>, vector<400x128xf32>
    %get3A_2 = arith.constant 0 : index
    %get3A_3 = arith.constant 0 : index
    %get3A_4 = vector.load %arg2[%get3A_2, %get3A_3] : memref<128x128xf32, #tpu.memory_space<vmem>>, vector<128x128xf32>
    %dot_general3A = arith.constant dense<0.000000e+00> : vector<400x128xf32>
    %dot_general3A_5 = tpu.matmul %get3A_1, %get3A_4, %dot_general3A {dimension_numbers = #tpu.dot_dimension_numbers<[1], [0], [0], [1], [0, 0, 1, 1], [], []>, transpose_lhs_hint = false} : vector<400x128xf32>, vector<128x128xf32>, vector<400x128xf32> -> vector<400x128xf32>
    %get3A_6 = arith.constant 0 : index
    %get3A_7 = arith.constant 0 : index
    %get3A_8 = vector.load %arg3[%get3A_6, %get3A_7] : memref<128x8xf32, #tpu.memory_space<vmem>>, vector<128x8xf32>
    %slice3A = vector.extract_strided_slice %get3A_8 {offsets = [0, 0], sizes = [128, 1], strides = [1, 1]} : vector<128x8xf32> to vector<128x1xf32>
    %squeeze3A = vector.shape_cast %slice3A : vector<128x1xf32> to vector<128xf32>
    %broadcast_in_dim3A = vector.shape_cast %squeeze3A : vector<128xf32> to vector<1x128xf32>
    %mul3A = vector.broadcast %broadcast_in_dim3A : vector<1x128xf32> to vector<400x128xf32>
    %mul3A_9 = arith.mulf %dot_general3A_5, %mul3A : vector<400x128xf32>
    %reduce_sum3A = arith.constant dense<0.000000e+00> : vector<400xf32>
    %reduce_sum3A_10 = vector.multi_reduction <add>, %mul3A_9, %reduce_sum3A [1] : vector<400x128xf32> to vector<400xf32>
    %slice3A_11 = vector.extract_strided_slice %get3A_8 {offsets = [0, 1], sizes = [128, 1], strides = [1, 1]} : vector<128x8xf32> to vector<128x1xf32>
    %squeeze3A_12 = vector.shape_cast %slice3A_11 : vector<128x1xf32> to vector<128xf32>
    %broadcast_in_dim3A_13 = vector.shape_cast %squeeze3A_12 : vector<128xf32> to vector<1x128xf32>
    %mul3A_14 = vector.broadcast %broadcast_in_dim3A_13 : vector<1x128xf32> to vector<400x128xf32>
    %mul3A_15 = arith.mulf %dot_general3A_5, %mul3A_14 : vector<400x128xf32>
    %reduce_sum3A_16 = arith.constant dense<0.000000e+00> : vector<400xf32>
    %reduce_sum3A_17 = vector.multi_reduction <add>, %mul3A_15, %reduce_sum3A_16 [1] : vector<400x128xf32> to vector<400xf32>
    %iota3A = tpu.iota {dimensions = array<i32: 1>} : vector<400x16xi32>
    %eq3A = arith.constant 0 : i32
    %eq3A_18 = vector.broadcast %eq3A : i32 to vector<400x16xi32>
    %eq3A_19 = arith.cmpi eq, %iota3A, %eq3A_18 : vector<400x16xi32>
    %broadcast_in_dim3A_20 = vector.shape_cast %reduce_sum3A_17 : vector<400xf32> to vector<400x1xf32>
    %jit3A = arith.constant 0.000000e+00 : f32
    %broadcast_in_dim3A_21 = vector.shape_cast %broadcast_in_dim3A_20 : vector<400x1xf32> to vector<400x1xf32>
    %broadcast_in_dim3A_22 = vector.broadcast %broadcast_in_dim3A_21 : vector<400x1xf32> to vector<400x16xf32>
    %broadcast_in_dim3A_23 = vector.broadcast %jit3A : f32 to vector<400x16xf32>
    %select_n3A = arith.select %eq3A_19, %broadcast_in_dim3A_22, %broadcast_in_dim3A_23 : vector<400x16xi1>, vector<400x16xf32>
    %slice3A_24 = vector.extract_strided_slice %dot_general3A_5 {offsets = [0, 0], sizes = [400, 64], strides = [1, 1]} : vector<400x128xf32> to vector<400x64xf32>
    %swap3A = arith.constant 0 : index
    %swap3A_25 = arith.constant 0 : index
    %swap3A_26 = arith.constant 0 : index
    %swap3A_27 = vector.load %arg4[%swap3A, %swap3A_25, %swap3A_26] : memref<2x400x64xf32, #tpu.memory_space<vmem>>, vector<1x400x64xf32>
    %swap3A_28 = vector.shape_cast %swap3A_27 : vector<1x400x64xf32> to vector<400x64xf32>
    %swap3A_29 = vector.shape_cast %slice3A_24 : vector<400x64xf32> to vector<1x400x64xf32>
    tpu.vector_store %arg4[%swap3A, %swap3A_25, %swap3A_26], %swap3A_29 {strides = array<i32>} : memref<2x400x64xf32, #tpu.memory_space<vmem>>, vector<1x400x64xf32>,
    %slice3A_30 = vector.extract_strided_slice %dot_general3A_5 {offsets = [0, 64], sizes = [400, 64], strides = [1, 1]} : vector<400x128xf32> to vector<400x64xf32>
    %swap3A_31 = arith.constant 1 : index
    %swap3A_32 = arith.constant 0 : index
    %swap3A_33 = arith.constant 0 : index
    %swap3A_34 = vector.load %arg4[%swap3A_31, %swap3A_32, %swap3A_33] : memref<2x400x64xf32, #tpu.memory_space<vmem>>, vector<1x400x64xf32>
    %swap3A_35 = vector.shape_cast %swap3A_34 : vector<1x400x64xf32> to vector<400x64xf32>
    %swap3A_36 = vector.shape_cast %slice3A_30 : vector<400x64xf32> to vector<1x400x64xf32>
    tpu.vector_store %arg4[%swap3A_31, %swap3A_32, %swap3A_33], %swap3A_36 {strides = array<i32>} : memref<2x400x64xf32, #tpu.memory_space<vmem>>, vector<1x400x64xf32>,
    %swap3A_37 = arith.constant 0 : index
    %swap3A_38 = arith.constant 0 : index
    %swap3A_39 = arith.constant 0 : index
    %swap3A_40 = vector.load %arg5[%swap3A_37, %swap3A_38, %swap3A_39] : memref<2x400x16xf32, #tpu.memory_space<vmem>>, vector<1x400x16xf32>
    %swap3A_41 = vector.shape_cast %swap3A_40 : vector<1x400x16xf32> to vector<400x16xf32>
    %swap3A_42 = vector.shape_cast %select_n3A : vector<400x16xf32> to vector<1x400x16xf32>
    tpu.vector_store %arg5[%swap3A_37, %swap3A_38, %swap3A_39], %swap3A_42 {strides = array<i32>} : memref<2x400x16xf32, #tpu.memory_space<vmem>>, vector<1x400x16xf32>,
    %swap3A_43 = arith.constant 1 : index
    %swap3A_44 = arith.constant 0 : index
    %swap3A_45 = arith.constant 0 : index
    %swap3A_46 = vector.load %arg5[%swap3A_43, %swap3A_44, %swap3A_45] : memref<2x400x16xf32, #tpu.memory_space<vmem>>, vector<1x400x16xf32>
    %swap3A_47 = vector.shape_cast %swap3A_46 : vector<1x400x16xf32> to vector<400x16xf32>
    %swap3A_48 = vector.shape_cast %select_n3A : vector<400x16xf32> to vector<1x400x16xf32>
    tpu.vector_store %arg5[%swap3A_43, %swap3A_44, %swap3A_45], %swap3A_48 {strides = array<i32>} : memref<2x400x16xf32, #tpu.memory_space<vmem>>, vector<1x400x16xf32>,
    %eq3A_49 = arith.constant 0 : i32
    %eq3A_50 = vector.broadcast %eq3A_49 : i32 to vector<400x16xi32>
    %eq3A_51 = arith.cmpi eq, %iota3A, %eq3A_50 : vector<400x16xi32>
    %broadcast_in_dim3A_52 = vector.shape_cast %reduce_sum3A_10 : vector<400xf32> to vector<400x1xf32>
    %jit3A_53 = arith.constant 0.000000e+00 : f32
    %broadcast_in_dim3A_54 = vector.shape_cast %broadcast_in_dim3A_52 : vector<400x1xf32> to vector<400x1xf32>
    %broadcast_in_dim3A_55 = vector.broadcast %broadcast_in_dim3A_54 : vector<400x1xf32> to vector<400x16xf32>
    %broadcast_in_dim3A_56 = vector.broadcast %jit3A_53 : f32 to vector<400x16xf32>
    %select_n3A_57 = arith.select %eq3A_51, %broadcast_in_dim3A_55, %broadcast_in_dim3A_56 : vector<400x16xi1>, vector<400x16xf32>
    %swap3A_58 = arith.constant 0 : index
    %swap3A_59 = arith.constant 0 : index
    %swap3A_60 = vector.load %arg6[%swap3A_58, %swap3A_59] : memref<400x16xf32, #tpu.memory_space<vmem>>, vector<400x16xf32>
    tpu.vector_store %arg6[%swap3A_58, %swap3A_59], %select_n3A_57 {strides = array<i32>} : memref<400x16xf32, #tpu.memory_space<vmem>>, vector<400x16xf32>,
    return
  }
  func.func @transform_0(%arg0: i32) -> (i32, i32) {
    %c0_i32 = arith.constant 0 : i32
    %c0_i32_0 = arith.constant 0 : i32
    return %arg0, %c0_i32 : i32, i32
  }
  func.func @transform_1(%arg0: i32) -> (i32, i32) {
    %c0_i32 = arith.constant 0 : i32
    %c0_i32_0 = arith.constant 0 : i32
    %c0_i32_1 = arith.constant 0 : i32
    return %c0_i32, %c0_i32_0 : i32, i32
  }
  func.func @transform_2(%arg0: i32) -> (i32, i32) {
    %c0_i32 = arith.constant 0 : i32
    %c0_i32_0 = arith.constant 0 : i32
    %c0_i32_1 = arith.constant 0 : i32
    return %c0_i32, %c0_i32_0 : i32, i32
  }
  func.func @transform_3(%arg0: i32) -> (i32, i32, i32) {
    %c0_i32 = arith.constant 0 : i32
    %c0_i32_0 = arith.constant 0 : i32
    %c0_i32_1 = arith.constant 0 : i32
    return %c0_i32, %arg0, %c0_i32_0 : i32, i32, i32
  }
  func.func @transform_4(%arg0: i32) -> (i32, i32, i32) {
    %c0_i32 = arith.constant 0 : i32
    %c0_i32_0 = arith.constant 0 : i32
    %c0_i32_1 = arith.constant 0 : i32
    return %c0_i32, %arg0, %c0_i32_0 : i32, i32, i32
  }
  func.func @transform_5(%arg0: i32) -> (i32, i32) {
    %c0_i32 = arith.constant 0 : i32
    %c0_i32_0 = arith.constant 0 : i32
    return %arg0, %c0_i32 : i32, i32
  }
}

module attributes {stable_mosaic.version = 14 : i64} {
  func.func @_comb_body(%arg0: i32, %arg1: memref<400x128xf32, #tpu.memory_space<vmem>>, %arg2: memref<400x16xf32, #tpu.memory_space<vmem>>, %arg3: memref<400x128xf32, #tpu.memory_space<vmem>>, %arg4: memref<400x1xf32, #tpu.memory_space<vmem>>) attributes {dimension_semantics = [#tpu.dimension_semantics<arbitrary>], iteration_bounds = array<i64: 25>, scalar_prefetch = 0 : i64, scratch_operands = 0 : i64, tpu.core_type = #tpu.core_type<tc>, window_params = [{transform_indices = @transform_0, window_bounds = array<i64: 400, 128>}, {transform_indices = @transform_1, window_bounds = array<i64: 400, 16>}, {transform_indices = @transform_2, window_bounds = array<i64: 400, 128>}, {transform_indices = @transform_3, window_bounds = array<i64: 400, 1>}]} {
    %get3A = arith.constant 0 : index
    %get3A_0 = arith.constant 0 : index
    %get3A_1 = vector.load %arg2[%get3A, %get3A_0] : memref<400x16xf32, #tpu.memory_space<vmem>>, vector<400x1xf32>
    %get3A_2 = vector.shape_cast %get3A_1 : vector<400x1xf32> to vector<400xf32>
    %eq3A = arith.constant 0.000000e+00 : f32
    %eq3A_3 = vector.broadcast %eq3A : f32 to vector<400xf32>
    %eq3A_4 = arith.cmpf oeq, %get3A_2, %eq3A_3 : vector<400xf32>
    %jit3A = arith.constant 1.000000e+00 : f32
    %broadcast_in_dim3A = vector.broadcast %jit3A : f32 to vector<400xf32>
    %select_n3A = arith.select %eq3A_4, %broadcast_in_dim3A, %get3A_2 : vector<400xi1>, vector<400xf32>
    %get3A_5 = arith.constant 0 : index
    %get3A_6 = arith.constant 0 : index
    %get3A_7 = vector.load %arg1[%get3A_5, %get3A_6] : memref<400x128xf32, #tpu.memory_space<vmem>>, vector<400x128xf32>
    %broadcast_in_dim3A_8 = vector.shape_cast %select_n3A : vector<400xf32> to vector<400x1xf32>
    %div3A = vector.broadcast %broadcast_in_dim3A_8 : vector<400x1xf32> to vector<400x128xf32>
    %div3A_9 = arith.divf %get3A_7, %div3A : vector<400x128xf32>
    %swap3A = arith.constant 0 : index
    %swap3A_10 = arith.constant 0 : index
    %swap3A_11 = vector.load %arg3[%swap3A, %swap3A_10] : memref<400x128xf32, #tpu.memory_space<vmem>>, vector<400x128xf32>
    tpu.vector_store %arg3[%swap3A, %swap3A_10], %div3A_9 {strides = array<i32>} : memref<400x128xf32, #tpu.memory_space<vmem>>, vector<400x128xf32>,
    %broadcast_in_dim3A_12 = vector.shape_cast %select_n3A : vector<400xf32> to vector<400x1xf32>
    %swap3A_13 = arith.constant 0 : index
    %swap3A_14 = arith.constant 0 : index
    %swap3A_15 = vector.load %arg4[%swap3A_13, %swap3A_14] : memref<400x1xf32, #tpu.memory_space<vmem>>, vector<400x1xf32>
    tpu.vector_store %arg4[%swap3A_13, %swap3A_14], %broadcast_in_dim3A_12 {strides = array<i32>} : memref<400x1xf32, #tpu.memory_space<vmem>>, vector<400x1xf32>,
    return
  }
  func.func @transform_0(%arg0: i32) -> (i32, i32) {
    %c0_i32 = arith.constant 0 : i32
    %c0_i32_0 = arith.constant 0 : i32
    return %arg0, %c0_i32 : i32, i32
  }
  func.func @transform_1(%arg0: i32) -> (i32, i32) {
    %c0_i32 = arith.constant 0 : i32
    %c0_i32_0 = arith.constant 0 : i32
    return %arg0, %c0_i32 : i32, i32
  }
  func.func @transform_2(%arg0: i32) -> (i32, i32) {
    %c0_i32 = arith.constant 0 : i32
    %c0_i32_0 = arith.constant 0 : i32
    return %arg0, %c0_i32 : i32, i32
  }
  func.func @transform_3(%arg0: i32) -> (i32, i32) {
    %c0_i32 = arith.constant 0 : i32
    %c0_i32_0 = arith.constant 0 : i32
    return %arg0, %c0_i32 : i32, i32
  }
}

</mosaic_0001>

<sc_bundles>
// kernel: kernel.5.cloned.1.call-start
scs
__scs_entry_jumppad:
0x0: {  	(pc) =	sbr.rel $0x88, $3  }
0x1: {  	(tag) =	ssettag $0x0;
	lr =	simm.s32 $0x1  }
0x2: {  	[smem:$0x3F9D] =	sst lr;
	_ =	strace $0xD0000000  }
0x3: {  	_ = 	snop  }
0x4: {  	_ = 	snop  }
0x5: {  	_ = 	snop  }
0x6: {  	_ = 	snop  }
0x7: {  	_ = 	snop  }
__scs_overlays_trampoline_lowered:
0x8: {  	[smem:$0x3FAC] =	sst s0  }
0x9: {  	[smem:$0x3FAD] =	sst s1  }
0xa: {  	[smem:$0x3FAE] =	sst s2  }
0xb: {  	[smem:$0x3FAF] =	sst s3  }
0xc: {  	[smem:$0x3FB0] =	sst s4  }
0xd: {  	[smem:$0x3FB1] =	sst s5  }
0xe: {  	[smem:$0x3FB2] =	sst s6  }
0xf: {  	[smem:$0x3FB3] =	sst s7  }
0x10: {  	[smem:$0x3FB4] =	sst s8  }
0x11: {  	[smem:$0x3FB5] =	sst s9;
	s0 =	simm.s32 @!p0 $0x0  }
0x12: {  	s1 =	sld [smem:$0x3F9B];
	s0 =	simm.s32 @p0 $0x1  }
0x13: {  	[smem:$0x3FB6] =	sst s0;
	s0 =	simm.s32 @!p1 $0x0  }
0x14: {  	s2 =	sld [smem:$0x3F9A];
	s0 =	simm.s32 @p1 $0x1  }
0x15: {  	[smem:$0x3FB7] =	sst s0;
	s0 =	simm.s32 @!p2 $0x0  }
0x16: {  	s3 =	sld [smem:$0x3FDB];
	s0 =	simm.s32 @p2 $0x1  }
0x17: {  	s4 =	simm.s32 $0x1BF5;
	[smem:$0x3FB9] =	sst s0  }
0x18: {  	s0 =	sld [smem:$0x3F9C];
	_ =	swait.ge [sflag:s4], $0x0  }
0x19: {  	s7 =	sld [smem:$0x3F9D]  }
0x1a: {  	s8 =	sadd.s32 $0xFFFFE003, lr  }
0x1b: {  	s9 =	sadd.s32 $0xFFFFFEF7, lr;
	s5 =	simm.s32 $0xFFFFFFFF;
	p2 =	slt.u32 s8, $0xFFFFF086  }
0x1c: {  	p1 =	slt.u32 s9, $0xF7A;
	s5 =	simm.s32 @!p2 $0x0  }
0x1d: {  	s5 =	simm.s32 @p1 $0x1;
	p0 =	seq.s32 s7, s2  }
0x1e: {  	s7 =	smul.u32 @!p0 $0xF7A, s2;
	p2 =	seq.s32 @!p0 s5, $0x0  }
0x1f: {  	s9 =	smul.u32 $0xF7A, s1;
	s8 =	simm.s32 @!p0 $0x1BF5;
	p2 =	por !p2, p0  }
0x20: {  	[sflag:s8] =	ssyncset.s32 @!p0 $0xFFFFF086;
	s6 =	sadd.s32 @!p0 s3, s7;
	s7 =	simm.s32 @!p0 $0x108  }
0x21: {  	s3 =	sadd.s32 s3, s9;
	s6 =	sadd.s32 @!p0 $0x88, s6;
	s7 =	simm.s32 @p2 $0x1082  }
0x22: {  	[simem:s7], [sflag:s8] =	dma.local @!p0 [hbm:s6], $0xF7A  }
0x23: {  	s9 =	sor.u32 $0xD0000000, s2;
	s6 =	simm.s32 $0x108;
	_ =	swait.ge @!p0 [sflag:s8], $0x0  }
0x24: {  	s3 =	sadd.s32 $0x88, s3;
	s6 =	simm.s32 @!p1 $0x1082;
	[sflag:s4] =	ssyncset.s32 $0xFFFFF086  }
0x25: {  	[simem:s6], [sflag:s4] =	dma.local [hbm:s3], $0xF7A  }
0x26: {  	[smem:$0x3F9D] =	sst s1;
	(tag) =	ssettag s2;
	_ =	strace s9  }
0x27: {  	s1 =	sld [smem:$0x3FAD]  }
0x28: {  	s2 =	sld [smem:$0x3FAE]  }
0x29: {  	s4 =	sld [smem:$0x3FB0]  }
0x2a: {  	p0 =	seq.s32 s5, $0x0;
	s5 =	sld [smem:$0x3FB1]  }
0x2b: {  	s6 =	sld [smem:$0x3FB2]  }
0x2c: {  	s7 =	sld [smem:$0x3FB3]  }
0x2d: {  	s3 =	simm.s32 $0x108;
	s8 =	sld [smem:$0x3FB4]  }
0x2e: {  	s3 =	simm.s32 @!p0 $0x1082;
	s9 =	sld [smem:$0x3FB5]  }
0x2f: {  	lr =	sadd.s32 s0, s3;
	s0 =	sld [smem:$0x3FAC]  }
0x30: {  	s3 =	sld [smem:$0x3FAF]  }
0x31: {  	[smem:$0x3FB8] =	sst s10  }
0x32: {  	s10 =	sld [smem:$0x3FB6];
	_ =	sdelay $0x3  }
0x33: {  	p0 =	seq.s32 s10, $0x1;
	s10 =	sld [smem:$0x3FB8];
	_ =	sdelay $0x3  }
0x34: {  	[smem:$0x3FB8] =	sst s10  }
0x35: {  	s10 =	sld [smem:$0x3FB7];
	_ =	sdelay $0x3  }
0x36: {  	p1 =	seq.s32 s10, $0x1;
	s10 =	sld [smem:$0x3FB8];
	_ =	sdelay $0x3  }
0x37: {  	[smem:$0x3FB8] =	sst s10  }
0x38: {  	s10 =	sld [smem:$0x3FB9]  }
0x39: {  	_ = 	snop;
	(pc) =	sbr.ind lr, $3  }
0x3a: {  	_ = 	snop  }
0x3b: {  	_ = 	snop  }
0x3c: {  	p2 =	seq.s32 s10, $0x1;
	s10 =	sld [smem:$0x3FB8]  }
0x3d: {  	_ =	shalt  }
0x3e: {  	_ =	shalt  }
0x3f: {  	_ =	shalt  }
0x40: {  	_ =	shalt  }
0x41: {  	_ =	shalt  }
0x42: {  	_ =	shalt  }
0x43: {  	_ =	shalt  }
0x44: {  	_ =	shalt  }
0x45: {  	_ =	shalt  }
0x46: {  	_ =	shalt  }
0x47: {  	_ =	shalt  }
0x48: {  	_ =	shalt  }
0x49: {  	_ =	shalt  }
0x4a: {  	_ =	shalt  }
0x4b: {  	_ =	shalt  }
0x4c: {  	_ =	shalt  }
0x4d: {  	_ =	shalt  }
0x4e: {  	_ =	shalt  }
0x4f: {  	_ =	shalt  }
0x50: {  	_ =	shalt  }
0x51: {  	_ =	shalt  }
0x52: {  	_ =	shalt  }
0x53: {  	_ =	shalt  }
0x54: {  	_ =	shalt  }
0x55: {  	_ =	shalt  }
0x56: {  	_ =	shalt  }
0x57: {  	_ =	shalt  }
0x58: {  	_ =	shalt  }
0x59: {  	_ =	shalt  }
0x5a: {  	_ =	shalt  }
0x5b: {  	_ =	shalt  }
0x5c: {  	_ =	shalt  }
0x5d: {  	_ =	shalt  }
0x5e: {  	_ =	shalt  }
0x5f: {  	_ =	shalt  }
0x60: {  	_ =	shalt  }
0x61: {  	_ =	shalt  }
0x62: {  	_ =	shalt  }
0x63: {  	_ =	shalt  }
0x64: {  	_ =	shalt  }
0x65: {  	_ =	shalt  }
0x66: {  	_ =	shalt  }
0x67: {  	_ =	shalt  }
0x68: {  	_ =	shalt  }
0x69: {  	_ =	shalt  }
0x6a: {  	_ =	shalt  }
0x6b: {  	_ =	shalt  }
0x6c: {  	_ =	shalt  }
0x6d: {  	_ =	shalt  }
0x6e: {  	_ =	shalt  }
0x6f: {  	_ =	shalt  }
0x70: {  	_ =	shalt  }
0x71: {  	_ =	shalt  }
0x72: {  	_ =	shalt  }
0x73: {  	_ =	shalt  }
0x74: {  	_ =	shalt  }
0x75: {  	_ =	shalt  }
0x76: {  	_ =	shalt  }
0x77: {  	_ =	shalt  }
0x78: {  	_ =	shalt  }
0x79: {  	_ =	shalt  }
0x7a: {  	_ =	shalt  }
0x7b: {  	_ =	shalt  }
0x7c: {  	_ =	shalt  }
0x7d: {  	_ =	shalt  }
0x7e: {  	_ =	shalt  }
0x7f: {  	_ =	shalt  }
0x80: {  	_ =	shalt  }
0x81: {  	_ =	shalt  }
0x82: {  	_ =	shalt  }
0x83: {  	_ =	shalt  }
0x84: {  	_ =	shalt  }
0x85: {  	_ =	shalt  }
0x86: {  	_ =	shalt  }
0x87: {  	_ =	shalt  }
.Lfunc_end0:
.L_simem_size_0:
called_computation_lowered:
.L_overlay_start_0:
0x88: {  	s2 =	sld [smem:$0x3FD9]  }
0x89: {  	s3 =	sld [smem:$0x3FFE];
	_ =	sdelay $0x1  }
0x8a: {  	s1 =	srdreg.scid  }
0x8b: {  	s0 =	sand.u32 $0x1, s1  }
0x8c: {  	s14 =	sshll.u32 s0, $0xA;
	s2 =	sadd.s32 s3, s2  }
0x8d: {  	s2 =	sadd.s32 s2, s14  }
0x8e: {  	[smem:$0x3FC4] =	sst s2  }
0x8f: {  	_ = 	snop  }
0x90: {  	s2 =	sld [smem:$0x3FD0];
	_ =	sdelay $0x2  }
0x91: {  	s15 =	simm.s32 $0xA;
	s4 =	simm.s32 $0x10  }
0x92: {  	[smem:s4], [sflag:s15] =	dma.local [hbm:s2], $0x1  }
0x93: {  	_ =	swait.eq [sflag:s15], $0x1  }
0x94: {  	s16 =	sld [smem:$0x10];
	[sflag:s15] =	ssyncset.done $0x0  }
0x95: {  	s17 =	sld [smem:$0x11];
	[sflag:s15] =	ssyncadd.s32 $0xFFFFFFFF  }
0x96: {  	s18 =	sld [smem:$0x13];
	(tm) =	ssettm $0x1  }
0x97: {  	s5 =	sld [smem:$0x3FFB];
	_ =	sdelay $0x3  }
0x98: {  	_ =	strace s5  }
0x99: {  	s5 =	sld [smem:$0x3FFC];
	_ =	sdelay $0x3  }
0x9a: {  	_ =	strace s5  }
0x9b: {  	s5 =	sld [smem:$0x3FFD];
	_ =	sdelay $0x3  }
0x9c: {  	_ =	strace s5  }
0x9d: {  	_ =	strace $0x8FFFFFFF  }
0x9e: {  	s19 =	sld [smem:$0x3FDB];
	_ =	sdelay $0x1  }
0x9f: {  	s6 =	simm.s32 $_scs_section_size  }
0xa0: {  	s7 =	simm.s32 $_size__tile_overlayer_lowered;
	s8 =	simm.s32 $_tile_overlayer_lowered  }
0xa1: {  	s22 =	simm.s32 $0x1BFF;
	s21 =	sshll.u32 s8, $0x1;
	s5 =	sadd.s32 s6, s19  }
0xa2: {  	s9 =	simm.s32 $0x0;
	s20 =	sshll.u32 s7, $0x1;
	s7 =	sadd.s32 s21, s5  }
0xa3: {  	[timem:s9], [sflag:s22] =	dma.local [hbm:s7], s20  }
0xa4: {  	_ =	swait.ge [sflag:s22], s20  }
0xa5: {  	s6 =	ssub.s32 $0x0, s20;
	[sflag:s22] =	ssyncset.done $0x0  }
0xa6: {  	[sflag:s22] =	ssyncadd.s32 s6;
	_ =	sdelay $0x1  }
0xa7: {  	s23 =	simm.s32 $0x1B8B  }
0xa8: {  	_ =	swait.ge [sflag:s23], $0x1  }
0xa9: {  	[sflag:s23] =	ssyncset.done $0x0  }
0xaa: {  	s25 =	simm.s32 $0x1B8E;
	s24 =	sld [smem:$0x3FFE];
	[sflag:s23] =	ssyncadd.s32 $0xFFFFFFFF  }
0xab: {  	s26 =	simm.s32 $execute0_lowered;
	[smem:$0x3FD2] =	sst s25  }
0xac: {  	s7 =	sshll.u32 s26, $0x1;
	_ =	strace $0x80000046;
	[dreg:$0x1] =	wrdreg $0xFFFFFFFF  }
0xad: {  	s28 =	simm.s32 $_size_execute0_lowered;
	s5 =	sadd.s32 s5, s7;
	[dreg:$0x0] =	wrdreg $0x0  }
0xae: {  	s7 =	sshll.u32 s28, $0x1;
	[dreg:$0x2] =	wrdreg s5  }
0xaf: {  	[dreg:$0x3] =	wrdreg s7  }
0xb0: {  	[dreg:$0x4] =	wrdreg $0xC0  }
0xb1: {  	_ =	task [dreg:s9], $0x5FFFF  }
0xb2: {  	[dreg:$0x1] =	wrdreg $0xFFFFFFFF  }
0xb3: {  	[dreg:$0x0] =	wrdreg $0x60  }
0xb4: {  	[dreg:$0x2] =	wrdreg s24  }
0xb5: {  	[dreg:$0x3] =	wrdreg s16  }
0xb6: {  	[dreg:$0x4] =	wrdreg s17  }
0xb7: {  	[dreg:$0x5] =	wrdreg s18  }
0xb8: {  	[dreg:$0x6] =	wrdreg $0x64000  }
0xb9: {  	[dreg:$0x7] =	wrdreg $0x104000  }
0xba: {  	[dreg:$0x8] =	wrdreg $0x9  }
0xbb: {  	_ =	task.clear_ibuf [dreg:s9], $0x9FFFF;
	_ =	strace $0x90000046  }
0xbc: {  	s29 =	simm.s32 $0x9;
	_ =	strace $0x80000048  }
0xbd: {  	_ =	swait.ge [sflag:s29], $0x1  }
0xbe: {  	[sflag:s29] =	ssyncadd.s32 $0xFFFFFFFF  }
0xbf: {  	_ =	strace $0x90000048  }
0xc0: {  	_ =	sfence  }
0xc1: {  	s30 =	sld [smem:$0x0];
	_ =	sdelay $0x2  }
0xc2: {  	s31 =	sshll.u32 s1, $0xD;
	s1 =	sshrl.u32 s1, $0x2  }
0xc3: {  	s3 =	sand.u32 $0x4000, s31;
	s1 =	sadd.s32 s1, s30  }
0xc4: {  	s0 =	sor.u32 s3, s0;
	s1 =	sshll.u32 s1, $0x11  }
0xc5: {  	s0 =	sor.u32 s1, s0  }
0xc6: {  	s0 =	sadd.s32 $0x8F2B, s0  }
0xc7: {  	[sflag:s0] =	ssyncadd.remote.s32 $0x1  }
0xc8: {  	_ =	sfence.sel $0xFFFF  }
0xc9: {  	[dreg:$0x0] =	wrdreg $0xFFFFFFFF;
	(pc) =	sbr.abs _section_cstart, $3  }
0xca: {  	[dreg:$0x1] =	wrdreg $0xFFFFFFFF  }
0xcb: {  	_ =	task.clear_ibuf [dreg:s9], $0x2FFFF;
	_ =	strace $0x9FFFFFFF  }
0xcc: {  	(tm) =	ssettm $0x7FFFFFFF  }
0xcd: {  	_ =	shalt  }
tec
execute0_lowered:
.L_overlay_start_1:
0x0: {  	(tag) =	ssettag $0x1  }
0x1: {  	s3 =	rddreg [dreg:$0x0]  }
0x2: {  	s1 =	rddreg [dreg:$0x2]  }
0x3: {  	s2 =	rddreg [dreg:$0x3]  }
0x4: {  	s4 =	rddreg [dreg:$0x4]  }
0x5: {  	s5 =	rddreg [dreg:$0x5]  }
0x6: {  	s6 =	simm.s32 $0x0;
	s0 =	srdreg.scid;
	s19 =	stileid.u32  }
0x7: {  	s29 =	simm.s32 $0x2;
	s30 =	simm.s32 $0x400;
	s22 =	smul.u32 $0x280, s19  }
0x8: {  	[smem:$0x7FF] =	sst s6;
	s0 =	sand.u32 $0x1, s0;
	s9 =	smul.u32 $0x28000, s19  }
0x9: {  	s7 =	sadd.s32 $0x41600, s3;
	s12 =	smul.u32 $0x14000, s19;
	s8 =	ssub.s32 $0x2, s0  }
0xa: {  	s10 =	sadd.s32 $0x69600, s3;
	s13 =	sshll.u32 s0, $0x6;
	s11 =	sshrl.u32 s8, $0x1  }
0xb: {  	s14 =	sadd.s32 $0x80, s22;
	s15 =	sadd.s32 $0x100, s22;
	s12 =	sor.u32 s13, s12  }
0xc: {  	s16 =	sadd.s32 $0x180, s22;
	s6 =	sadd.s32 $0x200, s22;
	s8 =	ssub.s32 s8, s11  }
0xd: {  	s11 =	smul.u32 $0x2800, s19;
	s12 =	sshrl.u32 s12, $0x3;
	s17 =	sshll.u32 s14, $0x7  }
0xe: {  	s25 =	sshll.u32 s15, $0x7;
	s18 =	sshll.u32 s14, $0x1;
	s20 =	sshll.u32 s6, $0x7  }
0xf: {  	s21 =	sshll.u32 s15, $0x1;
	s22 =	sshll.u32 s16, $0x1;
	s12 =	sadd.s32 s7, s12  }
0x10: {  	s24 =	sor.u32 s13, s17;
	s17 =	sor.u32 s13, s25;
	s26 =	sadd.s32 s10, s18  }
0x11: {  	s18 =	sshll.u32 s16, $0x7;
	[dreg:$0x7] =	wrdreg s12;
	s23 =	sshrl.u32 s11, $0x3  }
0x12: {  	s25 =	sadd.s32 $0x37400, s3;
	[dreg:$0xa] =	wrdreg s26;
	s12 =	sadd.s32 s10, s23  }
0x13: {  	s17 =	sshrl.u32 s17, $0x3;
	[dreg:$0x8] =	wrdreg s12;
	s12 =	sshrl.u32 s24, $0x3  }
0x14: {  	s26 =	sadd.s32 $0x2D200, s3;
	s23 =	sshll.u32 s6, $0x1;
	s12 =	sadd.s32 s7, s12  }
0x15: {  	s24 =	sshrl.u32 s9, $0x2;
	s9 =	simm.s32 $0xC00;
	[dreg:$0x9] =	wrdreg s12  }
0x16: {  	s12 =	sadd.s32 s7, s17;
	s17 =	sadd.s32 s10, s21;
	s21 =	sadd.s32 $0x28200, s3  }
0x17: {  	[dreg:$0xb] =	wrdreg s12;
	s12 =	sor.u32 s13, s18;
	s13 =	sor.u32 s13, s20  }
0x18: {  	[dreg:$0xc] =	wrdreg s17;
	s18 =	sadd.s32 $0x200, s3;
	s12 =	sshrl.u32 s12, $0x3  }
0x19: {  	s3 =	sadd.s32 $0x6E600, s3;
	s13 =	sshrl.u32 s13, $0x3;
	s12 =	sadd.s32 s7, s12  }
0x1a: {  	s20 =	sadd.s32 s24, s4;
	s7 =	sadd.s32 s7, s13;
	[dreg:$0xd] =	wrdreg s12  }
0x1b: {  	s17 =	sshll.u32 s6, $0x6;
	[dreg:$0xe] =	wrdreg s7;
	s7 =	sadd.s32 s10, s22  }
0x1c: {  	s6 =	sshll.u32 s6, $0x4;
	[dreg:$0xf] =	wrdreg s7;
	s7 =	sadd.s32 s10, s23  }
0x1d: {  	s13 =	sshll.u32 s15, $0x4;
	s22 =	sadd.s32 s11, s5;
	[dreg:$0x10] =	wrdreg s7  }
0x1e: {  	s11 =	sshll.u32 s14, $0x4;
	_ =	strace $0x80000047;
	[dreg:$0x11] =	wrdreg s25  }
0x1f: {  	s10 =	sshll.u32 s14, $0x6;
	s14 =	sshll.u32 s16, $0x6;
	[dreg:$0x12] =	wrdreg s26  }
0x20: {  	s12 =	sshll.u32 s15, $0x6;
	s15 =	sadd.s32 s14, s4;
	[dreg:$0x13] =	wrdreg s3  }
0x21: {  	s24 =	smax.u32 s8, $0x1;
	s23 =	sadd.s32 s6, s5;
	[dreg:$0x1a] =	wrdreg s15  }
0x22: {  	s28 =	sadd.s32 s11, s5;
	s31 =	sadd.s32 s12, s4;
	[dreg:$0x1d] =	wrdreg s23  }
0x23: {  	s16 =	sshll.u32 s16, $0x4;
	s11 =	simm.s32 $0x4C00;
	[dreg:$0x1e] =	wrdreg s24  }
0x24: {  	s6 =	simm.s32 $0x480;
	s12 =	simm.s32 $0x580;
	[dreg:$0x14] =	wrdreg s20  }
0x25: {  	s7 =	simm.s32 $0x5C00;
	s26 =	sadd.s32 s10, s4;
	[dreg:$0x15] =	wrdreg s22  }
0x26: {  	s3 =	sadd.s32 s13, s5;
	s25 =	smul.u32 $0x5100, s19;
	[dreg:$0x17] =	wrdreg s28  }
0x27: {  	v1 =	vlaneseq.u32;
	s10 =	simm.s32 $0x4;
	s15 =	simm.s32 $0x80;
	[dreg:$0x18] =	wrdreg s31  }
0x28: {  	v1 =	vmul.u32 $0x10, v1;
	s23 =	simm.s32 $0x1;
	s24 =	simm.s32 $0x3;
	[dreg:$0x19] =	wrdreg s3  }
0x29: {  	v3 =	vimm.f32 $0.0e+00;
	v0 =	vmov s0;
	s13 =	simm.s32 $0x380;
	s3 =	sadd.s32 s16, s5;
	[dreg:$0x16] =	wrdreg s26  }
0x2a: {  	vm0 =	vmmov $0x1;
	v2 =	vmul.u32 $0x2800, v0;
	v4 =	vor.u32 $0x100, v1;
	s19 =	simm.s32 $0x500;
	s16 =	simm.s32 $0x2C00;
	[dreg:$0x1b] =	wrdreg s3  }
0x2b: {  	v5 =	vor.u32 $0x200, v1;
	v6 =	vor.u32 $0x300, v1;
	v7 =	vor.u32 $0x400, v1;
	s3 =	sadd.s32 s17, s4;
	[dreg:$0x1f] =	wrdreg s25;
	s17 =	simm.s32 $0x5400  }
0x2c: {  	v8 =	vor.u32 $0x500, v1;
	v9 =	vor.u32 $0x600, v1;
	v10 =	vor.u32 $0x700, v1;
	s25 =	simm.s32 $0x900;
	[dreg:$0x1c] =	wrdreg s3;
	s3 =	simm.s32 $0x0  }
.LBB2_1:
0x2d: {  	s0 =	simm.s32 $0xC20  }
0x2e: {  	[tilespmem:s0+$0x0] =	vst v3  }
0x2f: {  	[tilespmem:s0+$0xFFFFFFE0] =	vst v3  }
0x30: {  	[tilespmem:s0+$0x10] =	vst v3  }
0x31: {  	s8 =	simm.s32 $0x40;
	s14 =	simm.s32 $0x0;
	[tilespmem:s0+$0xFFFFFFF0] =	vst v3  }
.LBB2_2:
0x32: {  	p0 =	sne.s32 s8, $0x1FC0  }
0x33: {  	[tilespmem:s14+$0x4C00] =	vst v3;
	s0 =	sadd.s32 $0x40, s0;
	s14 =	smov.u32 s8;
	s8 =	sadd.s32 $0x40, s8  }
.Ltmp0:
0x34: {  	[tilespmem:s0+$0x0] =	vst v3;
	(pc) =	sbr.rel @p0 .LBB2_2-.Ltmp0, $4  }
0x35: {  	_ = 	snop  }
0x36: {  	[tilespmem:s0+$0xFFFFFFE0] =	vst v3  }
0x37: {  	[tilespmem:s0+$0x10] =	vst v3  }
0x38: {  	s14 =	sshra.s32 s14, $0x2;
	[tilespmem:s0+$0xFFFFFFF0] =	vst v3  }
0x39: {  	[smem:$0x7FD] =	sst s3;
	[tilespmem:s14+$0x4C00] =	vst v3  }
0x3a: {  	[spmem:s20] =	stream.linear.scatter [tilespmem:s9], [sflag:$0x4], $0x2000, $0x38;
	[tilespmem:$0x12C00] =	vst v63  }
0x3b: {  	_ =	swait.ge [sflag:s10], $0x2000  }
0x3c: {  	[sflag:s10] =	ssyncset.done $0x0  }
0x3d: {  	[sflag:s10] =	ssyncadd.s32 $0xFFFFE000  }
0x3e: {  	[spmem:s22] =	stream.linear.scatter [tilespmem:s11], [sflag:$0x4], $0x800, $0x38;
	[tilespmem:$0x12C00] =	vst v63  }
0x3f: {  	_ =	swait.ge [sflag:s10], $0x800  }
0x40: {  	[sflag:s10] =	ssyncset.done $0x0  }
0x41: {  	[sflag:s10] =	ssyncadd.s32 $0xFFFFF800  }
0x42: {  	[spmem:s26] =	stream.linear.scatter [tilespmem:s9], [sflag:$0x4], $0x2000, $0x38;
	[tilespmem:$0x12C00] =	vst v63  }
0x43: {  	_ =	swait.ge [sflag:s10], $0x2000  }
0x44: {  	[sflag:s10] =	ssyncset.done $0x0  }
0x45: {  	[sflag:s10] =	ssyncadd.s32 $0xFFFFE000  }
0x46: {  	[spmem:s28] =	stream.linear.scatter [tilespmem:s11], [sflag:$0x4], $0x800, $0x38;
	[tilespmem:$0x12C00] =	vst v63  }
0x47: {  	_ =	swait.ge [sflag:s10], $0x800  }
0x48: {  	[sflag:s10] =	ssyncset.done $0x0  }
0x49: {  	[sflag:s10] =	ssyncadd.s32 $0xFFFFF800  }
0x4a: {  	[spmem:s31] =	stream.linear.scatter [tilespmem:s9], [sflag:$0x4], $0x2000, $0x38;
	[tilespmem:$0x12C00] =	vst v63  }
0x4b: {  	_ =	swait.ge [sflag:s10], $0x2000  }
0x4c: {  	[sflag:s10] =	ssyncset.done $0x0  }
0x4d: {  	s0 =	rddreg [dreg:$0x19];
	[sflag:s10] =	ssyncadd.s32 $0xFFFFE000  }
0x4e: {  	[spmem:s0] =	stream.linear.scatter [tilespmem:s11], [sflag:$0x4], $0x800, $0x38;
	[tilespmem:$0x12C00] =	vst v63  }
0x4f: {  	_ =	swait.ge [sflag:s10], $0x800  }
0x50: {  	[sflag:s10] =	ssyncset.done $0x0  }
0x51: {  	s22 =	rddreg [dreg:$0x1a];
	[sflag:s10] =	ssyncadd.s32 $0xFFFFF800  }
0x52: {  	[spmem:s22] =	stream.linear.scatter [tilespmem:s9], [sflag:$0x4], $0x2000, $0x38;
	[tilespmem:$0x12C00] =	vst v63  }
0x53: {  	_ =	swait.ge [sflag:s10], $0x2000  }
0x54: {  	[sflag:s10] =	ssyncset.done $0x0  }
0x55: {  	s26 =	rddreg [dreg:$0x1b];
	[sflag:s10] =	ssyncadd.s32 $0xFFFFE000  }
0x56: {  	[spmem:s26] =	stream.linear.scatter [tilespmem:s11], [sflag:$0x4], $0x800, $0x38;
	[tilespmem:$0x12C00] =	vst v63  }
0x57: {  	_ =	swait.ge [sflag:s10], $0x800  }
0x58: {  	[sflag:s10] =	ssyncset.done $0x0  }
0x59: {  	s28 =	rddreg [dreg:$0x1c];
	[sflag:s10] =	ssyncadd.s32 $0xFFFFF800  }
0x5a: {  	[spmem:s28] =	stream.linear.scatter [tilespmem:s9], [sflag:$0x4], $0x2000, $0x38;
	[tilespmem:$0x12C00] =	vst v63  }
0x5b: {  	_ =	swait.ge [sflag:s10], $0x2000  }
0x5c: {  	[sflag:s10] =	ssyncset.done $0x0  }
0x5d: {  	s31 =	rddreg [dreg:$0x1d];
	[sflag:s10] =	ssyncadd.s32 $0xFFFFE000  }
0x5e: {  	[spmem:s31] =	stream.linear.scatter [tilespmem:s11], [sflag:$0x4], $0x800, $0x38;
	[tilespmem:$0x12C00] =	vst v63  }
0x5f: {  	_ =	swait.ge [sflag:s10], $0x800  }
0x60: {  	[sflag:s10] =	ssyncset.done $0x0  }
0x61: {  	[sflag:s10] =	ssyncadd.s32 $0xFFFFF800  }
0x62: {  	s20 =	simm.s32 $0x0;
	s22 =	simm.s32 $0x0;
	[bflag:$0x0] =	sbarrier.arrive $0xFFFF  }
.LBB2_4:
0x63: {  	s0 =	smul.u32 $0x300, s22  }
0x64: {  	s3 =	rddreg [dreg:$0x1f]  }
0x65: {  	s0 =	sadd.s32 s3, s0  }
0x66: {  	s3 =	rddreg [dreg:$0x1];
	s8 =	sshrl.u32 s0, $0x3  }
0x67: {  	s0 =	sadd.s32 s3, s8  }
0x68: {  	[tilespmem:s20], [sflag:$0x4] =	stream.linear.gather [hbm4b:s0+s20], $0x300, $0x38;
	[tilespmem:$0x12C00] =	vst v63  }
0x69: {  	_ =	swait.ge [sflag:s10], $0x300  }
0x6a: {  	[sflag:s10] =	ssyncset.done $0x0;
	s14 =	rddreg [dreg:$0x11]  }
0x6b: {  	[sflag:s10] =	ssyncadd.s32 $0xFFFFFD00;
	s0 =	sadd.s32 s14, s8;
	s14 =	simm.s32 $0x300  }
0x6c: {  	[tilespmem:s14], [sflag:$0x4] =	stream.linear.gather [hbm4b:s0+s20], $0x300, $0x38;
	[tilespmem:$0x12C00] =	vst v63  }
0x6d: {  	_ =	swait.ge [sflag:s10], $0x300  }
0x6e: {  	[sflag:s10] =	ssyncset.done $0x0;
	s26 =	rddreg [dreg:$0x12]  }
0x6f: {  	s28 =	simm.s32 $0x600;
	[sflag:s10] =	ssyncadd.s32 $0xFFFFFD00;
	s0 =	sadd.s32 s26, s8  }
0x70: {  	[tilespmem:s28], [sflag:$0x4] =	stream.linear.gather [hbm4b:s0+s20], $0x300, $0x38;
	[tilespmem:$0x12C00] =	vst v63  }
0x71: {  	_ =	swait.ge [sflag:s10], $0x300  }
0x72: {  	[sflag:s10] =	ssyncset.done $0x0  }
0x73: {  	[sflag:s10] =	ssyncadd.s32 $0xFFFFFD00  }
0x74: {  	v11 =	vld [tilespmem:$0x0]  }
0x75: {  	v12 =	vld [tilespmem:$0x600]  }
0x76: {  	v13 =	vld [tilespmem:$0x10]  }
0x77: {  	v14 =	vld [tilespmem:$0x610]  }
0x78: {  	v15 =	vld [tilespmem:$0x20]  }
0x79: {  	v16 =	vld [tilespmem:$0x620];
	v11 =	vadd.s32 v2, v11  }
0x7a: {  	[tilespmem:$0x0] =	vst v11;
	v11 =	vadd.s32 v0, v12;
	v12 =	vld [tilespmem:$0x30]  }
0x7b: {  	[tilespmem:$0x600] =	vst v11;
	v11 =	vadd.s32 v2, v13;
	v13 =	vld [tilespmem:$0x630]  }
0x7c: {  	[tilespmem:$0x10] =	vst v11;
	v11 =	vadd.s32 v0, v14;
	v14 =	vld [tilespmem:$0x40]  }
0x7d: {  	[tilespmem:$0x610] =	vst v11;
	v11 =	vadd.s32 v2, v15;
	v15 =	vld [tilespmem:$0x640]  }
0x7e: {  	[tilespmem:$0x20] =	vst v11;
	v11 =	vadd.s32 v0, v16;
	v16 =	vld [tilespmem:$0x50]  }
0x7f: {  	[tilespmem:$0x620] =	vst v11;
	v11 =	vadd.s32 v2, v12;
	v12 =	vld [tilespmem:$0x650]  }
0x80: {  	[tilespmem:$0x30] =	vst v11;
	v11 =	vadd.s32 v0, v13;
	v13 =	vld [tilespmem:$0x60]  }
0x81: {  	[tilespmem:$0x630] =	vst v11;
	v11 =	vadd.s32 v2, v14;
	v14 =	vld [tilespmem:$0x660]  }
0x82: {  	[tilespmem:$0x40] =	vst v11;
	v11 =	vadd.s32 v0, v15;
	v15 =	vld [tilespmem:$0x70]  }
0x83: {  	[tilespmem:$0x640] =	vst v11;
	v11 =	vadd.s32 v2, v16;
	v16 =	vld [tilespmem:$0x670]  }
0x84: {  	[tilespmem:$0x50] =	vst v11;
	v11 =	vadd.s32 v0, v12;
	v12 =	vld [tilespmem:$0x80]  }
0x85: {  	[tilespmem:$0x650] =	vst v11;
	v11 =	vadd.s32 v2, v13;
	v13 =	vld [tilespmem:$0x680]  }
0x86: {  	[tilespmem:$0x60] =	vst v11;
	v11 =	vadd.s32 v0, v14;
	v14 =	vld [tilespmem:$0x90]  }
0x87: {  	[tilespmem:$0x660] =	vst v11;
	v11 =	vadd.s32 v2, v15;
	v15 =	vld [tilespmem:$0x690]  }
0x88: {  	[tilespmem:$0x70] =	vst v11;
	v11 =	vadd.s32 v0, v16;
	v16 =	vld [tilespmem:$0xA0]  }
0x89: {  	[tilespmem:$0x670] =	vst v11;
	v11 =	vadd.s32 v2, v12;
	v12 =	vld [tilespmem:$0x6A0]  }
0x8a: {  	[tilespmem:$0x80] =	vst v11;
	v11 =	vadd.s32 v0, v13;
	v13 =	vld [tilespmem:$0xB0]  }
0x8b: {  	[tilespmem:$0x680] =	vst v11;
	v11 =	vadd.s32 v2, v14;
	v14 =	vld [tilespmem:$0x6B0]  }
0x8c: {  	[tilespmem:$0x90] =	vst v11;
	v11 =	vadd.s32 v0, v15;
	v15 =	vld [tilespmem:$0xC0]  }
0x8d: {  	[tilespmem:$0x690] =	vst v11;
	v11 =	vadd.s32 v2, v16;
	v16 =	vld [tilespmem:$0x6C0]  }
0x8e: {  	[tilespmem:$0xA0] =	vst v11;
	v11 =	vadd.s32 v0, v12;
	v12 =	vld [tilespmem:$0xD0]  }
0x8f: {  	[tilespmem:$0x6A0] =	vst v11;
	v11 =	vadd.s32 v2, v13;
	v13 =	vld [tilespmem:$0x6D0]  }
0x90: {  	[tilespmem:$0xB0] =	vst v11;
	v11 =	vadd.s32 v0, v14;
	v14 =	vld [tilespmem:$0xE0]  }
0x91: {  	[tilespmem:$0x6B0] =	vst v11;
	v11 =	vadd.s32 v2, v15;
	v15 =	vld [tilespmem:$0x6E0]  }
0x92: {  	[tilespmem:$0xC0] =	vst v11;
	v11 =	vadd.s32 v0, v16;
	v16 =	vld [tilespmem:$0xF0]  }
0x93: {  	[tilespmem:$0x6C0] =	vst v11;
	v11 =	vadd.s32 v2, v12;
	v12 =	vld [tilespmem:$0x6F0]  }
0x94: {  	[tilespmem:$0xD0] =	vst v11;
	v11 =	vadd.s32 v0, v13;
	v13 =	vld [tilespmem:$0x100]  }
0x95: {  	[tilespmem:$0x6D0] =	vst v11;
	v11 =	vadd.s32 v2, v14;
	v14 =	vld [tilespmem:$0x700]  }
0x96: {  	[tilespmem:$0xE0] =	vst v11;
	v11 =	vadd.s32 v0, v15;
	v15 =	vld [tilespmem:$0x110]  }
0x97: {  	[tilespmem:$0x6E0] =	vst v11;
	v11 =	vadd.s32 v2, v16;
	v16 =	vld [tilespmem:$0x710]  }
0x98: {  	[tilespmem:$0xF0] =	vst v11;
	v11 =	vadd.s32 v0, v12;
	v12 =	vld [tilespmem:$0x120]  }
0x99: {  	[tilespmem:$0x6F0] =	vst v11;
	v11 =	vadd.s32 v2, v13;
	v13 =	vld [tilespmem:$0x720]  }
0x9a: {  	[tilespmem:$0x100] =	vst v11;
	v11 =	vadd.s32 v0, v14;
	v14 =	vld [tilespmem:$0x130]  }
0x9b: {  	[tilespmem:$0x700] =	vst v11;
	v11 =	vadd.s32 v2, v15;
	v15 =	vld [tilespmem:$0x730]  }
0x9c: {  	[tilespmem:$0x110] =	vst v11;
	v11 =	vadd.s32 v0, v16;
	v16 =	vld [tilespmem:$0x140]  }
0x9d: {  	[tilespmem:$0x710] =	vst v11;
	v11 =	vadd.s32 v2, v12;
	v12 =	vld [tilespmem:$0x740]  }
0x9e: {  	[tilespmem:$0x120] =	vst v11;
	v11 =	vadd.s32 v0, v13;
	v13 =	vld [tilespmem:$0x150]  }
0x9f: {  	[tilespmem:$0x720] =	vst v11;
	v11 =	vadd.s32 v2, v14;
	v14 =	vld [tilespmem:$0x750]  }
0xa0: {  	[tilespmem:$0x130] =	vst v11;
	v11 =	vadd.s32 v0, v15;
	v15 =	vld [tilespmem:$0x160]  }
0xa1: {  	[tilespmem:$0x730] =	vst v11;
	v11 =	vadd.s32 v2, v16;
	v16 =	vld [tilespmem:$0x760]  }
0xa2: {  	[tilespmem:$0x140] =	vst v11;
	v11 =	vadd.s32 v0, v12;
	v12 =	vld [tilespmem:$0x170]  }
0xa3: {  	[tilespmem:$0x740] =	vst v11;
	v11 =	vadd.s32 v2, v13;
	v13 =	vld [tilespmem:$0x770]  }
0xa4: {  	[tilespmem:$0x150] =	vst v11;
	v11 =	vadd.s32 v0, v14;
	v14 =	vld [tilespmem:$0x180]  }
0xa5: {  	[tilespmem:$0x750] =	vst v11;
	v11 =	vadd.s32 v2, v15;
	v15 =	vld [tilespmem:$0x780]  }
0xa6: {  	[tilespmem:$0x160] =	vst v11;
	v11 =	vadd.s32 v0, v16;
	v16 =	vld [tilespmem:$0x190]  }
0xa7: {  	[tilespmem:$0x760] =	vst v11;
	v11 =	vadd.s32 v2, v12;
	v12 =	vld [tilespmem:$0x790]  }
0xa8: {  	[tilespmem:$0x170] =	vst v11;
	v11 =	vadd.s32 v0, v13;
	v13 =	vld [tilespmem:$0x1A0]  }
0xa9: {  	[tilespmem:$0x770] =	vst v11;
	v11 =	vadd.s32 v2, v14;
	v14 =	vld [tilespmem:$0x7A0]  }
0xaa: {  	[tilespmem:$0x180] =	vst v11;
	v11 =	vadd.s32 v0, v15;
	v15 =	vld [tilespmem:$0x1B0]  }
0xab: {  	[tilespmem:$0x780] =	vst v11;
	v11 =	vadd.s32 v2, v16;
	v16 =	vld [tilespmem:$0x7B0]  }
0xac: {  	[tilespmem:$0x190] =	vst v11;
	v11 =	vadd.s32 v0, v12;
	v12 =	vld [tilespmem:$0x1C0]  }
0xad: {  	[tilespmem:$0x790] =	vst v11;
	v11 =	vadd.s32 v2, v13;
	v13 =	vld [tilespmem:$0x7C0]  }
0xae: {  	[tilespmem:$0x1A0] =	vst v11;
	v11 =	vadd.s32 v0, v14;
	v14 =	vld [tilespmem:$0x1D0]  }
0xaf: {  	[tilespmem:$0x7A0] =	vst v11;
	v11 =	vadd.s32 v2, v15;
	v15 =	vld [tilespmem:$0x7D0]  }
0xb0: {  	[tilespmem:$0x1B0] =	vst v11;
	v11 =	vadd.s32 v0, v16;
	v16 =	vld [tilespmem:$0x1E0]  }
0xb1: {  	[tilespmem:$0x7B0] =	vst v11;
	v11 =	vadd.s32 v2, v12;
	v12 =	vld [tilespmem:$0x7E0]  }
0xb2: {  	[tilespmem:$0x1C0] =	vst v11;
	v11 =	vadd.s32 v0, v13;
	v13 =	vld [tilespmem:$0x1F0]  }
0xb3: {  	[tilespmem:$0x7C0] =	vst v11;
	v11 =	vadd.s32 v2, v14;
	v14 =	vld [tilespmem:$0x7F0]  }
0xb4: {  	[tilespmem:$0x1D0] =	vst v11;
	v11 =	vadd.s32 v0, v15;
	v15 =	vld [tilespmem:$0x200]  }
0xb5: {  	[tilespmem:$0x7D0] =	vst v11;
	v11 =	vadd.s32 v2, v16;
	v16 =	vld [tilespmem:$0x800]  }
0xb6: {  	[tilespmem:$0x1E0] =	vst v11;
	v11 =	vadd.s32 v0, v12;
	v12 =	vld [tilespmem:$0x210]  }
0xb7: {  	[tilespmem:$0x7E0] =	vst v11;
	v11 =	vadd.s32 v2, v13;
	v13 =	vld [tilespmem:$0x810]  }
0xb8: {  	[tilespmem:$0x1F0] =	vst v11;
	v11 =	vadd.s32 v0, v14;
	v14 =	vld [tilespmem:$0x220]  }
0xb9: {  	[tilespmem:$0x7F0] =	vst v11;
	v11 =	vadd.s32 v2, v15;
	v15 =	vld [tilespmem:$0x820]  }
0xba: {  	[tilespmem:$0x200] =	vst v11;
	v11 =	vadd.s32 v0, v16;
	v16 =	vld [tilespmem:$0x230]  }
0xbb: {  	[tilespmem:$0x800] =	vst v11;
	v11 =	vadd.s32 v2, v12;
	v12 =	vld [tilespmem:$0x830]  }
0xbc: {  	[tilespmem:$0x210] =	vst v11;
	v11 =	vadd.s32 v0, v13;
	v13 =	vld [tilespmem:$0x240]  }
0xbd: {  	[tilespmem:$0x810] =	vst v11;
	v11 =	vadd.s32 v2, v14;
	v14 =	vld [tilespmem:$0x840]  }
0xbe: {  	[tilespmem:$0x220] =	vst v11;
	v11 =	vadd.s32 v0, v15;
	v15 =	vld [tilespmem:$0x250]  }
0xbf: {  	[tilespmem:$0x820] =	vst v11;
	v11 =	vadd.s32 v2, v16;
	v16 =	vld [tilespmem:$0x850]  }
0xc0: {  	[tilespmem:$0x230] =	vst v11;
	v11 =	vadd.s32 v0, v12;
	v12 =	vld [tilespmem:$0x260]  }
0xc1: {  	[tilespmem:$0x830] =	vst v11;
	v11 =	vadd.s32 v2, v13;
	v13 =	vld [tilespmem:$0x860]  }
0xc2: {  	[tilespmem:$0x240] =	vst v11;
	v11 =	vadd.s32 v0, v14;
	v14 =	vld [tilespmem:$0x270]  }
0xc3: {  	[tilespmem:$0x840] =	vst v11;
	v11 =	vadd.s32 v2, v15;
	v15 =	vld [tilespmem:$0x870]  }
0xc4: {  	[tilespmem:$0x250] =	vst v11;
	v11 =	vadd.s32 v0, v16;
	v16 =	vld [tilespmem:$0x280]  }
0xc5: {  	[tilespmem:$0x850] =	vst v11;
	v11 =	vadd.s32 v2, v12;
	v12 =	vld [tilespmem:$0x880]  }
0xc6: {  	[tilespmem:$0x260] =	vst v11;
	v11 =	vadd.s32 v0, v13;
	v13 =	vld [tilespmem:$0x290]  }
0xc7: {  	[tilespmem:$0x860] =	vst v11;
	v11 =	vadd.s32 v2, v14;
	v14 =	vld [tilespmem:$0x890]  }
0xc8: {  	[tilespmem:$0x270] =	vst v11;
	v11 =	vadd.s32 v0, v15;
	v15 =	vld [tilespmem:$0x2A0]  }
0xc9: {  	[tilespmem:$0x870] =	vst v11;
	v11 =	vadd.s32 v2, v16;
	v16 =	vld [tilespmem:$0x8A0]  }
0xca: {  	[tilespmem:$0x280] =	vst v11;
	v11 =	vadd.s32 v0, v12;
	v12 =	vld [tilespmem:$0x2B0]  }
0xcb: {  	[tilespmem:$0x880] =	vst v11;
	v11 =	vadd.s32 v2, v13;
	v13 =	vld [tilespmem:$0x8B0]  }
0xcc: {  	[tilespmem:$0x290] =	vst v11;
	v11 =	vadd.s32 v0, v14;
	v14 =	vld [tilespmem:$0x2C0]  }
0xcd: {  	[tilespmem:$0x890] =	vst v11;
	v11 =	vadd.s32 v2, v15;
	v15 =	vld [tilespmem:$0x8C0]  }
0xce: {  	[tilespmem:$0x2A0] =	vst v11;
	v11 =	vadd.s32 v0, v16;
	v16 =	vld [tilespmem:$0x2D0]  }
0xcf: {  	[tilespmem:$0x8A0] =	vst v11;
	v11 =	vadd.s32 v2, v12;
	v12 =	vld [tilespmem:$0x8D0]  }
0xd0: {  	[tilespmem:$0x2B0] =	vst v11;
	v11 =	vadd.s32 v0, v13;
	v13 =	vld [tilespmem:$0x2E0]  }
0xd1: {  	[tilespmem:$0x8B0] =	vst v11;
	v11 =	vadd.s32 v2, v14;
	v14 =	vld [tilespmem:$0x8E0]  }
0xd2: {  	[tilespmem:$0x2C0] =	vst v11;
	v11 =	vadd.s32 v0, v15;
	v15 =	vld [tilespmem:$0x2F0]  }
0xd3: {  	[tilespmem:$0x8C0] =	vst v11;
	v11 =	vadd.s32 v2, v16;
	v16 =	vld [tilespmem:$0x8F0]  }
0xd4: {  	[tilespmem:$0x2D0] =	vst v11;
	v11 =	vadd.s32 v0, v12  }
0xd5: {  	[tilespmem:$0x8D0] =	vst v11;
	v11 =	vadd.s32 v2, v13  }
0xd6: {  	[tilespmem:$0x2E0] =	vst v11;
	v11 =	vadd.s32 v0, v14  }
0xd7: {  	[tilespmem:$0x8E0] =	vst v11;
	v11 =	vadd.s32 v2, v15  }
0xd8: {  	[tilespmem:$0x2F0] =	vst v11;
	v11 =	vadd.s32 v0, v16  }
0xd9: {  	[tilespmem:$0x8F0] =	vst v11  }
0xda: {  	[tilespmem:s9], [sflag:$0x1] =	stream.indirect.gather [hbm4b:s18+s15], $0x40, s20, s15, $0xb8;
	[tilespmem:$0x12C00] =	vst v63  }
0xdb: {  	_ = 	snop  }
0xdc: {  	[tilespmem:s16], [sflag:$0x2] =	stream.indirect.gather [hbm4b:s18+s15], $0x40, s15, s15, $0xb8;
	[tilespmem:$0x12C00] =	vst v63  }
0xdd: {  	_ = 	snop  }
0xde: {  	[tilespmem:s17], [sflag:$0x3] =	stream.indirect.gather [hbm4b:s1+s15], $0x10, s20, s15, $0xb8;
	[tilespmem:$0x12C00] =	vst v63  }
0xdf: {  	_ = 	snop  }
0xe0: {  	[tilespmem:s7], [sflag:$0x3] =	stream.indirect.gather [hbm4b:s21+s15], $0x10, s14, s15, $0xb8;
	[tilespmem:$0x12C00] =	vst v63  }
0xe1: {  	_ =	swait.ge [sflag:s23], $0x2000  }
0xe2: {  	[sflag:s23] =	ssyncset.done $0x0  }
0xe3: {  	[sflag:s23] =	ssyncadd.s32 $0xFFFFE000  }
0xe4: {  	[hbm4b:s2+s15] =	stream.indirect.scatter [tilespmem:s9], [sflag:$0x4], $0x40, s28, s15, $0xb8;
	[tilespmem:$0x12C00] =	vst v63  }
0xe5: {  	_ =	swait.ge [sflag:s10], $0x2000  }
0xe6: {  	[sflag:s10] =	ssyncset.done $0x0  }
0xe7: {  	[sflag:s10] =	ssyncadd.s32 $0xFFFFE000  }
0xe8: {  	_ =	swait.ge [sflag:s24], $0x800  }
0xe9: {  	[sflag:s24] =	ssyncset.done $0x0  }
0xea: {  	[sflag:s24] =	ssyncadd.s32 $0xFFFFF800  }
0xeb: {  	_ =	swait.ge [sflag:s24], $0x800  }
0xec: {  	[sflag:s24] =	ssyncset.done $0x0  }
0xed: {  	[sflag:s24] =	ssyncadd.s32 $0xFFFFF800  }
0xee: {  	v11 =	vld.idx.msk [tilespmem:v1+s7+$0x0], $0xffff  }
0xef: {  	v12 =	vld.idx.msk [tilespmem:v1+s17+$0x0], $0xffff;
	_ =	sdelay $0x4  }
0xf0: {  	v11 =	vadd.f32 v12, v11;
	_ =	sdelay $0x1  }
0xf1: {  	v12 =	vmul.f32 $9.999999770e-03, v11  }
0xf2: {  	vm1 =	vge.f32 v11, $0.0e+00  }
0xf3: {  	v11 =	vsel vm1, v11, v12  }
0xf4: {  	v11 =	vmul.f32 $1.442695020e+00, v11;
	_ =	sdelay $0x1  }
0xf5: {  	(erf) = vpow2.f32 v11;
	_ =	sdelay $0x8  }
0xf6: {  	v11 =	vpop (erf)  }
0xf7: {  	[tilespmem:$0x900] =	vst v11  }
0xf8: {  	v11 =	vld.idx.msk [tilespmem:v4+s7+$0x0], $0xffff  }
0xf9: {  	v12 =	vld.idx.msk [tilespmem:v4+s17+$0x0], $0xffff;
	_ =	sdelay $0x4  }
0xfa: {  	v11 =	vadd.f32 v12, v11;
	_ =	sdelay $0x1  }
0xfb: {  	v12 =	vmul.f32 $9.999999770e-03, v11  }
0xfc: {  	vm1 =	vge.f32 v11, $0.0e+00  }
0xfd: {  	v11 =	vsel vm1, v11, v12  }
0xfe: {  	v11 =	vmul.f32 $1.442695020e+00, v11;
	_ =	sdelay $0x1  }
0xff: {  	(erf) = vpow2.f32 v11;
	_ =	sdelay $0x8  }
0x100: {  	v11 =	vpop (erf)  }
0x101: {  	[tilespmem:$0x910] =	vst v11  }
0x102: {  	v11 =	vld.idx.msk [tilespmem:v5+s7+$0x0], $0xffff  }
0x103: {  	v12 =	vld.idx.msk [tilespmem:v5+s17+$0x0], $0xffff;
	_ =	sdelay $0x4  }
0x104: {  	v11 =	vadd.f32 v12, v11;
	_ =	sdelay $0x1  }
0x105: {  	v12 =	vmul.f32 $9.999999770e-03, v11  }
0x106: {  	vm1 =	vge.f32 v11, $0.0e+00  }
0x107: {  	v11 =	vsel vm1, v11, v12  }
0x108: {  	v11 =	vmul.f32 $1.442695020e+00, v11;
	_ =	sdelay $0x1  }
0x109: {  	(erf) = vpow2.f32 v11;
	_ =	sdelay $0x8  }
0x10a: {  	v11 =	vpop (erf)  }
0x10b: {  	[tilespmem:$0x920] =	vst v11  }
0x10c: {  	v11 =	vld.idx.msk [tilespmem:v6+s7+$0x0], $0xffff  }
0x10d: {  	v12 =	vld.idx.msk [tilespmem:v6+s17+$0x0], $0xffff;
	_ =	sdelay $0x4  }
0x10e: {  	v11 =	vadd.f32 v12, v11;
	_ =	sdelay $0x1  }
0x10f: {  	v12 =	vmul.f32 $9.999999770e-03, v11  }
0x110: {  	vm1 =	vge.f32 v11, $0.0e+00  }
0x111: {  	v11 =	vsel vm1, v11, v12  }
0x112: {  	v11 =	vmul.f32 $1.442695020e+00, v11;
	_ =	sdelay $0x1  }
0x113: {  	(erf) = vpow2.f32 v11;
	_ =	sdelay $0x8  }
0x114: {  	v11 =	vpop (erf)  }
0x115: {  	[tilespmem:$0x930] =	vst v11  }
0x116: {  	v11 =	vld.idx.msk [tilespmem:v7+s7+$0x0], $0xffff  }
0x117: {  	v12 =	vld.idx.msk [tilespmem:v7+s17+$0x0], $0xffff;
	_ =	sdelay $0x4  }
0x118: {  	v11 =	vadd.f32 v12, v11;
	_ =	sdelay $0x1  }
0x119: {  	v12 =	vmul.f32 $9.999999770e-03, v11  }
0x11a: {  	vm1 =	vge.f32 v11, $0.0e+00  }
0x11b: {  	v11 =	vsel vm1, v11, v12  }
0x11c: {  	v11 =	vmul.f32 $1.442695020e+00, v11;
	_ =	sdelay $0x1  }
0x11d: {  	(erf) = vpow2.f32 v11;
	_ =	sdelay $0x8  }
0x11e: {  	v11 =	vpop (erf)  }
0x11f: {  	[tilespmem:$0x940] =	vst v11  }
0x120: {  	v11 =	vld.idx.msk [tilespmem:v8+s7+$0x0], $0xffff  }
0x121: {  	v12 =	vld.idx.msk [tilespmem:v8+s17+$0x0], $0xffff;
	_ =	sdelay $0x4  }
0x122: {  	v11 =	vadd.f32 v12, v11;
	_ =	sdelay $0x1  }
0x123: {  	v12 =	vmul.f32 $9.999999770e-03, v11  }
0x124: {  	vm1 =	vge.f32 v11, $0.0e+00  }
0x125: {  	v11 =	vsel vm1, v11, v12  }
0x126: {  	v11 =	vmul.f32 $1.442695020e+00, v11;
	_ =	sdelay $0x1  }
0x127: {  	(erf) = vpow2.f32 v11;
	_ =	sdelay $0x8  }
0x128: {  	v11 =	vpop (erf)  }
0x129: {  	[tilespmem:$0x950] =	vst v11  }
0x12a: {  	v11 =	vld.idx.msk [tilespmem:v9+s7+$0x0], $0xffff  }
0x12b: {  	v12 =	vld.idx.msk [tilespmem:v9+s17+$0x0], $0xffff;
	_ =	sdelay $0x4  }
0x12c: {  	v11 =	vadd.f32 v12, v11;
	_ =	sdelay $0x1  }
0x12d: {  	v12 =	vmul.f32 $9.999999770e-03, v11  }
0x12e: {  	vm1 =	vge.f32 v11, $0.0e+00  }
0x12f: {  	v11 =	vsel vm1, v11, v12  }
0x130: {  	v11 =	vmul.f32 $1.442695020e+00, v11;
	_ =	sdelay $0x1  }
0x131: {  	(erf) = vpow2.f32 v11;
	_ =	sdelay $0x8  }
0x132: {  	v11 =	vpop (erf)  }
0x133: {  	[tilespmem:$0x960] =	vst v11  }
0x134: {  	v11 =	vld.idx.msk [tilespmem:v10+s7+$0x0], $0xffff  }
0x135: {  	v12 =	vld.idx.msk [tilespmem:v10+s17+$0x0], $0xffff;
	_ =	sdelay $0x4  }
0x136: {  	v11 =	vadd.f32 v12, v11;
	_ =	sdelay $0x1  }
0x137: {  	v12 =	vmul.f32 $9.999999770e-03, v11  }
0x138: {  	vm1 =	vge.f32 v11, $0.0e+00  }
0x139: {  	v11 =	vsel vm1, v11, v12  }
0x13a: {  	v11 =	vmul.f32 $1.442695020e+00, v11;
	_ =	sdelay $0x1  }
0x13b: {  	(erf) = vpow2.f32 v11;
	_ =	sdelay $0x2  }
0x13c: {  	s28 =	simm.s32 $0x1;
	v11 =	vmov s20  }
0x13d: {  	s3 =	simm.s32 $0x2;
	v13 =	vmov s28;
	v11 =	vand.u32 $0xFFFFFFFC, v11  }
0x13e: {  	s26 =	simm.s32 $0x3;
	v14 =	vbroadcast v11, $0x0;
	v11 =	vand.u32 $0xFFFFFFFD, v13;
	v13 =	vmov s3  }
0x13f: {  	v12 =	vmov s26;
	v15 =	vbroadcast v11, $0x0;
	v11 =	vand.u32 $0xFFFFFFFE, v13;
	_ =	sdelay $0x1  }
0x140: {  	v16 =	vbroadcast v11, $0x0  }
0x141: {  	v11 =	vpop (erf)  }
0x142: {  	[tilespmem:$0x970] =	vst v11  }
0x143: {  	v11 =	vld.idx.msk [tilespmem:v12+s25+$0x0], $0xffff  }
0x144: {  	v13 =	vld.idx.msk [tilespmem:v14+s25+$0x0], $0xffff  }
0x145: {  	v12 =	vld.idx.msk [tilespmem:v15+s25+$0x0], $0xffff  }
0x146: {  	s26 =	simm.s32 $0xC80;
	v14 =	vld.idx.msk [tilespmem:v16+s25+$0x0], $0xffff  }
0x147: {  	v15 =	vld [tilespmem:s26+$0x0]  }
0x148: {  	v16 =	vld [tilespmem:s26+$0x10]  }
0x149: {  	v17 =	vld [tilespmem:s26+$0x20]  }
0x14a: {  	v18 =	vld [tilespmem:s26+$0x30]  }
0x14b: {  	v19 =	vld [tilespmem:s26+$0xFFFFFF80]  }
0x14c: {  	v15 =	vmul.f32 v15, v14  }
0x14d: {  	v20 =	vld [tilespmem:s26+$0xFFFFFF90];
	v16 =	vmul.f32 v16, v14  }
0x14e: {  	s14 =	simm.s32 $0x4;
	v22 =	vld [tilespmem:s26+$0xFFFFFFB0];
	[tilespmem:s26+$0x0] =	vst v15;
	v15 =	vmul.f32 v17, v14  }
0x14f: {  	s28 =	simm.s32 $0x5;
	v21 =	vld [tilespmem:s26+$0xFFFFFFA0];
	v17 =	vmov s14;
	[tilespmem:s26+$0x10] =	vst v16;
	v16 =	vmul.f32 v18, v14  }
0x150: {  	v24 =	vmov s28;
	s3 =	simm.s32 $0x6;
	v23 =	vld [tilespmem:s26+$0xFFFFFFC0];
	v26 =	vmul.f32 v19, v13;
	v17 =	vand.u32 $0xFFFFFFFC, v17;
	[tilespmem:s26+$0x20] =	vst v15  }
0x151: {  	v25 =	vld [tilespmem:s26+$0xFFFFFFD0];
	s14 =	simm.s32 $0x4C20;
	v14 =	vnsel vm0, $0x0, v14;
	v15 =	vbroadcast v17, $0x0;
	[tilespmem:s26+$0x30] =	vst v16;
	v17 =	vmov s3  }
0x152: {  	s28 =	simm.s32 $0x7;
	v27 =	vmul.f32 v20, v13;
	v18 =	vld [tilespmem:s26+$0xFFFFFFE0];
	v16 =	vand.u32 $0xFFFFFFFD, v24;
	[tilespmem:s14+$0x0] =	vst v14;
	v14 =	vand.u32 $0xFFFFFFFE, v17  }
0x153: {  	v19 =	vld [tilespmem:s26+$0xFFFFFFF0];
	v17 =	vmul.f32 v22, v13;
	v22 =	vbroadcast v14, $0x0;
	v14 =	vmov s28  }
0x154: {  	v28 =	vmul.f32 v21, v13;
	v20 =	vld [tilespmem:s26+$0x40];
	[tilespmem:s26+$0xFFFFFF80] =	vst v26;
	v16 =	vbroadcast v16, $0x0  }
0x155: {  	v21 =	vld [tilespmem:s26+$0x50];
	[tilespmem:s26+$0xFFFFFF90] =	vst v27;
	v24 =	vmul.f32 v23, v12  }
0x156: {  	s31 =	simm.s32 $0xC80;
	s0 =	simm.s32 $0x8;
	v25 =	vmul.f32 v25, v12;
	[tilespmem:s26+$0xFFFFFFA0] =	vst v28;
	v23 =	vld [tilespmem:s26+$0x60]  }
.LBB2_5:
0x157: {  	p0 =	slt.u32 s0, $0x7C;
	[tilespmem:s26+$0xFFFFFFC0] =	vst v24;
	v18 =	vmul.f32 v18, v12;
	v24 =	vld [tilespmem:s26+$0x70]  }
0x158: {  	v14 =	vld.idx.msk [tilespmem:v14+s25+$0x0], $0xffff;
	[tilespmem:s26+$0xFFFFFFD0] =	vst v25;
	v19 =	vmul.f32 v19, v12  }
0x159: {  	v15 =	vld.idx.msk [tilespmem:v15+s25+$0x0], $0xffff;
	[tilespmem:s26+$0xFFFFFFE0] =	vst v18;
	v18 =	vmul.f32 v20, v11  }
0x15a: {  	[tilespmem:s26+$0xFFFFFFF0] =	vst v19;
	v19 =	vnsel vm0, $0x0, v12;
	v12 =	vld.idx.msk [tilespmem:v16+s25+$0x0], $0xffff;
	v16 =	vmul.f32 v21, v11  }
0x15b: {  	s26 =	sadd.s32 $0x100, s26;
	v20 =	vld.idx.msk [tilespmem:v22+s25+$0x0], $0xffff;
	[tilespmem:s14+$0xFFFFFFF0] =	vst v19;
	v19 =	vmul.f32 v23, v11  }
0x15c: {  	v13 =	vnsel vm0, $0x0, v13;
	v21 =	vld [tilespmem:s26+$0x0];
	[tilespmem:s31+$0xFFFFFFB0] =	vst v17;
	v17 =	vmul.f32 v24, v11  }
0x15d: {  	v22 =	vld [tilespmem:s26+$0x10];
	[tilespmem:s14+$0xFFFFFFE0] =	vst v13  }
0x15e: {  	v23 =	vld [tilespmem:s26+$0x20];
	[tilespmem:s31+$0x40] =	vst v18  }
0x15f: {  	v13 =	vmov v15;
	v18 =	vld [tilespmem:s26+$0x30];
	[tilespmem:s31+$0x50] =	vst v16  }
0x160: {  	v15 =	vld [tilespmem:s26+$0xFFFFFF80];
	[tilespmem:s31+$0x60] =	vst v19  }
0x161: {  	v16 =	vld [tilespmem:s26+$0xFFFFFF90];
	v19 =	vmul.f32 v21, v20;
	[tilespmem:s31+$0x70] =	vst v17;
	v17 =	vnsel vm0, $0x0, v11;
	v11 =	vmov v14;
	s31 =	smov.u32 s26  }
0x162: {  	v21 =	vld [tilespmem:s26+$0xFFFFFFA0];
	v22 =	vmul.f32 v22, v20;
	[tilespmem:s14+$0x10] =	vst v17  }
0x163: {  	s3 =	sadd.s32 $0x3, s0;
	v17 =	vld [tilespmem:s26+$0xFFFFFFB0];
	[tilespmem:s26+$0x0] =	vst v19;
	v19 =	vmul.f32 v23, v20  }
0x164: {  	s28 =	sadd.s32 $0x1, s0;
	v14 =	vmov s3;
	v23 =	vmov s0;
	v24 =	vld [tilespmem:s26+$0xFFFFFFC0];
	[tilespmem:s26+$0x10] =	vst v22;
	v22 =	vmul.f32 v18, v20  }
0x165: {  	v18 =	vand.u32 $0xFFFFFFFC, v23;
	v23 =	vmov s28;
	v25 =	vmul.f32 v15, v13;
	v26 =	vld [tilespmem:s26+$0xFFFFFFD0];
	[tilespmem:s26+$0x20] =	vst v19  }
.Ltmp1:
0x166: {  	s3 =	sadd.s32 $0x2, s0;
	s14 =	sadd.s32 $0x40, s14;
	v15 =	vbroadcast v18, $0x0;
	v27 =	vmul.f32 v16, v13;
	v18 =	vld [tilespmem:s26+$0xFFFFFFE0];
	[tilespmem:s26+$0x30] =	vst v22;
	v16 =	vnsel vm0, $0x0, v20;
	(pc) =	sbr.rel @p0 .LBB2_5-.Ltmp1, $4  }
0x167: {  	v20 =	vand.u32 $0xFFFFFFFD, v23;
	v22 =	vmov s3;
	v23 =	vmul.f32 v21, v13;
	v19 =	vld [tilespmem:s26+$0xFFFFFFF0];
	[tilespmem:s14+$0x0] =	vst v16  }
0x168: {  	v16 =	vbroadcast v20, $0x0;
	v21 =	vand.u32 $0xFFFFFFFE, v22;
	[tilespmem:s26+$0xFFFFFF80] =	vst v25;
	v17 =	vmul.f32 v17, v13;
	v20 =	vld [tilespmem:s26+$0x40]  }
0x169: {  	v22 =	vbroadcast v21, $0x0;
	[tilespmem:s26+$0xFFFFFF90] =	vst v27;
	v24 =	vmul.f32 v24, v12;
	v21 =	vld [tilespmem:s26+$0x50]  }
0x16a: {  	s0 =	sadd.s32 $0x4, s0;
	[tilespmem:s26+$0xFFFFFFA0] =	vst v23;
	v25 =	vmul.f32 v26, v12;
	v23 =	vld [tilespmem:s26+$0x60]  }
0x16b: {  	_ = 	snop  }
0x16c: {  	[tilespmem:s26+$0xFFFFFFC0] =	vst v24  }
0x16d: {  	[tilespmem:s31+$0xFFFFFFB0] =	vst v17  }
0x16e: {  	v18 =	vmul.f32 v18, v12;
	v24 =	vld [tilespmem:s26+$0x70];
	v13 =	vnsel vm0, $0x0, v13;
	[tilespmem:s26+$0xFFFFFFD0] =	vst v25  }
0x16f: {  	v15 =	vld.idx.msk [tilespmem:v15+s25+$0x0], $0xffff;
	v19 =	vmul.f32 v19, v12;
	[tilespmem:s14+$0xFFFFFFE0] =	vst v13  }
0x170: {  	s0 =	sadd.s32 $0x100, s26;
	[tilespmem:s26+$0xFFFFFFE0] =	vst v18;
	v18 =	vld.idx.msk [tilespmem:v22+s25+$0x0], $0xffff  }
0x171: {  	v12 =	vnsel vm0, $0x0, v12;
	[tilespmem:s26+$0xFFFFFFF0] =	vst v19;
	v19 =	vld [tilespmem:s0+$0x0];
	v17 =	vmul.f32 v21, v11  }
0x172: {  	[tilespmem:s14+$0xFFFFFFF0] =	vst v12;
	v12 =	vmul.f32 v20, v11;
	v20 =	vld [tilespmem:s0+$0x10]  }
0x173: {  	v21 =	vld [tilespmem:s0+$0x20];
	v13 =	vmul.f32 v23, v11;
	[tilespmem:s31+$0x50] =	vst v17  }
0x174: {  	v22 =	vld [tilespmem:s0+$0x30];
	[tilespmem:s31+$0x40] =	vst v12;
	v12 =	vmul.f32 v24, v11  }
0x175: {  	[tilespmem:s31+$0x60] =	vst v13;
	v13 =	vld [tilespmem:s0+$0xFFFFFF80]  }
0x176: {  	v16 =	vld.idx.msk [tilespmem:v16+s25+$0x0], $0xffff;
	v11 =	vnsel vm0, $0x0, v11;
	v17 =	vmul.f32 v19, v18;
	[tilespmem:s31+$0x70] =	vst v12  }
0x177: {  	v12 =	vld [tilespmem:s0+$0xFFFFFF90];
	v19 =	vmul.f32 v20, v18;
	[tilespmem:s14+$0x10] =	vst v11  }
0x178: {  	v11 =	vld [tilespmem:s0+$0xFFFFFFA0];
	[tilespmem:s0+$0x0] =	vst v17;
	v17 =	vmul.f32 v21, v18  }
0x179: {  	v20 =	vld [tilespmem:s0+$0xFFFFFFC0];
	[tilespmem:s0+$0x10] =	vst v19;
	v19 =	vmul.f32 v22, v18  }
0x17a: {  	v21 =	vld [tilespmem:s0+$0xFFFFFFD0];
	v13 =	vmul.f32 v13, v15;
	[tilespmem:s0+$0x20] =	vst v17  }
0x17b: {  	v17 =	vld [tilespmem:s0+$0xFFFFFFE0];
	[tilespmem:s0+$0x30] =	vst v19  }
0x17c: {  	s3 =	sadd.s32 $0x40, s14;
	v18 =	vnsel vm0, $0x0, v18;
	v12 =	vmul.f32 v12, v15;
	v19 =	vld [tilespmem:s0+$0xFFFFFFF0];
	[tilespmem:s0+$0xFFFFFF80] =	vst v13  }
0x17d: {  	[tilespmem:s3+$0x0] =	vst v18;
	v11 =	vmul.f32 v11, v15  }
0x17e: {  	v13 =	vld [tilespmem:s0+$0xFFFFFFB0];
	[tilespmem:s0+$0xFFFFFF90] =	vst v12;
	v12 =	vmul.f32 v20, v16  }
0x17f: {  	v14 =	vld.idx.msk [tilespmem:v14+s25+$0x0], $0xffff;
	[tilespmem:s0+$0xFFFFFFA0] =	vst v11;
	v11 =	vmul.f32 v21, v16  }
0x180: {  	v18 =	vld [tilespmem:s0+$0x40];
	[tilespmem:s0+$0xFFFFFFC0] =	vst v12;
	v12 =	vmul.f32 v17, v16  }
0x181: {  	v17 =	vld [tilespmem:s0+$0x50];
	[tilespmem:s0+$0xFFFFFFD0] =	vst v11;
	v11 =	vmul.f32 v19, v16  }
0x182: {  	v19 =	vld [tilespmem:s0+$0x60];
	[tilespmem:s0+$0xFFFFFFE0] =	vst v12  }
0x183: {  	v12 =	vmul.f32 v13, v15;
	v13 =	vld [tilespmem:s0+$0x70];
	[tilespmem:s0+$0xFFFFFFF0] =	vst v11;
	v11 =	vnsel vm0, $0x0, v16  }
0x184: {  	[tilespmem:s3+$0xFFFFFFF0] =	vst v11  }
0x185: {  	v11 =	vmul.f32 v18, v14;
	[tilespmem:s0+$0xFFFFFFB0] =	vst v12;
	v12 =	vnsel vm0, $0x0, v15  }
0x186: {  	v15 =	vmul.f32 v17, v14;
	[tilespmem:s3+$0xFFFFFFE0] =	vst v12  }
0x187: {  	v12 =	vmul.f32 v19, v14;
	[tilespmem:s0+$0x40] =	vst v11  }
0x188: {  	v11 =	vmul.f32 v13, v14;
	[tilespmem:s0+$0x50] =	vst v15  }
0x189: {  	[tilespmem:s0+$0x60] =	vst v12  }
0x18a: {  	[tilespmem:s0+$0x70] =	vst v11;
	v11 =	vnsel vm0, $0x0, v14  }
0x18b: {  	s26 =	simm.s32 $0x300;
	[tilespmem:s3+$0x10] =	vst v11  }
0x18c: {  	[spmem:s4] =	stream.indirect.scatter.add.f32 [tilespmem:s9], [sflag:$0x4], $0x40, s26, s15, $0xb8;
	[tilespmem:$0x12C00] =	vst v63  }
0x18d: {  	_ =	swait.ge [sflag:s10], $0x2000  }
0x18e: {  	[sflag:s10] =	ssyncset.done $0x0  }
0x18f: {  	[sflag:s10] =	ssyncadd.s32 $0xFFFFE000  }
0x190: {  	[spmem:s5] =	stream.indirect.scatter.add.f32 [tilespmem:s11], [sflag:$0x4], $0x10, s26, s15, $0xb8;
	[tilespmem:$0x12C00] =	vst v63  }
0x191: {  	_ =	swait.ge [sflag:s10], $0x800  }
0x192: {  	[sflag:s10] =	ssyncset.done $0x0  }
0x193: {  	s28 =	simm.s32 $0x100;
	[sflag:s10] =	ssyncadd.s32 $0xFFFFF800  }
0x194: {  	[tilespmem:s9], [sflag:$0x1] =	stream.indirect.gather [hbm4b:s18+s15], $0x40, s28, s15, $0xb8;
	[tilespmem:$0x12C00] =	vst v63  }
0x195: {  	_ = 	snop  }
0x196: {  	[tilespmem:s17], [sflag:$0x3] =	stream.indirect.gather [hbm4b:s1+s15], $0x10, s15, s15, $0xb8;
	[tilespmem:$0x12C00] =	vst v63  }
0x197: {  	_ = 	snop  }
0x198: {  	[tilespmem:s7], [sflag:$0x3] =	stream.indirect.gather [hbm4b:s21+s15], $0x10, s13, s15, $0xb8;
	[tilespmem:$0x12C00] =	vst v63  }
0x199: {  	_ =	swait.ge [sflag:s29], $0x2000  }
0x19a: {  	[sflag:s29] =	ssyncset.done $0x0  }
0x19b: {  	s3 =	simm.s32 $0x680;
	[sflag:s29] =	ssyncadd.s32 $0xFFFFE000  }
0x19c: {  	[hbm4b:s2+s15] =	stream.indirect.scatter [tilespmem:s16], [sflag:$0x4], $0x40, s3, s15, $0xb8;
	[tilespmem:$0x12C00] =	vst v63  }
0x19d: {  	_ =	swait.ge [sflag:s10], $0x2000  }
0x19e: {  	[sflag:s10] =	ssyncset.done $0x0  }
0x19f: {  	[sflag:s10] =	ssyncadd.s32 $0xFFFFE000  }
0x1a0: {  	_ =	swait.ge [sflag:s24], $0x800  }
0x1a1: {  	[sflag:s24] =	ssyncset.done $0x0  }
0x1a2: {  	[sflag:s24] =	ssyncadd.s32 $0xFFFFF800  }
0x1a3: {  	_ =	swait.ge [sflag:s24], $0x800  }
0x1a4: {  	[sflag:s24] =	ssyncset.done $0x0  }
0x1a5: {  	[sflag:s24] =	ssyncadd.s32 $0xFFFFF800  }
0x1a6: {  	v11 =	vld.idx.msk [tilespmem:v1+s7+$0x0], $0xffff  }
0x1a7: {  	v12 =	vld.idx.msk [tilespmem:v1+s17+$0x0], $0xffff;
	_ =	sdelay $0x4  }
0x1a8: {  	v11 =	vadd.f32 v12, v11;
	_ =	sdelay $0x1  }
0x1a9: {  	v12 =	vmul.f32 $9.999999770e-03, v11  }
0x1aa: {  	vm1 =	vge.f32 v11, $0.0e+00  }
0x1ab: {  	v11 =	vsel vm1, v11, v12  }
0x1ac: {  	v11 =	vmul.f32 $1.442695020e+00, v11;
	_ =	sdelay $0x1  }
0x1ad: {  	(erf) = vpow2.f32 v11;
	_ =	sdelay $0x8  }
0x1ae: {  	v11 =	vpop (erf)  }
0x1af: {  	[tilespmem:$0x980] =	vst v11  }
0x1b0: {  	v11 =	vld.idx.msk [tilespmem:v4+s7+$0x0], $0xffff  }
0x1b1: {  	v12 =	vld.idx.msk [tilespmem:v4+s17+$0x0], $0xffff;
	_ =	sdelay $0x4  }
0x1b2: {  	v11 =	vadd.f32 v12, v11;
	_ =	sdelay $0x1  }
0x1b3: {  	v12 =	vmul.f32 $9.999999770e-03, v11  }
0x1b4: {  	vm1 =	vge.f32 v11, $0.0e+00  }
0x1b5: {  	v11 =	vsel vm1, v11, v12  }
0x1b6: {  	v11 =	vmul.f32 $1.442695020e+00, v11;
	_ =	sdelay $0x1  }
0x1b7: {  	(erf) = vpow2.f32 v11;
	_ =	sdelay $0x8  }
0x1b8: {  	v11 =	vpop (erf)  }
0x1b9: {  	[tilespmem:$0x990] =	vst v11  }
0x1ba: {  	v11 =	vld.idx.msk [tilespmem:v5+s7+$0x0], $0xffff  }
0x1bb: {  	v12 =	vld.idx.msk [tilespmem:v5+s17+$0x0], $0xffff;
	_ =	sdelay $0x4  }
0x1bc: {  	v11 =	vadd.f32 v12, v11;
	_ =	sdelay $0x1  }
0x1bd: {  	v12 =	vmul.f32 $9.999999770e-03, v11  }
0x1be: {  	vm1 =	vge.f32 v11, $0.0e+00  }
0x1bf: {  	v11 =	vsel vm1, v11, v12  }
0x1c0: {  	v11 =	vmul.f32 $1.442695020e+00, v11;
	_ =	sdelay $0x1  }
0x1c1: {  	(erf) = vpow2.f32 v11;
	_ =	sdelay $0x8  }
0x1c2: {  	v11 =	vpop (erf)  }
0x1c3: {  	[tilespmem:$0x9A0] =	vst v11  }
0x1c4: {  	v11 =	vld.idx.msk [tilespmem:v6+s7+$0x0], $0xffff  }
0x1c5: {  	v12 =	vld.idx.msk [tilespmem:v6+s17+$0x0], $0xffff;
	_ =	sdelay $0x4  }
0x1c6: {  	v11 =	vadd.f32 v12, v11;
	_ =	sdelay $0x1  }
0x1c7: {  	v12 =	vmul.f32 $9.999999770e-03, v11  }
0x1c8: {  	vm1 =	vge.f32 v11, $0.0e+00  }
0x1c9: {  	v11 =	vsel vm1, v11, v12  }
0x1ca: {  	v11 =	vmul.f32 $1.442695020e+00, v11;
	_ =	sdelay $0x1  }
0x1cb: {  	(erf) = vpow2.f32 v11;
	_ =	sdelay $0x8  }
0x1cc: {  	v11 =	vpop (erf)  }
0x1cd: {  	[tilespmem:$0x9B0] =	vst v11  }
0x1ce: {  	v11 =	vld.idx.msk [tilespmem:v7+s7+$0x0], $0xffff  }
0x1cf: {  	v12 =	vld.idx.msk [tilespmem:v7+s17+$0x0], $0xffff;
	_ =	sdelay $0x4  }
0x1d0: {  	v11 =	vadd.f32 v12, v11;
	_ =	sdelay $0x1  }
0x1d1: {  	v12 =	vmul.f32 $9.999999770e-03, v11  }
0x1d2: {  	vm1 =	vge.f32 v11, $0.0e+00  }
0x1d3: {  	v11 =	vsel vm1, v11, v12  }
0x1d4: {  	v11 =	vmul.f32 $1.442695020e+00, v11;
	_ =	sdelay $0x1  }
0x1d5: {  	(erf) = vpow2.f32 v11;
	_ =	sdelay $0x8  }
0x1d6: {  	v11 =	vpop (erf)  }
0x1d7: {  	[tilespmem:$0x9C0] =	vst v11  }
0x1d8: {  	v11 =	vld.idx.msk [tilespmem:v8+s7+$0x0], $0xffff  }
0x1d9: {  	v12 =	vld.idx.msk [tilespmem:v8+s17+$0x0], $0xffff;
	_ =	sdelay $0x4  }
0x1da: {  	v11 =	vadd.f32 v12, v11;
	_ =	sdelay $0x1  }
0x1db: {  	v12 =	vmul.f32 $9.999999770e-03, v11  }
0x1dc: {  	vm1 =	vge.f32 v11, $0.0e+00  }
0x1dd: {  	v11 =	vsel vm1, v11, v12  }
0x1de: {  	v11 =	vmul.f32 $1.442695020e+00, v11;
	_ =	sdelay $0x1  }
0x1df: {  	(erf) = vpow2.f32 v11;
	_ =	sdelay $0x8  }
0x1e0: {  	v11 =	vpop (erf)  }
0x1e1: {  	[tilespmem:$0x9D0] =	vst v11  }
0x1e2: {  	v11 =	vld.idx.msk [tilespmem:v9+s7+$0x0], $0xffff  }
0x1e3: {  	v12 =	vld.idx.msk [tilespmem:v9+s17+$0x0], $0xffff;
	_ =	sdelay $0x4  }
0x1e4: {  	v11 =	vadd.f32 v12, v11;
	_ =	sdelay $0x1  }
0x1e5: {  	v12 =	vmul.f32 $9.999999770e-03, v11  }
0x1e6: {  	vm1 =	vge.f32 v11, $0.0e+00  }
0x1e7: {  	v11 =	vsel vm1, v11, v12  }
0x1e8: {  	v11 =	vmul.f32 $1.442695020e+00, v11;
	_ =	sdelay $0x1  }
0x1e9: {  	(erf) = vpow2.f32 v11;
	_ =	sdelay $0x8  }
0x1ea: {  	v11 =	vpop (erf)  }
0x1eb: {  	[tilespmem:$0x9E0] =	vst v11  }
0x1ec: {  	v11 =	vld.idx.msk [tilespmem:v10+s7+$0x0], $0xffff  }
0x1ed: {  	v12 =	vld.idx.msk [tilespmem:v10+s17+$0x0], $0xffff;
	_ =	sdelay $0x4  }
0x1ee: {  	v11 =	vadd.f32 v12, v11;
	_ =	sdelay $0x1  }
0x1ef: {  	v12 =	vmul.f32 $9.999999770e-03, v11  }
0x1f0: {  	vm1 =	vge.f32 v11, $0.0e+00  }
0x1f1: {  	v11 =	vsel vm1, v11, v12  }
0x1f2: {  	v11 =	vmul.f32 $1.442695020e+00, v11;
	_ =	sdelay $0x1  }
0x1f3: {  	s26 =	simm.s32 $0x2;
	(erf) = vpow2.f32 v11  }
0x1f4: {  	v13 =	vmov s26;
	s13 =	simm.s32 $0x0  }
0x1f5: {  	s14 =	simm.s32 $0x1;
	v13 =	vand.u32 $0x7E, v13;
	v11 =	vmov s13  }
0x1f6: {  	v13 =	vor.u32 $0x80, v13;
	s28 =	simm.s32 $0x3;
	v12 =	vmov s14;
	v11 =	vand.u32 $0x7C, v11  }
0x1f7: {  	v14 =	vmov s28;
	v12 =	vand.u32 $0x7D, v12;
	v11 =	vor.u32 $0x80, v11  }
0x1f8: {  	v14 =	vand.u32 $0x7F, v14;
	v12 =	vor.u32 $0x80, v12;
	v11 =	vbroadcast v11, $0x0  }
0x1f9: {  	v15 =	vbroadcast v13, $0x0;
	v13 =	vor.u32 $0x80, v14;
	v12 =	vbroadcast v12, $0x0;
	_ =	sdelay $0x1  }
0x1fa: {  	v14 =	vbroadcast v13, $0x0  }
0x1fb: {  	v13 =	vpop (erf)  }
0x1fc: {  	[tilespmem:$0x9F0] =	vst v13  }
0x1fd: {  	v11 =	vld.idx.msk [tilespmem:v11+s25+$0x0], $0xffff  }
0x1fe: {  	v13 =	vld.idx.msk [tilespmem:v12+s25+$0x0], $0xffff  }
0x1ff: {  	v12 =	vld.idx.msk [tilespmem:v15+s25+$0x0], $0xffff  }
0x200: {  	s14 =	simm.s32 $0x2C80;
	v14 =	vld.idx.msk [tilespmem:v14+s25+$0x0], $0xffff  }
0x201: {  	v15 =	vld [tilespmem:s14+$0x40]  }
0x202: {  	v16 =	vld [tilespmem:s14+$0x50]  }
0x203: {  	v17 =	vld [tilespmem:s14+$0x60]  }
0x204: {  	v20 =	vld [tilespmem:s14+$0xFFFFFF80]  }
0x205: {  	v21 =	vld [tilespmem:s14+$0xFFFFFF90]  }
0x206: {  	s3 =	simm.s32 $0x4;
	v24 =	vld [tilespmem:s14+$0xFFFFFFA0]  }
0x207: {  	s26 =	simm.s32 $0x6;
	v19 =	vmov s3;
	v18 =	vld [tilespmem:s14+$0x70]  }
0x208: {  	v23 =	vmov s26;
	v19 =	vand.u32 $0x7C, v19;
	s13 =	simm.s32 $0x5;
	v15 =	vmul.f32 v15, v14  }
0x209: {  	v22 =	vmov s13;
	v25 =	vmul.f32 v16, v14;
	v16 =	vor.u32 $0x80, v19  }
0x20a: {  	v19 =	vand.u32 $0x7D, v22;
	v22 =	vld [tilespmem:s14+$0xFFFFFFB0];
	v20 =	vmul.f32 v20, v11;
	v28 =	vmul.f32 v21, v11;
	[tilespmem:s14+$0x40] =	vst v15  }
0x20b: {  	v24 =	vmul.f32 v24, v11;
	v15 =	vmul.f32 v17, v14;
	v17 =	vand.u32 $0x7E, v23;
	v23 =	vld [tilespmem:s14+$0xFFFFFFC0];
	[tilespmem:s14+$0x50] =	vst v25  }
0x20c: {  	s28 =	simm.s32 $0x7;
	v16 =	vbroadcast v16, $0x0;
	v25 =	vmul.f32 v18, v14;
	v18 =	vld [tilespmem:s14+$0xFFFFFFD0];
	[tilespmem:s14+$0xFFFFFF80] =	vst v20  }
0x20d: {  	v26 =	vor.u32 $0x80, v19;
	v19 =	vld [tilespmem:s14+$0xFFFFFFE0];
	v14 =	vnsel vm0, $0x0, v14;
	[tilespmem:s14+$0x60] =	vst v15;
	v15 =	vmov s28  }
0x20e: {  	s26 =	simm.s32 $0x4C20;
	v21 =	vld [tilespmem:s14+$0xFFFFFFF0];
	v27 =	vor.u32 $0x80, v17;
	v17 =	vbroadcast v26, $0x0;
	[tilespmem:s14+$0x70] =	vst v25;
	v25 =	vand.u32 $0x7F, v15  }
0x20f: {  	[tilespmem:s26+$0x10] =	vst v14;
	v15 =	vbroadcast v27, $0x0;
	v14 =	vmul.f32 v22, v11;
	v22 =	vld [tilespmem:s14+$0x0];
	v25 =	vor.u32 $0x80, v25  }
0x210: {  	s31 =	simm.s32 $0x2C80;
	s0 =	simm.s32 $0x8;
	[tilespmem:s14+$0xFFFFFF90] =	vst v28;
	v20 =	vbroadcast v25, $0x0;
	v25 =	vmul.f32 v23, v13;
	v23 =	vld [tilespmem:s14+$0x10]  }
.LBB2_7:
0x211: {  	p0 =	slt.u32 s0, $0x7C;
	[tilespmem:s14+$0xFFFFFFA0] =	vst v24;
	v18 =	vmul.f32 v18, v13;
	v24 =	vld [tilespmem:s14+$0x20]  }
0x212: {  	[tilespmem:s14+$0xFFFFFFC0] =	vst v25;
	v19 =	vmul.f32 v19, v13;
	v25 =	vld [tilespmem:s14+$0x30]  }
0x213: {  	v16 =	vld.idx.msk [tilespmem:v16+s25+$0x0], $0xffff;
	[tilespmem:s14+$0xFFFFFFD0] =	vst v18;
	v18 =	vmul.f32 v21, v13  }
0x214: {  	v17 =	vld.idx.msk [tilespmem:v17+s25+$0x0], $0xffff;
	[tilespmem:s14+$0xFFFFFFE0] =	vst v19;
	v19 =	vmul.f32 v22, v12  }
0x215: {  	v13 =	vnsel vm0, $0x0, v13;
	v15 =	vld.idx.msk [tilespmem:v15+s25+$0x0], $0xffff;
	[tilespmem:s14+$0xFFFFFFF0] =	vst v18;
	v18 =	vmul.f32 v23, v12  }
0x216: {  	s14 =	sadd.s32 $0x100, s14;
	v20 =	vld.idx.msk [tilespmem:v20+s25+$0x0], $0xffff;
	[tilespmem:s26+$0xFFFFFFF0] =	vst v13;
	v13 =	vmul.f32 v24, v12  }
0x217: {  	v21 =	vld [tilespmem:s14+$0x40];
	[tilespmem:s31+$0x0] =	vst v19;
	v19 =	vmul.f32 v25, v12  }
0x218: {  	v22 =	vld [tilespmem:s14+$0x50];
	[tilespmem:s31+$0x10] =	vst v18  }
0x219: {  	v18 =	vld [tilespmem:s14+$0x60];
	[tilespmem:s31+$0x20] =	vst v13  }
0x21a: {  	v24 =	vnsel vm0, $0x0, v12;
	v23 =	vld [tilespmem:s14+$0x70];
	[tilespmem:s31+$0x30] =	vst v19;
	v13 =	vmov v17  }
0x21b: {  	v17 =	vmov s0;
	v12 =	vmov v15;
	v19 =	vld [tilespmem:s14+$0xFFFFFF80];
	[tilespmem:s26+$0x0] =	vst v24  }
0x21c: {  	s3 =	sadd.s32 $0x1, s0;
	s28 =	sadd.s32 $0x2, s0;
	v15 =	vand.u32 $0x7C, v17;
	v17 =	vld [tilespmem:s14+$0xFFFFFF90];
	v21 =	vmul.f32 v21, v20;
	[tilespmem:s31+$0xFFFFFFB0] =	vst v14;
	v14 =	vnsel vm0, $0x0, v11;
	v11 =	vmovc v16;
	s31 =	smov.u32 s14  }
0x21d: {  	v24 =	vmov s28;
	v16 =	vmov s3;
	v25 =	vld [tilespmem:s14+$0xFFFFFFA0];
	v22 =	vmul.f32 v22, v20;
	[tilespmem:s26+$0xFFFFFFE0] =	vst v14  }
0x21e: {  	v14 =	vor.u32 $0x80, v15;
	v15 =	vand.u32 $0x7D, v16;
	v26 =	vld [tilespmem:s14+$0xFFFFFFB0];
	[tilespmem:s14+$0x40] =	vst v21;
	v21 =	vmul.f32 v18, v20  }
0x21f: {  	v16 =	vbroadcast v14, $0x0;
	v14 =	vand.u32 $0x7E, v24;
	v27 =	vld [tilespmem:s14+$0xFFFFFFC0];
	[tilespmem:s14+$0x50] =	vst v22;
	v22 =	vmul.f32 v23, v20  }
.Ltmp2:
0x220: {  	s3 =	sadd.s32 $0x3, s0;
	v15 =	vor.u32 $0x80, v15;
	v14 =	vor.u32 $0x80, v14;
	v23 =	vmul.f32 v19, v11;
	v18 =	vld [tilespmem:s14+$0xFFFFFFD0];
	[tilespmem:s14+$0x60] =	vst v21;
	(pc) =	sbr.rel @p0 .LBB2_7-.Ltmp2, $4  }
0x221: {  	s26 =	sadd.s32 $0x40, s26;
	v20 =	vnsel vm0, $0x0, v20;
	v21 =	vmov s3;
	v28 =	vmul.f32 v17, v11;
	v19 =	vld [tilespmem:s14+$0xFFFFFFE0];
	[tilespmem:s14+$0x70] =	vst v22  }
0x222: {  	v17 =	vbroadcast v15, $0x0;
	v22 =	vand.u32 $0x7F, v21;
	v24 =	vmul.f32 v25, v11;
	v21 =	vld [tilespmem:s14+$0xFFFFFFF0];
	[tilespmem:s26+$0x10] =	vst v20  }
0x223: {  	v15 =	vbroadcast v14, $0x0;
	v20 =	vor.u32 $0x80, v22;
	[tilespmem:s14+$0xFFFFFF80] =	vst v23;
	v14 =	vmul.f32 v26, v11;
	v22 =	vld [tilespmem:s14+$0x0]  }
0x224: {  	s0 =	sadd.s32 $0x4, s0;
	v20 =	vbroadcast v20, $0x0;
	[tilespmem:s14+$0xFFFFFF90] =	vst v28;
	v25 =	vmul.f32 v27, v13;
	v23 =	vld [tilespmem:s14+$0x10]  }
0x225: {  	_ = 	snop  }
0x226: {  	[tilespmem:s14+$0xFFFFFFA0] =	vst v24  }
0x227: {  	v18 =	vmul.f32 v18, v13;
	[tilespmem:s14+$0xFFFFFFC0] =	vst v25  }
0x228: {  	v24 =	vld [tilespmem:s14+$0x20];
	[tilespmem:s31+$0xFFFFFFB0] =	vst v14  }
0x229: {  	v16 =	vld.idx.msk [tilespmem:v16+s25+$0x0], $0xffff;
	v11 =	vnsel vm0, $0x0, v11;
	v19 =	vmul.f32 v19, v13;
	[tilespmem:s14+$0xFFFFFFD0] =	vst v18  }
0x22a: {  	s0 =	sadd.s32 $0x100, s14;
	v25 =	vld [tilespmem:s14+$0x30];
	v18 =	vmul.f32 v21, v13;
	[tilespmem:s26+$0xFFFFFFE0] =	vst v11  }
0x22b: {  	v14 =	vld [tilespmem:s0+$0xFFFFFF90];
	[tilespmem:s14+$0xFFFFFFE0] =	vst v19  }
0x22c: {  	v20 =	vld.idx.msk [tilespmem:v20+s25+$0x0], $0xffff;
	v13 =	vnsel vm0, $0x0, v13;
	v19 =	vmul.f32 v22, v12;
	[tilespmem:s14+$0xFFFFFFF0] =	vst v18  }
0x22d: {  	v21 =	vld [tilespmem:s0+$0x40];
	v18 =	vmul.f32 v23, v12;
	[tilespmem:s26+$0xFFFFFFF0] =	vst v13  }
0x22e: {  	v22 =	vld [tilespmem:s0+$0x50];
	v13 =	vmul.f32 v24, v12;
	[tilespmem:s31+$0x0] =	vst v19  }
0x22f: {  	v19 =	vmul.f32 v25, v12;
	[tilespmem:s31+$0x10] =	vst v18;
	v18 =	vld [tilespmem:s0+$0x60]  }
0x230: {  	v14 =	vmul.f32 v14, v16;
	[tilespmem:s31+$0x20] =	vst v13;
	v13 =	vld [tilespmem:s0+$0x70]  }
0x231: {  	v17 =	vld.idx.msk [tilespmem:v17+s25+$0x0], $0xffff;
	[tilespmem:s31+$0x30] =	vst v19  }
0x232: {  	v11 =	vld [tilespmem:s0+$0xFFFFFFA0];
	v12 =	vnsel vm0, $0x0, v12;
	v19 =	vmul.f32 v21, v20;
	[tilespmem:s0+$0xFFFFFF90] =	vst v14  }
0x233: {  	v21 =	vmul.f32 v22, v20;
	[tilespmem:s26+$0x0] =	vst v12;
	v12 =	vld [tilespmem:s0+$0xFFFFFF80]  }
0x234: {  	[tilespmem:s0+$0x40] =	vst v19;
	v19 =	vld [tilespmem:s0+$0xFFFFFFC0];
	v18 =	vmul.f32 v18, v20  }
0x235: {  	[tilespmem:s0+$0x50] =	vst v21;
	v21 =	vld [tilespmem:s0+$0xFFFFFFD0];
	v13 =	vmul.f32 v13, v20  }
0x236: {  	[tilespmem:s0+$0x60] =	vst v18;
	v18 =	vld [tilespmem:s0+$0xFFFFFFE0]  }
0x237: {  	s3 =	sadd.s32 $0x40, s26;
	v11 =	vmul.f32 v11, v16;
	[tilespmem:s0+$0x70] =	vst v13;
	v13 =	vnsel vm0, $0x0, v20;
	v20 =	vld [tilespmem:s0+$0xFFFFFFF0]  }
0x238: {  	v12 =	vmul.f32 v12, v16;
	[tilespmem:s3+$0x10] =	vst v13;
	v13 =	vld.idx.msk [tilespmem:v15+s25+$0x0], $0xffff  }
0x239: {  	[tilespmem:s0+$0xFFFFFFA0] =	vst v11;
	v14 =	vmul.f32 v19, v17;
	v15 =	vld [tilespmem:s0+$0x10]  }
0x23a: {  	v11 =	vmul.f32 v21, v17;
	[tilespmem:s0+$0xFFFFFF80] =	vst v12;
	v12 =	vld [tilespmem:s0+$0x0]  }
0x23b: {  	v19 =	vld [tilespmem:s0+$0x20];
	[tilespmem:s0+$0xFFFFFFC0] =	vst v14;
	v14 =	vmul.f32 v18, v17  }
0x23c: {  	[tilespmem:s0+$0xFFFFFFD0] =	vst v11;
	v18 =	vld [tilespmem:s0+$0x30];
	v11 =	vmul.f32 v20, v17  }
0x23d: {  	[tilespmem:s0+$0xFFFFFFE0] =	vst v14  }
0x23e: {  	v14 =	vld [tilespmem:s0+$0xFFFFFFB0];
	v15 =	vmul.f32 v15, v13;
	[tilespmem:s0+$0xFFFFFFF0] =	vst v11;
	v11 =	vnsel vm0, $0x0, v17  }
0x23f: {  	v12 =	vmul.f32 v12, v13;
	[tilespmem:s3+$0xFFFFFFF0] =	vst v11  }
0x240: {  	v11 =	vmul.f32 v19, v13;
	[tilespmem:s0+$0x10] =	vst v15  }
0x241: {  	[tilespmem:s0+$0x0] =	vst v12;
	v12 =	vmul.f32 v18, v13  }
0x242: {  	[tilespmem:s0+$0x20] =	vst v11  }
0x243: {  	v11 =	vmul.f32 v14, v16;
	[tilespmem:s0+$0x30] =	vst v12;
	v12 =	vnsel vm0, $0x0, v13  }
0x244: {  	[tilespmem:s3+$0x0] =	vst v12  }
0x245: {  	[tilespmem:s0+$0xFFFFFFB0] =	vst v11;
	v11 =	vnsel vm0, $0x0, v16  }
0x246: {  	s14 =	simm.s32 $0x380;
	[tilespmem:s3+$0xFFFFFFE0] =	vst v11  }
0x247: {  	[spmem:s4] =	stream.indirect.scatter.add.f32 [tilespmem:s16], [sflag:$0x4], $0x40, s14, s15, $0xb8;
	[tilespmem:$0x12C00] =	vst v63  }
0x248: {  	_ =	swait.ge [sflag:s10], $0x2000  }
0x249: {  	[sflag:s10] =	ssyncset.done $0x0  }
0x24a: {  	[sflag:s10] =	ssyncadd.s32 $0xFFFFE000  }
0x24b: {  	[spmem:s5] =	stream.indirect.scatter.add.f32 [tilespmem:s11], [sflag:$0x4], $0x10, s14, s15, $0xb8;
	[tilespmem:$0x12C00] =	vst v63  }
0x24c: {  	_ =	swait.ge [sflag:s10], $0x800  }
0x24d: {  	[sflag:s10] =	ssyncset.done $0x0  }
0x24e: {  	s26 =	simm.s32 $0x180;
	[sflag:s10] =	ssyncadd.s32 $0xFFFFF800  }
0x24f: {  	[tilespmem:s16], [sflag:$0x2] =	stream.indirect.gather [hbm4b:s18+s15], $0x40, s26, s15, $0xb8;
	[tilespmem:$0x12C00] =	vst v63  }
0x250: {  	s28 =	simm.s32 $0x100  }
0x251: {  	[tilespmem:s17], [sflag:$0x3] =	stream.indirect.gather [hbm4b:s1+s15], $0x10, s28, s15, $0xb8;
	[tilespmem:$0x12C00] =	vst v63  }
0x252: {  	_ = 	snop  }
0x253: {  	[tilespmem:s7], [sflag:$0x3] =	stream.indirect.gather [hbm4b:s21+s15], $0x10, s30, s15, $0xb8;
	[tilespmem:$0x12C00] =	vst v63  }
0x254: {  	_ =	swait.ge [sflag:s23], $0x2000  }
0x255: {  	[sflag:s23] =	ssyncset.done $0x0  }
0x256: {  	s3 =	simm.s32 $0x700;
	[sflag:s23] =	ssyncadd.s32 $0xFFFFE000  }
0x257: {  	[hbm4b:s2+s15] =	stream.indirect.scatter [tilespmem:s9], [sflag:$0x4], $0x40, s3, s15, $0xb8;
	[tilespmem:$0x12C00] =	vst v63  }
0x258: {  	_ =	swait.ge [sflag:s10], $0x2000  }
0x259: {  	[sflag:s10] =	ssyncset.done $0x0  }
0x25a: {  	[sflag:s10] =	ssyncadd.s32 $0xFFFFE000  }
0x25b: {  	_ =	swait.ge [sflag:s24], $0x800  }
0x25c: {  	[sflag:s24] =	ssyncset.done $0x0  }
0x25d: {  	[sflag:s24] =	ssyncadd.s32 $0xFFFFF800  }
0x25e: {  	_ =	swait.ge [sflag:s24], $0x800  }
0x25f: {  	[sflag:s24] =	ssyncset.done $0x0  }
0x260: {  	[sflag:s24] =	ssyncadd.s32 $0xFFFFF800  }
0x261: {  	v11 =	vld.idx.msk [tilespmem:v1+s7+$0x0], $0xffff  }
0x262: {  	v12 =	vld.idx.msk [tilespmem:v1+s17+$0x0], $0xffff;
	_ =	sdelay $0x4  }
0x263: {  	v11 =	vadd.f32 v12, v11;
	_ =	sdelay $0x1  }
0x264: {  	v12 =	vmul.f32 $9.999999770e-03, v11  }
0x265: {  	vm1 =	vge.f32 v11, $0.0e+00  }
0x266: {  	v11 =	vsel vm1, v11, v12  }
0x267: {  	v11 =	vmul.f32 $1.442695020e+00, v11;
	_ =	sdelay $0x1  }
0x268: {  	(erf) = vpow2.f32 v11;
	_ =	sdelay $0x8  }
0x269: {  	v11 =	vpop (erf)  }
0x26a: {  	[tilespmem:$0xA00] =	vst v11  }
0x26b: {  	v11 =	vld.idx.msk [tilespmem:v4+s7+$0x0], $0xffff  }
0x26c: {  	v12 =	vld.idx.msk [tilespmem:v4+s17+$0x0], $0xffff;
	_ =	sdelay $0x4  }
0x26d: {  	v11 =	vadd.f32 v12, v11;
	_ =	sdelay $0x1  }
0x26e: {  	v12 =	vmul.f32 $9.999999770e-03, v11  }
0x26f: {  	vm1 =	vge.f32 v11, $0.0e+00  }
0x270: {  	v11 =	vsel vm1, v11, v12  }
0x271: {  	v11 =	vmul.f32 $1.442695020e+00, v11;
	_ =	sdelay $0x1  }
0x272: {  	(erf) = vpow2.f32 v11;
	_ =	sdelay $0x8  }
0x273: {  	v11 =	vpop (erf)  }
0x274: {  	[tilespmem:$0xA10] =	vst v11  }
0x275: {  	v11 =	vld.idx.msk [tilespmem:v5+s7+$0x0], $0xffff  }
0x276: {  	v12 =	vld.idx.msk [tilespmem:v5+s17+$0x0], $0xffff;
	_ =	sdelay $0x4  }
0x277: {  	v11 =	vadd.f32 v12, v11;
	_ =	sdelay $0x1  }
0x278: {  	v12 =	vmul.f32 $9.999999770e-03, v11  }
0x279: {  	vm1 =	vge.f32 v11, $0.0e+00  }
0x27a: {  	v11 =	vsel vm1, v11, v12  }
0x27b: {  	v11 =	vmul.f32 $1.442695020e+00, v11;
	_ =	sdelay $0x1  }
0x27c: {  	(erf) = vpow2.f32 v11;
	_ =	sdelay $0x8  }
0x27d: {  	v11 =	vpop (erf)  }
0x27e: {  	[tilespmem:$0xA20] =	vst v11  }
0x27f: {  	v11 =	vld.idx.msk [tilespmem:v6+s7+$0x0], $0xffff  }
0x280: {  	v12 =	vld.idx.msk [tilespmem:v6+s17+$0x0], $0xffff;
	_ =	sdelay $0x4  }
0x281: {  	v11 =	vadd.f32 v12, v11;
	_ =	sdelay $0x1  }
0x282: {  	v12 =	vmul.f32 $9.999999770e-03, v11  }
0x283: {  	vm1 =	vge.f32 v11, $0.0e+00  }
0x284: {  	v11 =	vsel vm1, v11, v12  }
0x285: {  	v11 =	vmul.f32 $1.442695020e+00, v11;
	_ =	sdelay $0x1  }
0x286: {  	(erf) = vpow2.f32 v11;
	_ =	sdelay $0x8  }
0x287: {  	v11 =	vpop (erf)  }
0x288: {  	[tilespmem:$0xA30] =	vst v11  }
0x289: {  	v11 =	vld.idx.msk [tilespmem:v7+s7+$0x0], $0xffff  }
0x28a: {  	v12 =	vld.idx.msk [tilespmem:v7+s17+$0x0], $0xffff;
	_ =	sdelay $0x4  }
0x28b: {  	v11 =	vadd.f32 v12, v11;
	_ =	sdelay $0x1  }
0x28c: {  	v12 =	vmul.f32 $9.999999770e-03, v11  }
0x28d: {  	vm1 =	vge.f32 v11, $0.0e+00  }
0x28e: {  	v11 =	vsel vm1, v11, v12  }
0x28f: {  	v11 =	vmul.f32 $1.442695020e+00, v11;
	_ =	sdelay $0x1  }
0x290: {  	(erf) = vpow2.f32 v11;
	_ =	sdelay $0x8  }
0x291: {  	v11 =	vpop (erf)  }
0x292: {  	[tilespmem:$0xA40] =	vst v11  }
0x293: {  	v11 =	vld.idx.msk [tilespmem:v8+s7+$0x0], $0xffff  }
0x294: {  	v12 =	vld.idx.msk [tilespmem:v8+s17+$0x0], $0xffff;
	_ =	sdelay $0x4  }
0x295: {  	v11 =	vadd.f32 v12, v11;
	_ =	sdelay $0x1  }
0x296: {  	v12 =	vmul.f32 $9.999999770e-03, v11  }
0x297: {  	vm1 =	vge.f32 v11, $0.0e+00  }
0x298: {  	v11 =	vsel vm1, v11, v12  }
0x299: {  	v11 =	vmul.f32 $1.442695020e+00, v11;
	_ =	sdelay $0x1  }
0x29a: {  	(erf) = vpow2.f32 v11;
	_ =	sdelay $0x8  }
0x29b: {  	v11 =	vpop (erf)  }
0x29c: {  	[tilespmem:$0xA50] =	vst v11  }
0x29d: {  	v11 =	vld.idx.msk [tilespmem:v9+s7+$0x0], $0xffff  }
0x29e: {  	v12 =	vld.idx.msk [tilespmem:v9+s17+$0x0], $0xffff;
	_ =	sdelay $0x4  }
0x29f: {  	v11 =	vadd.f32 v12, v11;
	_ =	sdelay $0x1  }
0x2a0: {  	v12 =	vmul.f32 $9.999999770e-03, v11  }
0x2a1: {  	vm1 =	vge.f32 v11, $0.0e+00  }
0x2a2: {  	v11 =	vsel vm1, v11, v12  }
0x2a3: {  	v11 =	vmul.f32 $1.442695020e+00, v11;
	_ =	sdelay $0x1  }
0x2a4: {  	(erf) = vpow2.f32 v11;
	_ =	sdelay $0x8  }
0x2a5: {  	v11 =	vpop (erf)  }
0x2a6: {  	[tilespmem:$0xA60] =	vst v11  }
0x2a7: {  	v11 =	vld.idx.msk [tilespmem:v10+s7+$0x0], $0xffff  }
0x2a8: {  	v12 =	vld.idx.msk [tilespmem:v10+s17+$0x0], $0xffff;
	_ =	sdelay $0x4  }
0x2a9: {  	v11 =	vadd.f32 v12, v11;
	_ =	sdelay $0x1  }
0x2aa: {  	v12 =	vmul.f32 $9.999999770e-03, v11  }
0x2ab: {  	vm1 =	vge.f32 v11, $0.0e+00  }
0x2ac: {  	v11 =	vsel vm1, v11, v12  }
0x2ad: {  	v11 =	vmul.f32 $1.442695020e+00, v11;
	_ =	sdelay $0x1  }
0x2ae: {  	s28 =	simm.s32 $0x2;
	(erf) = vpow2.f32 v11  }
0x2af: {  	s14 =	simm.s32 $0x0;
	v13 =	vmov s28  }
0x2b0: {  	s26 =	simm.s32 $0x1;
	s30 =	simm.s32 $0x3;
	v13 =	vand.u32 $0x7E, v13;
	v11 =	vmov s14  }
0x2b1: {  	v14 =	vmov s30;
	v12 =	vmov s26;
	v11 =	vand.u32 $0x7C, v11  }
0x2b2: {  	v13 =	vor.u32 $0x100, v13;
	v12 =	vand.u32 $0x7D, v12;
	v11 =	vor.u32 $0x100, v11  }
0x2b3: {  	v14 =	vand.u32 $0x7F, v14;
	v12 =	vor.u32 $0x100, v12;
	v11 =	vbroadcast v11, $0x0  }
0x2b4: {  	v15 =	vbroadcast v13, $0x0;
	v13 =	vor.u32 $0x100, v14;
	v12 =	vbroadcast v12, $0x0;
	_ =	sdelay $0x1  }
0x2b5: {  	v14 =	vbroadcast v13, $0x0  }
0x2b6: {  	v13 =	vpop (erf)  }
0x2b7: {  	[tilespmem:$0xA70] =	vst v13  }
0x2b8: {  	v11 =	vld.idx.msk [tilespmem:v11+s25+$0x0], $0xffff  }
0x2b9: {  	v13 =	vld.idx.msk [tilespmem:v12+s25+$0x0], $0xffff  }
0x2ba: {  	v12 =	vld.idx.msk [tilespmem:v15+s25+$0x0], $0xffff  }
0x2bb: {  	s14 =	simm.s32 $0xC80;
	v14 =	vld.idx.msk [tilespmem:v14+s25+$0x0], $0xffff  }
0x2bc: {  	v15 =	vld [tilespmem:s14+$0x40]  }
0x2bd: {  	v16 =	vld [tilespmem:s14+$0x50]  }
0x2be: {  	v17 =	vld [tilespmem:s14+$0x60]  }
0x2bf: {  	v20 =	vld [tilespmem:s14+$0xFFFFFF80]  }
0x2c0: {  	v21 =	vld [tilespmem:s14+$0xFFFFFF90]  }
0x2c1: {  	s3 =	simm.s32 $0x4;
	v24 =	vld [tilespmem:s14+$0xFFFFFFA0]  }
0x2c2: {  	s28 =	simm.s32 $0x6;
	v19 =	vmov s3;
	v18 =	vld [tilespmem:s14+$0x70]  }
0x2c3: {  	v23 =	vmov s28;
	v19 =	vand.u32 $0x7C, v19;
	s26 =	simm.s32 $0x5;
	v15 =	vmul.f32 v15, v14  }
0x2c4: {  	v22 =	vmov s26;
	v25 =	vmul.f32 v16, v14;
	v16 =	vor.u32 $0x100, v19  }
0x2c5: {  	v19 =	vand.u32 $0x7D, v22;
	v22 =	vld [tilespmem:s14+$0xFFFFFFB0];
	v20 =	vmul.f32 v20, v11;
	v28 =	vmul.f32 v21, v11;
	[tilespmem:s14+$0x40] =	vst v15  }
0x2c6: {  	v24 =	vmul.f32 v24, v11;
	v15 =	vmul.f32 v17, v14;
	v17 =	vand.u32 $0x7E, v23;
	v23 =	vld [tilespmem:s14+$0xFFFFFFC0];
	[tilespmem:s14+$0x50] =	vst v25  }
0x2c7: {  	s30 =	simm.s32 $0x7;
	v16 =	vbroadcast v16, $0x0;
	v25 =	vmul.f32 v18, v14;
	v18 =	vld [tilespmem:s14+$0xFFFFFFD0];
	[tilespmem:s14+$0xFFFFFF80] =	vst v20  }
0x2c8: {  	v26 =	vor.u32 $0x100, v19;
	v19 =	vld [tilespmem:s14+$0xFFFFFFE0];
	v14 =	vnsel vm0, $0x0, v14;
	[tilespmem:s14+$0x60] =	vst v15;
	v15 =	vmov s30  }
0x2c9: {  	s26 =	simm.s32 $0x4C20;
	v21 =	vld [tilespmem:s14+$0xFFFFFFF0];
	v27 =	vor.u32 $0x100, v17;
	v17 =	vbroadcast v26, $0x0;
	[tilespmem:s14+$0x70] =	vst v25;
	v25 =	vand.u32 $0x7F, v15  }
0x2ca: {  	[tilespmem:s26+$0x10] =	vst v14;
	v15 =	vbroadcast v27, $0x0;
	v14 =	vmul.f32 v22, v11;
	v22 =	vld [tilespmem:s14+$0x0];
	v25 =	vor.u32 $0x100, v25  }
0x2cb: {  	s13 =	simm.s32 $0x380;
	s31 =	simm.s32 $0xC80;
	s0 =	simm.s32 $0x8;
	[tilespmem:s14+$0xFFFFFF90] =	vst v28;
	v20 =	vbroadcast v25, $0x0;
	v25 =	vmul.f32 v23, v13;
	v23 =	vld [tilespmem:s14+$0x10]  }
.LBB2_9:
0x2cc: {  	p0 =	slt.u32 s0, $0x7C;
	[tilespmem:s14+$0xFFFFFFA0] =	vst v24;
	v18 =	vmul.f32 v18, v13;
	v24 =	vld [tilespmem:s14+$0x20]  }
0x2cd: {  	[tilespmem:s14+$0xFFFFFFC0] =	vst v25;
	v19 =	vmul.f32 v19, v13;
	v25 =	vld [tilespmem:s14+$0x30]  }
0x2ce: {  	v16 =	vld.idx.msk [tilespmem:v16+s25+$0x0], $0xffff;
	[tilespmem:s14+$0xFFFFFFD0] =	vst v18;
	v18 =	vmul.f32 v21, v13  }
0x2cf: {  	v17 =	vld.idx.msk [tilespmem:v17+s25+$0x0], $0xffff;
	[tilespmem:s14+$0xFFFFFFE0] =	vst v19;
	v19 =	vmul.f32 v22, v12  }
0x2d0: {  	v13 =	vnsel vm0, $0x0, v13;
	v15 =	vld.idx.msk [tilespmem:v15+s25+$0x0], $0xffff;
	[tilespmem:s14+$0xFFFFFFF0] =	vst v18;
	v18 =	vmul.f32 v23, v12  }
0x2d1: {  	s14 =	sadd.s32 $0x100, s14;
	v20 =	vld.idx.msk [tilespmem:v20+s25+$0x0], $0xffff;
	[tilespmem:s26+$0xFFFFFFF0] =	vst v13;
	v13 =	vmul.f32 v24, v12  }
0x2d2: {  	v21 =	vld [tilespmem:s14+$0x40];
	[tilespmem:s31+$0x0] =	vst v19;
	v19 =	vmul.f32 v25, v12  }
0x2d3: {  	v22 =	vld [tilespmem:s14+$0x50];
	[tilespmem:s31+$0x10] =	vst v18  }
0x2d4: {  	v18 =	vld [tilespmem:s14+$0x60];
	[tilespmem:s31+$0x20] =	vst v13  }
0x2d5: {  	v24 =	vnsel vm0, $0x0, v12;
	v23 =	vld [tilespmem:s14+$0x70];
	[tilespmem:s31+$0x30] =	vst v19;
	v13 =	vmov v17  }
0x2d6: {  	v17 =	vmov s0;
	v12 =	vmov v15;
	v19 =	vld [tilespmem:s14+$0xFFFFFF80];
	[tilespmem:s26+$0x0] =	vst v24  }
0x2d7: {  	s3 =	sadd.s32 $0x1, s0;
	s28 =	sadd.s32 $0x2, s0;
	v15 =	vand.u32 $0x7C, v17;
	v17 =	vld [tilespmem:s14+$0xFFFFFF90];
	v21 =	vmul.f32 v21, v20;
	[tilespmem:s31+$0xFFFFFFB0] =	vst v14;
	v14 =	vnsel vm0, $0x0, v11;
	v11 =	vmovc v16;
	s31 =	smov.u32 s14  }
0x2d8: {  	v24 =	vmov s28;
	v16 =	vmov s3;
	v25 =	vld [tilespmem:s14+$0xFFFFFFA0];
	v22 =	vmul.f32 v22, v20;
	[tilespmem:s26+$0xFFFFFFE0] =	vst v14  }
0x2d9: {  	v14 =	vor.u32 $0x100, v15;
	v15 =	vand.u32 $0x7D, v16;
	v26 =	vld [tilespmem:s14+$0xFFFFFFB0];
	[tilespmem:s14+$0x40] =	vst v21;
	v21 =	vmul.f32 v18, v20  }
0x2da: {  	v16 =	vbroadcast v14, $0x0;
	v14 =	vand.u32 $0x7E, v24;
	v27 =	vld [tilespmem:s14+$0xFFFFFFC0];
	[tilespmem:s14+$0x50] =	vst v22;
	v22 =	vmul.f32 v23, v20  }
.Ltmp3:
0x2db: {  	s3 =	sadd.s32 $0x3, s0;
	v15 =	vor.u32 $0x100, v15;
	v14 =	vor.u32 $0x100, v14;
	v23 =	vmul.f32 v19, v11;
	v18 =	vld [tilespmem:s14+$0xFFFFFFD0];
	[tilespmem:s14+$0x60] =	vst v21;
	(pc) =	sbr.rel @p0 .LBB2_9-.Ltmp3, $4  }
0x2dc: {  	s26 =	sadd.s32 $0x40, s26;
	v20 =	vnsel vm0, $0x0, v20;
	v21 =	vmov s3;
	v28 =	vmul.f32 v17, v11;
	v19 =	vld [tilespmem:s14+$0xFFFFFFE0];
	[tilespmem:s14+$0x70] =	vst v22  }
0x2dd: {  	v17 =	vbroadcast v15, $0x0;
	v22 =	vand.u32 $0x7F, v21;
	v24 =	vmul.f32 v25, v11;
	v21 =	vld [tilespmem:s14+$0xFFFFFFF0];
	[tilespmem:s26+$0x10] =	vst v20  }
0x2de: {  	v15 =	vbroadcast v14, $0x0;
	v20 =	vor.u32 $0x100, v22;
	[tilespmem:s14+$0xFFFFFF80] =	vst v23;
	v14 =	vmul.f32 v26, v11;
	v22 =	vld [tilespmem:s14+$0x0]  }
0x2df: {  	s0 =	sadd.s32 $0x4, s0;
	v20 =	vbroadcast v20, $0x0;
	[tilespmem:s14+$0xFFFFFF90] =	vst v28;
	v25 =	vmul.f32 v27, v13;
	v23 =	vld [tilespmem:s14+$0x10]  }
0x2e0: {  	_ = 	snop  }
0x2e1: {  	[tilespmem:s14+$0xFFFFFFA0] =	vst v24  }
0x2e2: {  	v18 =	vmul.f32 v18, v13;
	[tilespmem:s14+$0xFFFFFFC0] =	vst v25  }
0x2e3: {  	v24 =	vld [tilespmem:s14+$0x20];
	[tilespmem:s31+$0xFFFFFFB0] =	vst v14  }
0x2e4: {  	v16 =	vld.idx.msk [tilespmem:v16+s25+$0x0], $0xffff;
	v11 =	vnsel vm0, $0x0, v11;
	v19 =	vmul.f32 v19, v13;
	[tilespmem:s14+$0xFFFFFFD0] =	vst v18  }
0x2e5: {  	s0 =	sadd.s32 $0x100, s14;
	v25 =	vld [tilespmem:s14+$0x30];
	v18 =	vmul.f32 v21, v13;
	[tilespmem:s26+$0xFFFFFFE0] =	vst v11  }
0x2e6: {  	v14 =	vld [tilespmem:s0+$0xFFFFFF90];
	[tilespmem:s14+$0xFFFFFFE0] =	vst v19  }
0x2e7: {  	v20 =	vld.idx.msk [tilespmem:v20+s25+$0x0], $0xffff;
	v13 =	vnsel vm0, $0x0, v13;
	v19 =	vmul.f32 v22, v12;
	[tilespmem:s14+$0xFFFFFFF0] =	vst v18  }
0x2e8: {  	v21 =	vld [tilespmem:s0+$0x40];
	v18 =	vmul.f32 v23, v12;
	[tilespmem:s26+$0xFFFFFFF0] =	vst v13  }
0x2e9: {  	v22 =	vld [tilespmem:s0+$0x50];
	v13 =	vmul.f32 v24, v12;
	[tilespmem:s31+$0x0] =	vst v19  }
0x2ea: {  	v19 =	vmul.f32 v25, v12;
	[tilespmem:s31+$0x10] =	vst v18;
	v18 =	vld [tilespmem:s0+$0x60]  }
0x2eb: {  	v14 =	vmul.f32 v14, v16;
	[tilespmem:s31+$0x20] =	vst v13;
	v13 =	vld [tilespmem:s0+$0x70]  }
0x2ec: {  	v17 =	vld.idx.msk [tilespmem:v17+s25+$0x0], $0xffff;
	[tilespmem:s31+$0x30] =	vst v19  }
0x2ed: {  	v11 =	vld [tilespmem:s0+$0xFFFFFFA0];
	v12 =	vnsel vm0, $0x0, v12;
	v19 =	vmul.f32 v21, v20;
	[tilespmem:s0+$0xFFFFFF90] =	vst v14  }
0x2ee: {  	v21 =	vmul.f32 v22, v20;
	[tilespmem:s26+$0x0] =	vst v12;
	v12 =	vld [tilespmem:s0+$0xFFFFFF80]  }
0x2ef: {  	[tilespmem:s0+$0x40] =	vst v19;
	v19 =	vld [tilespmem:s0+$0xFFFFFFC0];
	v18 =	vmul.f32 v18, v20  }
0x2f0: {  	[tilespmem:s0+$0x50] =	vst v21;
	v21 =	vld [tilespmem:s0+$0xFFFFFFD0];
	v13 =	vmul.f32 v13, v20  }
0x2f1: {  	[tilespmem:s0+$0x60] =	vst v18;
	v18 =	vld [tilespmem:s0+$0xFFFFFFE0]  }
0x2f2: {  	s3 =	sadd.s32 $0x40, s26;
	v11 =	vmul.f32 v11, v16;
	[tilespmem:s0+$0x70] =	vst v13;
	v13 =	vnsel vm0, $0x0, v20;
	v20 =	vld [tilespmem:s0+$0xFFFFFFF0]  }
0x2f3: {  	v12 =	vmul.f32 v12, v16;
	[tilespmem:s3+$0x10] =	vst v13;
	v13 =	vld.idx.msk [tilespmem:v15+s25+$0x0], $0xffff  }
0x2f4: {  	[tilespmem:s0+$0xFFFFFFA0] =	vst v11;
	v14 =	vmul.f32 v19, v17;
	v15 =	vld [tilespmem:s0+$0x10]  }
0x2f5: {  	v11 =	vmul.f32 v21, v17;
	[tilespmem:s0+$0xFFFFFF80] =	vst v12;
	v12 =	vld [tilespmem:s0+$0x0]  }
0x2f6: {  	v19 =	vld [tilespmem:s0+$0x20];
	[tilespmem:s0+$0xFFFFFFC0] =	vst v14;
	v14 =	vmul.f32 v18, v17  }
0x2f7: {  	[tilespmem:s0+$0xFFFFFFD0] =	vst v11;
	v18 =	vld [tilespmem:s0+$0x30];
	v11 =	vmul.f32 v20, v17  }
0x2f8: {  	[tilespmem:s0+$0xFFFFFFE0] =	vst v14  }
0x2f9: {  	v14 =	vld [tilespmem:s0+$0xFFFFFFB0];
	v15 =	vmul.f32 v15, v13;
	[tilespmem:s0+$0xFFFFFFF0] =	vst v11;
	v11 =	vnsel vm0, $0x0, v17  }
0x2fa: {  	v12 =	vmul.f32 v12, v13;
	[tilespmem:s3+$0xFFFFFFF0] =	vst v11  }
0x2fb: {  	v11 =	vmul.f32 v19, v13;
	[tilespmem:s0+$0x10] =	vst v15  }
0x2fc: {  	[tilespmem:s0+$0x0] =	vst v12;
	v12 =	vmul.f32 v18, v13  }
0x2fd: {  	[tilespmem:s0+$0x20] =	vst v11  }
0x2fe: {  	v11 =	vmul.f32 v14, v16;
	[tilespmem:s0+$0x30] =	vst v12;
	v12 =	vnsel vm0, $0x0, v13  }
0x2ff: {  	[tilespmem:s3+$0x0] =	vst v12  }
0x300: {  	[tilespmem:s0+$0xFFFFFFB0] =	vst v11;
	v11 =	vnsel vm0, $0x0, v16  }
0x301: {  	s14 =	simm.s32 $0x400;
	[tilespmem:s3+$0xFFFFFFE0] =	vst v11  }
0x302: {  	[spmem:s4] =	stream.indirect.scatter.add.f32 [tilespmem:s9], [sflag:$0x4], $0x40, s14, s15, $0xb8;
	[tilespmem:$0x12C00] =	vst v63  }
0x303: {  	_ =	swait.ge [sflag:s10], $0x2000  }
0x304: {  	[sflag:s10] =	ssyncset.done $0x0  }
0x305: {  	[sflag:s10] =	ssyncadd.s32 $0xFFFFE000  }
0x306: {  	[spmem:s5] =	stream.indirect.scatter.add.f32 [tilespmem:s11], [sflag:$0x4], $0x10, s14, s15, $0xb8;
	[tilespmem:$0x12C00] =	vst v63  }
0x307: {  	_ =	swait.ge [sflag:s10], $0x800  }
0x308: {  	[sflag:s10] =	ssyncset.done $0x0  }
0x309: {  	s26 =	simm.s32 $0x200;
	[sflag:s10] =	ssyncadd.s32 $0xFFFFF800  }
0x30a: {  	[tilespmem:s9], [sflag:$0x1] =	stream.indirect.gather [hbm4b:s18+s15], $0x40, s26, s15, $0xb8;
	[tilespmem:$0x12C00] =	vst v63  }
0x30b: {  	s28 =	simm.s32 $0x180  }
0x30c: {  	[tilespmem:s17], [sflag:$0x3] =	stream.indirect.gather [hbm4b:s1+s15], $0x10, s28, s15, $0xb8;
	[tilespmem:$0x12C00] =	vst v63  }
0x30d: {  	_ = 	snop  }
0x30e: {  	[tilespmem:s7], [sflag:$0x3] =	stream.indirect.gather [hbm4b:s21+s15], $0x10, s6, s15, $0xb8;
	[tilespmem:$0x12C00] =	vst v63  }
0x30f: {  	_ =	swait.ge [sflag:s29], $0x2000  }
0x310: {  	[sflag:s29] =	ssyncset.done $0x0  }
0x311: {  	s3 =	simm.s32 $0x780;
	[sflag:s29] =	ssyncadd.s32 $0xFFFFE000  }
0x312: {  	[hbm4b:s2+s15] =	stream.indirect.scatter [tilespmem:s16], [sflag:$0x4], $0x40, s3, s15, $0xb8;
	[tilespmem:$0x12C00] =	vst v63  }
0x313: {  	_ =	swait.ge [sflag:s10], $0x2000  }
0x314: {  	[sflag:s10] =	ssyncset.done $0x0  }
0x315: {  	[sflag:s10] =	ssyncadd.s32 $0xFFFFE000  }
0x316: {  	_ =	swait.ge [sflag:s24], $0x800  }
0x317: {  	[sflag:s24] =	ssyncset.done $0x0  }
0x318: {  	[sflag:s24] =	ssyncadd.s32 $0xFFFFF800  }
0x319: {  	_ =	swait.ge [sflag:s24], $0x800  }
0x31a: {  	[sflag:s24] =	ssyncset.done $0x0  }
0x31b: {  	[sflag:s24] =	ssyncadd.s32 $0xFFFFF800  }
0x31c: {  	v11 =	vld.idx.msk [tilespmem:v1+s7+$0x0], $0xffff  }
0x31d: {  	v12 =	vld.idx.msk [tilespmem:v1+s17+$0x0], $0xffff;
	_ =	sdelay $0x4  }
0x31e: {  	v11 =	vadd.f32 v12, v11;
	_ =	sdelay $0x1  }
0x31f: {  	v12 =	vmul.f32 $9.999999770e-03, v11  }
0x320: {  	vm1 =	vge.f32 v11, $0.0e+00  }
0x321: {  	v11 =	vsel vm1, v11, v12  }
0x322: {  	v11 =	vmul.f32 $1.442695020e+00, v11;
	_ =	sdelay $0x1  }
0x323: {  	(erf) = vpow2.f32 v11;
	_ =	sdelay $0x8  }
0x324: {  	v11 =	vpop (erf)  }
0x325: {  	[tilespmem:$0xA80] =	vst v11  }
0x326: {  	v11 =	vld.idx.msk [tilespmem:v4+s7+$0x0], $0xffff  }
0x327: {  	v12 =	vld.idx.msk [tilespmem:v4+s17+$0x0], $0xffff;
	_ =	sdelay $0x4  }
0x328: {  	v11 =	vadd.f32 v12, v11;
	_ =	sdelay $0x1  }
0x329: {  	v12 =	vmul.f32 $9.999999770e-03, v11  }
0x32a: {  	vm1 =	vge.f32 v11, $0.0e+00  }
0x32b: {  	v11 =	vsel vm1, v11, v12  }
0x32c: {  	v11 =	vmul.f32 $1.442695020e+00, v11;
	_ =	sdelay $0x1  }
0x32d: {  	(erf) = vpow2.f32 v11;
	_ =	sdelay $0x8  }
0x32e: {  	v11 =	vpop (erf)  }
0x32f: {  	[tilespmem:$0xA90] =	vst v11  }
0x330: {  	v11 =	vld.idx.msk [tilespmem:v5+s7+$0x0], $0xffff  }
0x331: {  	v12 =	vld.idx.msk [tilespmem:v5+s17+$0x0], $0xffff;
	_ =	sdelay $0x4  }
0x332: {  	v11 =	vadd.f32 v12, v11;
	_ =	sdelay $0x1  }
0x333: {  	v12 =	vmul.f32 $9.999999770e-03, v11  }
0x334: {  	vm1 =	vge.f32 v11, $0.0e+00  }
0x335: {  	v11 =	vsel vm1, v11, v12  }
0x336: {  	v11 =	vmul.f32 $1.442695020e+00, v11;
	_ =	sdelay $0x1  }
0x337: {  	(erf) = vpow2.f32 v11;
	_ =	sdelay $0x8  }
0x338: {  	v11 =	vpop (erf)  }
0x339: {  	[tilespmem:$0xAA0] =	vst v11  }
0x33a: {  	v11 =	vld.idx.msk [tilespmem:v6+s7+$0x0], $0xffff  }
0x33b: {  	v12 =	vld.idx.msk [tilespmem:v6+s17+$0x0], $0xffff;
	_ =	sdelay $0x4  }
0x33c: {  	v11 =	vadd.f32 v12, v11;
	_ =	sdelay $0x1  }
0x33d: {  	v12 =	vmul.f32 $9.999999770e-03, v11  }
0x33e: {  	vm1 =	vge.f32 v11, $0.0e+00  }
0x33f: {  	v11 =	vsel vm1, v11, v12  }
0x340: {  	v11 =	vmul.f32 $1.442695020e+00, v11;
	_ =	sdelay $0x1  }
0x341: {  	(erf) = vpow2.f32 v11;
	_ =	sdelay $0x8  }
0x342: {  	v11 =	vpop (erf)  }
0x343: {  	[tilespmem:$0xAB0] =	vst v11  }
0x344: {  	v11 =	vld.idx.msk [tilespmem:v7+s7+$0x0], $0xffff  }
0x345: {  	v12 =	vld.idx.msk [tilespmem:v7+s17+$0x0], $0xffff;
	_ =	sdelay $0x4  }
0x346: {  	v11 =	vadd.f32 v12, v11;
	_ =	sdelay $0x1  }
0x347: {  	v12 =	vmul.f32 $9.999999770e-03, v11  }
0x348: {  	vm1 =	vge.f32 v11, $0.0e+00  }
0x349: {  	v11 =	vsel vm1, v11, v12  }
0x34a: {  	v11 =	vmul.f32 $1.442695020e+00, v11;
	_ =	sdelay $0x1  }
0x34b: {  	(erf) = vpow2.f32 v11;
	_ =	sdelay $0x8  }
0x34c: {  	v11 =	vpop (erf)  }
0x34d: {  	[tilespmem:$0xAC0] =	vst v11  }
0x34e: {  	v11 =	vld.idx.msk [tilespmem:v8+s7+$0x0], $0xffff  }
0x34f: {  	v12 =	vld.idx.msk [tilespmem:v8+s17+$0x0], $0xffff;
	_ =	sdelay $0x4  }
0x350: {  	v11 =	vadd.f32 v12, v11;
	_ =	sdelay $0x1  }
0x351: {  	v12 =	vmul.f32 $9.999999770e-03, v11  }
0x352: {  	vm1 =	vge.f32 v11, $0.0e+00  }
0x353: {  	v11 =	vsel vm1, v11, v12  }
0x354: {  	v11 =	vmul.f32 $1.442695020e+00, v11;
	_ =	sdelay $0x1  }
0x355: {  	(erf) = vpow2.f32 v11;
	_ =	sdelay $0x8  }
0x356: {  	v11 =	vpop (erf)  }
0x357: {  	[tilespmem:$0xAD0] =	vst v11  }
0x358: {  	v11 =	vld.idx.msk [tilespmem:v9+s7+$0x0], $0xffff  }
0x359: {  	v12 =	vld.idx.msk [tilespmem:v9+s17+$0x0], $0xffff;
	_ =	sdelay $0x4  }
0x35a: {  	v11 =	vadd.f32 v12, v11;
	_ =	sdelay $0x1  }
0x35b: {  	v12 =	vmul.f32 $9.999999770e-03, v11  }
0x35c: {  	vm1 =	vge.f32 v11, $0.0e+00  }
0x35d: {  	v11 =	vsel vm1, v11, v12  }
0x35e: {  	v11 =	vmul.f32 $1.442695020e+00, v11;
	_ =	sdelay $0x1  }
0x35f: {  	(erf) = vpow2.f32 v11;
	_ =	sdelay $0x8  }
0x360: {  	v11 =	vpop (erf)  }
0x361: {  	[tilespmem:$0xAE0] =	vst v11  }
0x362: {  	v11 =	vld.idx.msk [tilespmem:v10+s7+$0x0], $0xffff  }
0x363: {  	v12 =	vld.idx.msk [tilespmem:v10+s17+$0x0], $0xffff;
	_ =	sdelay $0x4  }
0x364: {  	v11 =	vadd.f32 v12, v11;
	_ =	sdelay $0x1  }
0x365: {  	v12 =	vmul.f32 $9.999999770e-03, v11  }
0x366: {  	vm1 =	vge.f32 v11, $0.0e+00  }
0x367: {  	v11 =	vsel vm1, v11, v12  }
0x368: {  	v11 =	vmul.f32 $1.442695020e+00, v11;
	_ =	sdelay $0x1  }
0x369: {  	s26 =	simm.s32 $0x2;
	(erf) = vpow2.f32 v11  }
0x36a: {  	v13 =	vmov s26;
	s6 =	simm.s32 $0x0  }
0x36b: {  	s14 =	simm.s32 $0x1;
	s28 =	simm.s32 $0x3;
	v13 =	vand.u32 $0x7E, v13;
	v11 =	vmov s6  }
0x36c: {  	v14 =	vmov s28;
	v12 =	vmov s14;
	v11 =	vand.u32 $0x7C, v11  }
0x36d: {  	v13 =	vor.u32 $0x180, v13;
	v12 =	vand.u32 $0x7D, v12;
	v11 =	vor.u32 $0x180, v11  }
0x36e: {  	v14 =	vand.u32 $0x7F, v14;
	v12 =	vor.u32 $0x180, v12;
	v11 =	vbroadcast v11, $0x0  }
0x36f: {  	v15 =	vbroadcast v13, $0x0;
	v13 =	vor.u32 $0x180, v14;
	v12 =	vbroadcast v12, $0x0;
	_ =	sdelay $0x1  }
0x370: {  	v14 =	vbroadcast v13, $0x0  }
0x371: {  	v13 =	vpop (erf)  }
0x372: {  	[tilespmem:$0xAF0] =	vst v13  }
0x373: {  	v11 =	vld.idx.msk [tilespmem:v11+s25+$0x0], $0xffff  }
0x374: {  	v13 =	vld.idx.msk [tilespmem:v12+s25+$0x0], $0xffff  }
0x375: {  	v12 =	vld.idx.msk [tilespmem:v15+s25+$0x0], $0xffff  }
0x376: {  	s14 =	simm.s32 $0x2C80;
	v14 =	vld.idx.msk [tilespmem:v14+s25+$0x0], $0xffff  }
0x377: {  	v15 =	vld [tilespmem:s14+$0x40]  }
0x378: {  	v16 =	vld [tilespmem:s14+$0x50]  }
0x379: {  	v17 =	vld [tilespmem:s14+$0x60]  }
0x37a: {  	v20 =	vld [tilespmem:s14+$0xFFFFFF80]  }
0x37b: {  	v21 =	vld [tilespmem:s14+$0xFFFFFF90]  }
0x37c: {  	s3 =	simm.s32 $0x4;
	v24 =	vld [tilespmem:s14+$0xFFFFFFA0]  }
0x37d: {  	s26 =	simm.s32 $0x6;
	v19 =	vmov s3;
	v18 =	vld [tilespmem:s14+$0x70]  }
0x37e: {  	v23 =	vmov s26;
	v19 =	vand.u32 $0x7C, v19;
	s6 =	simm.s32 $0x5;
	v15 =	vmul.f32 v15, v14  }
0x37f: {  	v22 =	vmov s6;
	v25 =	vmul.f32 v16, v14;
	v16 =	vor.u32 $0x180, v19  }
0x380: {  	v19 =	vand.u32 $0x7D, v22;
	v22 =	vld [tilespmem:s14+$0xFFFFFFB0];
	v20 =	vmul.f32 v20, v11;
	v28 =	vmul.f32 v21, v11;
	[tilespmem:s14+$0x40] =	vst v15  }
0x381: {  	v24 =	vmul.f32 v24, v11;
	v15 =	vmul.f32 v17, v14;
	v17 =	vand.u32 $0x7E, v23;
	v23 =	vld [tilespmem:s14+$0xFFFFFFC0];
	[tilespmem:s14+$0x50] =	vst v25  }
0x382: {  	s28 =	simm.s32 $0x7;
	v16 =	vbroadcast v16, $0x0;
	v25 =	vmul.f32 v18, v14;
	v18 =	vld [tilespmem:s14+$0xFFFFFFD0];
	[tilespmem:s14+$0xFFFFFF80] =	vst v20  }
0x383: {  	v26 =	vor.u32 $0x180, v19;
	v19 =	vld [tilespmem:s14+$0xFFFFFFE0];
	v14 =	vnsel vm0, $0x0, v14;
	[tilespmem:s14+$0x60] =	vst v15;
	v15 =	vmov s28  }
0x384: {  	s26 =	simm.s32 $0x4C20;
	v21 =	vld [tilespmem:s14+$0xFFFFFFF0];
	v27 =	vor.u32 $0x180, v17;
	v17 =	vbroadcast v26, $0x0;
	[tilespmem:s14+$0x70] =	vst v25;
	v25 =	vand.u32 $0x7F, v15  }
0x385: {  	[tilespmem:s26+$0x10] =	vst v14;
	v15 =	vbroadcast v27, $0x0;
	v14 =	vmul.f32 v22, v11;
	v22 =	vld [tilespmem:s14+$0x0];
	v25 =	vor.u32 $0x180, v25  }
0x386: {  	s30 =	simm.s32 $0x400;
	s31 =	simm.s32 $0x2C80;
	s0 =	simm.s32 $0x8;
	[tilespmem:s14+$0xFFFFFF90] =	vst v28;
	v20 =	vbroadcast v25, $0x0;
	v25 =	vmul.f32 v23, v13;
	v23 =	vld [tilespmem:s14+$0x10]  }
.LBB2_11:
0x387: {  	p0 =	slt.u32 s0, $0x7C;
	[tilespmem:s14+$0xFFFFFFA0] =	vst v24;
	v18 =	vmul.f32 v18, v13;
	v24 =	vld [tilespmem:s14+$0x20]  }
0x388: {  	[tilespmem:s14+$0xFFFFFFC0] =	vst v25;
	v19 =	vmul.f32 v19, v13;
	v25 =	vld [tilespmem:s14+$0x30]  }
0x389: {  	v16 =	vld.idx.msk [tilespmem:v16+s25+$0x0], $0xffff;
	[tilespmem:s14+$0xFFFFFFD0] =	vst v18;
	v18 =	vmul.f32 v21, v13  }
0x38a: {  	v17 =	vld.idx.msk [tilespmem:v17+s25+$0x0], $0xffff;
	[tilespmem:s14+$0xFFFFFFE0] =	vst v19;
	v19 =	vmul.f32 v22, v12  }
0x38b: {  	v13 =	vnsel vm0, $0x0, v13;
	v15 =	vld.idx.msk [tilespmem:v15+s25+$0x0], $0xffff;
	[tilespmem:s14+$0xFFFFFFF0] =	vst v18;
	v18 =	vmul.f32 v23, v12  }
0x38c: {  	s14 =	sadd.s32 $0x100, s14;
	v20 =	vld.idx.msk [tilespmem:v20+s25+$0x0], $0xffff;
	[tilespmem:s26+$0xFFFFFFF0] =	vst v13;
	v13 =	vmul.f32 v24, v12  }
0x38d: {  	v21 =	vld [tilespmem:s14+$0x40];
	[tilespmem:s31+$0x0] =	vst v19;
	v19 =	vmul.f32 v25, v12  }
0x38e: {  	v22 =	vld [tilespmem:s14+$0x50];
	[tilespmem:s31+$0x10] =	vst v18  }
0x38f: {  	v18 =	vld [tilespmem:s14+$0x60];
	[tilespmem:s31+$0x20] =	vst v13  }
0x390: {  	v24 =	vnsel vm0, $0x0, v12;
	v23 =	vld [tilespmem:s14+$0x70];
	[tilespmem:s31+$0x30] =	vst v19;
	v13 =	vmov v17  }
0x391: {  	v17 =	vmov s0;
	v12 =	vmov v15;
	v19 =	vld [tilespmem:s14+$0xFFFFFF80];
	[tilespmem:s26+$0x0] =	vst v24  }
0x392: {  	s3 =	sadd.s32 $0x1, s0;
	s28 =	sadd.s32 $0x2, s0;
	v15 =	vand.u32 $0x7C, v17;
	v17 =	vld [tilespmem:s14+$0xFFFFFF90];
	v21 =	vmul.f32 v21, v20;
	[tilespmem:s31+$0xFFFFFFB0] =	vst v14;
	v14 =	vnsel vm0, $0x0, v11;
	v11 =	vmovc v16;
	s31 =	smov.u32 s14  }
0x393: {  	v24 =	vmov s28;
	v16 =	vmov s3;
	v25 =	vld [tilespmem:s14+$0xFFFFFFA0];
	v22 =	vmul.f32 v22, v20;
	[tilespmem:s26+$0xFFFFFFE0] =	vst v14  }
0x394: {  	v14 =	vor.u32 $0x180, v15;
	v15 =	vand.u32 $0x7D, v16;
	v26 =	vld [tilespmem:s14+$0xFFFFFFB0];
	[tilespmem:s14+$0x40] =	vst v21;
	v21 =	vmul.f32 v18, v20  }
0x395: {  	v16 =	vbroadcast v14, $0x0;
	v14 =	vand.u32 $0x7E, v24;
	v27 =	vld [tilespmem:s14+$0xFFFFFFC0];
	[tilespmem:s14+$0x50] =	vst v22;
	v22 =	vmul.f32 v23, v20  }
.Ltmp4:
0x396: {  	s3 =	sadd.s32 $0x3, s0;
	v15 =	vor.u32 $0x180, v15;
	v14 =	vor.u32 $0x180, v14;
	v23 =	vmul.f32 v19, v11;
	v18 =	vld [tilespmem:s14+$0xFFFFFFD0];
	[tilespmem:s14+$0x60] =	vst v21;
	(pc) =	sbr.rel @p0 .LBB2_11-.Ltmp4, $4  }
0x397: {  	s26 =	sadd.s32 $0x40, s26;
	v20 =	vnsel vm0, $0x0, v20;
	v21 =	vmov s3;
	v28 =	vmul.f32 v17, v11;
	v19 =	vld [tilespmem:s14+$0xFFFFFFE0];
	[tilespmem:s14+$0x70] =	vst v22  }
0x398: {  	v17 =	vbroadcast v15, $0x0;
	v22 =	vand.u32 $0x7F, v21;
	v24 =	vmul.f32 v25, v11;
	v21 =	vld [tilespmem:s14+$0xFFFFFFF0];
	[tilespmem:s26+$0x10] =	vst v20  }
0x399: {  	v15 =	vbroadcast v14, $0x0;
	v20 =	vor.u32 $0x180, v22;
	[tilespmem:s14+$0xFFFFFF80] =	vst v23;
	v14 =	vmul.f32 v26, v11;
	v22 =	vld [tilespmem:s14+$0x0]  }
0x39a: {  	s0 =	sadd.s32 $0x4, s0;
	v20 =	vbroadcast v20, $0x0;
	[tilespmem:s14+$0xFFFFFF90] =	vst v28;
	v25 =	vmul.f32 v27, v13;
	v23 =	vld [tilespmem:s14+$0x10]  }
0x39b: {  	_ = 	snop  }
0x39c: {  	[tilespmem:s14+$0xFFFFFFA0] =	vst v24  }
0x39d: {  	v18 =	vmul.f32 v18, v13;
	[tilespmem:s14+$0xFFFFFFC0] =	vst v25  }
0x39e: {  	v24 =	vld [tilespmem:s14+$0x20];
	[tilespmem:s31+$0xFFFFFFB0] =	vst v14  }
0x39f: {  	v16 =	vld.idx.msk [tilespmem:v16+s25+$0x0], $0xffff;
	v11 =	vnsel vm0, $0x0, v11;
	v19 =	vmul.f32 v19, v13;
	[tilespmem:s14+$0xFFFFFFD0] =	vst v18  }
0x3a0: {  	s0 =	sadd.s32 $0x100, s14;
	v25 =	vld [tilespmem:s14+$0x30];
	v18 =	vmul.f32 v21, v13;
	[tilespmem:s26+$0xFFFFFFE0] =	vst v11  }
0x3a1: {  	v14 =	vld [tilespmem:s0+$0xFFFFFF90];
	[tilespmem:s14+$0xFFFFFFE0] =	vst v19  }
0x3a2: {  	v20 =	vld.idx.msk [tilespmem:v20+s25+$0x0], $0xffff;
	v13 =	vnsel vm0, $0x0, v13;
	v19 =	vmul.f32 v22, v12;
	[tilespmem:s14+$0xFFFFFFF0] =	vst v18  }
0x3a3: {  	v21 =	vld [tilespmem:s0+$0x40];
	v18 =	vmul.f32 v23, v12;
	[tilespmem:s26+$0xFFFFFFF0] =	vst v13  }
0x3a4: {  	v22 =	vld [tilespmem:s0+$0x50];
	v13 =	vmul.f32 v24, v12;
	[tilespmem:s31+$0x0] =	vst v19  }
0x3a5: {  	v19 =	vmul.f32 v25, v12;
	[tilespmem:s31+$0x10] =	vst v18;
	v18 =	vld [tilespmem:s0+$0x60]  }
0x3a6: {  	v14 =	vmul.f32 v14, v16;
	[tilespmem:s31+$0x20] =	vst v13;
	v13 =	vld [tilespmem:s0+$0x70]  }
0x3a7: {  	v17 =	vld.idx.msk [tilespmem:v17+s25+$0x0], $0xffff;
	[tilespmem:s31+$0x30] =	vst v19  }
0x3a8: {  	v11 =	vld [tilespmem:s0+$0xFFFFFFA0];
	v12 =	vnsel vm0, $0x0, v12;
	v19 =	vmul.f32 v21, v20;
	[tilespmem:s0+$0xFFFFFF90] =	vst v14  }
0x3a9: {  	v21 =	vmul.f32 v22, v20;
	[tilespmem:s26+$0x0] =	vst v12;
	v12 =	vld [tilespmem:s0+$0xFFFFFF80]  }
0x3aa: {  	[tilespmem:s0+$0x40] =	vst v19;
	v19 =	vld [tilespmem:s0+$0xFFFFFFC0];
	v18 =	vmul.f32 v18, v20  }
0x3ab: {  	[tilespmem:s0+$0x50] =	vst v21;
	v21 =	vld [tilespmem:s0+$0xFFFFFFD0];
	v13 =	vmul.f32 v13, v20  }
0x3ac: {  	[tilespmem:s0+$0x60] =	vst v18;
	v18 =	vld [tilespmem:s0+$0xFFFFFFE0]  }
0x3ad: {  	s3 =	sadd.s32 $0x40, s26;
	v11 =	vmul.f32 v11, v16;
	[tilespmem:s0+$0x70] =	vst v13;
	v13 =	vnsel vm0, $0x0, v20;
	v20 =	vld [tilespmem:s0+$0xFFFFFFF0]  }
0x3ae: {  	v12 =	vmul.f32 v12, v16;
	[tilespmem:s3+$0x10] =	vst v13;
	v13 =	vld.idx.msk [tilespmem:v15+s25+$0x0], $0xffff  }
0x3af: {  	[tilespmem:s0+$0xFFFFFFA0] =	vst v11;
	v14 =	vmul.f32 v19, v17;
	v15 =	vld [tilespmem:s0+$0x10]  }
0x3b0: {  	v11 =	vmul.f32 v21, v17;
	[tilespmem:s0+$0xFFFFFF80] =	vst v12;
	v12 =	vld [tilespmem:s0+$0x0]  }
0x3b1: {  	v19 =	vld [tilespmem:s0+$0x20];
	[tilespmem:s0+$0xFFFFFFC0] =	vst v14;
	v14 =	vmul.f32 v18, v17  }
0x3b2: {  	[tilespmem:s0+$0xFFFFFFD0] =	vst v11;
	v18 =	vld [tilespmem:s0+$0x30];
	v11 =	vmul.f32 v20, v17  }
0x3b3: {  	[tilespmem:s0+$0xFFFFFFE0] =	vst v14  }
0x3b4: {  	v14 =	vld [tilespmem:s0+$0xFFFFFFB0];
	v15 =	vmul.f32 v15, v13;
	[tilespmem:s0+$0xFFFFFFF0] =	vst v11;
	v11 =	vnsel vm0, $0x0, v17  }
0x3b5: {  	v12 =	vmul.f32 v12, v13;
	[tilespmem:s3+$0xFFFFFFF0] =	vst v11  }
0x3b6: {  	v11 =	vmul.f32 v19, v13;
	[tilespmem:s0+$0x10] =	vst v15  }
0x3b7: {  	[tilespmem:s0+$0x0] =	vst v12;
	v12 =	vmul.f32 v18, v13  }
0x3b8: {  	[tilespmem:s0+$0x20] =	vst v11  }
0x3b9: {  	v11 =	vmul.f32 v14, v16;
	[tilespmem:s0+$0x30] =	vst v12;
	v12 =	vnsel vm0, $0x0, v13  }
0x3ba: {  	[tilespmem:s3+$0x0] =	vst v12  }
0x3bb: {  	[tilespmem:s0+$0xFFFFFFB0] =	vst v11;
	v11 =	vnsel vm0, $0x0, v16  }
0x3bc: {  	s14 =	simm.s32 $0x480;
	[tilespmem:s3+$0xFFFFFFE0] =	vst v11  }
0x3bd: {  	[spmem:s4] =	stream.indirect.scatter.add.f32 [tilespmem:s16], [sflag:$0x4], $0x40, s14, s15, $0xb8;
	[tilespmem:$0x12C00] =	vst v63  }
0x3be: {  	_ =	swait.ge [sflag:s10], $0x2000  }
0x3bf: {  	[sflag:s10] =	ssyncset.done $0x0  }
0x3c0: {  	[sflag:s10] =	ssyncadd.s32 $0xFFFFE000  }
0x3c1: {  	[spmem:s5] =	stream.indirect.scatter.add.f32 [tilespmem:s11], [sflag:$0x4], $0x10, s14, s15, $0xb8;
	[tilespmem:$0x12C00] =	vst v63  }
0x3c2: {  	_ =	swait.ge [sflag:s10], $0x800  }
0x3c3: {  	[sflag:s10] =	ssyncset.done $0x0  }
0x3c4: {  	s26 =	simm.s32 $0x280;
	[sflag:s10] =	ssyncadd.s32 $0xFFFFF800  }
0x3c5: {  	[tilespmem:s16], [sflag:$0x2] =	stream.indirect.gather [hbm4b:s18+s15], $0x40, s26, s15, $0xb8;
	[tilespmem:$0x12C00] =	vst v63  }
0x3c6: {  	s28 =	simm.s32 $0x200  }
0x3c7: {  	[tilespmem:s17], [sflag:$0x3] =	stream.indirect.gather [hbm4b:s1+s15], $0x10, s28, s15, $0xb8;
	[tilespmem:$0x12C00] =	vst v63  }
0x3c8: {  	_ = 	snop  }
0x3c9: {  	[tilespmem:s7], [sflag:$0x3] =	stream.indirect.gather [hbm4b:s21+s15], $0x10, s19, s15, $0xb8;
	[tilespmem:$0x12C00] =	vst v63  }
0x3ca: {  	_ =	swait.ge [sflag:s23], $0x2000  }
0x3cb: {  	[sflag:s23] =	ssyncset.done $0x0  }
0x3cc: {  	s3 =	simm.s32 $0x800;
	[sflag:s23] =	ssyncadd.s32 $0xFFFFE000  }
0x3cd: {  	[hbm4b:s2+s15] =	stream.indirect.scatter [tilespmem:s9], [sflag:$0x4], $0x40, s3, s15, $0xb8;
	[tilespmem:$0x12C00] =	vst v63  }
0x3ce: {  	_ =	swait.ge [sflag:s10], $0x2000  }
0x3cf: {  	[sflag:s10] =	ssyncset.done $0x0  }
0x3d0: {  	[sflag:s10] =	ssyncadd.s32 $0xFFFFE000  }
0x3d1: {  	_ =	swait.ge [sflag:s24], $0x800  }
0x3d2: {  	[sflag:s24] =	ssyncset.done $0x0  }
0x3d3: {  	[sflag:s24] =	ssyncadd.s32 $0xFFFFF800  }
0x3d4: {  	_ =	swait.ge [sflag:s24], $0x800  }
0x3d5: {  	[sflag:s24] =	ssyncset.done $0x0  }
0x3d6: {  	[sflag:s24] =	ssyncadd.s32 $0xFFFFF800  }
0x3d7: {  	v11 =	vld.idx.msk [tilespmem:v1+s7+$0x0], $0xffff  }
0x3d8: {  	v12 =	vld.idx.msk [tilespmem:v1+s17+$0x0], $0xffff;
	_ =	sdelay $0x4  }
0x3d9: {  	v11 =	vadd.f32 v12, v11;
	_ =	sdelay $0x1  }
0x3da: {  	v12 =	vmul.f32 $9.999999770e-03, v11  }
0x3db: {  	vm1 =	vge.f32 v11, $0.0e+00  }
0x3dc: {  	v11 =	vsel vm1, v11, v12  }
0x3dd: {  	v11 =	vmul.f32 $1.442695020e+00, v11;
	_ =	sdelay $0x1  }
0x3de: {  	(erf) = vpow2.f32 v11;
	_ =	sdelay $0x8  }
0x3df: {  	v11 =	vpop (erf)  }
0x3e0: {  	[tilespmem:$0xB00] =	vst v11  }
0x3e1: {  	v11 =	vld.idx.msk [tilespmem:v4+s7+$0x0], $0xffff  }
0x3e2: {  	v12 =	vld.idx.msk [tilespmem:v4+s17+$0x0], $0xffff;
	_ =	sdelay $0x4  }
0x3e3: {  	v11 =	vadd.f32 v12, v11;
	_ =	sdelay $0x1  }
0x3e4: {  	v12 =	vmul.f32 $9.999999770e-03, v11  }
0x3e5: {  	vm1 =	vge.f32 v11, $0.0e+00  }
0x3e6: {  	v11 =	vsel vm1, v11, v12  }
0x3e7: {  	v11 =	vmul.f32 $1.442695020e+00, v11;
	_ =	sdelay $0x1  }
0x3e8: {  	(erf) = vpow2.f32 v11;
	_ =	sdelay $0x8  }
0x3e9: {  	v11 =	vpop (erf)  }
0x3ea: {  	[tilespmem:$0xB10] =	vst v11  }
0x3eb: {  	v11 =	vld.idx.msk [tilespmem:v5+s7+$0x0], $0xffff  }
0x3ec: {  	v12 =	vld.idx.msk [tilespmem:v5+s17+$0x0], $0xffff;
	_ =	sdelay $0x4  }
0x3ed: {  	v11 =	vadd.f32 v12, v11;
	_ =	sdelay $0x1  }
0x3ee: {  	v12 =	vmul.f32 $9.999999770e-03, v11  }
0x3ef: {  	vm1 =	vge.f32 v11, $0.0e+00  }
0x3f0: {  	v11 =	vsel vm1, v11, v12  }
0x3f1: {  	v11 =	vmul.f32 $1.442695020e+00, v11;
	_ =	sdelay $0x1  }
0x3f2: {  	(erf) = vpow2.f32 v11;
	_ =	sdelay $0x8  }
0x3f3: {  	v11 =	vpop (erf)  }
0x3f4: {  	[tilespmem:$0xB20] =	vst v11  }
0x3f5: {  	v11 =	vld.idx.msk [tilespmem:v6+s7+$0x0], $0xffff  }
0x3f6: {  	v12 =	vld.idx.msk [tilespmem:v6+s17+$0x0], $0xffff;
	_ =	sdelay $0x4  }
0x3f7: {  	v11 =	vadd.f32 v12, v11;
	_ =	sdelay $0x1  }
0x3f8: {  	v12 =	vmul.f32 $9.999999770e-03, v11  }
0x3f9: {  	vm1 =	vge.f32 v11, $0.0e+00  }
0x3fa: {  	v11 =	vsel vm1, v11, v12  }
0x3fb: {  	v11 =	vmul.f32 $1.442695020e+00, v11;
	_ =	sdelay $0x1  }
0x3fc: {  	(erf) = vpow2.f32 v11;
	_ =	sdelay $0x8  }
0x3fd: {  	v11 =	vpop (erf)  }
0x3fe: {  	[tilespmem:$0xB30] =	vst v11  }
0x3ff: {  	v11 =	vld.idx.msk [tilespmem:v7+s7+$0x0], $0xffff  }
0x400: {  	v12 =	vld.idx.msk [tilespmem:v7+s17+$0x0], $0xffff;
	_ =	sdelay $0x4  }
0x401: {  	v11 =	vadd.f32 v12, v11;
	_ =	sdelay $0x1  }
0x402: {  	v12 =	vmul.f32 $9.999999770e-03, v11  }
0x403: {  	vm1 =	vge.f32 v11, $0.0e+00  }
0x404: {  	v11 =	vsel vm1, v11, v12  }
0x405: {  	v11 =	vmul.f32 $1.442695020e+00, v11;
	_ =	sdelay $0x1  }
0x406: {  	(erf) = vpow2.f32 v11;
	_ =	sdelay $0x8  }
0x407: {  	v11 =	vpop (erf)  }
0x408: {  	[tilespmem:$0xB40] =	vst v11  }
0x409: {  	v11 =	vld.idx.msk [tilespmem:v8+s7+$0x0], $0xffff  }
0x40a: {  	v12 =	vld.idx.msk [tilespmem:v8+s17+$0x0], $0xffff;
	_ =	sdelay $0x4  }
0x40b: {  	v11 =	vadd.f32 v12, v11;
	_ =	sdelay $0x1  }
0x40c: {  	v12 =	vmul.f32 $9.999999770e-03, v11  }
0x40d: {  	vm1 =	vge.f32 v11, $0.0e+00  }
0x40e: {  	v11 =	vsel vm1, v11, v12  }
0x40f: {  	v11 =	vmul.f32 $1.442695020e+00, v11;
	_ =	sdelay $0x1  }
0x410: {  	(erf) = vpow2.f32 v11;
	_ =	sdelay $0x8  }
0x411: {  	v11 =	vpop (erf)  }
0x412: {  	[tilespmem:$0xB50] =	vst v11  }
0x413: {  	v11 =	vld.idx.msk [tilespmem:v9+s7+$0x0], $0xffff  }
0x414: {  	v12 =	vld.idx.msk [tilespmem:v9+s17+$0x0], $0xffff;
	_ =	sdelay $0x4  }
0x415: {  	v11 =	vadd.f32 v12, v11;
	_ =	sdelay $0x1  }
0x416: {  	v12 =	vmul.f32 $9.999999770e-03, v11  }
0x417: {  	vm1 =	vge.f32 v11, $0.0e+00  }
0x418: {  	v11 =	vsel vm1, v11, v12  }
0x419: {  	v11 =	vmul.f32 $1.442695020e+00, v11;
	_ =	sdelay $0x1  }
0x41a: {  	(erf) = vpow2.f32 v11;
	_ =	sdelay $0x8  }
0x41b: {  	v11 =	vpop (erf)  }
0x41c: {  	[tilespmem:$0xB60] =	vst v11  }
0x41d: {  	v11 =	vld.idx.msk [tilespmem:v10+s7+$0x0], $0xffff  }
0x41e: {  	v12 =	vld.idx.msk [tilespmem:v10+s17+$0x0], $0xffff;
	_ =	sdelay $0x4  }
0x41f: {  	v11 =	vadd.f32 v12, v11;
	_ =	sdelay $0x1  }
0x420: {  	v12 =	vmul.f32 $9.999999770e-03, v11  }
0x421: {  	vm1 =	vge.f32 v11, $0.0e+00  }
0x422: {  	v11 =	vsel vm1, v11, v12  }
0x423: {  	v11 =	vmul.f32 $1.442695020e+00, v11;
	_ =	sdelay $0x1  }
0x424: {  	s26 =	simm.s32 $0x2;
	(erf) = vpow2.f32 v11  }
0x425: {  	s14 =	simm.s32 $0x0;
	v13 =	vmov s26  }
0x426: {  	s28 =	simm.s32 $0x3;
	v13 =	vand.u32 $0x7E, v13;
	s19 =	simm.s32 $0x1;
	v11 =	vmov s14  }
0x427: {  	v14 =	vmov s28;
	v12 =	vmov s19;
	v11 =	vand.u32 $0x7C, v11  }
0x428: {  	v13 =	vor.u32 $0x200, v13;
	v12 =	vand.u32 $0x7D, v12;
	v11 =	vor.u32 $0x200, v11  }
0x429: {  	v14 =	vand.u32 $0x7F, v14;
	v12 =	vor.u32 $0x200, v12;
	v11 =	vbroadcast v11, $0x0  }
0x42a: {  	v15 =	vbroadcast v13, $0x0;
	v13 =	vor.u32 $0x200, v14;
	v12 =	vbroadcast v12, $0x0;
	_ =	sdelay $0x1  }
0x42b: {  	v14 =	vbroadcast v13, $0x0  }
0x42c: {  	v13 =	vpop (erf)  }
0x42d: {  	[tilespmem:$0xB70] =	vst v13  }
0x42e: {  	v11 =	vld.idx.msk [tilespmem:v11+s25+$0x0], $0xffff  }
0x42f: {  	v13 =	vld.idx.msk [tilespmem:v12+s25+$0x0], $0xffff  }
0x430: {  	v12 =	vld.idx.msk [tilespmem:v15+s25+$0x0], $0xffff  }
0x431: {  	s14 =	simm.s32 $0xC80;
	v14 =	vld.idx.msk [tilespmem:v14+s25+$0x0], $0xffff  }
0x432: {  	v15 =	vld [tilespmem:s14+$0x40]  }
0x433: {  	v16 =	vld [tilespmem:s14+$0x50]  }
0x434: {  	v17 =	vld [tilespmem:s14+$0x60]  }
0x435: {  	v20 =	vld [tilespmem:s14+$0xFFFFFF80]  }
0x436: {  	v21 =	vld [tilespmem:s14+$0xFFFFFF90]  }
0x437: {  	s3 =	simm.s32 $0x4;
	v24 =	vld [tilespmem:s14+$0xFFFFFFA0]  }
0x438: {  	s26 =	simm.s32 $0x6;
	v19 =	vmov s3;
	v18 =	vld [tilespmem:s14+$0x70]  }
0x439: {  	v23 =	vmov s26;
	v19 =	vand.u32 $0x7C, v19;
	s19 =	simm.s32 $0x5;
	v15 =	vmul.f32 v15, v14  }
0x43a: {  	v22 =	vmov s19;
	v25 =	vmul.f32 v16, v14;
	v16 =	vor.u32 $0x200, v19  }
0x43b: {  	v19 =	vand.u32 $0x7D, v22;
	v22 =	vld [tilespmem:s14+$0xFFFFFFB0];
	v20 =	vmul.f32 v20, v11;
	v28 =	vmul.f32 v21, v11;
	[tilespmem:s14+$0x40] =	vst v15  }
0x43c: {  	v24 =	vmul.f32 v24, v11;
	v15 =	vmul.f32 v17, v14;
	v17 =	vand.u32 $0x7E, v23;
	v23 =	vld [tilespmem:s14+$0xFFFFFFC0];
	[tilespmem:s14+$0x50] =	vst v25  }
0x43d: {  	s28 =	simm.s32 $0x7;
	v16 =	vbroadcast v16, $0x0;
	v25 =	vmul.f32 v18, v14;
	v18 =	vld [tilespmem:s14+$0xFFFFFFD0];
	[tilespmem:s14+$0xFFFFFF80] =	vst v20  }
0x43e: {  	v26 =	vor.u32 $0x200, v19;
	v19 =	vld [tilespmem:s14+$0xFFFFFFE0];
	v14 =	vnsel vm0, $0x0, v14;
	[tilespmem:s14+$0x60] =	vst v15;
	v15 =	vmov s28  }
0x43f: {  	s26 =	simm.s32 $0x4C20;
	v21 =	vld [tilespmem:s14+$0xFFFFFFF0];
	v27 =	vor.u32 $0x200, v17;
	v17 =	vbroadcast v26, $0x0;
	[tilespmem:s14+$0x70] =	vst v25;
	v25 =	vand.u32 $0x7F, v15  }
0x440: {  	[tilespmem:s26+$0x10] =	vst v14;
	v15 =	vbroadcast v27, $0x0;
	v14 =	vmul.f32 v22, v11;
	v22 =	vld [tilespmem:s14+$0x0];
	v25 =	vor.u32 $0x200, v25  }
0x441: {  	s6 =	simm.s32 $0x480;
	s31 =	simm.s32 $0xC80;
	s0 =	simm.s32 $0x8;
	[tilespmem:s14+$0xFFFFFF90] =	vst v28;
	v20 =	vbroadcast v25, $0x0;
	v25 =	vmul.f32 v23, v13;
	v23 =	vld [tilespmem:s14+$0x10]  }
.LBB2_13:
0x442: {  	p0 =	slt.u32 s0, $0x7C;
	[tilespmem:s14+$0xFFFFFFA0] =	vst v24;
	v18 =	vmul.f32 v18, v13;
	v24 =	vld [tilespmem:s14+$0x20]  }
0x443: {  	[tilespmem:s14+$0xFFFFFFC0] =	vst v25;
	v19 =	vmul.f32 v19, v13;
	v25 =	vld [tilespmem:s14+$0x30]  }
0x444: {  	v16 =	vld.idx.msk [tilespmem:v16+s25+$0x0], $0xffff;
	[tilespmem:s14+$0xFFFFFFD0] =	vst v18;
	v18 =	vmul.f32 v21, v13  }
0x445: {  	v17 =	vld.idx.msk [tilespmem:v17+s25+$0x0], $0xffff;
	[tilespmem:s14+$0xFFFFFFE0] =	vst v19;
	v19 =	vmul.f32 v22, v12  }
0x446: {  	v13 =	vnsel vm0, $0x0, v13;
	v15 =	vld.idx.msk [tilespmem:v15+s25+$0x0], $0xffff;
	[tilespmem:s14+$0xFFFFFFF0] =	vst v18;
	v18 =	vmul.f32 v23, v12  }
0x447: {  	s14 =	sadd.s32 $0x100, s14;
	v20 =	vld.idx.msk [tilespmem:v20+s25+$0x0], $0xffff;
	[tilespmem:s26+$0xFFFFFFF0] =	vst v13;
	v13 =	vmul.f32 v24, v12  }
0x448: {  	v21 =	vld [tilespmem:s14+$0x40];
	[tilespmem:s31+$0x0] =	vst v19;
	v19 =	vmul.f32 v25, v12  }
0x449: {  	v22 =	vld [tilespmem:s14+$0x50];
	[tilespmem:s31+$0x10] =	vst v18  }
0x44a: {  	v18 =	vld [tilespmem:s14+$0x60];
	[tilespmem:s31+$0x20] =	vst v13  }
0x44b: {  	v24 =	vnsel vm0, $0x0, v12;
	v23 =	vld [tilespmem:s14+$0x70];
	[tilespmem:s31+$0x30] =	vst v19;
	v13 =	vmov v17  }
0x44c: {  	v17 =	vmov s0;
	v12 =	vmov v15;
	v19 =	vld [tilespmem:s14+$0xFFFFFF80];
	[tilespmem:s26+$0x0] =	vst v24  }
0x44d: {  	s3 =	sadd.s32 $0x1, s0;
	s28 =	sadd.s32 $0x2, s0;
	v15 =	vand.u32 $0x7C, v17;
	v17 =	vld [tilespmem:s14+$0xFFFFFF90];
	v21 =	vmul.f32 v21, v20;
	[tilespmem:s31+$0xFFFFFFB0] =	vst v14;
	v14 =	vnsel vm0, $0x0, v11;
	v11 =	vmovc v16;
	s31 =	smov.u32 s14  }
0x44e: {  	v24 =	vmov s28;
	v16 =	vmov s3;
	v25 =	vld [tilespmem:s14+$0xFFFFFFA0];
	v22 =	vmul.f32 v22, v20;
	[tilespmem:s26+$0xFFFFFFE0] =	vst v14  }
0x44f: {  	v14 =	vor.u32 $0x200, v15;
	v15 =	vand.u32 $0x7D, v16;
	v26 =	vld [tilespmem:s14+$0xFFFFFFB0];
	[tilespmem:s14+$0x40] =	vst v21;
	v21 =	vmul.f32 v18, v20  }
0x450: {  	v16 =	vbroadcast v14, $0x0;
	v14 =	vand.u32 $0x7E, v24;
	v27 =	vld [tilespmem:s14+$0xFFFFFFC0];
	[tilespmem:s14+$0x50] =	vst v22;
	v22 =	vmul.f32 v23, v20  }
.Ltmp5:
0x451: {  	s3 =	sadd.s32 $0x3, s0;
	v15 =	vor.u32 $0x200, v15;
	v14 =	vor.u32 $0x200, v14;
	v23 =	vmul.f32 v19, v11;
	v18 =	vld [tilespmem:s14+$0xFFFFFFD0];
	[tilespmem:s14+$0x60] =	vst v21;
	(pc) =	sbr.rel @p0 .LBB2_13-.Ltmp5, $4  }
0x452: {  	s26 =	sadd.s32 $0x40, s26;
	v20 =	vnsel vm0, $0x0, v20;
	v21 =	vmov s3;
	v28 =	vmul.f32 v17, v11;
	v19 =	vld [tilespmem:s14+$0xFFFFFFE0];
	[tilespmem:s14+$0x70] =	vst v22  }
0x453: {  	v17 =	vbroadcast v15, $0x0;
	v22 =	vand.u32 $0x7F, v21;
	v24 =	vmul.f32 v25, v11;
	v21 =	vld [tilespmem:s14+$0xFFFFFFF0];
	[tilespmem:s26+$0x10] =	vst v20  }
0x454: {  	v15 =	vbroadcast v14, $0x0;
	v20 =	vor.u32 $0x200, v22;
	[tilespmem:s14+$0xFFFFFF80] =	vst v23;
	v14 =	vmul.f32 v26, v11;
	v22 =	vld [tilespmem:s14+$0x0]  }
0x455: {  	s0 =	sadd.s32 $0x4, s0;
	v20 =	vbroadcast v20, $0x0;
	[tilespmem:s14+$0xFFFFFF90] =	vst v28;
	v25 =	vmul.f32 v27, v13;
	v23 =	vld [tilespmem:s14+$0x10]  }
0x456: {  	_ = 	snop  }
0x457: {  	[tilespmem:s14+$0xFFFFFFA0] =	vst v24  }
0x458: {  	v18 =	vmul.f32 v18, v13;
	[tilespmem:s14+$0xFFFFFFC0] =	vst v25  }
0x459: {  	v24 =	vld [tilespmem:s14+$0x20];
	[tilespmem:s31+$0xFFFFFFB0] =	vst v14  }
0x45a: {  	v16 =	vld.idx.msk [tilespmem:v16+s25+$0x0], $0xffff;
	v11 =	vnsel vm0, $0x0, v11;
	v19 =	vmul.f32 v19, v13;
	[tilespmem:s14+$0xFFFFFFD0] =	vst v18  }
0x45b: {  	s0 =	sadd.s32 $0x100, s14;
	v25 =	vld [tilespmem:s14+$0x30];
	v18 =	vmul.f32 v21, v13;
	[tilespmem:s26+$0xFFFFFFE0] =	vst v11  }
0x45c: {  	v14 =	vld [tilespmem:s0+$0xFFFFFF90];
	[tilespmem:s14+$0xFFFFFFE0] =	vst v19  }
0x45d: {  	v20 =	vld.idx.msk [tilespmem:v20+s25+$0x0], $0xffff;
	v13 =	vnsel vm0, $0x0, v13;
	v19 =	vmul.f32 v22, v12;
	[tilespmem:s14+$0xFFFFFFF0] =	vst v18  }
0x45e: {  	v21 =	vld [tilespmem:s0+$0x40];
	v18 =	vmul.f32 v23, v12;
	[tilespmem:s26+$0xFFFFFFF0] =	vst v13  }
0x45f: {  	v22 =	vld [tilespmem:s0+$0x50];
	v13 =	vmul.f32 v24, v12;
	[tilespmem:s31+$0x0] =	vst v19  }
0x460: {  	v19 =	vmul.f32 v25, v12;
	[tilespmem:s31+$0x10] =	vst v18;
	v18 =	vld [tilespmem:s0+$0x60]  }
0x461: {  	v14 =	vmul.f32 v14, v16;
	[tilespmem:s31+$0x20] =	vst v13;
	v13 =	vld [tilespmem:s0+$0x70]  }
0x462: {  	v17 =	vld.idx.msk [tilespmem:v17+s25+$0x0], $0xffff;
	[tilespmem:s31+$0x30] =	vst v19  }
0x463: {  	v11 =	vld [tilespmem:s0+$0xFFFFFFA0];
	v12 =	vnsel vm0, $0x0, v12;
	v19 =	vmul.f32 v21, v20;
	[tilespmem:s0+$0xFFFFFF90] =	vst v14  }
0x464: {  	v21 =	vmul.f32 v22, v20;
	[tilespmem:s26+$0x0] =	vst v12;
	v12 =	vld [tilespmem:s0+$0xFFFFFF80]  }
0x465: {  	[tilespmem:s0+$0x40] =	vst v19;
	v19 =	vld [tilespmem:s0+$0xFFFFFFC0];
	v18 =	vmul.f32 v18, v20  }
0x466: {  	[tilespmem:s0+$0x50] =	vst v21;
	v21 =	vld [tilespmem:s0+$0xFFFFFFD0];
	v13 =	vmul.f32 v13, v20  }
0x467: {  	[tilespmem:s0+$0x60] =	vst v18;
	v18 =	vld [tilespmem:s0+$0xFFFFFFE0]  }
0x468: {  	s3 =	sadd.s32 $0x40, s26;
	v11 =	vmul.f32 v11, v16;
	[tilespmem:s0+$0x70] =	vst v13;
	v13 =	vnsel vm0, $0x0, v20;
	v20 =	vld [tilespmem:s0+$0xFFFFFFF0]  }
0x469: {  	v12 =	vmul.f32 v12, v16;
	[tilespmem:s3+$0x10] =	vst v13;
	v13 =	vld.idx.msk [tilespmem:v15+s25+$0x0], $0xffff  }
0x46a: {  	[tilespmem:s0+$0xFFFFFFA0] =	vst v11;
	v14 =	vmul.f32 v19, v17;
	v15 =	vld [tilespmem:s0+$0x10]  }
0x46b: {  	v11 =	vmul.f32 v21, v17;
	[tilespmem:s0+$0xFFFFFF80] =	vst v12;
	v12 =	vld [tilespmem:s0+$0x0]  }
0x46c: {  	v19 =	vld [tilespmem:s0+$0x20];
	[tilespmem:s0+$0xFFFFFFC0] =	vst v14;
	v14 =	vmul.f32 v18, v17  }
0x46d: {  	[tilespmem:s0+$0xFFFFFFD0] =	vst v11;
	v18 =	vld [tilespmem:s0+$0x30];
	v11 =	vmul.f32 v20, v17  }
0x46e: {  	[tilespmem:s0+$0xFFFFFFE0] =	vst v14  }
0x46f: {  	v14 =	vld [tilespmem:s0+$0xFFFFFFB0];
	v15 =	vmul.f32 v15, v13;
	[tilespmem:s0+$0xFFFFFFF0] =	vst v11;
	v11 =	vnsel vm0, $0x0, v17  }
0x470: {  	v12 =	vmul.f32 v12, v13;
	[tilespmem:s3+$0xFFFFFFF0] =	vst v11  }
0x471: {  	v11 =	vmul.f32 v19, v13;
	[tilespmem:s0+$0x10] =	vst v15  }
0x472: {  	[tilespmem:s0+$0x0] =	vst v12;
	v12 =	vmul.f32 v18, v13  }
0x473: {  	[tilespmem:s0+$0x20] =	vst v11  }
0x474: {  	v11 =	vmul.f32 v14, v16;
	[tilespmem:s0+$0x30] =	vst v12;
	v12 =	vnsel vm0, $0x0, v13  }
0x475: {  	[tilespmem:s3+$0x0] =	vst v12  }
0x476: {  	[tilespmem:s0+$0xFFFFFFB0] =	vst v11;
	v11 =	vnsel vm0, $0x0, v16  }
0x477: {  	s26 =	simm.s32 $0x500;
	[tilespmem:s3+$0xFFFFFFE0] =	vst v11  }
0x478: {  	[spmem:s4] =	stream.indirect.scatter.add.f32 [tilespmem:s9], [sflag:$0x4], $0x40, s26, s15, $0xb8;
	[tilespmem:$0x12C00] =	vst v63  }
0x479: {  	_ =	swait.ge [sflag:s10], $0x2000  }
0x47a: {  	[sflag:s10] =	ssyncset.done $0x0  }
0x47b: {  	[sflag:s10] =	ssyncadd.s32 $0xFFFFE000  }
0x47c: {  	[spmem:s5] =	stream.indirect.scatter.add.f32 [tilespmem:s11], [sflag:$0x4], $0x10, s26, s15, $0xb8;
	[tilespmem:$0x12C00] =	vst v63  }
0x47d: {  	_ =	swait.ge [sflag:s10], $0x800  }
0x47e: {  	[sflag:s10] =	ssyncset.done $0x0  }
0x47f: {  	s28 =	simm.s32 $0x280;
	[sflag:s10] =	ssyncadd.s32 $0xFFFFF800  }
0x480: {  	[tilespmem:s17], [sflag:$0x3] =	stream.indirect.gather [hbm4b:s1+s15], $0x10, s28, s15, $0xb8;
	[tilespmem:$0x12C00] =	vst v63  }
0x481: {  	_ = 	snop  }
0x482: {  	[tilespmem:s7], [sflag:$0x3] =	stream.indirect.gather [hbm4b:s21+s15], $0x10, s12, s15, $0xb8;
	[tilespmem:$0x12C00] =	vst v63  }
0x483: {  	_ =	swait.ge [sflag:s29], $0x2000  }
0x484: {  	[sflag:s29] =	ssyncset.done $0x0  }
0x485: {  	s3 =	simm.s32 $0x880;
	[sflag:s29] =	ssyncadd.s32 $0xFFFFE000  }
0x486: {  	[hbm4b:s2+s15] =	stream.indirect.scatter [tilespmem:s16], [sflag:$0x4], $0x40, s3, s15, $0xb8;
	[tilespmem:$0x12C00] =	vst v63  }
0x487: {  	_ =	swait.ge [sflag:s10], $0x2000  }
0x488: {  	[sflag:s10] =	ssyncset.done $0x0  }
0x489: {  	[sflag:s10] =	ssyncadd.s32 $0xFFFFE000  }
0x48a: {  	_ =	swait.ge [sflag:s24], $0x800  }
0x48b: {  	[sflag:s24] =	ssyncset.done $0x0  }
0x48c: {  	[sflag:s24] =	ssyncadd.s32 $0xFFFFF800  }
0x48d: {  	_ =	swait.ge [sflag:s24], $0x800  }
0x48e: {  	[sflag:s24] =	ssyncset.done $0x0  }
0x48f: {  	[sflag:s24] =	ssyncadd.s32 $0xFFFFF800  }
0x490: {  	v11 =	vld.idx.msk [tilespmem:v1+s7+$0x0], $0xffff  }
0x491: {  	v12 =	vld.idx.msk [tilespmem:v1+s17+$0x0], $0xffff;
	_ =	sdelay $0x4  }
0x492: {  	v11 =	vadd.f32 v12, v11;
	_ =	sdelay $0x1  }
0x493: {  	v12 =	vmul.f32 $9.999999770e-03, v11  }
0x494: {  	vm1 =	vge.f32 v11, $0.0e+00  }
0x495: {  	v11 =	vsel vm1, v11, v12  }
0x496: {  	v11 =	vmul.f32 $1.442695020e+00, v11;
	_ =	sdelay $0x1  }
0x497: {  	(erf) = vpow2.f32 v11;
	_ =	sdelay $0x8  }
0x498: {  	v11 =	vpop (erf)  }
0x499: {  	[tilespmem:$0xB80] =	vst v11  }
0x49a: {  	v11 =	vld.idx.msk [tilespmem:v4+s7+$0x0], $0xffff  }
0x49b: {  	v12 =	vld.idx.msk [tilespmem:v4+s17+$0x0], $0xffff;
	_ =	sdelay $0x4  }
0x49c: {  	v11 =	vadd.f32 v12, v11;
	_ =	sdelay $0x1  }
0x49d: {  	v12 =	vmul.f32 $9.999999770e-03, v11  }
0x49e: {  	vm1 =	vge.f32 v11, $0.0e+00  }
0x49f: {  	v11 =	vsel vm1, v11, v12  }
0x4a0: {  	v11 =	vmul.f32 $1.442695020e+00, v11;
	_ =	sdelay $0x1  }
0x4a1: {  	(erf) = vpow2.f32 v11;
	_ =	sdelay $0x8  }
0x4a2: {  	v11 =	vpop (erf)  }
0x4a3: {  	[tilespmem:$0xB90] =	vst v11  }
0x4a4: {  	v11 =	vld.idx.msk [tilespmem:v5+s7+$0x0], $0xffff  }
0x4a5: {  	v12 =	vld.idx.msk [tilespmem:v5+s17+$0x0], $0xffff;
	_ =	sdelay $0x4  }
0x4a6: {  	v11 =	vadd.f32 v12, v11;
	_ =	sdelay $0x1  }
0x4a7: {  	v12 =	vmul.f32 $9.999999770e-03, v11  }
0x4a8: {  	vm1 =	vge.f32 v11, $0.0e+00  }
0x4a9: {  	v11 =	vsel vm1, v11, v12  }
0x4aa: {  	v11 =	vmul.f32 $1.442695020e+00, v11;
	_ =	sdelay $0x1  }
0x4ab: {  	(erf) = vpow2.f32 v11;
	_ =	sdelay $0x8  }
0x4ac: {  	v11 =	vpop (erf)  }
0x4ad: {  	[tilespmem:$0xBA0] =	vst v11  }
0x4ae: {  	v11 =	vld.idx.msk [tilespmem:v6+s7+$0x0], $0xffff  }
0x4af: {  	v12 =	vld.idx.msk [tilespmem:v6+s17+$0x0], $0xffff;
	_ =	sdelay $0x4  }
0x4b0: {  	v11 =	vadd.f32 v12, v11;
	_ =	sdelay $0x1  }
0x4b1: {  	v12 =	vmul.f32 $9.999999770e-03, v11  }
0x4b2: {  	vm1 =	vge.f32 v11, $0.0e+00  }
0x4b3: {  	v11 =	vsel vm1, v11, v12  }
0x4b4: {  	v11 =	vmul.f32 $1.442695020e+00, v11;
	_ =	sdelay $0x1  }
0x4b5: {  	(erf) = vpow2.f32 v11;
	_ =	sdelay $0x8  }
0x4b6: {  	v11 =	vpop (erf)  }
0x4b7: {  	[tilespmem:$0xBB0] =	vst v11  }
0x4b8: {  	v11 =	vld.idx.msk [tilespmem:v7+s7+$0x0], $0xffff  }
0x4b9: {  	v12 =	vld.idx.msk [tilespmem:v7+s17+$0x0], $0xffff;
	_ =	sdelay $0x4  }
0x4ba: {  	v11 =	vadd.f32 v12, v11;
	_ =	sdelay $0x1  }
0x4bb: {  	v12 =	vmul.f32 $9.999999770e-03, v11  }
0x4bc: {  	vm1 =	vge.f32 v11, $0.0e+00  }
0x4bd: {  	v11 =	vsel vm1, v11, v12  }
0x4be: {  	v11 =	vmul.f32 $1.442695020e+00, v11;
	_ =	sdelay $0x1  }
0x4bf: {  	(erf) = vpow2.f32 v11;
	_ =	sdelay $0x8  }
0x4c0: {  	v11 =	vpop (erf)  }
0x4c1: {  	[tilespmem:$0xBC0] =	vst v11  }
0x4c2: {  	v11 =	vld.idx.msk [tilespmem:v8+s7+$0x0], $0xffff  }
0x4c3: {  	v12 =	vld.idx.msk [tilespmem:v8+s17+$0x0], $0xffff;
	_ =	sdelay $0x4  }
0x4c4: {  	v11 =	vadd.f32 v12, v11;
	_ =	sdelay $0x1  }
0x4c5: {  	v12 =	vmul.f32 $9.999999770e-03, v11  }
0x4c6: {  	vm1 =	vge.f32 v11, $0.0e+00  }
0x4c7: {  	v11 =	vsel vm1, v11, v12  }
0x4c8: {  	v11 =	vmul.f32 $1.442695020e+00, v11;
	_ =	sdelay $0x1  }
0x4c9: {  	(erf) = vpow2.f32 v11;
	_ =	sdelay $0x8  }
0x4ca: {  	v11 =	vpop (erf)  }
0x4cb: {  	[tilespmem:$0xBD0] =	vst v11  }
0x4cc: {  	v11 =	vld.idx.msk [tilespmem:v9+s7+$0x0], $0xffff  }
0x4cd: {  	v12 =	vld.idx.msk [tilespmem:v9+s17+$0x0], $0xffff;
	_ =	sdelay $0x4  }
0x4ce: {  	v11 =	vadd.f32 v12, v11;
	_ =	sdelay $0x1  }
0x4cf: {  	v12 =	vmul.f32 $9.999999770e-03, v11  }
0x4d0: {  	vm1 =	vge.f32 v11, $0.0e+00  }
0x4d1: {  	v11 =	vsel vm1, v11, v12  }
0x4d2: {  	v11 =	vmul.f32 $1.442695020e+00, v11;
	_ =	sdelay $0x1  }
0x4d3: {  	(erf) = vpow2.f32 v11;
	_ =	sdelay $0x8  }
0x4d4: {  	v11 =	vpop (erf)  }
0x4d5: {  	[tilespmem:$0xBE0] =	vst v11  }
0x4d6: {  	v11 =	vld.idx.msk [tilespmem:v10+s7+$0x0], $0xffff  }
0x4d7: {  	v12 =	vld.idx.msk [tilespmem:v10+s17+$0x0], $0xffff;
	_ =	sdelay $0x4  }
0x4d8: {  	v11 =	vadd.f32 v12, v11;
	_ =	sdelay $0x1  }
0x4d9: {  	v12 =	vmul.f32 $9.999999770e-03, v11  }
0x4da: {  	vm1 =	vge.f32 v11, $0.0e+00  }
0x4db: {  	v11 =	vsel vm1, v11, v12  }
0x4dc: {  	v11 =	vmul.f32 $1.442695020e+00, v11;
	_ =	sdelay $0x1  }
0x4dd: {  	s26 =	simm.s32 $0x2;
	(erf) = vpow2.f32 v11  }
0x4de: {  	v13 =	vmov s26;
	s12 =	simm.s32 $0x0  }
0x4df: {  	s14 =	simm.s32 $0x1;
	v13 =	vand.u32 $0x7E, v13;
	v11 =	vmov s12  }
0x4e0: {  	v13 =	vor.u32 $0x280, v13;
	s28 =	simm.s32 $0x3;
	v12 =	vmov s14;
	v11 =	vand.u32 $0x7C, v11  }
0x4e1: {  	v14 =	vmov s28;
	v12 =	vand.u32 $0x7D, v12;
	v11 =	vor.u32 $0x280, v11  }
0x4e2: {  	v14 =	vand.u32 $0x7F, v14;
	v12 =	vor.u32 $0x280, v12;
	v11 =	vbroadcast v11, $0x0  }
0x4e3: {  	v15 =	vbroadcast v13, $0x0;
	v13 =	vor.u32 $0x280, v14;
	v12 =	vbroadcast v12, $0x0;
	_ =	sdelay $0x1  }
0x4e4: {  	v14 =	vbroadcast v13, $0x0  }
0x4e5: {  	v13 =	vpop (erf)  }
0x4e6: {  	[tilespmem:$0xBF0] =	vst v13  }
0x4e7: {  	v11 =	vld.idx.msk [tilespmem:v11+s25+$0x0], $0xffff  }
0x4e8: {  	v13 =	vld.idx.msk [tilespmem:v12+s25+$0x0], $0xffff  }
0x4e9: {  	v12 =	vld.idx.msk [tilespmem:v15+s25+$0x0], $0xffff  }
0x4ea: {  	s14 =	simm.s32 $0x2C80;
	v14 =	vld.idx.msk [tilespmem:v14+s25+$0x0], $0xffff  }
0x4eb: {  	v15 =	vld [tilespmem:s14+$0x40]  }
0x4ec: {  	v16 =	vld [tilespmem:s14+$0x50]  }
0x4ed: {  	v17 =	vld [tilespmem:s14+$0x60]  }
0x4ee: {  	v20 =	vld [tilespmem:s14+$0xFFFFFF80]  }
0x4ef: {  	v21 =	vld [tilespmem:s14+$0xFFFFFF90]  }
0x4f0: {  	s3 =	simm.s32 $0x4;
	v24 =	vld [tilespmem:s14+$0xFFFFFFA0]  }
0x4f1: {  	s26 =	simm.s32 $0x6;
	v19 =	vmov s3;
	v18 =	vld [tilespmem:s14+$0x70]  }
0x4f2: {  	v23 =	vmov s26;
	v19 =	vand.u32 $0x7C, v19;
	s12 =	simm.s32 $0x5;
	v15 =	vmul.f32 v15, v14  }
0x4f3: {  	v22 =	vmov s12;
	v25 =	vmul.f32 v16, v14;
	v16 =	vor.u32 $0x280, v19  }
0x4f4: {  	v19 =	vand.u32 $0x7D, v22;
	v22 =	vld [tilespmem:s14+$0xFFFFFFB0];
	v20 =	vmul.f32 v20, v11;
	v28 =	vmul.f32 v21, v11;
	[tilespmem:s14+$0x40] =	vst v15  }
0x4f5: {  	v24 =	vmul.f32 v24, v11;
	v15 =	vmul.f32 v17, v14;
	v17 =	vand.u32 $0x7E, v23;
	v23 =	vld [tilespmem:s14+$0xFFFFFFC0];
	[tilespmem:s14+$0x50] =	vst v25  }
0x4f6: {  	s28 =	simm.s32 $0x7;
	v16 =	vbroadcast v16, $0x0;
	v25 =	vmul.f32 v18, v14;
	v18 =	vld [tilespmem:s14+$0xFFFFFFD0];
	[tilespmem:s14+$0xFFFFFF80] =	vst v20  }
0x4f7: {  	v26 =	vor.u32 $0x280, v19;
	v19 =	vld [tilespmem:s14+$0xFFFFFFE0];
	v14 =	vnsel vm0, $0x0, v14;
	[tilespmem:s14+$0x60] =	vst v15;
	v15 =	vmov s28  }
0x4f8: {  	s26 =	simm.s32 $0x4C20;
	v21 =	vld [tilespmem:s14+$0xFFFFFFF0];
	v27 =	vor.u32 $0x280, v17;
	v17 =	vbroadcast v26, $0x0;
	[tilespmem:s14+$0x70] =	vst v25;
	v25 =	vand.u32 $0x7F, v15  }
0x4f9: {  	[tilespmem:s26+$0x10] =	vst v14;
	v15 =	vbroadcast v27, $0x0;
	v14 =	vmul.f32 v22, v11;
	v22 =	vld [tilespmem:s14+$0x0];
	v25 =	vor.u32 $0x280, v25  }
0x4fa: {  	s19 =	simm.s32 $0x500;
	s31 =	simm.s32 $0x2C80;
	s0 =	simm.s32 $0x8;
	[tilespmem:s14+$0xFFFFFF90] =	vst v28;
	v20 =	vbroadcast v25, $0x0;
	v25 =	vmul.f32 v23, v13;
	v23 =	vld [tilespmem:s14+$0x10]  }
.LBB2_15:
0x4fb: {  	p0 =	slt.u32 s0, $0x7C;
	[tilespmem:s14+$0xFFFFFFA0] =	vst v24;
	v18 =	vmul.f32 v18, v13;
	v24 =	vld [tilespmem:s14+$0x20]  }
0x4fc: {  	[tilespmem:s14+$0xFFFFFFC0] =	vst v25;
	v19 =	vmul.f32 v19, v13;
	v25 =	vld [tilespmem:s14+$0x30]  }
0x4fd: {  	v16 =	vld.idx.msk [tilespmem:v16+s25+$0x0], $0xffff;
	[tilespmem:s14+$0xFFFFFFD0] =	vst v18;
	v18 =	vmul.f32 v21, v13  }
0x4fe: {  	v17 =	vld.idx.msk [tilespmem:v17+s25+$0x0], $0xffff;
	[tilespmem:s14+$0xFFFFFFE0] =	vst v19;
	v19 =	vmul.f32 v22, v12  }
0x4ff: {  	v13 =	vnsel vm0, $0x0, v13;
	v15 =	vld.idx.msk [tilespmem:v15+s25+$0x0], $0xffff;
	[tilespmem:s14+$0xFFFFFFF0] =	vst v18;
	v18 =	vmul.f32 v23, v12  }
0x500: {  	s14 =	sadd.s32 $0x100, s14;
	v20 =	vld.idx.msk [tilespmem:v20+s25+$0x0], $0xffff;
	[tilespmem:s26+$0xFFFFFFF0] =	vst v13;
	v13 =	vmul.f32 v24, v12  }
0x501: {  	v21 =	vld [tilespmem:s14+$0x40];
	[tilespmem:s31+$0x0] =	vst v19;
	v19 =	vmul.f32 v25, v12  }
0x502: {  	v22 =	vld [tilespmem:s14+$0x50];
	[tilespmem:s31+$0x10] =	vst v18  }
0x503: {  	v18 =	vld [tilespmem:s14+$0x60];
	[tilespmem:s31+$0x20] =	vst v13  }
0x504: {  	v24 =	vnsel vm0, $0x0, v12;
	v23 =	vld [tilespmem:s14+$0x70];
	[tilespmem:s31+$0x30] =	vst v19;
	v13 =	vmov v17  }
0x505: {  	v17 =	vmov s0;
	v12 =	vmov v15;
	v19 =	vld [tilespmem:s14+$0xFFFFFF80];
	[tilespmem:s26+$0x0] =	vst v24  }
0x506: {  	s3 =	sadd.s32 $0x1, s0;
	s28 =	sadd.s32 $0x2, s0;
	v15 =	vand.u32 $0x7C, v17;
	v17 =	vld [tilespmem:s14+$0xFFFFFF90];
	v21 =	vmul.f32 v21, v20;
	[tilespmem:s31+$0xFFFFFFB0] =	vst v14;
	v14 =	vnsel vm0, $0x0, v11;
	v11 =	vmovc v16;
	s31 =	smov.u32 s14  }
0x507: {  	v24 =	vmov s28;
	v16 =	vmov s3;
	v25 =	vld [tilespmem:s14+$0xFFFFFFA0];
	v22 =	vmul.f32 v22, v20;
	[tilespmem:s26+$0xFFFFFFE0] =	vst v14  }
0x508: {  	v14 =	vor.u32 $0x280, v15;
	v15 =	vand.u32 $0x7D, v16;
	v26 =	vld [tilespmem:s14+$0xFFFFFFB0];
	[tilespmem:s14+$0x40] =	vst v21;
	v21 =	vmul.f32 v18, v20  }
0x509: {  	v16 =	vbroadcast v14, $0x0;
	v14 =	vand.u32 $0x7E, v24;
	v27 =	vld [tilespmem:s14+$0xFFFFFFC0];
	[tilespmem:s14+$0x50] =	vst v22;
	v22 =	vmul.f32 v23, v20  }
.Ltmp6:
0x50a: {  	s3 =	sadd.s32 $0x3, s0;
	v15 =	vor.u32 $0x280, v15;
	v14 =	vor.u32 $0x280, v14;
	v23 =	vmul.f32 v19, v11;
	v18 =	vld [tilespmem:s14+$0xFFFFFFD0];
	[tilespmem:s14+$0x60] =	vst v21;
	(pc) =	sbr.rel @p0 .LBB2_15-.Ltmp6, $4  }
0x50b: {  	s26 =	sadd.s32 $0x40, s26;
	v20 =	vnsel vm0, $0x0, v20;
	v21 =	vmov s3;
	v28 =	vmul.f32 v17, v11;
	v19 =	vld [tilespmem:s14+$0xFFFFFFE0];
	[tilespmem:s14+$0x70] =	vst v22  }
0x50c: {  	v17 =	vbroadcast v15, $0x0;
	v22 =	vand.u32 $0x7F, v21;
	v24 =	vmul.f32 v25, v11;
	v21 =	vld [tilespmem:s14+$0xFFFFFFF0];
	[tilespmem:s26+$0x10] =	vst v20  }
0x50d: {  	v15 =	vbroadcast v14, $0x0;
	v20 =	vor.u32 $0x280, v22;
	[tilespmem:s14+$0xFFFFFF80] =	vst v23;
	v14 =	vmul.f32 v26, v11;
	v22 =	vld [tilespmem:s14+$0x0]  }
0x50e: {  	s0 =	sadd.s32 $0x4, s0;
	v20 =	vbroadcast v20, $0x0;
	[tilespmem:s14+$0xFFFFFF90] =	vst v28;
	v25 =	vmul.f32 v27, v13;
	v23 =	vld [tilespmem:s14+$0x10]  }
0x50f: {  	_ =	sdelay $0x1  }
0x510: {  	[tilespmem:s14+$0xFFFFFFA0] =	vst v24;
	v32 =	vld [tilespmem:s14+$0x20]  }
0x511: {  	v18 =	vmul.f32 v18, v13;
	v33 =	vld [tilespmem:s14+$0x30];
	[tilespmem:s14+$0xFFFFFFC0] =	vst v25  }
0x512: {  	v16 =	vld.idx.msk [tilespmem:v16+s25+$0x0], $0xffff;
	[tilespmem:s31+$0xFFFFFFB0] =	vst v14  }
0x513: {  	v17 =	vld.idx.msk [tilespmem:v17+s25+$0x0], $0xffff;
	v11 =	vnsel vm0, $0x0, v11;
	v19 =	vmul.f32 v19, v13;
	[tilespmem:s14+$0xFFFFFFD0] =	vst v18  }
0x514: {  	v54 =	vld.idx.msk [tilespmem:v15+s25+$0x0], $0xffff;
	v34 =	vmul.f32 v21, v13;
	[tilespmem:s26+$0xFFFFFFE0] =	vst v11  }
0x515: {  	s0 =	sadd.s32 $0x100, s14;
	v20 =	vld.idx.msk [tilespmem:v20+s25+$0x0], $0xffff;
	[tilespmem:s14+$0xFFFFFFE0] =	vst v19  }
0x516: {  	v36 =	vnsel vm0, $0x0, v13;
	v39 =	vld [tilespmem:s0+$0x40];
	v35 =	vmul.f32 v22, v12;
	[tilespmem:s14+$0xFFFFFFF0] =	vst v34  }
0x517: {  	v41 =	vld [tilespmem:s0+$0x50];
	v37 =	vmul.f32 v23, v12;
	[tilespmem:s26+$0xFFFFFFF0] =	vst v36  }
0x518: {  	v42 =	vld [tilespmem:s0+$0x60];
	v38 =	vmul.f32 v32, v12;
	[tilespmem:s31+$0x0] =	vst v35  }
0x519: {  	v43 =	vld [tilespmem:s0+$0x70];
	v40 =	vmul.f32 v33, v12;
	[tilespmem:s31+$0x10] =	vst v37  }
0x51a: {  	v45 =	vld [tilespmem:s0+$0xFFFFFF80];
	[tilespmem:s31+$0x20] =	vst v38  }
0x51b: {  	v44 =	vnsel vm0, $0x0, v12;
	v47 =	vld [tilespmem:s0+$0xFFFFFF90];
	v46 =	vmul.f32 v39, v20;
	[tilespmem:s31+$0x30] =	vst v40  }
0x51c: {  	v49 =	vld [tilespmem:s0+$0xFFFFFFC0];
	v48 =	vmul.f32 v41, v20;
	[tilespmem:s26+$0x0] =	vst v44  }
0x51d: {  	v51 =	vld [tilespmem:s0+$0xFFFFFFE0];
	v18 =	vmul.f32 v42, v20;
	[tilespmem:s0+$0x40] =	vst v46  }
0x51e: {  	v57 =	vld [tilespmem:s0+$0x10];
	v13 =	vmul.f32 v43, v20;
	[tilespmem:s0+$0x50] =	vst v48  }
0x51f: {  	v11 =	vld [tilespmem:s0+$0xFFFFFFA0];
	v12 =	vmul.f32 v45, v16;
	[tilespmem:s0+$0x60] =	vst v18  }
0x520: {  	v60 =	vld [tilespmem:s0+$0x30];
	v14 =	vmul.f32 v47, v16;
	[tilespmem:s0+$0x70] =	vst v13  }
0x521: {  	v50 =	vld [tilespmem:s0+$0xFFFFFFD0];
	v56 =	vmul.f32 v49, v17;
	[tilespmem:s0+$0xFFFFFF80] =	vst v12  }
0x522: {  	v59 =	vmul.f32 v51, v17;
	[tilespmem:s0+$0xFFFFFF90] =	vst v14  }
0x523: {  	v53 =	vld [tilespmem:s0+$0xFFFFFFF0];
	v15 =	vmul.f32 v57, v54;
	[tilespmem:s0+$0xFFFFFFC0] =	vst v56  }
0x524: {  	v11 =	vmul.f32 v11, v16;
	[tilespmem:s0+$0xFFFFFFE0] =	vst v59  }
0x525: {  	v55 =	vld [tilespmem:s0+$0x0];
	v62 =	vmul.f32 v60, v54;
	[tilespmem:s0+$0x10] =	vst v15  }
0x526: {  	v58 =	vld [tilespmem:s0+$0x20];
	[tilespmem:s0+$0xFFFFFFA0] =	vst v11;
	v11 =	vmul.f32 v50, v17  }
0x527: {  	[tilespmem:s0+$0x30] =	vst v62  }
0x528: {  	s3 =	sadd.s32 $0x40, s26;
	v61 =	vld [tilespmem:s0+$0xFFFFFFB0];
	v52 =	vnsel vm0, $0x0, v20;
	[tilespmem:s0+$0xFFFFFFD0] =	vst v11;
	v11 =	vmul.f32 v53, v17  }
0x529: {  	[tilespmem:s3+$0x10] =	vst v52  }
0x52a: {  	v12 =	vmul.f32 v55, v54;
	[tilespmem:s0+$0xFFFFFFF0] =	vst v11;
	v11 =	vnsel vm0, $0x0, v17  }
0x52b: {  	[tilespmem:s3+$0xFFFFFFF0] =	vst v11;
	v11 =	vmul.f32 v58, v54  }
0x52c: {  	[tilespmem:s0+$0x0] =	vst v12  }
0x52d: {  	v63 =	vnsel vm0, $0x0, v54;
	[tilespmem:s0+$0x20] =	vst v11;
	v11 =	vmul.f32 v61, v16  }
0x52e: {  	[tilespmem:s3+$0x0] =	vst v63  }
0x52f: {  	[tilespmem:s0+$0xFFFFFFB0] =	vst v11;
	v11 =	vnsel vm0, $0x0, v16  }
0x530: {  	s26 =	simm.s32 $0x580;
	[tilespmem:s3+$0xFFFFFFE0] =	vst v11  }
0x531: {  	[spmem:s4] =	stream.indirect.scatter.add.f32 [tilespmem:s16], [sflag:$0x4], $0x40, s26, s15, $0xb8;
	[tilespmem:$0x12C00] =	vst v63  }
0x532: {  	_ =	swait.ge [sflag:s10], $0x2000  }
0x533: {  	[sflag:s10] =	ssyncset.done $0x0  }
0x534: {  	s22 =	sadd.s32 $0x1, s22;
	[sflag:s10] =	ssyncadd.s32 $0xFFFFE000  }
0x535: {  	[spmem:s5] =	stream.indirect.scatter.add.f32 [tilespmem:s11], [sflag:$0x4], $0x10, s26, s15, $0xb8;
	[tilespmem:$0x12C00] =	vst v63  }
0x536: {  	p0 =	sne.s32 s22, $0x1B;
	_ =	swait.ge [sflag:s10], $0x800  }
0x537: {  	s31 =	simm.s32 $0x0;
	[sflag:s10] =	ssyncset.done $0x0;
	s28 =	rddreg [dreg:$0x13]  }
.Ltmp7:
0x538: {  	[sflag:s10] =	ssyncadd.s32 $0xFFFFF800;
	s0 =	sadd.s32 s28, s8;
	(pc) =	sbr.rel @p0 .LBB2_4-.Ltmp7, $4  }
0x539: {  	[hbm4b:s0+s31] =	stream.linear.scatter [tilespmem:s25], [sflag:$0x4], $0x300, $0x38;
	[tilespmem:$0x12C00] =	vst v63  }
0x53a: {  	_ =	swait.ge [sflag:s10], $0x300  }
0x53b: {  	[sflag:s10] =	ssyncset.done $0x0  }
0x53c: {  	s12 =	simm.s32 $0x580;
	[sflag:s10] =	ssyncadd.s32 $0xFFFFFD00  }
0x53d: {  	[bflag:$0x0] =	sbarrier.arrive $0xFFFF  }
0x53e: {  	s20 =	rddreg [dreg:$0x14]  }
0x53f: {  	[tilespmem:s9], [sflag:$0x4] =	stream.linear.gather [spmem:s20], $0x2000, $0x38;
	[tilespmem:$0x12C00] =	vst v63  }
0x540: {  	_ =	swait.ge [sflag:s10], $0x2000  }
0x541: {  	[sflag:s10] =	ssyncset.done $0x0  }
0x542: {  	s8 =	simm.s32 $0x40;
	s0 =	rddreg [dreg:$0x7];
	[sflag:s10] =	ssyncadd.s32 $0xFFFFE000  }
0x543: {  	[hbm4b:s0+s8] =	stream.strided.scatter [tilespmem:s9], [sflag:$0x4], $0x2000, s15, s8, $0x38;
	[tilespmem:$0x12C00] =	vst v63  }
0x544: {  	_ =	swait.ge [sflag:s10], $0x2000  }
0x545: {  	[sflag:s10] =	ssyncset.done $0x0  }
0x546: {  	s22 =	rddreg [dreg:$0x15];
	[sflag:s10] =	ssyncadd.s32 $0xFFFFE000  }
0x547: {  	[tilespmem:s11], [sflag:$0x4] =	stream.linear.gather [spmem:s22], $0x800, $0x38;
	[tilespmem:$0x12C00] =	vst v63  }
0x548: {  	_ =	swait.ge [sflag:s10], $0x800  }
0x549: {  	[sflag:s10] =	ssyncset.done $0x0  }
0x54a: {  	s0 =	simm.s32 $0x0;
	s3 =	rddreg [dreg:$0x8];
	[sflag:s10] =	ssyncadd.s32 $0xFFFFF800  }
0x54b: {  	[hbm4b:s3+s0] =	stream.linear.scatter [tilespmem:s11], [sflag:$0x4], $0x800, $0x38;
	[tilespmem:$0x12C00] =	vst v63  }
0x54c: {  	_ =	swait.ge [sflag:s10], $0x800  }
0x54d: {  	[sflag:s10] =	ssyncset.done $0x0  }
0x54e: {  	s26 =	rddreg [dreg:$0x16];
	[sflag:s10] =	ssyncadd.s32 $0xFFFFF800  }
0x54f: {  	[tilespmem:s9], [sflag:$0x4] =	stream.linear.gather [spmem:s26], $0x2000, $0x38;
	[tilespmem:$0x12C00] =	vst v63  }
0x550: {  	_ =	swait.ge [sflag:s10], $0x2000  }
0x551: {  	[sflag:s10] =	ssyncset.done $0x0  }
0x552: {  	s14 =	rddreg [dreg:$0x9];
	[sflag:s10] =	ssyncadd.s32 $0xFFFFE000  }
0x553: {  	[hbm4b:s14+s8] =	stream.strided.scatter [tilespmem:s9], [sflag:$0x4], $0x2000, s15, s8, $0x38;
	[tilespmem:$0x12C00] =	vst v63  }
0x554: {  	_ =	swait.ge [sflag:s10], $0x2000  }
0x555: {  	[sflag:s10] =	ssyncset.done $0x0  }
0x556: {  	s28 =	rddreg [dreg:$0x17];
	[sflag:s10] =	ssyncadd.s32 $0xFFFFE000  }
0x557: {  	[tilespmem:s11], [sflag:$0x4] =	stream.linear.gather [spmem:s28], $0x800, $0x38;
	[tilespmem:$0x12C00] =	vst v63  }
0x558: {  	_ =	swait.ge [sflag:s10], $0x800  }
0x559: {  	[sflag:s10] =	ssyncset.done $0x0  }
0x55a: {  	s14 =	rddreg [dreg:$0xa];
	[sflag:s10] =	ssyncadd.s32 $0xFFFFF800  }
0x55b: {  	[hbm4b:s14+s0] =	stream.linear.scatter [tilespmem:s11], [sflag:$0x4], $0x800, $0x38;
	[tilespmem:$0x12C00] =	vst v63  }
0x55c: {  	_ =	swait.ge [sflag:s10], $0x800  }
0x55d: {  	[sflag:s10] =	ssyncset.done $0x0  }
0x55e: {  	s31 =	rddreg [dreg:$0x18];
	[sflag:s10] =	ssyncadd.s32 $0xFFFFF800  }
0x55f: {  	[tilespmem:s9], [sflag:$0x4] =	stream.linear.gather [spmem:s31], $0x2000, $0x38;
	[tilespmem:$0x12C00] =	vst v63  }
0x560: {  	_ =	swait.ge [sflag:s10], $0x2000  }
0x561: {  	[sflag:s10] =	ssyncset.done $0x0  }
0x562: {  	s14 =	rddreg [dreg:$0xb];
	[sflag:s10] =	ssyncadd.s32 $0xFFFFE000  }
0x563: {  	[hbm4b:s14+s8] =	stream.strided.scatter [tilespmem:s9], [sflag:$0x4], $0x2000, s15, s8, $0x38;
	[tilespmem:$0x12C00] =	vst v63  }
0x564: {  	_ =	swait.ge [sflag:s10], $0x2000  }
0x565: {  	[sflag:s10] =	ssyncset.done $0x0  }
0x566: {  	s14 =	rddreg [dreg:$0x19];
	[sflag:s10] =	ssyncadd.s32 $0xFFFFE000  }
0x567: {  	[tilespmem:s11], [sflag:$0x4] =	stream.linear.gather [spmem:s14], $0x800, $0x38;
	[tilespmem:$0x12C00] =	vst v63  }
0x568: {  	_ =	swait.ge [sflag:s10], $0x800  }
0x569: {  	[sflag:s10] =	ssyncset.done $0x0  }
0x56a: {  	s14 =	rddreg [dreg:$0xc];
	[sflag:s10] =	ssyncadd.s32 $0xFFFFF800  }
0x56b: {  	[hbm4b:s14+s0] =	stream.linear.scatter [tilespmem:s11], [sflag:$0x4], $0x800, $0x38;
	[tilespmem:$0x12C00] =	vst v63  }
0x56c: {  	_ =	swait.ge [sflag:s10], $0x800  }
0x56d: {  	[sflag:s10] =	ssyncset.done $0x0  }
0x56e: {  	s14 =	rddreg [dreg:$0x1a];
	[sflag:s10] =	ssyncadd.s32 $0xFFFFF800  }
0x56f: {  	[tilespmem:s9], [sflag:$0x4] =	stream.linear.gather [spmem:s14], $0x2000, $0x38;
	[tilespmem:$0x12C00] =	vst v63  }
0x570: {  	_ =	swait.ge [sflag:s10], $0x2000  }
0x571: {  	[sflag:s10] =	ssyncset.done $0x0  }
0x572: {  	s14 =	rddreg [dreg:$0xd];
	[sflag:s10] =	ssyncadd.s32 $0xFFFFE000  }
0x573: {  	[hbm4b:s14+s8] =	stream.strided.scatter [tilespmem:s9], [sflag:$0x4], $0x2000, s15, s8, $0x38;
	[tilespmem:$0x12C00] =	vst v63  }
0x574: {  	_ =	swait.ge [sflag:s10], $0x2000  }
0x575: {  	[sflag:s10] =	ssyncset.done $0x0  }
0x576: {  	s14 =	rddreg [dreg:$0x1b];
	[sflag:s10] =	ssyncadd.s32 $0xFFFFE000  }
0x577: {  	[tilespmem:s11], [sflag:$0x4] =	stream.linear.gather [spmem:s14], $0x800, $0x38;
	[tilespmem:$0x12C00] =	vst v63  }
0x578: {  	_ =	swait.ge [sflag:s10], $0x800  }
0x579: {  	[sflag:s10] =	ssyncset.done $0x0  }
0x57a: {  	s14 =	rddreg [dreg:$0xf];
	[sflag:s10] =	ssyncadd.s32 $0xFFFFF800  }
0x57b: {  	[hbm4b:s14+s0] =	stream.linear.scatter [tilespmem:s11], [sflag:$0x4], $0x800, $0x38;
	[tilespmem:$0x12C00] =	vst v63  }
0x57c: {  	_ =	swait.ge [sflag:s10], $0x800  }
0x57d: {  	[sflag:s10] =	ssyncset.done $0x0  }
0x57e: {  	s14 =	rddreg [dreg:$0x1c];
	[sflag:s10] =	ssyncadd.s32 $0xFFFFF800  }
0x57f: {  	[tilespmem:s9], [sflag:$0x4] =	stream.linear.gather [spmem:s14], $0x2000, $0x38;
	[tilespmem:$0x12C00] =	vst v63  }
0x580: {  	_ =	swait.ge [sflag:s10], $0x2000  }
0x581: {  	[sflag:s10] =	ssyncset.done $0x0  }
0x582: {  	s14 =	rddreg [dreg:$0xe];
	[sflag:s10] =	ssyncadd.s32 $0xFFFFE000  }
0x583: {  	[hbm4b:s14+s8] =	stream.strided.scatter [tilespmem:s9], [sflag:$0x4], $0x2000, s15, s8, $0x38;
	[tilespmem:$0x12C00] =	vst v63  }
0x584: {  	_ =	swait.ge [sflag:s10], $0x2000  }
0x585: {  	[sflag:s10] =	ssyncset.done $0x0  }
0x586: {  	s8 =	rddreg [dreg:$0x1d];
	[sflag:s10] =	ssyncadd.s32 $0xFFFFE000  }
0x587: {  	[tilespmem:s11], [sflag:$0x4] =	stream.linear.gather [spmem:s8], $0x800, $0x38;
	[tilespmem:$0x12C00] =	vst v63  }
0x588: {  	_ =	swait.ge [sflag:s10], $0x800  }
0x589: {  	[sflag:s10] =	ssyncset.done $0x0  }
0x58a: {  	s14 =	rddreg [dreg:$0x10];
	[sflag:s10] =	ssyncadd.s32 $0xFFFFF800  }
0x58b: {  	[hbm4b:s14+s0] =	stream.linear.scatter [tilespmem:s11], [sflag:$0x4], $0x800, $0x38;
	[tilespmem:$0x12C00] =	vst v63  }
0x58c: {  	_ =	swait.ge [sflag:s10], $0x800  }
0x58d: {  	s8 =	sld [smem:$0x7FD];
	_ =	sdelay $0x2  }
0x58e: {  	s14 =	rddreg [dreg:$0x1e];
	s3 =	sadd.s32 $0x1, s8  }
0x58f: {  	p0 =	sne.s32 s3, s14  }
.Ltmp8:
0x590: {  	_ = 	snop;
	(pc) =	sbr.rel @p0 .LBB2_1-.Ltmp8, $3  }
0x591: {  	_ =	sdelay $0x1  }
0x592: {  	[sflag:s10] =	ssyncset.done $0x0  }
0x593: {  	[sflag:s10] =	ssyncadd.s32 $0xFFFFF800  }
0x594: {  	_ =	sfence.sel $0x180000  }
0x595: {  	[bflag:$0x0] =	sbarrier.arrive $0xFFFF  }
0x596: {  	_ =	strace $0x90000047  }
0x597: {  	s0 =	stileid.u32;
	[bflag:$0x2] =	sbarrier.arrive $0xFFFF  }
0x598: {  	p0 =	sne.s32 s0, $0x0;
	s0 =	rddreg [dreg:$0x6]  }
0x599: {  	s0 =	sadd.s32 @!p0 $0x100000, s0  }
0x59a: {  	[sflag:s0] =	ssyncadd.tile.s32 @!p0 $0x1;
	_ =	shalt  }
.Lfunc_end2:
_tile_overlayer_lowered:
.L_overlay_start_2:
0x59b: {  	(tag) =	ssettag $0x2  }
0x59c: {  	s0 =	rddreg [dreg:$0x0];
	s2 =	stileid.u32  }
0x59d: {  	s1 =	rddreg [dreg:$0x1];
	p0 =	sne.s32 s2, $0x0  }
0x59e: {  	s3 =	rddreg [dreg:$0x2];
	[bflag:$0x3] =	sbarrier.arrive $0xFFFF;
	s2 =	simm.s32 @!p0 $0x1C04  }
0x59f: {  	[timem:s3], [sflag:s2] =	dma.local @!p0 [hbm:s0], s1  }
0x5a0: {  	s0 =	simm.s32 @!p0 $0x4  }
0x5a1: {  	_ =	swait.ge @!p0 [sflag:s0], s1  }
0x5a2: {  	s1 =	ssub.s32 @!p0 $0x0, s1;
	[sflag:s0] =	ssyncset.done @!p0 $0x0  }
0x5a3: {  	[sflag:s0] =	ssyncadd.s32 @!p0 s1  }
0x5a4: {  	[bflag:$0x3] =	sbarrier.arrive $0xFFFF  }
0x5a5: {  	_ =	shalt  }

</sc_bundles>
